<compile_context>
chip_gen: v7x
topology: tpu7x:2x2x1
jax: 0.10.2.dev20260603
libtpu: 0.0.44.dev20260713+nightly
codegen_flags: <defaults>
</compile_context>

<pallas_src>
import functools

import jax
import jax.numpy as jnp
from jax import lax
from jax.experimental import pallas as pl
from jax.experimental.pallas import tpu as pltpu
from jax.experimental.pallas import tpu_sc as plsc

N = 10000
D = 128
E = 320000

NC = 2
NS = 16
NW = NC * NS

CHUNK = 128
CPT = 80
EPT = CPT * CHUNK
EP = EPT * NW
NPAD = 10240
RPT = NPAD // NS
BN = 512

def _count_body(srcm, dstm, out_s, out_d, src_v, dst_v, ones_v, drain_v,
                acc_s, acc_d):
    c = lax.axis_index("c")
    s = lax.axis_index("s")
    w = s * NC + c

    def _zero(i, _):
        drain_v[pl.ds(i * 16, 16)] = jnp.zeros((16,), jnp.float32)
        return ()
    lax.fori_loop(0, RPT // 16, _zero, ())
    for j in range(CHUNK // 16):
        ones_v[pl.ds(j * 16, 16)] = jnp.ones((16,), jnp.float32)
    pltpu.sync_copy(drain_v, acc_s.at[pl.ds(s * RPT, RPT)])
    pltpu.sync_copy(drain_v, acc_d.at[pl.ds(s * RPT, RPT)])
    plsc.subcore_barrier()

    pltpu.sync_copy(srcm.at[pl.ds(w * CPT, CPT)], src_v)
    pltpu.sync_copy(dstm.at[pl.ds(w * CPT, CPT)], dst_v)

    def _body(g, _):
        pltpu.sync_copy(ones_v, acc_s.at[src_v.at[g]], add=True)
        pltpu.sync_copy(ones_v, acc_d.at[dst_v.at[g]], add=True)
        return ()
    lax.fori_loop(0, CPT, _body, ())

    plsc.subcore_barrier()
    pltpu.sync_copy(acc_s.at[pl.ds(s * RPT, RPT)], drain_v)
    pltpu.sync_copy(drain_v, out_s.at[pl.ds(c * NPAD + s * RPT, RPT)])
    pltpu.sync_copy(acc_d.at[pl.ds(s * RPT, RPT)], drain_v)
    pltpu.sync_copy(drain_v, out_d.at[pl.ds(c * NPAD + s * RPT, RPT)])


IBLK = 8
NBLK = CPT // IBLK
NBLK0 = 18
NBLK1 = 2


def _scatter_body(xn, srcm3, dstm3, out, sidx, didx, rows2, acc, g0, g1):
    gs = (g0, g1)
    c = lax.axis_index("c")
    s = lax.axis_index("s")

    def _zrow(i, _):
        for j in range(D // 16):
            rows2[0, i, pl.ds(j * 16, 16)] = jnp.zeros((16,), jnp.float32)
        return ()
    lax.fori_loop(0, CHUNK, _zrow, ())
    for k in range(RPT // CHUNK):
        pltpu.sync_copy(rows2.at[0], acc.at[pl.ds(s * RPT + k * CHUNK, CHUNK)])
    plsc.subcore_barrier()

    nblk = jnp.where(c == 0, NBLK0, NBLK1)
    blk0 = jnp.where(c == 0, s * NBLK0, NS * NBLK0 + s * NBLK1)

    def _block(bi, _):
        base = blk0 + bi
        pltpu.sync_copy(srcm3.at[base], sidx)
        pltpu.sync_copy(dstm3.at[base], didx)
        pltpu.async_copy(xn.at[sidx.at[0]], rows2.at[0], gs[0]).wait()
        for j in range(IBLK):
            if j < IBLK - 1:
                desc = pltpu.async_copy(
                    xn.at[sidx.at[j + 1]], rows2.at[(j + 1) % 2], gs[1])
            pltpu.sync_copy(rows2.at[j % 2], acc.at[didx.at[j]], add=True)
            if j < IBLK - 1:
                desc.wait()
        return ()
    lax.fori_loop(0, nblk, _block, ())

    plsc.subcore_barrier()
    pltpu.sync_copy(acc.at[pl.ds(s * RPT, RPT)], out.at[c, pl.ds(s * RPT, RPT)])


@functools.cache
def _sc_kernels():
    mesh = plsc.VectorSubcoreMesh(core_axis_name="c", subcore_axis_name="s")
    count_kernel = pl.kernel(
        _count_body,
        out_type=[
            jax.ShapeDtypeStruct((NC * NPAD,), jnp.float32),
            jax.ShapeDtypeStruct((NC * NPAD,), jnp.float32),
        ],
        mesh=mesh,
        scratch_types=[
            pltpu.VMEM((CPT, CHUNK), jnp.int32),
            pltpu.VMEM((CPT, CHUNK), jnp.int32),
            pltpu.VMEM((CHUNK,), jnp.float32),
            pltpu.VMEM((RPT,), jnp.float32),
            pltpu.VMEM_SHARED((NPAD,), jnp.float32),
            pltpu.VMEM_SHARED((NPAD,), jnp.float32),
        ],
    )
    scatter_kernel = pl.kernel(
        _scatter_body,
        out_type=jax.ShapeDtypeStruct((NC, NPAD, D), jnp.float32),
        mesh=mesh,
        scratch_types=[
            pltpu.VMEM((IBLK, CHUNK), jnp.int32),
            pltpu.VMEM((IBLK, CHUNK), jnp.int32),
            pltpu.VMEM((2, CHUNK, D), jnp.float32),
            pltpu.VMEM_SHARED((NPAD, D), jnp.float32),
            pltpu.SemaphoreType.DMA,
            pltpu.SemaphoreType.DMA,
        ],
    )
    return count_kernel, scatter_kernel


def _norm_body(x_ref, cs_ref, xn_ref):
    deg_in = cs_ref[0] + cs_ref[1] + 1.0
    xn_ref[...] = x_ref[...] * lax.rsqrt(deg_in)[:, None]


_norm_call = pl.pallas_call(
    _norm_body,
    grid=(NPAD // BN,),
    in_specs=[
        pl.BlockSpec((BN, D), lambda i: (i, 0)),
        pl.BlockSpec((NC, BN), lambda i: (0, i)),
    ],
    out_specs=pl.BlockSpec((BN, D), lambda i: (i, 0)),
    out_shape=jax.ShapeDtypeStruct((NPAD, D), jnp.float32),
)


def _layer_body(p_ref, xn_ref, cs_ref, cd_ref, w_ref, b_ref,
                h_ref, hn_ref, g_ref):
    i = pl.program_id(0)
    deg_out = cd_ref[0] + cd_ref[1] + 1.0
    deg_in = cs_ref[0] + cs_ref[1] + 1.0
    upd = (p_ref[0] + p_ref[1] + xn_ref[...]) * lax.rsqrt(deg_out)[:, None]
    h = jnp.dot(upd, w_ref[...], preferred_element_type=jnp.float32)
    h = jnp.maximum(h + b_ref[...], 0.0)
    h_ref[...] = h
    hn_ref[...] = h * lax.rsqrt(deg_in)[:, None]
    rows = jax.lax.broadcasted_iota(jnp.int32, (BN, 1), 0) + i * BN
    bsum = jnp.sum(jnp.where(rows < N, h, 0.0), axis=0, keepdims=True)

    @pl.when(i == 0)
    def _():
        g_ref[...] = bsum

    @pl.when(i > 0)
    def _():
        g_ref[...] = g_ref[...] + bsum


_layer_call = pl.pallas_call(
    _layer_body,
    grid=(NPAD // BN,),
    in_specs=[
        pl.BlockSpec((NC, BN, D), lambda i: (0, i, 0)),
        pl.BlockSpec((BN, D), lambda i: (i, 0)),
        pl.BlockSpec((NC, BN), lambda i: (0, i)),
        pl.BlockSpec((NC, BN), lambda i: (0, i)),
        pl.BlockSpec((D, D), lambda i: (0, 0)),
        pl.BlockSpec((1, D), lambda i: (0, 0)),
    ],
    out_specs=[
        pl.BlockSpec((BN, D), lambda i: (i, 0)),
        pl.BlockSpec((BN, D), lambda i: (i, 0)),
        pl.BlockSpec((1, D), lambda i: (0, 0)),
    ],
    out_shape=[
        jax.ShapeDtypeStruct((NPAD, D), jnp.float32),
        jax.ShapeDtypeStruct((NPAD, D), jnp.float32),
        jax.ShapeDtypeStruct((1, D), jnp.float32),
    ],
)


def kernel(x, edge_index, W1, b1, W2, b2):
    src = edge_index[0]
    dst = edge_index[1]
    pad = jnp.full((EP - E,), N, jnp.int32)
    srcm = jnp.concatenate([src, pad]).reshape(EP // CHUNK, CHUNK)
    dstm = jnp.concatenate([dst, pad]).reshape(EP // CHUNK, CHUNK)
    xpad = jnp.zeros((NPAD, D), jnp.float32).at[:N].set(x)
    count_kernel, scatter_kernel = _sc_kernels()
    cs, cd = count_kernel(srcm, dstm)
    cs = cs.reshape(NC, NPAD)
    cd = cd.reshape(NC, NPAD)
    xn = _norm_call(xpad, cs)
    srcm3 = srcm.reshape(NW * NBLK, IBLK, CHUNK)
    dstm3 = dstm.reshape(NW * NBLK, IBLK, CHUNK)
    p1 = scatter_kernel(xn, srcm3, dstm3)
    _, hn1, _ = _layer_call(p1, xn, cs, cd, W1, b1.reshape(1, D))
    p2 = scatter_kernel(hn1, srcm3, dstm3)
    h2, _, gsum = _layer_call(p2, hn1, cs, cd, W2, b2.reshape(1, D))
    return (gsum, h2[:N])

# --- scband reference (transcript-rebuilt; emitter-appended) ---
"""Pipeline reference for scband-graph-convolutional-network-15942918603401 (READ-ONLY COPY).

The authoritative reference and input builder live on the scoring server;
editing this copy changes nothing except your own understanding.
"""

import jax, jax.numpy as jnp
import numpy as np

N = 10000
E = 320000
D = 128


def setup_inputs(seed: int = 0) -> dict:
    key = jax.random.key(seed)
    k1, k2, k3, k4, k5, k6 = jax.random.split(key, 6)
    x = jax.random.normal(k1, (N, D), dtype=jnp.float32)
    edge_index = jax.random.randint(k2, (2, E), 0, N, dtype=jnp.int32)
    s = 1.0 / np.sqrt(D)
    W1 = jax.random.uniform(k3, (D, D), dtype=jnp.float32, minval=-s, maxval=s)
    b1 = jax.random.uniform(k4, (D,), dtype=jnp.float32, minval=-s, maxval=s)
    W2 = jax.random.uniform(k5, (D, D), dtype=jnp.float32, minval=-s, maxval=s)
    b2 = jax.random.uniform(k6, (D,), dtype=jnp.float32, minval=-s, maxval=s)
    return {"x": x, "edge_index": edge_index, "W1": W1, "b1": b1, "W2": W2, "b2": b2}


def _gcn_layer(x, src, dst, W, b):
    # Faithful to torchdrug layers.GraphConv: self-loops, symmetric degree
    # normalization, scatter-add aggregation, linear + relu combine.
    n = x.shape[0]
    ones = jnp.ones(src.shape[0], dtype=x.dtype)
    deg_in = jax.ops.segment_sum(ones, src, num_segments=n) + 1.0   # +1 for self loop
    deg_out = jax.ops.segment_sum(ones, dst, num_segments=n) + 1.0  # +1 for self loop
    loop = jnp.arange(n, dtype=src.dtype)
    src_all = jnp.concatenate([src, loop])
    dst_all = jnp.concatenate([dst, loop])
    msg = jnp.take(x, src_all, axis=0) / jnp.sqrt(jnp.take(deg_in, src_all))[:, None]
    update = jax.ops.segment_sum(msg, dst_all, num_segments=n)
    update = update / jnp.sqrt(deg_out)[:, None]
    return jax.nn.relu(update @ W + b)


def reference(x, edge_index, W1, b1, W2, b2):
    src = edge_index[0]
    dst = edge_index[1]
    h = _gcn_layer(x, src, dst, W1, b1)
    h = _gcn_layer(h, src, dst, W2, b2)
    node_feature = h
    graph_feature = jnp.sum(node_feature, axis=0, keepdims=True)  # SumReadout, single graph
    return (graph_feature, node_feature)

if __name__ == "__main__":
    import jax
    _d = setup_inputs()
    print(jax.jit(kernel)(*tuple(_d.values())))

</pallas_src>

<mosaic_0001>
#map = affine_map<(d0, d1) -> (0, 0)>
#map1 = affine_map<(d0, d1) -> (0, 0, 0)>
module attributes {stable_mosaic.version = 14 : i64} {
  func.func @_scatter_body(%arg0: i32, %arg1: i32, %arg2: memref<10240x128xf32, #tpu.memory_space<hbm>>, %arg3: memref<320x8x128xi32, #tpu.memory_space<hbm>>, %arg4: memref<320x8x128xi32, #tpu.memory_space<hbm>>, %arg5: memref<2x10240x128xf32, #tpu.memory_space<hbm>>, %arg6: memref<8x128xi32, #tpu.memory_space<vmem>>, %arg7: memref<8x128xi32, #tpu.memory_space<vmem>>, %arg8: memref<2x128x128xf32, #tpu.memory_space<vmem>>, %arg9: memref<10240x128xf32, #tpu.memory_space<vmem_shared>>, %arg10: memref<!tpu.dma_semaphore, #tpu.memory_space<semaphore_mem>>, %arg11: memref<!tpu.dma_semaphore, #tpu.memory_space<semaphore_mem>>) attributes {dimension_semantics = [#tpu.dimension_semantics<core_parallel>, #tpu.dimension_semantics<subcore_parallel>], iteration_bounds = array<i64: 2, 16>, scalar_prefetch = 0 : i64, scratch_operands = 6 : i64, tpu.core_type = #tpu.core_type<sc_vector_subcore>, window_params = [{transform_indices = #map}, {transform_indices = #map1}, {transform_indices = #map1}, {transform_indices = #map1}]} {
    %scan3A = arith.constant 0 : i32
    %scan3A_0 = arith.constant 128 : i32
    %scan3A_1 = arith.addi %scan3A, %scan3A_0 : i32
    %scan3A_2 = arith.constant 1 : i32
    scf.for %scan3A_50 = %scan3A to %scan3A_1 step %scan3A_2  : i32 {
      %broadcast_in_dim3A = arith.constant 0.000000e+00 : f32
      %broadcast_in_dim3A_51 = vector.broadcast %broadcast_in_dim3A : f32 to vector<16xf32>
      %swap3A = arith.constant 0 : i32
      %swap3A_52 = arith.index_cast %swap3A : i32 to index
      %swap3A_53 = arith.index_cast %scan3A_50 : i32 to index
      %swap3A_54 = arith.constant 0 : index
      %swap3A_55 = tpu.vector_load %arg8[%swap3A_52, %swap3A_53, %swap3A_54] {strides = array<i32>} : memref<2x128x128xf32, #tpu.memory_space<vmem>>, vector<1x1x16xf32>,
      %swap3A_56 = vector.shape_cast %swap3A_55 : vector<1x1x16xf32> to vector<16xf32>
      %swap3A_57 = vector.shape_cast %broadcast_in_dim3A_51 : vector<16xf32> to vector<1x1x16xf32>
      tpu.vector_store %arg8[%swap3A_52, %swap3A_53, %swap3A_54], %swap3A_57 {strides = array<i32>} : memref<2x128x128xf32, #tpu.memory_space<vmem>>, vector<1x1x16xf32>,
      %broadcast_in_dim3A_58 = arith.constant 0.000000e+00 : f32
      %broadcast_in_dim3A_59 = vector.broadcast %broadcast_in_dim3A_58 : f32 to vector<16xf32>
      %swap3A_60 = arith.constant 0 : i32
      %swap3A_61 = arith.index_cast %swap3A_60 : i32 to index
      %swap3A_62 = arith.index_cast %scan3A_50 : i32 to index
      %swap3A_63 = arith.constant 16 : index
      %swap3A_64 = tpu.vector_load %arg8[%swap3A_61, %swap3A_62, %swap3A_63] {strides = array<i32>} : memref<2x128x128xf32, #tpu.memory_space<vmem>>, vector<1x1x16xf32>,
      %swap3A_65 = vector.shape_cast %swap3A_64 : vector<1x1x16xf32> to vector<16xf32>
      %swap3A_66 = vector.shape_cast %broadcast_in_dim3A_59 : vector<16xf32> to vector<1x1x16xf32>
      tpu.vector_store %arg8[%swap3A_61, %swap3A_62, %swap3A_63], %swap3A_66 {strides = array<i32>} : memref<2x128x128xf32, #tpu.memory_space<vmem>>, vector<1x1x16xf32>,
      %broadcast_in_dim3A_67 = arith.constant 0.000000e+00 : f32
      %broadcast_in_dim3A_68 = vector.broadcast %broadcast_in_dim3A_67 : f32 to vector<16xf32>
      %swap3A_69 = arith.constant 0 : i32
      %swap3A_70 = arith.index_cast %swap3A_69 : i32 to index
      %swap3A_71 = arith.index_cast %scan3A_50 : i32 to index
      %swap3A_72 = arith.constant 32 : index
      %swap3A_73 = tpu.vector_load %arg8[%swap3A_70, %swap3A_71, %swap3A_72] {strides = array<i32>} : memref<2x128x128xf32, #tpu.memory_space<vmem>>, vector<1x1x16xf32>,
      %swap3A_74 = vector.shape_cast %swap3A_73 : vector<1x1x16xf32> to vector<16xf32>
      %swap3A_75 = vector.shape_cast %broadcast_in_dim3A_68 : vector<16xf32> to vector<1x1x16xf32>
      tpu.vector_store %arg8[%swap3A_70, %swap3A_71, %swap3A_72], %swap3A_75 {strides = array<i32>} : memref<2x128x128xf32, #tpu.memory_space<vmem>>, vector<1x1x16xf32>,
      %broadcast_in_dim3A_76 = arith.constant 0.000000e+00 : f32
      %broadcast_in_dim3A_77 = vector.broadcast %broadcast_in_dim3A_76 : f32 to vector<16xf32>
      %swap3A_78 = arith.constant 0 : i32
      %swap3A_79 = arith.index_cast %swap3A_78 : i32 to index
      %swap3A_80 = arith.index_cast %scan3A_50 : i32 to index
      %swap3A_81 = arith.constant 48 : index
      %swap3A_82 = tpu.vector_load %arg8[%swap3A_79, %swap3A_80, %swap3A_81] {strides = array<i32>} : memref<2x128x128xf32, #tpu.memory_space<vmem>>, vector<1x1x16xf32>,
      %swap3A_83 = vector.shape_cast %swap3A_82 : vector<1x1x16xf32> to vector<16xf32>
      %swap3A_84 = vector.shape_cast %broadcast_in_dim3A_77 : vector<16xf32> to vector<1x1x16xf32>
      tpu.vector_store %arg8[%swap3A_79, %swap3A_80, %swap3A_81], %swap3A_84 {strides = array<i32>} : memref<2x128x128xf32, #tpu.memory_space<vmem>>, vector<1x1x16xf32>,
      %broadcast_in_dim3A_85 = arith.constant 0.000000e+00 : f32
      %broadcast_in_dim3A_86 = vector.broadcast %broadcast_in_dim3A_85 : f32 to vector<16xf32>
      %swap3A_87 = arith.constant 0 : i32
      %swap3A_88 = arith.index_cast %swap3A_87 : i32 to index
      %swap3A_89 = arith.index_cast %scan3A_50 : i32 to index
      %swap3A_90 = arith.constant 64 : index
      %swap3A_91 = tpu.vector_load %arg8[%swap3A_88, %swap3A_89, %swap3A_90] {strides = array<i32>} : memref<2x128x128xf32, #tpu.memory_space<vmem>>, vector<1x1x16xf32>,
      %swap3A_92 = vector.shape_cast %swap3A_91 : vector<1x1x16xf32> to vector<16xf32>
      %swap3A_93 = vector.shape_cast %broadcast_in_dim3A_86 : vector<16xf32> to vector<1x1x16xf32>
      tpu.vector_store %arg8[%swap3A_88, %swap3A_89, %swap3A_90], %swap3A_93 {strides = array<i32>} : memref<2x128x128xf32, #tpu.memory_space<vmem>>, vector<1x1x16xf32>,
      %broadcast_in_dim3A_94 = arith.constant 0.000000e+00 : f32
      %broadcast_in_dim3A_95 = vector.broadcast %broadcast_in_dim3A_94 : f32 to vector<16xf32>
      %swap3A_96 = arith.constant 0 : i32
      %swap3A_97 = arith.index_cast %swap3A_96 : i32 to index
      %swap3A_98 = arith.index_cast %scan3A_50 : i32 to index
      %swap3A_99 = arith.constant 80 : index
      %swap3A_100 = tpu.vector_load %arg8[%swap3A_97, %swap3A_98, %swap3A_99] {strides = array<i32>} : memref<2x128x128xf32, #tpu.memory_space<vmem>>, vector<1x1x16xf32>,
      %swap3A_101 = vector.shape_cast %swap3A_100 : vector<1x1x16xf32> to vector<16xf32>
      %swap3A_102 = vector.shape_cast %broadcast_in_dim3A_95 : vector<16xf32> to vector<1x1x16xf32>
      tpu.vector_store %arg8[%swap3A_97, %swap3A_98, %swap3A_99], %swap3A_102 {strides = array<i32>} : memref<2x128x128xf32, #tpu.memory_space<vmem>>, vector<1x1x16xf32>,
      %broadcast_in_dim3A_103 = arith.constant 0.000000e+00 : f32
      %broadcast_in_dim3A_104 = vector.broadcast %broadcast_in_dim3A_103 : f32 to vector<16xf32>
      %swap3A_105 = arith.constant 0 : i32
      %swap3A_106 = arith.index_cast %swap3A_105 : i32 to index
      %swap3A_107 = arith.index_cast %scan3A_50 : i32 to index
      %swap3A_108 = arith.constant 96 : index
      %swap3A_109 = tpu.vector_load %arg8[%swap3A_106, %swap3A_107, %swap3A_108] {strides = array<i32>} : memref<2x128x128xf32, #tpu.memory_space<vmem>>, vector<1x1x16xf32>,
      %swap3A_110 = vector.shape_cast %swap3A_109 : vector<1x1x16xf32> to vector<16xf32>
      %swap3A_111 = vector.shape_cast %broadcast_in_dim3A_104 : vector<16xf32> to vector<1x1x16xf32>
      tpu.vector_store %arg8[%swap3A_106, %swap3A_107, %swap3A_108], %swap3A_111 {strides = array<i32>} : memref<2x128x128xf32, #tpu.memory_space<vmem>>, vector<1x1x16xf32>,
      %broadcast_in_dim3A_112 = arith.constant 0.000000e+00 : f32
      %broadcast_in_dim3A_113 = vector.broadcast %broadcast_in_dim3A_112 : f32 to vector<16xf32>
      %swap3A_114 = arith.constant 0 : i32
      %swap3A_115 = arith.index_cast %swap3A_114 : i32 to index
      %swap3A_116 = arith.index_cast %scan3A_50 : i32 to index
      %swap3A_117 = arith.constant 112 : index
      %swap3A_118 = tpu.vector_load %arg8[%swap3A_115, %swap3A_116, %swap3A_117] {strides = array<i32>} : memref<2x128x128xf32, #tpu.memory_space<vmem>>, vector<1x1x16xf32>,
      %swap3A_119 = vector.shape_cast %swap3A_118 : vector<1x1x16xf32> to vector<16xf32>
      %swap3A_120 = vector.shape_cast %broadcast_in_dim3A_113 : vector<16xf32> to vector<1x1x16xf32>
      tpu.vector_store %arg8[%swap3A_115, %swap3A_116, %swap3A_117], %swap3A_120 {strides = array<i32>} : memref<2x128x128xf32, #tpu.memory_space<vmem>>, vector<1x1x16xf32>,
    }
    %scan3A_3 = arith.constant 128 : i32
    %mul3A = arith.constant 640 : i32
    %mul3A_4 = arith.muli %arg1, %mul3A : i32
    %add3A = arith.constant 0 : i32
    %add3A_5 = arith.addi %mul3A_4, %add3A : i32
    %run_scoped3A = arith.constant 0 : i32
    "tpu.region"() ({
      %run_scoped3A_50 = tpu.sem_alloc : memref<!tpu.dma_semaphore, #tpu.memory_space<semaphore_mem>>
      %dma_start3A = arith.constant 0 : i32
      %dma_start3A_51 = arith.constant 0 : i32
      %dma_start3A_52 = tpu.memref_slice %arg8[%run_scoped3A, %dma_start3A, %dma_start3A_51] : memref<2x128x128xf32, #tpu.memory_space<vmem>> -> memref<1x128x128xf32, #tpu.memory_space<vmem>>
      %dma_start3A_53 = tpu.memref_squeeze %dma_start3A_52 : memref<1x128x128xf32, #tpu.memory_space<vmem>> -> memref<128x128xf32, #tpu.memory_space<vmem>>
      %dma_start3A_54 = arith.constant 0 : i32
      %dma_start3A_55 = tpu.memref_slice %arg9[%add3A_5, %dma_start3A_54] : memref<10240x128xf32, #tpu.memory_space<vmem_shared>> -> memref<128x128xf32, #tpu.memory_space<vmem_shared>>
      %dma_start3A_56 = arith.constant 0 : i32
      %dma_start3A_57 = tpu.memref_slice %arg9[%add3A_5, %dma_start3A_56] : memref<10240x128xf32, #tpu.memory_space<vmem_shared>> -> memref<128x128xf32, #tpu.memory_space<vmem_shared>>
      %dma_start3A_58 = arith.constant 0 : i32
      %dma_start3A_59 = arith.constant 0 : i32
      %dma_start3A_60 = tpu.memref_slice %arg8[%run_scoped3A, %dma_start3A_58, %dma_start3A_59] : memref<2x128x128xf32, #tpu.memory_space<vmem>> -> memref<1x128x128xf32, #tpu.memory_space<vmem>>
      %dma_start3A_61 = tpu.memref_squeeze %dma_start3A_60 : memref<1x128x128xf32, #tpu.memory_space<vmem>> -> memref<128x128xf32, #tpu.memory_space<vmem>>
      tpu.enqueue_dma source(%dma_start3A_61 : memref<128x128xf32, #tpu.memory_space<vmem>>) target(%dma_start3A_57 : memref<128x128xf32, #tpu.memory_space<vmem_shared>>) target_semaphore(%run_scoped3A_50 : memref<!tpu.dma_semaphore, #tpu.memory_space<semaphore_mem>>)
      %dma_wait3A = arith.constant 0 : i32
      %dma_wait3A_62 = arith.constant 0 : i32
      %dma_wait3A_63 = tpu.memref_slice %arg8[%run_scoped3A, %dma_wait3A, %dma_wait3A_62] : memref<2x128x128xf32, #tpu.memory_space<vmem>> -> memref<1x128x128xf32, #tpu.memory_space<vmem>>
      %dma_wait3A_64 = tpu.memref_squeeze %dma_wait3A_63 : memref<1x128x128xf32, #tpu.memory_space<vmem>> -> memref<128x128xf32, #tpu.memory_space<vmem>>
      %dma_wait3A_65 = arith.constant 0 : i32
      %dma_wait3A_66 = tpu.memref_slice %arg9[%add3A_5, %dma_wait3A_65] : memref<10240x128xf32, #tpu.memory_space<vmem_shared>> -> memref<128x128xf32, #tpu.memory_space<vmem_shared>>
      %dma_wait3A_67 = arith.constant 0 : i32
      %dma_wait3A_68 = tpu.memref_slice %arg9[%add3A_5, %dma_wait3A_67] : memref<10240x128xf32, #tpu.memory_space<vmem_shared>> -> memref<128x128xf32, #tpu.memory_space<vmem_shared>>
      %dma_wait3A_69 = arith.constant 0 : i32
      %dma_wait3A_70 = arith.constant 0 : i32
      %dma_wait3A_71 = tpu.memref_slice %arg8[%run_scoped3A, %dma_wait3A_69, %dma_wait3A_70] : memref<2x128x128xf32, #tpu.memory_space<vmem>> -> memref<1x128x128xf32, #tpu.memory_space<vmem>>
      %dma_wait3A_72 = tpu.memref_squeeze %dma_wait3A_71 : memref<1x128x128xf32, #tpu.memory_space<vmem>> -> memref<128x128xf32, #tpu.memory_space<vmem>>
      tpu.wait_dma2 semaphore(%run_scoped3A_50 : memref<!tpu.dma_semaphore, #tpu.memory_space<semaphore_mem>>) src(%dma_wait3A_72 : memref<128x128xf32, #tpu.memory_space<vmem>>) dst(%dma_wait3A_68 : memref<128x128xf32, #tpu.memory_space<vmem_shared>>)
      tpu.yield
    }) : () -> ()
    %mul3A_6 = arith.constant 640 : i32
    %mul3A_7 = arith.muli %arg1, %mul3A_6 : i32
    %add3A_8 = arith.constant 128 : i32
    %add3A_9 = arith.addi %mul3A_7, %add3A_8 : i32
    %run_scoped3A_10 = arith.constant 0 : i32
    "tpu.region"() ({
      %run_scoped3A_50 = tpu.sem_alloc : memref<!tpu.dma_semaphore, #tpu.memory_space<semaphore_mem>>
      %dma_start3A = arith.constant 0 : i32
      %dma_start3A_51 = arith.constant 0 : i32
      %dma_start3A_52 = tpu.memref_slice %arg8[%run_scoped3A_10, %dma_start3A, %dma_start3A_51] : memref<2x128x128xf32, #tpu.memory_space<vmem>> -> memref<1x128x128xf32, #tpu.memory_space<vmem>>
      %dma_start3A_53 = tpu.memref_squeeze %dma_start3A_52 : memref<1x128x128xf32, #tpu.memory_space<vmem>> -> memref<128x128xf32, #tpu.memory_space<vmem>>
      %dma_start3A_54 = arith.constant 0 : i32
      %dma_start3A_55 = tpu.memref_slice %arg9[%add3A_9, %dma_start3A_54] : memref<10240x128xf32, #tpu.memory_space<vmem_shared>> -> memref<128x128xf32, #tpu.memory_space<vmem_shared>>
      %dma_start3A_56 = arith.constant 0 : i32
      %dma_start3A_57 = tpu.memref_slice %arg9[%add3A_9, %dma_start3A_56] : memref<10240x128xf32, #tpu.memory_space<vmem_shared>> -> memref<128x128xf32, #tpu.memory_space<vmem_shared>>
      %dma_start3A_58 = arith.constant 0 : i32
      %dma_start3A_59 = arith.constant 0 : i32
      %dma_start3A_60 = tpu.memref_slice %arg8[%run_scoped3A_10, %dma_start3A_58, %dma_start3A_59] : memref<2x128x128xf32, #tpu.memory_space<vmem>> -> memref<1x128x128xf32, #tpu.memory_space<vmem>>
      %dma_start3A_61 = tpu.memref_squeeze %dma_start3A_60 : memref<1x128x128xf32, #tpu.memory_space<vmem>> -> memref<128x128xf32, #tpu.memory_space<vmem>>
      tpu.enqueue_dma source(%dma_start3A_61 : memref<128x128xf32, #tpu.memory_space<vmem>>) target(%dma_start3A_57 : memref<128x128xf32, #tpu.memory_space<vmem_shared>>) target_semaphore(%run_scoped3A_50 : memref<!tpu.dma_semaphore, #tpu.memory_space<semaphore_mem>>)
      %dma_wait3A = arith.constant 0 : i32
      %dma_wait3A_62 = arith.constant 0 : i32
      %dma_wait3A_63 = tpu.memref_slice %arg8[%run_scoped3A_10, %dma_wait3A, %dma_wait3A_62] : memref<2x128x128xf32, #tpu.memory_space<vmem>> -> memref<1x128x128xf32, #tpu.memory_space<vmem>>
      %dma_wait3A_64 = tpu.memref_squeeze %dma_wait3A_63 : memref<1x128x128xf32, #tpu.memory_space<vmem>> -> memref<128x128xf32, #tpu.memory_space<vmem>>
      %dma_wait3A_65 = arith.constant 0 : i32
      %dma_wait3A_66 = tpu.memref_slice %arg9[%add3A_9, %dma_wait3A_65] : memref<10240x128xf32, #tpu.memory_space<vmem_shared>> -> memref<128x128xf32, #tpu.memory_space<vmem_shared>>
      %dma_wait3A_67 = arith.constant 0 : i32
      %dma_wait3A_68 = tpu.memref_slice %arg9[%add3A_9, %dma_wait3A_67] : memref<10240x128xf32, #tpu.memory_space<vmem_shared>> -> memref<128x128xf32, #tpu.memory_space<vmem_shared>>
      %dma_wait3A_69 = arith.constant 0 : i32
      %dma_wait3A_70 = arith.constant 0 : i32
      %dma_wait3A_71 = tpu.memref_slice %arg8[%run_scoped3A_10, %dma_wait3A_69, %dma_wait3A_70] : memref<2x128x128xf32, #tpu.memory_space<vmem>> -> memref<1x128x128xf32, #tpu.memory_space<vmem>>
      %dma_wait3A_72 = tpu.memref_squeeze %dma_wait3A_71 : memref<1x128x128xf32, #tpu.memory_space<vmem>> -> memref<128x128xf32, #tpu.memory_space<vmem>>
      tpu.wait_dma2 semaphore(%run_scoped3A_50 : memref<!tpu.dma_semaphore, #tpu.memory_space<semaphore_mem>>) src(%dma_wait3A_72 : memref<128x128xf32, #tpu.memory_space<vmem>>) dst(%dma_wait3A_68 : memref<128x128xf32, #tpu.memory_space<vmem_shared>>)
      tpu.yield
    }) : () -> ()
    %mul3A_11 = arith.constant 640 : i32
    %mul3A_12 = arith.muli %arg1, %mul3A_11 : i32
    %add3A_13 = arith.constant 256 : i32
    %add3A_14 = arith.addi %mul3A_12, %add3A_13 : i32
    %run_scoped3A_15 = arith.constant 0 : i32
    "tpu.region"() ({
      %run_scoped3A_50 = tpu.sem_alloc : memref<!tpu.dma_semaphore, #tpu.memory_space<semaphore_mem>>
      %dma_start3A = arith.constant 0 : i32
      %dma_start3A_51 = arith.constant 0 : i32
      %dma_start3A_52 = tpu.memref_slice %arg8[%run_scoped3A_15, %dma_start3A, %dma_start3A_51] : memref<2x128x128xf32, #tpu.memory_space<vmem>> -> memref<1x128x128xf32, #tpu.memory_space<vmem>>
      %dma_start3A_53 = tpu.memref_squeeze %dma_start3A_52 : memref<1x128x128xf32, #tpu.memory_space<vmem>> -> memref<128x128xf32, #tpu.memory_space<vmem>>
      %dma_start3A_54 = arith.constant 0 : i32
      %dma_start3A_55 = tpu.memref_slice %arg9[%add3A_14, %dma_start3A_54] : memref<10240x128xf32, #tpu.memory_space<vmem_shared>> -> memref<128x128xf32, #tpu.memory_space<vmem_shared>>
      %dma_start3A_56 = arith.constant 0 : i32
      %dma_start3A_57 = tpu.memref_slice %arg9[%add3A_14, %dma_start3A_56] : memref<10240x128xf32, #tpu.memory_space<vmem_shared>> -> memref<128x128xf32, #tpu.memory_space<vmem_shared>>
      %dma_start3A_58 = arith.constant 0 : i32
      %dma_start3A_59 = arith.constant 0 : i32
      %dma_start3A_60 = tpu.memref_slice %arg8[%run_scoped3A_15, %dma_start3A_58, %dma_start3A_59] : memref<2x128x128xf32, #tpu.memory_space<vmem>> -> memref<1x128x128xf32, #tpu.memory_space<vmem>>
      %dma_start3A_61 = tpu.memref_squeeze %dma_start3A_60 : memref<1x128x128xf32, #tpu.memory_space<vmem>> -> memref<128x128xf32, #tpu.memory_space<vmem>>
      tpu.enqueue_dma source(%dma_start3A_61 : memref<128x128xf32, #tpu.memory_space<vmem>>) target(%dma_start3A_57 : memref<128x128xf32, #tpu.memory_space<vmem_shared>>) target_semaphore(%run_scoped3A_50 : memref<!tpu.dma_semaphore, #tpu.memory_space<semaphore_mem>>)
      %dma_wait3A = arith.constant 0 : i32
      %dma_wait3A_62 = arith.constant 0 : i32
      %dma_wait3A_63 = tpu.memref_slice %arg8[%run_scoped3A_15, %dma_wait3A, %dma_wait3A_62] : memref<2x128x128xf32, #tpu.memory_space<vmem>> -> memref<1x128x128xf32, #tpu.memory_space<vmem>>
      %dma_wait3A_64 = tpu.memref_squeeze %dma_wait3A_63 : memref<1x128x128xf32, #tpu.memory_space<vmem>> -> memref<128x128xf32, #tpu.memory_space<vmem>>
      %dma_wait3A_65 = arith.constant 0 : i32
      %dma_wait3A_66 = tpu.memref_slice %arg9[%add3A_14, %dma_wait3A_65] : memref<10240x128xf32, #tpu.memory_space<vmem_shared>> -> memref<128x128xf32, #tpu.memory_space<vmem_shared>>
      %dma_wait3A_67 = arith.constant 0 : i32
      %dma_wait3A_68 = tpu.memref_slice %arg9[%add3A_14, %dma_wait3A_67] : memref<10240x128xf32, #tpu.memory_space<vmem_shared>> -> memref<128x128xf32, #tpu.memory_space<vmem_shared>>
      %dma_wait3A_69 = arith.constant 0 : i32
      %dma_wait3A_70 = arith.constant 0 : i32
      %dma_wait3A_71 = tpu.memref_slice %arg8[%run_scoped3A_15, %dma_wait3A_69, %dma_wait3A_70] : memref<2x128x128xf32, #tpu.memory_space<vmem>> -> memref<1x128x128xf32, #tpu.memory_space<vmem>>
      %dma_wait3A_72 = tpu.memref_squeeze %dma_wait3A_71 : memref<1x128x128xf32, #tpu.memory_space<vmem>> -> memref<128x128xf32, #tpu.memory_space<vmem>>
      tpu.wait_dma2 semaphore(%run_scoped3A_50 : memref<!tpu.dma_semaphore, #tpu.memory_space<semaphore_mem>>) src(%dma_wait3A_72 : memref<128x128xf32, #tpu.memory_space<vmem>>) dst(%dma_wait3A_68 : memref<128x128xf32, #tpu.memory_space<vmem_shared>>)
      tpu.yield
    }) : () -> ()
    %mul3A_16 = arith.constant 640 : i32
    %mul3A_17 = arith.muli %arg1, %mul3A_16 : i32
    %add3A_18 = arith.constant 384 : i32
    %add3A_19 = arith.addi %mul3A_17, %add3A_18 : i32
    %run_scoped3A_20 = arith.constant 0 : i32
    "tpu.region"() ({
      %run_scoped3A_50 = tpu.sem_alloc : memref<!tpu.dma_semaphore, #tpu.memory_space<semaphore_mem>>
      %dma_start3A = arith.constant 0 : i32
      %dma_start3A_51 = arith.constant 0 : i32
      %dma_start3A_52 = tpu.memref_slice %arg8[%run_scoped3A_20, %dma_start3A, %dma_start3A_51] : memref<2x128x128xf32, #tpu.memory_space<vmem>> -> memref<1x128x128xf32, #tpu.memory_space<vmem>>
      %dma_start3A_53 = tpu.memref_squeeze %dma_start3A_52 : memref<1x128x128xf32, #tpu.memory_space<vmem>> -> memref<128x128xf32, #tpu.memory_space<vmem>>
      %dma_start3A_54 = arith.constant 0 : i32
      %dma_start3A_55 = tpu.memref_slice %arg9[%add3A_19, %dma_start3A_54] : memref<10240x128xf32, #tpu.memory_space<vmem_shared>> -> memref<128x128xf32, #tpu.memory_space<vmem_shared>>
      %dma_start3A_56 = arith.constant 0 : i32
      %dma_start3A_57 = tpu.memref_slice %arg9[%add3A_19, %dma_start3A_56] : memref<10240x128xf32, #tpu.memory_space<vmem_shared>> -> memref<128x128xf32, #tpu.memory_space<vmem_shared>>
      %dma_start3A_58 = arith.constant 0 : i32
      %dma_start3A_59 = arith.constant 0 : i32
      %dma_start3A_60 = tpu.memref_slice %arg8[%run_scoped3A_20, %dma_start3A_58, %dma_start3A_59] : memref<2x128x128xf32, #tpu.memory_space<vmem>> -> memref<1x128x128xf32, #tpu.memory_space<vmem>>
      %dma_start3A_61 = tpu.memref_squeeze %dma_start3A_60 : memref<1x128x128xf32, #tpu.memory_space<vmem>> -> memref<128x128xf32, #tpu.memory_space<vmem>>
      tpu.enqueue_dma source(%dma_start3A_61 : memref<128x128xf32, #tpu.memory_space<vmem>>) target(%dma_start3A_57 : memref<128x128xf32, #tpu.memory_space<vmem_shared>>) target_semaphore(%run_scoped3A_50 : memref<!tpu.dma_semaphore, #tpu.memory_space<semaphore_mem>>)
      %dma_wait3A = arith.constant 0 : i32
      %dma_wait3A_62 = arith.constant 0 : i32
      %dma_wait3A_63 = tpu.memref_slice %arg8[%run_scoped3A_20, %dma_wait3A, %dma_wait3A_62] : memref<2x128x128xf32, #tpu.memory_space<vmem>> -> memref<1x128x128xf32, #tpu.memory_space<vmem>>
      %dma_wait3A_64 = tpu.memref_squeeze %dma_wait3A_63 : memref<1x128x128xf32, #tpu.memory_space<vmem>> -> memref<128x128xf32, #tpu.memory_space<vmem>>
      %dma_wait3A_65 = arith.constant 0 : i32
      %dma_wait3A_66 = tpu.memref_slice %arg9[%add3A_19, %dma_wait3A_65] : memref<10240x128xf32, #tpu.memory_space<vmem_shared>> -> memref<128x128xf32, #tpu.memory_space<vmem_shared>>
      %dma_wait3A_67 = arith.constant 0 : i32
      %dma_wait3A_68 = tpu.memref_slice %arg9[%add3A_19, %dma_wait3A_67] : memref<10240x128xf32, #tpu.memory_space<vmem_shared>> -> memref<128x128xf32, #tpu.memory_space<vmem_shared>>
      %dma_wait3A_69 = arith.constant 0 : i32
      %dma_wait3A_70 = arith.constant 0 : i32
      %dma_wait3A_71 = tpu.memref_slice %arg8[%run_scoped3A_20, %dma_wait3A_69, %dma_wait3A_70] : memref<2x128x128xf32, #tpu.memory_space<vmem>> -> memref<1x128x128xf32, #tpu.memory_space<vmem>>
      %dma_wait3A_72 = tpu.memref_squeeze %dma_wait3A_71 : memref<1x128x128xf32, #tpu.memory_space<vmem>> -> memref<128x128xf32, #tpu.memory_space<vmem>>
      tpu.wait_dma2 semaphore(%run_scoped3A_50 : memref<!tpu.dma_semaphore, #tpu.memory_space<semaphore_mem>>) src(%dma_wait3A_72 : memref<128x128xf32, #tpu.memory_space<vmem>>) dst(%dma_wait3A_68 : memref<128x128xf32, #tpu.memory_space<vmem_shared>>)
      tpu.yield
    }) : () -> ()
    %mul3A_21 = arith.constant 640 : i32
    %mul3A_22 = arith.muli %arg1, %mul3A_21 : i32
    %add3A_23 = arith.constant 512 : i32
    %add3A_24 = arith.addi %mul3A_22, %add3A_23 : i32
    %run_scoped3A_25 = arith.constant 0 : i32
    "tpu.region"() ({
      %run_scoped3A_50 = tpu.sem_alloc : memref<!tpu.dma_semaphore, #tpu.memory_space<semaphore_mem>>
      %dma_start3A = arith.constant 0 : i32
      %dma_start3A_51 = arith.constant 0 : i32
      %dma_start3A_52 = tpu.memref_slice %arg8[%run_scoped3A_25, %dma_start3A, %dma_start3A_51] : memref<2x128x128xf32, #tpu.memory_space<vmem>> -> memref<1x128x128xf32, #tpu.memory_space<vmem>>
      %dma_start3A_53 = tpu.memref_squeeze %dma_start3A_52 : memref<1x128x128xf32, #tpu.memory_space<vmem>> -> memref<128x128xf32, #tpu.memory_space<vmem>>
      %dma_start3A_54 = arith.constant 0 : i32
      %dma_start3A_55 = tpu.memref_slice %arg9[%add3A_24, %dma_start3A_54] : memref<10240x128xf32, #tpu.memory_space<vmem_shared>> -> memref<128x128xf32, #tpu.memory_space<vmem_shared>>
      %dma_start3A_56 = arith.constant 0 : i32
      %dma_start3A_57 = tpu.memref_slice %arg9[%add3A_24, %dma_start3A_56] : memref<10240x128xf32, #tpu.memory_space<vmem_shared>> -> memref<128x128xf32, #tpu.memory_space<vmem_shared>>
      %dma_start3A_58 = arith.constant 0 : i32
      %dma_start3A_59 = arith.constant 0 : i32
      %dma_start3A_60 = tpu.memref_slice %arg8[%run_scoped3A_25, %dma_start3A_58, %dma_start3A_59] : memref<2x128x128xf32, #tpu.memory_space<vmem>> -> memref<1x128x128xf32, #tpu.memory_space<vmem>>
      %dma_start3A_61 = tpu.memref_squeeze %dma_start3A_60 : memref<1x128x128xf32, #tpu.memory_space<vmem>> -> memref<128x128xf32, #tpu.memory_space<vmem>>
      tpu.enqueue_dma source(%dma_start3A_61 : memref<128x128xf32, #tpu.memory_space<vmem>>) target(%dma_start3A_57 : memref<128x128xf32, #tpu.memory_space<vmem_shared>>) target_semaphore(%run_scoped3A_50 : memref<!tpu.dma_semaphore, #tpu.memory_space<semaphore_mem>>)
      %dma_wait3A = arith.constant 0 : i32
      %dma_wait3A_62 = arith.constant 0 : i32
      %dma_wait3A_63 = tpu.memref_slice %arg8[%run_scoped3A_25, %dma_wait3A, %dma_wait3A_62] : memref<2x128x128xf32, #tpu.memory_space<vmem>> -> memref<1x128x128xf32, #tpu.memory_space<vmem>>
      %dma_wait3A_64 = tpu.memref_squeeze %dma_wait3A_63 : memref<1x128x128xf32, #tpu.memory_space<vmem>> -> memref<128x128xf32, #tpu.memory_space<vmem>>
      %dma_wait3A_65 = arith.constant 0 : i32
      %dma_wait3A_66 = tpu.memref_slice %arg9[%add3A_24, %dma_wait3A_65] : memref<10240x128xf32, #tpu.memory_space<vmem_shared>> -> memref<128x128xf32, #tpu.memory_space<vmem_shared>>
      %dma_wait3A_67 = arith.constant 0 : i32
      %dma_wait3A_68 = tpu.memref_slice %arg9[%add3A_24, %dma_wait3A_67] : memref<10240x128xf32, #tpu.memory_space<vmem_shared>> -> memref<128x128xf32, #tpu.memory_space<vmem_shared>>
      %dma_wait3A_69 = arith.constant 0 : i32
      %dma_wait3A_70 = arith.constant 0 : i32
      %dma_wait3A_71 = tpu.memref_slice %arg8[%run_scoped3A_25, %dma_wait3A_69, %dma_wait3A_70] : memref<2x128x128xf32, #tpu.memory_space<vmem>> -> memref<1x128x128xf32, #tpu.memory_space<vmem>>
      %dma_wait3A_72 = tpu.memref_squeeze %dma_wait3A_71 : memref<1x128x128xf32, #tpu.memory_space<vmem>> -> memref<128x128xf32, #tpu.memory_space<vmem>>
      tpu.wait_dma2 semaphore(%run_scoped3A_50 : memref<!tpu.dma_semaphore, #tpu.memory_space<semaphore_mem>>) src(%dma_wait3A_72 : memref<128x128xf32, #tpu.memory_space<vmem>>) dst(%dma_wait3A_68 : memref<128x128xf32, #tpu.memory_space<vmem_shared>>)
      tpu.yield
    }) : () -> ()
    %barrier3A = arith.constant 0 : index
    tpu.barrier barrier_id(%barrier3A)
    %eq3A = arith.constant 0 : i32
    %eq3A_26 = arith.cmpi eq, %arg0, %eq3A : i32
    %jit3A = arith.constant 18 : i32
    %jit3A_27 = arith.constant 2 : i32
    %select_n3A = arith.select %eq3A_26, %jit3A, %jit3A_27 : i32
    %eq3A_28 = arith.constant 0 : i32
    %eq3A_29 = arith.cmpi eq, %arg0, %eq3A_28 : i32
    %mul3A_30 = arith.constant 18 : i32
    %mul3A_31 = arith.muli %arg1, %mul3A_30 : i32
    %mul3A_32 = arith.constant 2 : i32
    %mul3A_33 = arith.muli %arg1, %mul3A_32 : i32
    %add3A_34 = arith.constant 288 : i32
    %add3A_35 = arith.addi %add3A_34, %mul3A_33 : i32
    %select_n3A_36 = arith.select %eq3A_29, %mul3A_31, %add3A_35 : i32
    %while3A = arith.constant 0 : i32
    %while3A_37 = arith.subi %select_n3A, %while3A : i32
    %while3A_38 = arith.addi %while3A, %while3A_37 : i32
    %while3A_39 = arith.constant 1 : i32
    %while3A_40 = arith.divsi %while3A_37, %while3A_39 : i32
    %while3A_41 = arith.muli %while3A_40, %while3A_39 : i32
    %while3A_42 = arith.addi %while3A, %while3A_41 : i32
    %while3A_43 = arith.constant 1 : i32
    scf.for %while3A_50 = %while3A to %while3A_42 step %while3A_43  : i32 {
      %add3A_51 = arith.addi %select_n3A_36, %while3A_50 : i32
      "tpu.region"() ({
        %run_scoped3A_258 = tpu.sem_alloc : memref<!tpu.dma_semaphore, #tpu.memory_space<semaphore_mem>>
        %dma_start3A_259 = arith.constant 0 : i32
        %dma_start3A_260 = arith.constant 0 : i32
        %dma_start3A_261 = tpu.memref_slice %arg3[%add3A_51, %dma_start3A_259, %dma_start3A_260] : memref<320x8x128xi32, #tpu.memory_space<hbm>> -> memref<1x8x128xi32, #tpu.memory_space<hbm>>
        %dma_start3A_262 = tpu.memref_squeeze %dma_start3A_261 : memref<1x8x128xi32, #tpu.memory_space<hbm>> -> memref<8x128xi32, #tpu.memory_space<hbm>>
        %dma_start3A_263 = arith.constant 0 : i32
        %dma_start3A_264 = arith.constant 0 : i32
        %dma_start3A_265 = tpu.memref_slice %arg3[%add3A_51, %dma_start3A_263, %dma_start3A_264] : memref<320x8x128xi32, #tpu.memory_space<hbm>> -> memref<1x8x128xi32, #tpu.memory_space<hbm>>
        %dma_start3A_266 = tpu.memref_squeeze %dma_start3A_265 : memref<1x8x128xi32, #tpu.memory_space<hbm>> -> memref<8x128xi32, #tpu.memory_space<hbm>>
        tpu.enqueue_dma source(%dma_start3A_266 : memref<8x128xi32, #tpu.memory_space<hbm>>) target(%arg6 : memref<8x128xi32, #tpu.memory_space<vmem>>) target_semaphore(%run_scoped3A_258 : memref<!tpu.dma_semaphore, #tpu.memory_space<semaphore_mem>>)
        %dma_wait3A_267 = arith.constant 0 : i32
        %dma_wait3A_268 = arith.constant 0 : i32
        %dma_wait3A_269 = tpu.memref_slice %arg3[%add3A_51, %dma_wait3A_267, %dma_wait3A_268] : memref<320x8x128xi32, #tpu.memory_space<hbm>> -> memref<1x8x128xi32, #tpu.memory_space<hbm>>
        %dma_wait3A_270 = tpu.memref_squeeze %dma_wait3A_269 : memref<1x8x128xi32, #tpu.memory_space<hbm>> -> memref<8x128xi32, #tpu.memory_space<hbm>>
        %dma_wait3A_271 = arith.constant 0 : i32
        %dma_wait3A_272 = arith.constant 0 : i32
        %dma_wait3A_273 = tpu.memref_slice %arg3[%add3A_51, %dma_wait3A_271, %dma_wait3A_272] : memref<320x8x128xi32, #tpu.memory_space<hbm>> -> memref<1x8x128xi32, #tpu.memory_space<hbm>>
        %dma_wait3A_274 = tpu.memref_squeeze %dma_wait3A_273 : memref<1x8x128xi32, #tpu.memory_space<hbm>> -> memref<8x128xi32, #tpu.memory_space<hbm>>
        tpu.wait_dma2 semaphore(%run_scoped3A_258 : memref<!tpu.dma_semaphore, #tpu.memory_space<semaphore_mem>>) src(%dma_wait3A_274 : memref<8x128xi32, #tpu.memory_space<hbm>>) dst(%arg6 : memref<8x128xi32, #tpu.memory_space<vmem>>)
        tpu.yield
      }) : () -> ()
      "tpu.region"() ({
        %run_scoped3A_258 = tpu.sem_alloc : memref<!tpu.dma_semaphore, #tpu.memory_space<semaphore_mem>>
        %dma_start3A_259 = arith.constant 0 : i32
        %dma_start3A_260 = arith.constant 0 : i32
        %dma_start3A_261 = tpu.memref_slice %arg4[%add3A_51, %dma_start3A_259, %dma_start3A_260] : memref<320x8x128xi32, #tpu.memory_space<hbm>> -> memref<1x8x128xi32, #tpu.memory_space<hbm>>
        %dma_start3A_262 = tpu.memref_squeeze %dma_start3A_261 : memref<1x8x128xi32, #tpu.memory_space<hbm>> -> memref<8x128xi32, #tpu.memory_space<hbm>>
        %dma_start3A_263 = arith.constant 0 : i32
        %dma_start3A_264 = arith.constant 0 : i32
        %dma_start3A_265 = tpu.memref_slice %arg4[%add3A_51, %dma_start3A_263, %dma_start3A_264] : memref<320x8x128xi32, #tpu.memory_space<hbm>> -> memref<1x8x128xi32, #tpu.memory_space<hbm>>
        %dma_start3A_266 = tpu.memref_squeeze %dma_start3A_265 : memref<1x8x128xi32, #tpu.memory_space<hbm>> -> memref<8x128xi32, #tpu.memory_space<hbm>>
        tpu.enqueue_dma source(%dma_start3A_266 : memref<8x128xi32, #tpu.memory_space<hbm>>) target(%arg7 : memref<8x128xi32, #tpu.memory_space<vmem>>) target_semaphore(%run_scoped3A_258 : memref<!tpu.dma_semaphore, #tpu.memory_space<semaphore_mem>>)
        %dma_wait3A_267 = arith.constant 0 : i32
        %dma_wait3A_268 = arith.constant 0 : i32
        %dma_wait3A_269 = tpu.memref_slice %arg4[%add3A_51, %dma_wait3A_267, %dma_wait3A_268] : memref<320x8x128xi32, #tpu.memory_space<hbm>> -> memref<1x8x128xi32, #tpu.memory_space<hbm>>
        %dma_wait3A_270 = tpu.memref_squeeze %dma_wait3A_269 : memref<1x8x128xi32, #tpu.memory_space<hbm>> -> memref<8x128xi32, #tpu.memory_space<hbm>>
        %dma_wait3A_271 = arith.constant 0 : i32
        %dma_wait3A_272 = arith.constant 0 : i32
        %dma_wait3A_273 = tpu.memref_slice %arg4[%add3A_51, %dma_wait3A_271, %dma_wait3A_272] : memref<320x8x128xi32, #tpu.memory_space<hbm>> -> memref<1x8x128xi32, #tpu.memory_space<hbm>>
        %dma_wait3A_274 = tpu.memref_squeeze %dma_wait3A_273 : memref<1x8x128xi32, #tpu.memory_space<hbm>> -> memref<8x128xi32, #tpu.memory_space<hbm>>
        tpu.wait_dma2 semaphore(%run_scoped3A_258 : memref<!tpu.dma_semaphore, #tpu.memory_space<semaphore_mem>>) src(%dma_wait3A_274 : memref<8x128xi32, #tpu.memory_space<hbm>>) dst(%arg7 : memref<8x128xi32, #tpu.memory_space<vmem>>)
        tpu.yield
      }) : () -> ()
      %dma_start3A = arith.constant 0 : i32
      %dma_start3A_52 = arith.constant 0 : i32
      %dma_start3A_53 = arith.constant 0 : i32
      %dma_start3A_54 = arith.constant 0 : i32
      %dma_start3A_55 = tpu.memref_slice %arg8[%dma_start3A_52, %dma_start3A_53, %dma_start3A_54] : memref<2x128x128xf32, #tpu.memory_space<vmem>> -> memref<1x128x128xf32, #tpu.memory_space<vmem>>
      %dma_start3A_56 = tpu.memref_squeeze %dma_start3A_55 : memref<1x128x128xf32, #tpu.memory_space<vmem>> -> memref<128x128xf32, #tpu.memory_space<vmem>>
      %dma_start3A_57 = arith.constant 0 : i32
      %dma_start3A_58 = tpu.memref_slice %arg6[%dma_start3A, %dma_start3A_57] : memref<8x128xi32, #tpu.memory_space<vmem>> -> memref<1x128xi32, #tpu.memory_space<vmem>>
      %dma_start3A_59 = tpu.memref_squeeze %dma_start3A_58 : memref<1x128xi32, #tpu.memory_space<vmem>> -> memref<128xi32, #tpu.memory_space<vmem>>
      %dma_start3A_60 = arith.constant 0 : i32
      %dma_start3A_61 = arith.constant 0 : i32
      %dma_start3A_62 = tpu.memref_slice %arg2[%dma_start3A_60, %dma_start3A_61] : memref<10240x128xf32, #tpu.memory_space<hbm>> -> memref<10240x128xf32, #tpu.memory_space<hbm>>
      tpu.enqueue_indirect_dma source(%dma_start3A_62 : memref<10240x128xf32, #tpu.memory_space<hbm>>) target(%dma_start3A_56 : memref<128x128xf32, #tpu.memory_space<vmem>>) offsets(%dma_start3A_59 : memref<128xi32, #tpu.memory_space<vmem>>) semaphore(%arg10 : memref<!tpu.dma_semaphore, #tpu.memory_space<semaphore_mem>>)
      %dma_wait3A = arith.constant 0 : i32
      %dma_wait3A_63 = arith.constant 0 : i32
      %dma_wait3A_64 = arith.constant 0 : i32
      %dma_wait3A_65 = arith.constant 0 : i32
      %dma_wait3A_66 = tpu.memref_slice %arg8[%dma_wait3A_63, %dma_wait3A_64, %dma_wait3A_65] : memref<2x128x128xf32, #tpu.memory_space<vmem>> -> memref<1x128x128xf32, #tpu.memory_space<vmem>>
      %dma_wait3A_67 = tpu.memref_squeeze %dma_wait3A_66 : memref<1x128x128xf32, #tpu.memory_space<vmem>> -> memref<128x128xf32, #tpu.memory_space<vmem>>
      %dma_wait3A_68 = arith.constant 0 : i32
      %dma_wait3A_69 = tpu.memref_slice %arg6[%dma_wait3A, %dma_wait3A_68] : memref<8x128xi32, #tpu.memory_space<vmem>> -> memref<1x128xi32, #tpu.memory_space<vmem>>
      %dma_wait3A_70 = tpu.memref_squeeze %dma_wait3A_69 : memref<1x128xi32, #tpu.memory_space<vmem>> -> memref<128xi32, #tpu.memory_space<vmem>>
      %dma_wait3A_71 = arith.constant 0 : i32
      %dma_wait3A_72 = arith.constant 0 : i32
      %dma_wait3A_73 = tpu.memref_slice %arg2[%dma_wait3A_71, %dma_wait3A_72] : memref<10240x128xf32, #tpu.memory_space<hbm>> -> memref<10240x128xf32, #tpu.memory_space<hbm>>
      tpu.wait_indirect_dma semaphore(%arg10 : memref<!tpu.dma_semaphore, #tpu.memory_space<semaphore_mem>>) src(%dma_wait3A_73 : memref<10240x128xf32, #tpu.memory_space<hbm>>) dst(%dma_wait3A_67 : memref<128x128xf32, #tpu.memory_space<vmem>>)
      %dma_start3A_74 = arith.constant 1 : i32
      %dma_start3A_75 = arith.constant 1 : i32
      %dma_start3A_76 = arith.constant 0 : i32
      %dma_start3A_77 = arith.constant 0 : i32
      %dma_start3A_78 = tpu.memref_slice %arg8[%dma_start3A_75, %dma_start3A_76, %dma_start3A_77] : memref<2x128x128xf32, #tpu.memory_space<vmem>> -> memref<1x128x128xf32, #tpu.memory_space<vmem>>
      %dma_start3A_79 = tpu.memref_squeeze %dma_start3A_78 : memref<1x128x128xf32, #tpu.memory_space<vmem>> -> memref<128x128xf32, #tpu.memory_space<vmem>>
      %dma_start3A_80 = arith.constant 0 : i32
      %dma_start3A_81 = tpu.memref_slice %arg6[%dma_start3A_74, %dma_start3A_80] : memref<8x128xi32, #tpu.memory_space<vmem>> -> memref<1x128xi32, #tpu.memory_space<vmem>>
      %dma_start3A_82 = tpu.memref_squeeze %dma_start3A_81 : memref<1x128xi32, #tpu.memory_space<vmem>> -> memref<128xi32, #tpu.memory_space<vmem>>
      %dma_start3A_83 = arith.constant 0 : i32
      %dma_start3A_84 = arith.constant 0 : i32
      %dma_start3A_85 = tpu.memref_slice %arg2[%dma_start3A_83, %dma_start3A_84] : memref<10240x128xf32, #tpu.memory_space<hbm>> -> memref<10240x128xf32, #tpu.memory_space<hbm>>
      tpu.enqueue_indirect_dma source(%dma_start3A_85 : memref<10240x128xf32, #tpu.memory_space<hbm>>) target(%dma_start3A_79 : memref<128x128xf32, #tpu.memory_space<vmem>>) offsets(%dma_start3A_82 : memref<128xi32, #tpu.memory_space<vmem>>) semaphore(%arg11 : memref<!tpu.dma_semaphore, #tpu.memory_space<semaphore_mem>>)
      %run_scoped3A_86 = arith.constant 0 : i32
      %run_scoped3A_87 = arith.constant 0 : i32
      "tpu.region"() ({
        %run_scoped3A_258 = tpu.sem_alloc : memref<!tpu.dma_semaphore, #tpu.memory_space<semaphore_mem>>
        %dma_start3A_259 = arith.constant 0 : i32
        %dma_start3A_260 = arith.constant 0 : i32
        %dma_start3A_261 = tpu.memref_slice %arg8[%run_scoped3A_86, %dma_start3A_259, %dma_start3A_260] : memref<2x128x128xf32, #tpu.memory_space<vmem>> -> memref<1x128x128xf32, #tpu.memory_space<vmem>>
        %dma_start3A_262 = tpu.memref_squeeze %dma_start3A_261 : memref<1x128x128xf32, #tpu.memory_space<vmem>> -> memref<128x128xf32, #tpu.memory_space<vmem>>
        %dma_start3A_263 = arith.constant 0 : i32
        %dma_start3A_264 = tpu.memref_slice %arg7[%run_scoped3A_87, %dma_start3A_263] : memref<8x128xi32, #tpu.memory_space<vmem>> -> memref<1x128xi32, #tpu.memory_space<vmem>>
        %dma_start3A_265 = tpu.memref_squeeze %dma_start3A_264 : memref<1x128xi32, #tpu.memory_space<vmem>> -> memref<128xi32, #tpu.memory_space<vmem>>
        %dma_start3A_266 = arith.constant 0 : i32
        %dma_start3A_267 = arith.constant 0 : i32
        %dma_start3A_268 = tpu.memref_slice %arg9[%dma_start3A_266, %dma_start3A_267] : memref<10240x128xf32, #tpu.memory_space<vmem_shared>> -> memref<10240x128xf32, #tpu.memory_space<vmem_shared>>
        tpu.enqueue_indirect_dma source(%dma_start3A_262 : memref<128x128xf32, #tpu.memory_space<vmem>>) target(%dma_start3A_268 : memref<10240x128xf32, #tpu.memory_space<vmem_shared>>) offsets(%dma_start3A_265 : memref<128xi32, #tpu.memory_space<vmem>>) semaphore(%run_scoped3A_258 : memref<!tpu.dma_semaphore, #tpu.memory_space<semaphore_mem>>) {add = true}
        %dma_wait3A_269 = arith.constant 0 : i32
        %dma_wait3A_270 = arith.constant 0 : i32
        %dma_wait3A_271 = tpu.memref_slice %arg8[%run_scoped3A_86, %dma_wait3A_269, %dma_wait3A_270] : memref<2x128x128xf32, #tpu.memory_space<vmem>> -> memref<1x128x128xf32, #tpu.memory_space<vmem>>
        %dma_wait3A_272 = tpu.memref_squeeze %dma_wait3A_271 : memref<1x128x128xf32, #tpu.memory_space<vmem>> -> memref<128x128xf32, #tpu.memory_space<vmem>>
        %dma_wait3A_273 = arith.constant 0 : i32
        %dma_wait3A_274 = tpu.memref_slice %arg7[%run_scoped3A_87, %dma_wait3A_273] : memref<8x128xi32, #tpu.memory_space<vmem>> -> memref<1x128xi32, #tpu.memory_space<vmem>>
        %dma_wait3A_275 = tpu.memref_squeeze %dma_wait3A_274 : memref<1x128xi32, #tpu.memory_space<vmem>> -> memref<128xi32, #tpu.memory_space<vmem>>
        %dma_wait3A_276 = arith.constant 0 : i32
        %dma_wait3A_277 = arith.constant 0 : i32
        %dma_wait3A_278 = tpu.memref_slice %arg9[%dma_wait3A_276, %dma_wait3A_277] : memref<10240x128xf32, #tpu.memory_space<vmem_shared>> -> memref<10240x128xf32, #tpu.memory_space<vmem_shared>>
        tpu.wait_indirect_dma semaphore(%run_scoped3A_258 : memref<!tpu.dma_semaphore, #tpu.memory_space<semaphore_mem>>) src(%dma_wait3A_272 : memref<128x128xf32, #tpu.memory_space<vmem>>) dst(%dma_wait3A_278 : memref<10240x128xf32, #tpu.memory_space<vmem_shared>>)
        tpu.yield
      }) : () -> ()
      %dma_wait3A_88 = arith.constant 1 : i32
      %dma_wait3A_89 = arith.constant 1 : i32
      %dma_wait3A_90 = arith.constant 0 : i32
      %dma_wait3A_91 = arith.constant 0 : i32
      %dma_wait3A_92 = tpu.memref_slice %arg8[%dma_wait3A_89, %dma_wait3A_90, %dma_wait3A_91] : memref<2x128x128xf32, #tpu.memory_space<vmem>> -> memref<1x128x128xf32, #tpu.memory_space<vmem>>
      %dma_wait3A_93 = tpu.memref_squeeze %dma_wait3A_92 : memref<1x128x128xf32, #tpu.memory_space<vmem>> -> memref<128x128xf32, #tpu.memory_space<vmem>>
      %dma_wait3A_94 = arith.constant 0 : i32
      %dma_wait3A_95 = tpu.memref_slice %arg6[%dma_wait3A_88, %dma_wait3A_94] : memref<8x128xi32, #tpu.memory_space<vmem>> -> memref<1x128xi32, #tpu.memory_space<vmem>>
      %dma_wait3A_96 = tpu.memref_squeeze %dma_wait3A_95 : memref<1x128xi32, #tpu.memory_space<vmem>> -> memref<128xi32, #tpu.memory_space<vmem>>
      %dma_wait3A_97 = arith.constant 0 : i32
      %dma_wait3A_98 = arith.constant 0 : i32
      %dma_wait3A_99 = tpu.memref_slice %arg2[%dma_wait3A_97, %dma_wait3A_98] : memref<10240x128xf32, #tpu.memory_space<hbm>> -> memref<10240x128xf32, #tpu.memory_space<hbm>>
      tpu.wait_indirect_dma semaphore(%arg11 : memref<!tpu.dma_semaphore, #tpu.memory_space<semaphore_mem>>) src(%dma_wait3A_99 : memref<10240x128xf32, #tpu.memory_space<hbm>>) dst(%dma_wait3A_93 : memref<128x128xf32, #tpu.memory_space<vmem>>)
      %dma_start3A_100 = arith.constant 2 : i32
      %dma_start3A_101 = arith.constant 0 : i32
      %dma_start3A_102 = arith.constant 0 : i32
      %dma_start3A_103 = arith.constant 0 : i32
      %dma_start3A_104 = tpu.memref_slice %arg8[%dma_start3A_101, %dma_start3A_102, %dma_start3A_103] : memref<2x128x128xf32, #tpu.memory_space<vmem>> -> memref<1x128x128xf32, #tpu.memory_space<vmem>>
      %dma_start3A_105 = tpu.memref_squeeze %dma_start3A_104 : memref<1x128x128xf32, #tpu.memory_space<vmem>> -> memref<128x128xf32, #tpu.memory_space<vmem>>
      %dma_start3A_106 = arith.constant 0 : i32
      %dma_start3A_107 = tpu.memref_slice %arg6[%dma_start3A_100, %dma_start3A_106] : memref<8x128xi32, #tpu.memory_space<vmem>> -> memref<1x128xi32, #tpu.memory_space<vmem>>
      %dma_start3A_108 = tpu.memref_squeeze %dma_start3A_107 : memref<1x128xi32, #tpu.memory_space<vmem>> -> memref<128xi32, #tpu.memory_space<vmem>>
      %dma_start3A_109 = arith.constant 0 : i32
      %dma_start3A_110 = arith.constant 0 : i32
      %dma_start3A_111 = tpu.memref_slice %arg2[%dma_start3A_109, %dma_start3A_110] : memref<10240x128xf32, #tpu.memory_space<hbm>> -> memref<10240x128xf32, #tpu.memory_space<hbm>>
      tpu.enqueue_indirect_dma source(%dma_start3A_111 : memref<10240x128xf32, #tpu.memory_space<hbm>>) target(%dma_start3A_105 : memref<128x128xf32, #tpu.memory_space<vmem>>) offsets(%dma_start3A_108 : memref<128xi32, #tpu.memory_space<vmem>>) semaphore(%arg11 : memref<!tpu.dma_semaphore, #tpu.memory_space<semaphore_mem>>)
      %run_scoped3A_112 = arith.constant 1 : i32
      %run_scoped3A_113 = arith.constant 1 : i32
      "tpu.region"() ({
        %run_scoped3A_258 = tpu.sem_alloc : memref<!tpu.dma_semaphore, #tpu.memory_space<semaphore_mem>>
        %dma_start3A_259 = arith.constant 0 : i32
        %dma_start3A_260 = arith.constant 0 : i32
        %dma_start3A_261 = tpu.memref_slice %arg8[%run_scoped3A_112, %dma_start3A_259, %dma_start3A_260] : memref<2x128x128xf32, #tpu.memory_space<vmem>> -> memref<1x128x128xf32, #tpu.memory_space<vmem>>
        %dma_start3A_262 = tpu.memref_squeeze %dma_start3A_261 : memref<1x128x128xf32, #tpu.memory_space<vmem>> -> memref<128x128xf32, #tpu.memory_space<vmem>>
        %dma_start3A_263 = arith.constant 0 : i32
        %dma_start3A_264 = tpu.memref_slice %arg7[%run_scoped3A_113, %dma_start3A_263] : memref<8x128xi32, #tpu.memory_space<vmem>> -> memref<1x128xi32, #tpu.memory_space<vmem>>
        %dma_start3A_265 = tpu.memref_squeeze %dma_start3A_264 : memref<1x128xi32, #tpu.memory_space<vmem>> -> memref<128xi32, #tpu.memory_space<vmem>>
        %dma_start3A_266 = arith.constant 0 : i32
        %dma_start3A_267 = arith.constant 0 : i32
        %dma_start3A_268 = tpu.memref_slice %arg9[%dma_start3A_266, %dma_start3A_267] : memref<10240x128xf32, #tpu.memory_space<vmem_shared>> -> memref<10240x128xf32, #tpu.memory_space<vmem_shared>>
        tpu.enqueue_indirect_dma source(%dma_start3A_262 : memref<128x128xf32, #tpu.memory_space<vmem>>) target(%dma_start3A_268 : memref<10240x128xf32, #tpu.memory_space<vmem_shared>>) offsets(%dma_start3A_265 : memref<128xi32, #tpu.memory_space<vmem>>) semaphore(%run_scoped3A_258 : memref<!tpu.dma_semaphore, #tpu.memory_space<semaphore_mem>>) {add = true}
        %dma_wait3A_269 = arith.constant 0 : i32
        %dma_wait3A_270 = arith.constant 0 : i32
        %dma_wait3A_271 = tpu.memref_slice %arg8[%run_scoped3A_112, %dma_wait3A_269, %dma_wait3A_270] : memref<2x128x128xf32, #tpu.memory_space<vmem>> -> memref<1x128x128xf32, #tpu.memory_space<vmem>>
        %dma_wait3A_272 = tpu.memref_squeeze %dma_wait3A_271 : memref<1x128x128xf32, #tpu.memory_space<vmem>> -> memref<128x128xf32, #tpu.memory_space<vmem>>
        %dma_wait3A_273 = arith.constant 0 : i32
        %dma_wait3A_274 = tpu.memref_slice %arg7[%run_scoped3A_113, %dma_wait3A_273] : memref<8x128xi32, #tpu.memory_space<vmem>> -> memref<1x128xi32, #tpu.memory_space<vmem>>
        %dma_wait3A_275 = tpu.memref_squeeze %dma_wait3A_274 : memref<1x128xi32, #tpu.memory_space<vmem>> -> memref<128xi32, #tpu.memory_space<vmem>>
        %dma_wait3A_276 = arith.constant 0 : i32
        %dma_wait3A_277 = arith.constant 0 : i32
        %dma_wait3A_278 = tpu.memref_slice %arg9[%dma_wait3A_276, %dma_wait3A_277] : memref<10240x128xf32, #tpu.memory_space<vmem_shared>> -> memref<10240x128xf32, #tpu.memory_space<vmem_shared>>
        tpu.wait_indirect_dma semaphore(%run_scoped3A_258 : memref<!tpu.dma_semaphore, #tpu.memory_space<semaphore_mem>>) src(%dma_wait3A_272 : memref<128x128xf32, #tpu.memory_space<vmem>>) dst(%dma_wait3A_278 : memref<10240x128xf32, #tpu.memory_space<vmem_shared>>)
        tpu.yield
      }) : () -> ()
      %dma_wait3A_114 = arith.constant 2 : i32
      %dma_wait3A_115 = arith.constant 0 : i32
      %dma_wait3A_116 = arith.constant 0 : i32
      %dma_wait3A_117 = arith.constant 0 : i32
      %dma_wait3A_118 = tpu.memref_slice %arg8[%dma_wait3A_115, %dma_wait3A_116, %dma_wait3A_117] : memref<2x128x128xf32, #tpu.memory_space<vmem>> -> memref<1x128x128xf32, #tpu.memory_space<vmem>>
      %dma_wait3A_119 = tpu.memref_squeeze %dma_wait3A_118 : memref<1x128x128xf32, #tpu.memory_space<vmem>> -> memref<128x128xf32, #tpu.memory_space<vmem>>
      %dma_wait3A_120 = arith.constant 0 : i32
      %dma_wait3A_121 = tpu.memref_slice %arg6[%dma_wait3A_114, %dma_wait3A_120] : memref<8x128xi32, #tpu.memory_space<vmem>> -> memref<1x128xi32, #tpu.memory_space<vmem>>
      %dma_wait3A_122 = tpu.memref_squeeze %dma_wait3A_121 : memref<1x128xi32, #tpu.memory_space<vmem>> -> memref<128xi32, #tpu.memory_space<vmem>>
      %dma_wait3A_123 = arith.constant 0 : i32
      %dma_wait3A_124 = arith.constant 0 : i32
      %dma_wait3A_125 = tpu.memref_slice %arg2[%dma_wait3A_123, %dma_wait3A_124] : memref<10240x128xf32, #tpu.memory_space<hbm>> -> memref<10240x128xf32, #tpu.memory_space<hbm>>
      tpu.wait_indirect_dma semaphore(%arg11 : memref<!tpu.dma_semaphore, #tpu.memory_space<semaphore_mem>>) src(%dma_wait3A_125 : memref<10240x128xf32, #tpu.memory_space<hbm>>) dst(%dma_wait3A_119 : memref<128x128xf32, #tpu.memory_space<vmem>>)
      %dma_start3A_126 = arith.constant 3 : i32
      %dma_start3A_127 = arith.constant 1 : i32
      %dma_start3A_128 = arith.constant 0 : i32
      %dma_start3A_129 = arith.constant 0 : i32
      %dma_start3A_130 = tpu.memref_slice %arg8[%dma_start3A_127, %dma_start3A_128, %dma_start3A_129] : memref<2x128x128xf32, #tpu.memory_space<vmem>> -> memref<1x128x128xf32, #tpu.memory_space<vmem>>
      %dma_start3A_131 = tpu.memref_squeeze %dma_start3A_130 : memref<1x128x128xf32, #tpu.memory_space<vmem>> -> memref<128x128xf32, #tpu.memory_space<vmem>>
      %dma_start3A_132 = arith.constant 0 : i32
      %dma_start3A_133 = tpu.memref_slice %arg6[%dma_start3A_126, %dma_start3A_132] : memref<8x128xi32, #tpu.memory_space<vmem>> -> memref<1x128xi32, #tpu.memory_space<vmem>>
      %dma_start3A_134 = tpu.memref_squeeze %dma_start3A_133 : memref<1x128xi32, #tpu.memory_space<vmem>> -> memref<128xi32, #tpu.memory_space<vmem>>
      %dma_start3A_135 = arith.constant 0 : i32
      %dma_start3A_136 = arith.constant 0 : i32
      %dma_start3A_137 = tpu.memref_slice %arg2[%dma_start3A_135, %dma_start3A_136] : memref<10240x128xf32, #tpu.memory_space<hbm>> -> memref<10240x128xf32, #tpu.memory_space<hbm>>
      tpu.enqueue_indirect_dma source(%dma_start3A_137 : memref<10240x128xf32, #tpu.memory_space<hbm>>) target(%dma_start3A_131 : memref<128x128xf32, #tpu.memory_space<vmem>>) offsets(%dma_start3A_134 : memref<128xi32, #tpu.memory_space<vmem>>) semaphore(%arg11 : memref<!tpu.dma_semaphore, #tpu.memory_space<semaphore_mem>>)
      %run_scoped3A_138 = arith.constant 0 : i32
      %run_scoped3A_139 = arith.constant 2 : i32
      "tpu.region"() ({
        %run_scoped3A_258 = tpu.sem_alloc : memref<!tpu.dma_semaphore, #tpu.memory_space<semaphore_mem>>
        %dma_start3A_259 = arith.constant 0 : i32
        %dma_start3A_260 = arith.constant 0 : i32
        %dma_start3A_261 = tpu.memref_slice %arg8[%run_scoped3A_138, %dma_start3A_259, %dma_start3A_260] : memref<2x128x128xf32, #tpu.memory_space<vmem>> -> memref<1x128x128xf32, #tpu.memory_space<vmem>>
        %dma_start3A_262 = tpu.memref_squeeze %dma_start3A_261 : memref<1x128x128xf32, #tpu.memory_space<vmem>> -> memref<128x128xf32, #tpu.memory_space<vmem>>
        %dma_start3A_263 = arith.constant 0 : i32
        %dma_start3A_264 = tpu.memref_slice %arg7[%run_scoped3A_139, %dma_start3A_263] : memref<8x128xi32, #tpu.memory_space<vmem>> -> memref<1x128xi32, #tpu.memory_space<vmem>>
        %dma_start3A_265 = tpu.memref_squeeze %dma_start3A_264 : memref<1x128xi32, #tpu.memory_space<vmem>> -> memref<128xi32, #tpu.memory_space<vmem>>
        %dma_start3A_266 = arith.constant 0 : i32
        %dma_start3A_267 = arith.constant 0 : i32
        %dma_start3A_268 = tpu.memref_slice %arg9[%dma_start3A_266, %dma_start3A_267] : memref<10240x128xf32, #tpu.memory_space<vmem_shared>> -> memref<10240x128xf32, #tpu.memory_space<vmem_shared>>
        tpu.enqueue_indirect_dma source(%dma_start3A_262 : memref<128x128xf32, #tpu.memory_space<vmem>>) target(%dma_start3A_268 : memref<10240x128xf32, #tpu.memory_space<vmem_shared>>) offsets(%dma_start3A_265 : memref<128xi32, #tpu.memory_space<vmem>>) semaphore(%run_scoped3A_258 : memref<!tpu.dma_semaphore, #tpu.memory_space<semaphore_mem>>) {add = true}
        %dma_wait3A_269 = arith.constant 0 : i32
        %dma_wait3A_270 = arith.constant 0 : i32
        %dma_wait3A_271 = tpu.memref_slice %arg8[%run_scoped3A_138, %dma_wait3A_269, %dma_wait3A_270] : memref<2x128x128xf32, #tpu.memory_space<vmem>> -> memref<1x128x128xf32, #tpu.memory_space<vmem>>
        %dma_wait3A_272 = tpu.memref_squeeze %dma_wait3A_271 : memref<1x128x128xf32, #tpu.memory_space<vmem>> -> memref<128x128xf32, #tpu.memory_space<vmem>>
        %dma_wait3A_273 = arith.constant 0 : i32
        %dma_wait3A_274 = tpu.memref_slice %arg7[%run_scoped3A_139, %dma_wait3A_273] : memref<8x128xi32, #tpu.memory_space<vmem>> -> memref<1x128xi32, #tpu.memory_space<vmem>>
        %dma_wait3A_275 = tpu.memref_squeeze %dma_wait3A_274 : memref<1x128xi32, #tpu.memory_space<vmem>> -> memref<128xi32, #tpu.memory_space<vmem>>
        %dma_wait3A_276 = arith.constant 0 : i32
        %dma_wait3A_277 = arith.constant 0 : i32
        %dma_wait3A_278 = tpu.memref_slice %arg9[%dma_wait3A_276, %dma_wait3A_277] : memref<10240x128xf32, #tpu.memory_space<vmem_shared>> -> memref<10240x128xf32, #tpu.memory_space<vmem_shared>>
        tpu.wait_indirect_dma semaphore(%run_scoped3A_258 : memref<!tpu.dma_semaphore, #tpu.memory_space<semaphore_mem>>) src(%dma_wait3A_272 : memref<128x128xf32, #tpu.memory_space<vmem>>) dst(%dma_wait3A_278 : memref<10240x128xf32, #tpu.memory_space<vmem_shared>>)
        tpu.yield
      }) : () -> ()
      %dma_wait3A_140 = arith.constant 3 : i32
      %dma_wait3A_141 = arith.constant 1 : i32
      %dma_wait3A_142 = arith.constant 0 : i32
      %dma_wait3A_143 = arith.constant 0 : i32
      %dma_wait3A_144 = tpu.memref_slice %arg8[%dma_wait3A_141, %dma_wait3A_142, %dma_wait3A_143] : memref<2x128x128xf32, #tpu.memory_space<vmem>> -> memref<1x128x128xf32, #tpu.memory_space<vmem>>
      %dma_wait3A_145 = tpu.memref_squeeze %dma_wait3A_144 : memref<1x128x128xf32, #tpu.memory_space<vmem>> -> memref<128x128xf32, #tpu.memory_space<vmem>>
      %dma_wait3A_146 = arith.constant 0 : i32
      %dma_wait3A_147 = tpu.memref_slice %arg6[%dma_wait3A_140, %dma_wait3A_146] : memref<8x128xi32, #tpu.memory_space<vmem>> -> memref<1x128xi32, #tpu.memory_space<vmem>>
      %dma_wait3A_148 = tpu.memref_squeeze %dma_wait3A_147 : memref<1x128xi32, #tpu.memory_space<vmem>> -> memref<128xi32, #tpu.memory_space<vmem>>
      %dma_wait3A_149 = arith.constant 0 : i32
      %dma_wait3A_150 = arith.constant 0 : i32
      %dma_wait3A_151 = tpu.memref_slice %arg2[%dma_wait3A_149, %dma_wait3A_150] : memref<10240x128xf32, #tpu.memory_space<hbm>> -> memref<10240x128xf32, #tpu.memory_space<hbm>>
      tpu.wait_indirect_dma semaphore(%arg11 : memref<!tpu.dma_semaphore, #tpu.memory_space<semaphore_mem>>) src(%dma_wait3A_151 : memref<10240x128xf32, #tpu.memory_space<hbm>>) dst(%dma_wait3A_145 : memref<128x128xf32, #tpu.memory_space<vmem>>)
      %dma_start3A_152 = arith.constant 4 : i32
      %dma_start3A_153 = arith.constant 0 : i32
      %dma_start3A_154 = arith.constant 0 : i32
      %dma_start3A_155 = arith.constant 0 : i32
      %dma_start3A_156 = tpu.memref_slice %arg8[%dma_start3A_153, %dma_start3A_154, %dma_start3A_155] : memref<2x128x128xf32, #tpu.memory_space<vmem>> -> memref<1x128x128xf32, #tpu.memory_space<vmem>>
      %dma_start3A_157 = tpu.memref_squeeze %dma_start3A_156 : memref<1x128x128xf32, #tpu.memory_space<vmem>> -> memref<128x128xf32, #tpu.memory_space<vmem>>
      %dma_start3A_158 = arith.constant 0 : i32
      %dma_start3A_159 = tpu.memref_slice %arg6[%dma_start3A_152, %dma_start3A_158] : memref<8x128xi32, #tpu.memory_space<vmem>> -> memref<1x128xi32, #tpu.memory_space<vmem>>
      %dma_start3A_160 = tpu.memref_squeeze %dma_start3A_159 : memref<1x128xi32, #tpu.memory_space<vmem>> -> memref<128xi32, #tpu.memory_space<vmem>>
      %dma_start3A_161 = arith.constant 0 : i32
      %dma_start3A_162 = arith.constant 0 : i32
      %dma_start3A_163 = tpu.memref_slice %arg2[%dma_start3A_161, %dma_start3A_162] : memref<10240x128xf32, #tpu.memory_space<hbm>> -> memref<10240x128xf32, #tpu.memory_space<hbm>>
      tpu.enqueue_indirect_dma source(%dma_start3A_163 : memref<10240x128xf32, #tpu.memory_space<hbm>>) target(%dma_start3A_157 : memref<128x128xf32, #tpu.memory_space<vmem>>) offsets(%dma_start3A_160 : memref<128xi32, #tpu.memory_space<vmem>>) semaphore(%arg11 : memref<!tpu.dma_semaphore, #tpu.memory_space<semaphore_mem>>)
      %run_scoped3A_164 = arith.constant 1 : i32
      %run_scoped3A_165 = arith.constant 3 : i32
      "tpu.region"() ({
        %run_scoped3A_258 = tpu.sem_alloc : memref<!tpu.dma_semaphore, #tpu.memory_space<semaphore_mem>>
        %dma_start3A_259 = arith.constant 0 : i32
        %dma_start3A_260 = arith.constant 0 : i32
        %dma_start3A_261 = tpu.memref_slice %arg8[%run_scoped3A_164, %dma_start3A_259, %dma_start3A_260] : memref<2x128x128xf32, #tpu.memory_space<vmem>> -> memref<1x128x128xf32, #tpu.memory_space<vmem>>
        %dma_start3A_262 = tpu.memref_squeeze %dma_start3A_261 : memref<1x128x128xf32, #tpu.memory_space<vmem>> -> memref<128x128xf32, #tpu.memory_space<vmem>>
        %dma_start3A_263 = arith.constant 0 : i32
        %dma_start3A_264 = tpu.memref_slice %arg7[%run_scoped3A_165, %dma_start3A_263] : memref<8x128xi32, #tpu.memory_space<vmem>> -> memref<1x128xi32, #tpu.memory_space<vmem>>
        %dma_start3A_265 = tpu.memref_squeeze %dma_start3A_264 : memref<1x128xi32, #tpu.memory_space<vmem>> -> memref<128xi32, #tpu.memory_space<vmem>>
        %dma_start3A_266 = arith.constant 0 : i32
        %dma_start3A_267 = arith.constant 0 : i32
        %dma_start3A_268 = tpu.memref_slice %arg9[%dma_start3A_266, %dma_start3A_267] : memref<10240x128xf32, #tpu.memory_space<vmem_shared>> -> memref<10240x128xf32, #tpu.memory_space<vmem_shared>>
        tpu.enqueue_indirect_dma source(%dma_start3A_262 : memref<128x128xf32, #tpu.memory_space<vmem>>) target(%dma_start3A_268 : memref<10240x128xf32, #tpu.memory_space<vmem_shared>>) offsets(%dma_start3A_265 : memref<128xi32, #tpu.memory_space<vmem>>) semaphore(%run_scoped3A_258 : memref<!tpu.dma_semaphore, #tpu.memory_space<semaphore_mem>>) {add = true}
        %dma_wait3A_269 = arith.constant 0 : i32
        %dma_wait3A_270 = arith.constant 0 : i32
        %dma_wait3A_271 = tpu.memref_slice %arg8[%run_scoped3A_164, %dma_wait3A_269, %dma_wait3A_270] : memref<2x128x128xf32, #tpu.memory_space<vmem>> -> memref<1x128x128xf32, #tpu.memory_space<vmem>>
        %dma_wait3A_272 = tpu.memref_squeeze %dma_wait3A_271 : memref<1x128x128xf32, #tpu.memory_space<vmem>> -> memref<128x128xf32, #tpu.memory_space<vmem>>
        %dma_wait3A_273 = arith.constant 0 : i32
        %dma_wait3A_274 = tpu.memref_slice %arg7[%run_scoped3A_165, %dma_wait3A_273] : memref<8x128xi32, #tpu.memory_space<vmem>> -> memref<1x128xi32, #tpu.memory_space<vmem>>
        %dma_wait3A_275 = tpu.memref_squeeze %dma_wait3A_274 : memref<1x128xi32, #tpu.memory_space<vmem>> -> memref<128xi32, #tpu.memory_space<vmem>>
        %dma_wait3A_276 = arith.constant 0 : i32
        %dma_wait3A_277 = arith.constant 0 : i32
        %dma_wait3A_278 = tpu.memref_slice %arg9[%dma_wait3A_276, %dma_wait3A_277] : memref<10240x128xf32, #tpu.memory_space<vmem_shared>> -> memref<10240x128xf32, #tpu.memory_space<vmem_shared>>
        tpu.wait_indirect_dma semaphore(%run_scoped3A_258 : memref<!tpu.dma_semaphore, #tpu.memory_space<semaphore_mem>>) src(%dma_wait3A_272 : memref<128x128xf32, #tpu.memory_space<vmem>>) dst(%dma_wait3A_278 : memref<10240x128xf32, #tpu.memory_space<vmem_shared>>)
        tpu.yield
      }) : () -> ()
      %dma_wait3A_166 = arith.constant 4 : i32
      %dma_wait3A_167 = arith.constant 0 : i32
      %dma_wait3A_168 = arith.constant 0 : i32
      %dma_wait3A_169 = arith.constant 0 : i32
      %dma_wait3A_170 = tpu.memref_slice %arg8[%dma_wait3A_167, %dma_wait3A_168, %dma_wait3A_169] : memref<2x128x128xf32, #tpu.memory_space<vmem>> -> memref<1x128x128xf32, #tpu.memory_space<vmem>>
      %dma_wait3A_171 = tpu.memref_squeeze %dma_wait3A_170 : memref<1x128x128xf32, #tpu.memory_space<vmem>> -> memref<128x128xf32, #tpu.memory_space<vmem>>
      %dma_wait3A_172 = arith.constant 0 : i32
      %dma_wait3A_173 = tpu.memref_slice %arg6[%dma_wait3A_166, %dma_wait3A_172] : memref<8x128xi32, #tpu.memory_space<vmem>> -> memref<1x128xi32, #tpu.memory_space<vmem>>
      %dma_wait3A_174 = tpu.memref_squeeze %dma_wait3A_173 : memref<1x128xi32, #tpu.memory_space<vmem>> -> memref<128xi32, #tpu.memory_space<vmem>>
      %dma_wait3A_175 = arith.constant 0 : i32
      %dma_wait3A_176 = arith.constant 0 : i32
      %dma_wait3A_177 = tpu.memref_slice %arg2[%dma_wait3A_175, %dma_wait3A_176] : memref<10240x128xf32, #tpu.memory_space<hbm>> -> memref<10240x128xf32, #tpu.memory_space<hbm>>
      tpu.wait_indirect_dma semaphore(%arg11 : memref<!tpu.dma_semaphore, #tpu.memory_space<semaphore_mem>>) src(%dma_wait3A_177 : memref<10240x128xf32, #tpu.memory_space<hbm>>) dst(%dma_wait3A_171 : memref<128x128xf32, #tpu.memory_space<vmem>>)
      %dma_start3A_178 = arith.constant 5 : i32
      %dma_start3A_179 = arith.constant 1 : i32
      %dma_start3A_180 = arith.constant 0 : i32
      %dma_start3A_181 = arith.constant 0 : i32
      %dma_start3A_182 = tpu.memref_slice %arg8[%dma_start3A_179, %dma_start3A_180, %dma_start3A_181] : memref<2x128x128xf32, #tpu.memory_space<vmem>> -> memref<1x128x128xf32, #tpu.memory_space<vmem>>
      %dma_start3A_183 = tpu.memref_squeeze %dma_start3A_182 : memref<1x128x128xf32, #tpu.memory_space<vmem>> -> memref<128x128xf32, #tpu.memory_space<vmem>>
      %dma_start3A_184 = arith.constant 0 : i32
      %dma_start3A_185 = tpu.memref_slice %arg6[%dma_start3A_178, %dma_start3A_184] : memref<8x128xi32, #tpu.memory_space<vmem>> -> memref<1x128xi32, #tpu.memory_space<vmem>>
      %dma_start3A_186 = tpu.memref_squeeze %dma_start3A_185 : memref<1x128xi32, #tpu.memory_space<vmem>> -> memref<128xi32, #tpu.memory_space<vmem>>
      %dma_start3A_187 = arith.constant 0 : i32
      %dma_start3A_188 = arith.constant 0 : i32
      %dma_start3A_189 = tpu.memref_slice %arg2[%dma_start3A_187, %dma_start3A_188] : memref<10240x128xf32, #tpu.memory_space<hbm>> -> memref<10240x128xf32, #tpu.memory_space<hbm>>
      tpu.enqueue_indirect_dma source(%dma_start3A_189 : memref<10240x128xf32, #tpu.memory_space<hbm>>) target(%dma_start3A_183 : memref<128x128xf32, #tpu.memory_space<vmem>>) offsets(%dma_start3A_186 : memref<128xi32, #tpu.memory_space<vmem>>) semaphore(%arg11 : memref<!tpu.dma_semaphore, #tpu.memory_space<semaphore_mem>>)
      %run_scoped3A_190 = arith.constant 0 : i32
      %run_scoped3A_191 = arith.constant 4 : i32
      "tpu.region"() ({
        %run_scoped3A_258 = tpu.sem_alloc : memref<!tpu.dma_semaphore, #tpu.memory_space<semaphore_mem>>
        %dma_start3A_259 = arith.constant 0 : i32
        %dma_start3A_260 = arith.constant 0 : i32
        %dma_start3A_261 = tpu.memref_slice %arg8[%run_scoped3A_190, %dma_start3A_259, %dma_start3A_260] : memref<2x128x128xf32, #tpu.memory_space<vmem>> -> memref<1x128x128xf32, #tpu.memory_space<vmem>>
        %dma_start3A_262 = tpu.memref_squeeze %dma_start3A_261 : memref<1x128x128xf32, #tpu.memory_space<vmem>> -> memref<128x128xf32, #tpu.memory_space<vmem>>
        %dma_start3A_263 = arith.constant 0 : i32
        %dma_start3A_264 = tpu.memref_slice %arg7[%run_scoped3A_191, %dma_start3A_263] : memref<8x128xi32, #tpu.memory_space<vmem>> -> memref<1x128xi32, #tpu.memory_space<vmem>>
        %dma_start3A_265 = tpu.memref_squeeze %dma_start3A_264 : memref<1x128xi32, #tpu.memory_space<vmem>> -> memref<128xi32, #tpu.memory_space<vmem>>
        %dma_start3A_266 = arith.constant 0 : i32
        %dma_start3A_267 = arith.constant 0 : i32
        %dma_start3A_268 = tpu.memref_slice %arg9[%dma_start3A_266, %dma_start3A_267] : memref<10240x128xf32, #tpu.memory_space<vmem_shared>> -> memref<10240x128xf32, #tpu.memory_space<vmem_shared>>
        tpu.enqueue_indirect_dma source(%dma_start3A_262 : memref<128x128xf32, #tpu.memory_space<vmem>>) target(%dma_start3A_268 : memref<10240x128xf32, #tpu.memory_space<vmem_shared>>) offsets(%dma_start3A_265 : memref<128xi32, #tpu.memory_space<vmem>>) semaphore(%run_scoped3A_258 : memref<!tpu.dma_semaphore, #tpu.memory_space<semaphore_mem>>) {add = true}
        %dma_wait3A_269 = arith.constant 0 : i32
        %dma_wait3A_270 = arith.constant 0 : i32
        %dma_wait3A_271 = tpu.memref_slice %arg8[%run_scoped3A_190, %dma_wait3A_269, %dma_wait3A_270] : memref<2x128x128xf32, #tpu.memory_space<vmem>> -> memref<1x128x128xf32, #tpu.memory_space<vmem>>
        %dma_wait3A_272 = tpu.memref_squeeze %dma_wait3A_271 : memref<1x128x128xf32, #tpu.memory_space<vmem>> -> memref<128x128xf32, #tpu.memory_space<vmem>>
        %dma_wait3A_273 = arith.constant 0 : i32
        %dma_wait3A_274 = tpu.memref_slice %arg7[%run_scoped3A_191, %dma_wait3A_273] : memref<8x128xi32, #tpu.memory_space<vmem>> -> memref<1x128xi32, #tpu.memory_space<vmem>>
        %dma_wait3A_275 = tpu.memref_squeeze %dma_wait3A_274 : memref<1x128xi32, #tpu.memory_space<vmem>> -> memref<128xi32, #tpu.memory_space<vmem>>
        %dma_wait3A_276 = arith.constant 0 : i32
        %dma_wait3A_277 = arith.constant 0 : i32
        %dma_wait3A_278 = tpu.memref_slice %arg9[%dma_wait3A_276, %dma_wait3A_277] : memref<10240x128xf32, #tpu.memory_space<vmem_shared>> -> memref<10240x128xf32, #tpu.memory_space<vmem_shared>>
        tpu.wait_indirect_dma semaphore(%run_scoped3A_258 : memref<!tpu.dma_semaphore, #tpu.memory_space<semaphore_mem>>) src(%dma_wait3A_272 : memref<128x128xf32, #tpu.memory_space<vmem>>) dst(%dma_wait3A_278 : memref<10240x128xf32, #tpu.memory_space<vmem_shared>>)
        tpu.yield
      }) : () -> ()
      %dma_wait3A_192 = arith.constant 5 : i32
      %dma_wait3A_193 = arith.constant 1 : i32
      %dma_wait3A_194 = arith.constant 0 : i32
      %dma_wait3A_195 = arith.constant 0 : i32
      %dma_wait3A_196 = tpu.memref_slice %arg8[%dma_wait3A_193, %dma_wait3A_194, %dma_wait3A_195] : memref<2x128x128xf32, #tpu.memory_space<vmem>> -> memref<1x128x128xf32, #tpu.memory_space<vmem>>
      %dma_wait3A_197 = tpu.memref_squeeze %dma_wait3A_196 : memref<1x128x128xf32, #tpu.memory_space<vmem>> -> memref<128x128xf32, #tpu.memory_space<vmem>>
      %dma_wait3A_198 = arith.constant 0 : i32
      %dma_wait3A_199 = tpu.memref_slice %arg6[%dma_wait3A_192, %dma_wait3A_198] : memref<8x128xi32, #tpu.memory_space<vmem>> -> memref<1x128xi32, #tpu.memory_space<vmem>>
      %dma_wait3A_200 = tpu.memref_squeeze %dma_wait3A_199 : memref<1x128xi32, #tpu.memory_space<vmem>> -> memref<128xi32, #tpu.memory_space<vmem>>
      %dma_wait3A_201 = arith.constant 0 : i32
      %dma_wait3A_202 = arith.constant 0 : i32
      %dma_wait3A_203 = tpu.memref_slice %arg2[%dma_wait3A_201, %dma_wait3A_202] : memref<10240x128xf32, #tpu.memory_space<hbm>> -> memref<10240x128xf32, #tpu.memory_space<hbm>>
      tpu.wait_indirect_dma semaphore(%arg11 : memref<!tpu.dma_semaphore, #tpu.memory_space<semaphore_mem>>) src(%dma_wait3A_203 : memref<10240x128xf32, #tpu.memory_space<hbm>>) dst(%dma_wait3A_197 : memref<128x128xf32, #tpu.memory_space<vmem>>)
      %dma_start3A_204 = arith.constant 6 : i32
      %dma_start3A_205 = arith.constant 0 : i32
      %dma_start3A_206 = arith.constant 0 : i32
      %dma_start3A_207 = arith.constant 0 : i32
      %dma_start3A_208 = tpu.memref_slice %arg8[%dma_start3A_205, %dma_start3A_206, %dma_start3A_207] : memref<2x128x128xf32, #tpu.memory_space<vmem>> -> memref<1x128x128xf32, #tpu.memory_space<vmem>>
      %dma_start3A_209 = tpu.memref_squeeze %dma_start3A_208 : memref<1x128x128xf32, #tpu.memory_space<vmem>> -> memref<128x128xf32, #tpu.memory_space<vmem>>
      %dma_start3A_210 = arith.constant 0 : i32
      %dma_start3A_211 = tpu.memref_slice %arg6[%dma_start3A_204, %dma_start3A_210] : memref<8x128xi32, #tpu.memory_space<vmem>> -> memref<1x128xi32, #tpu.memory_space<vmem>>
      %dma_start3A_212 = tpu.memref_squeeze %dma_start3A_211 : memref<1x128xi32, #tpu.memory_space<vmem>> -> memref<128xi32, #tpu.memory_space<vmem>>
      %dma_start3A_213 = arith.constant 0 : i32
      %dma_start3A_214 = arith.constant 0 : i32
      %dma_start3A_215 = tpu.memref_slice %arg2[%dma_start3A_213, %dma_start3A_214] : memref<10240x128xf32, #tpu.memory_space<hbm>> -> memref<10240x128xf32, #tpu.memory_space<hbm>>
      tpu.enqueue_indirect_dma source(%dma_start3A_215 : memref<10240x128xf32, #tpu.memory_space<hbm>>) target(%dma_start3A_209 : memref<128x128xf32, #tpu.memory_space<vmem>>) offsets(%dma_start3A_212 : memref<128xi32, #tpu.memory_space<vmem>>) semaphore(%arg11 : memref<!tpu.dma_semaphore, #tpu.memory_space<semaphore_mem>>)
      %run_scoped3A_216 = arith.constant 1 : i32
      %run_scoped3A_217 = arith.constant 5 : i32
      "tpu.region"() ({
        %run_scoped3A_258 = tpu.sem_alloc : memref<!tpu.dma_semaphore, #tpu.memory_space<semaphore_mem>>
        %dma_start3A_259 = arith.constant 0 : i32
        %dma_start3A_260 = arith.constant 0 : i32
        %dma_start3A_261 = tpu.memref_slice %arg8[%run_scoped3A_216, %dma_start3A_259, %dma_start3A_260] : memref<2x128x128xf32, #tpu.memory_space<vmem>> -> memref<1x128x128xf32, #tpu.memory_space<vmem>>
        %dma_start3A_262 = tpu.memref_squeeze %dma_start3A_261 : memref<1x128x128xf32, #tpu.memory_space<vmem>> -> memref<128x128xf32, #tpu.memory_space<vmem>>
        %dma_start3A_263 = arith.constant 0 : i32
        %dma_start3A_264 = tpu.memref_slice %arg7[%run_scoped3A_217, %dma_start3A_263] : memref<8x128xi32, #tpu.memory_space<vmem>> -> memref<1x128xi32, #tpu.memory_space<vmem>>
        %dma_start3A_265 = tpu.memref_squeeze %dma_start3A_264 : memref<1x128xi32, #tpu.memory_space<vmem>> -> memref<128xi32, #tpu.memory_space<vmem>>
        %dma_start3A_266 = arith.constant 0 : i32
        %dma_start3A_267 = arith.constant 0 : i32
        %dma_start3A_268 = tpu.memref_slice %arg9[%dma_start3A_266, %dma_start3A_267] : memref<10240x128xf32, #tpu.memory_space<vmem_shared>> -> memref<10240x128xf32, #tpu.memory_space<vmem_shared>>
        tpu.enqueue_indirect_dma source(%dma_start3A_262 : memref<128x128xf32, #tpu.memory_space<vmem>>) target(%dma_start3A_268 : memref<10240x128xf32, #tpu.memory_space<vmem_shared>>) offsets(%dma_start3A_265 : memref<128xi32, #tpu.memory_space<vmem>>) semaphore(%run_scoped3A_258 : memref<!tpu.dma_semaphore, #tpu.memory_space<semaphore_mem>>) {add = true}
        %dma_wait3A_269 = arith.constant 0 : i32
        %dma_wait3A_270 = arith.constant 0 : i32
        %dma_wait3A_271 = tpu.memref_slice %arg8[%run_scoped3A_216, %dma_wait3A_269, %dma_wait3A_270] : memref<2x128x128xf32, #tpu.memory_space<vmem>> -> memref<1x128x128xf32, #tpu.memory_space<vmem>>
        %dma_wait3A_272 = tpu.memref_squeeze %dma_wait3A_271 : memref<1x128x128xf32, #tpu.memory_space<vmem>> -> memref<128x128xf32, #tpu.memory_space<vmem>>
        %dma_wait3A_273 = arith.constant 0 : i32
        %dma_wait3A_274 = tpu.memref_slice %arg7[%run_scoped3A_217, %dma_wait3A_273] : memref<8x128xi32, #tpu.memory_space<vmem>> -> memref<1x128xi32, #tpu.memory_space<vmem>>
        %dma_wait3A_275 = tpu.memref_squeeze %dma_wait3A_274 : memref<1x128xi32, #tpu.memory_space<vmem>> -> memref<128xi32, #tpu.memory_space<vmem>>
        %dma_wait3A_276 = arith.constant 0 : i32
        %dma_wait3A_277 = arith.constant 0 : i32
        %dma_wait3A_278 = tpu.memref_slice %arg9[%dma_wait3A_276, %dma_wait3A_277] : memref<10240x128xf32, #tpu.memory_space<vmem_shared>> -> memref<10240x128xf32, #tpu.memory_space<vmem_shared>>
        tpu.wait_indirect_dma semaphore(%run_scoped3A_258 : memref<!tpu.dma_semaphore, #tpu.memory_space<semaphore_mem>>) src(%dma_wait3A_272 : memref<128x128xf32, #tpu.memory_space<vmem>>) dst(%dma_wait3A_278 : memref<10240x128xf32, #tpu.memory_space<vmem_shared>>)
        tpu.yield
      }) : () -> ()
      %dma_wait3A_218 = arith.constant 6 : i32
      %dma_wait3A_219 = arith.constant 0 : i32
      %dma_wait3A_220 = arith.constant 0 : i32
      %dma_wait3A_221 = arith.constant 0 : i32
      %dma_wait3A_222 = tpu.memref_slice %arg8[%dma_wait3A_219, %dma_wait3A_220, %dma_wait3A_221] : memref<2x128x128xf32, #tpu.memory_space<vmem>> -> memref<1x128x128xf32, #tpu.memory_space<vmem>>
      %dma_wait3A_223 = tpu.memref_squeeze %dma_wait3A_222 : memref<1x128x128xf32, #tpu.memory_space<vmem>> -> memref<128x128xf32, #tpu.memory_space<vmem>>
      %dma_wait3A_224 = arith.constant 0 : i32
      %dma_wait3A_225 = tpu.memref_slice %arg6[%dma_wait3A_218, %dma_wait3A_224] : memref<8x128xi32, #tpu.memory_space<vmem>> -> memref<1x128xi32, #tpu.memory_space<vmem>>
      %dma_wait3A_226 = tpu.memref_squeeze %dma_wait3A_225 : memref<1x128xi32, #tpu.memory_space<vmem>> -> memref<128xi32, #tpu.memory_space<vmem>>
      %dma_wait3A_227 = arith.constant 0 : i32
      %dma_wait3A_228 = arith.constant 0 : i32
      %dma_wait3A_229 = tpu.memref_slice %arg2[%dma_wait3A_227, %dma_wait3A_228] : memref<10240x128xf32, #tpu.memory_space<hbm>> -> memref<10240x128xf32, #tpu.memory_space<hbm>>
      tpu.wait_indirect_dma semaphore(%arg11 : memref<!tpu.dma_semaphore, #tpu.memory_space<semaphore_mem>>) src(%dma_wait3A_229 : memref<10240x128xf32, #tpu.memory_space<hbm>>) dst(%dma_wait3A_223 : memref<128x128xf32, #tpu.memory_space<vmem>>)
      %dma_start3A_230 = arith.constant 7 : i32
      %dma_start3A_231 = arith.constant 1 : i32
      %dma_start3A_232 = arith.constant 0 : i32
      %dma_start3A_233 = arith.constant 0 : i32
      %dma_start3A_234 = tpu.memref_slice %arg8[%dma_start3A_231, %dma_start3A_232, %dma_start3A_233] : memref<2x128x128xf32, #tpu.memory_space<vmem>> -> memref<1x128x128xf32, #tpu.memory_space<vmem>>
      %dma_start3A_235 = tpu.memref_squeeze %dma_start3A_234 : memref<1x128x128xf32, #tpu.memory_space<vmem>> -> memref<128x128xf32, #tpu.memory_space<vmem>>
      %dma_start3A_236 = arith.constant 0 : i32
      %dma_start3A_237 = tpu.memref_slice %arg6[%dma_start3A_230, %dma_start3A_236] : memref<8x128xi32, #tpu.memory_space<vmem>> -> memref<1x128xi32, #tpu.memory_space<vmem>>
      %dma_start3A_238 = tpu.memref_squeeze %dma_start3A_237 : memref<1x128xi32, #tpu.memory_space<vmem>> -> memref<128xi32, #tpu.memory_space<vmem>>
      %dma_start3A_239 = arith.constant 0 : i32
      %dma_start3A_240 = arith.constant 0 : i32
      %dma_start3A_241 = tpu.memref_slice %arg2[%dma_start3A_239, %dma_start3A_240] : memref<10240x128xf32, #tpu.memory_space<hbm>> -> memref<10240x128xf32, #tpu.memory_space<hbm>>
      tpu.enqueue_indirect_dma source(%dma_start3A_241 : memref<10240x128xf32, #tpu.memory_space<hbm>>) target(%dma_start3A_235 : memref<128x128xf32, #tpu.memory_space<vmem>>) offsets(%dma_start3A_238 : memref<128xi32, #tpu.memory_space<vmem>>) semaphore(%arg11 : memref<!tpu.dma_semaphore, #tpu.memory_space<semaphore_mem>>)
      %run_scoped3A_242 = arith.constant 0 : i32
      %run_scoped3A_243 = arith.constant 6 : i32
      "tpu.region"() ({
        %run_scoped3A_258 = tpu.sem_alloc : memref<!tpu.dma_semaphore, #tpu.memory_space<semaphore_mem>>
        %dma_start3A_259 = arith.constant 0 : i32
        %dma_start3A_260 = arith.constant 0 : i32
        %dma_start3A_261 = tpu.memref_slice %arg8[%run_scoped3A_242, %dma_start3A_259, %dma_start3A_260] : memref<2x128x128xf32, #tpu.memory_space<vmem>> -> memref<1x128x128xf32, #tpu.memory_space<vmem>>
        %dma_start3A_262 = tpu.memref_squeeze %dma_start3A_261 : memref<1x128x128xf32, #tpu.memory_space<vmem>> -> memref<128x128xf32, #tpu.memory_space<vmem>>
        %dma_start3A_263 = arith.constant 0 : i32
        %dma_start3A_264 = tpu.memref_slice %arg7[%run_scoped3A_243, %dma_start3A_263] : memref<8x128xi32, #tpu.memory_space<vmem>> -> memref<1x128xi32, #tpu.memory_space<vmem>>
        %dma_start3A_265 = tpu.memref_squeeze %dma_start3A_264 : memref<1x128xi32, #tpu.memory_space<vmem>> -> memref<128xi32, #tpu.memory_space<vmem>>
        %dma_start3A_266 = arith.constant 0 : i32
        %dma_start3A_267 = arith.constant 0 : i32
        %dma_start3A_268 = tpu.memref_slice %arg9[%dma_start3A_266, %dma_start3A_267] : memref<10240x128xf32, #tpu.memory_space<vmem_shared>> -> memref<10240x128xf32, #tpu.memory_space<vmem_shared>>
        tpu.enqueue_indirect_dma source(%dma_start3A_262 : memref<128x128xf32, #tpu.memory_space<vmem>>) target(%dma_start3A_268 : memref<10240x128xf32, #tpu.memory_space<vmem_shared>>) offsets(%dma_start3A_265 : memref<128xi32, #tpu.memory_space<vmem>>) semaphore(%run_scoped3A_258 : memref<!tpu.dma_semaphore, #tpu.memory_space<semaphore_mem>>) {add = true}
        %dma_wait3A_269 = arith.constant 0 : i32
        %dma_wait3A_270 = arith.constant 0 : i32
        %dma_wait3A_271 = tpu.memref_slice %arg8[%run_scoped3A_242, %dma_wait3A_269, %dma_wait3A_270] : memref<2x128x128xf32, #tpu.memory_space<vmem>> -> memref<1x128x128xf32, #tpu.memory_space<vmem>>
        %dma_wait3A_272 = tpu.memref_squeeze %dma_wait3A_271 : memref<1x128x128xf32, #tpu.memory_space<vmem>> -> memref<128x128xf32, #tpu.memory_space<vmem>>
        %dma_wait3A_273 = arith.constant 0 : i32
        %dma_wait3A_274 = tpu.memref_slice %arg7[%run_scoped3A_243, %dma_wait3A_273] : memref<8x128xi32, #tpu.memory_space<vmem>> -> memref<1x128xi32, #tpu.memory_space<vmem>>
        %dma_wait3A_275 = tpu.memref_squeeze %dma_wait3A_274 : memref<1x128xi32, #tpu.memory_space<vmem>> -> memref<128xi32, #tpu.memory_space<vmem>>
        %dma_wait3A_276 = arith.constant 0 : i32
        %dma_wait3A_277 = arith.constant 0 : i32
        %dma_wait3A_278 = tpu.memref_slice %arg9[%dma_wait3A_276, %dma_wait3A_277] : memref<10240x128xf32, #tpu.memory_space<vmem_shared>> -> memref<10240x128xf32, #tpu.memory_space<vmem_shared>>
        tpu.wait_indirect_dma semaphore(%run_scoped3A_258 : memref<!tpu.dma_semaphore, #tpu.memory_space<semaphore_mem>>) src(%dma_wait3A_272 : memref<128x128xf32, #tpu.memory_space<vmem>>) dst(%dma_wait3A_278 : memref<10240x128xf32, #tpu.memory_space<vmem_shared>>)
        tpu.yield
      }) : () -> ()
      %dma_wait3A_244 = arith.constant 7 : i32
      %dma_wait3A_245 = arith.constant 1 : i32
      %dma_wait3A_246 = arith.constant 0 : i32
      %dma_wait3A_247 = arith.constant 0 : i32
      %dma_wait3A_248 = tpu.memref_slice %arg8[%dma_wait3A_245, %dma_wait3A_246, %dma_wait3A_247] : memref<2x128x128xf32, #tpu.memory_space<vmem>> -> memref<1x128x128xf32, #tpu.memory_space<vmem>>
      %dma_wait3A_249 = tpu.memref_squeeze %dma_wait3A_248 : memref<1x128x128xf32, #tpu.memory_space<vmem>> -> memref<128x128xf32, #tpu.memory_space<vmem>>
      %dma_wait3A_250 = arith.constant 0 : i32
      %dma_wait3A_251 = tpu.memref_slice %arg6[%dma_wait3A_244, %dma_wait3A_250] : memref<8x128xi32, #tpu.memory_space<vmem>> -> memref<1x128xi32, #tpu.memory_space<vmem>>
      %dma_wait3A_252 = tpu.memref_squeeze %dma_wait3A_251 : memref<1x128xi32, #tpu.memory_space<vmem>> -> memref<128xi32, #tpu.memory_space<vmem>>
      %dma_wait3A_253 = arith.constant 0 : i32
      %dma_wait3A_254 = arith.constant 0 : i32
      %dma_wait3A_255 = tpu.memref_slice %arg2[%dma_wait3A_253, %dma_wait3A_254] : memref<10240x128xf32, #tpu.memory_space<hbm>> -> memref<10240x128xf32, #tpu.memory_space<hbm>>
      tpu.wait_indirect_dma semaphore(%arg11 : memref<!tpu.dma_semaphore, #tpu.memory_space<semaphore_mem>>) src(%dma_wait3A_255 : memref<10240x128xf32, #tpu.memory_space<hbm>>) dst(%dma_wait3A_249 : memref<128x128xf32, #tpu.memory_space<vmem>>)
      %run_scoped3A_256 = arith.constant 1 : i32
      %run_scoped3A_257 = arith.constant 7 : i32
      "tpu.region"() ({
        %run_scoped3A_258 = tpu.sem_alloc : memref<!tpu.dma_semaphore, #tpu.memory_space<semaphore_mem>>
        %dma_start3A_259 = arith.constant 0 : i32
        %dma_start3A_260 = arith.constant 0 : i32
        %dma_start3A_261 = tpu.memref_slice %arg8[%run_scoped3A_256, %dma_start3A_259, %dma_start3A_260] : memref<2x128x128xf32, #tpu.memory_space<vmem>> -> memref<1x128x128xf32, #tpu.memory_space<vmem>>
        %dma_start3A_262 = tpu.memref_squeeze %dma_start3A_261 : memref<1x128x128xf32, #tpu.memory_space<vmem>> -> memref<128x128xf32, #tpu.memory_space<vmem>>
        %dma_start3A_263 = arith.constant 0 : i32
        %dma_start3A_264 = tpu.memref_slice %arg7[%run_scoped3A_257, %dma_start3A_263] : memref<8x128xi32, #tpu.memory_space<vmem>> -> memref<1x128xi32, #tpu.memory_space<vmem>>
        %dma_start3A_265 = tpu.memref_squeeze %dma_start3A_264 : memref<1x128xi32, #tpu.memory_space<vmem>> -> memref<128xi32, #tpu.memory_space<vmem>>
        %dma_start3A_266 = arith.constant 0 : i32
        %dma_start3A_267 = arith.constant 0 : i32
        %dma_start3A_268 = tpu.memref_slice %arg9[%dma_start3A_266, %dma_start3A_267] : memref<10240x128xf32, #tpu.memory_space<vmem_shared>> -> memref<10240x128xf32, #tpu.memory_space<vmem_shared>>
        tpu.enqueue_indirect_dma source(%dma_start3A_262 : memref<128x128xf32, #tpu.memory_space<vmem>>) target(%dma_start3A_268 : memref<10240x128xf32, #tpu.memory_space<vmem_shared>>) offsets(%dma_start3A_265 : memref<128xi32, #tpu.memory_space<vmem>>) semaphore(%run_scoped3A_258 : memref<!tpu.dma_semaphore, #tpu.memory_space<semaphore_mem>>) {add = true}
        %dma_wait3A_269 = arith.constant 0 : i32
        %dma_wait3A_270 = arith.constant 0 : i32
        %dma_wait3A_271 = tpu.memref_slice %arg8[%run_scoped3A_256, %dma_wait3A_269, %dma_wait3A_270] : memref<2x128x128xf32, #tpu.memory_space<vmem>> -> memref<1x128x128xf32, #tpu.memory_space<vmem>>
        %dma_wait3A_272 = tpu.memref_squeeze %dma_wait3A_271 : memref<1x128x128xf32, #tpu.memory_space<vmem>> -> memref<128x128xf32, #tpu.memory_space<vmem>>
        %dma_wait3A_273 = arith.constant 0 : i32
        %dma_wait3A_274 = tpu.memref_slice %arg7[%run_scoped3A_257, %dma_wait3A_273] : memref<8x128xi32, #tpu.memory_space<vmem>> -> memref<1x128xi32, #tpu.memory_space<vmem>>
        %dma_wait3A_275 = tpu.memref_squeeze %dma_wait3A_274 : memref<1x128xi32, #tpu.memory_space<vmem>> -> memref<128xi32, #tpu.memory_space<vmem>>
        %dma_wait3A_276 = arith.constant 0 : i32
        %dma_wait3A_277 = arith.constant 0 : i32
        %dma_wait3A_278 = tpu.memref_slice %arg9[%dma_wait3A_276, %dma_wait3A_277] : memref<10240x128xf32, #tpu.memory_space<vmem_shared>> -> memref<10240x128xf32, #tpu.memory_space<vmem_shared>>
        tpu.wait_indirect_dma semaphore(%run_scoped3A_258 : memref<!tpu.dma_semaphore, #tpu.memory_space<semaphore_mem>>) src(%dma_wait3A_272 : memref<128x128xf32, #tpu.memory_space<vmem>>) dst(%dma_wait3A_278 : memref<10240x128xf32, #tpu.memory_space<vmem_shared>>)
        tpu.yield
      }) : () -> ()
    }
    %while3A_44 = arith.constant 1 : i32
    scf.for %while3A_50 = %while3A_42 to %while3A_38 step %while3A_44  : i32 {
      %add3A_51 = arith.addi %select_n3A_36, %while3A_50 : i32
      "tpu.region"() ({
        %run_scoped3A_258 = tpu.sem_alloc : memref<!tpu.dma_semaphore, #tpu.memory_space<semaphore_mem>>
        %dma_start3A_259 = arith.constant 0 : i32
        %dma_start3A_260 = arith.constant 0 : i32
        %dma_start3A_261 = tpu.memref_slice %arg3[%add3A_51, %dma_start3A_259, %dma_start3A_260] : memref<320x8x128xi32, #tpu.memory_space<hbm>> -> memref<1x8x128xi32, #tpu.memory_space<hbm>>
        %dma_start3A_262 = tpu.memref_squeeze %dma_start3A_261 : memref<1x8x128xi32, #tpu.memory_space<hbm>> -> memref<8x128xi32, #tpu.memory_space<hbm>>
        %dma_start3A_263 = arith.constant 0 : i32
        %dma_start3A_264 = arith.constant 0 : i32
        %dma_start3A_265 = tpu.memref_slice %arg3[%add3A_51, %dma_start3A_263, %dma_start3A_264] : memref<320x8x128xi32, #tpu.memory_space<hbm>> -> memref<1x8x128xi32, #tpu.memory_space<hbm>>
        %dma_start3A_266 = tpu.memref_squeeze %dma_start3A_265 : memref<1x8x128xi32, #tpu.memory_space<hbm>> -> memref<8x128xi32, #tpu.memory_space<hbm>>
        tpu.enqueue_dma source(%dma_start3A_266 : memref<8x128xi32, #tpu.memory_space<hbm>>) target(%arg6 : memref<8x128xi32, #tpu.memory_space<vmem>>) target_semaphore(%run_scoped3A_258 : memref<!tpu.dma_semaphore, #tpu.memory_space<semaphore_mem>>)
        %dma_wait3A_267 = arith.constant 0 : i32
        %dma_wait3A_268 = arith.constant 0 : i32
        %dma_wait3A_269 = tpu.memref_slice %arg3[%add3A_51, %dma_wait3A_267, %dma_wait3A_268] : memref<320x8x128xi32, #tpu.memory_space<hbm>> -> memref<1x8x128xi32, #tpu.memory_space<hbm>>
        %dma_wait3A_270 = tpu.memref_squeeze %dma_wait3A_269 : memref<1x8x128xi32, #tpu.memory_space<hbm>> -> memref<8x128xi32, #tpu.memory_space<hbm>>
        %dma_wait3A_271 = arith.constant 0 : i32
        %dma_wait3A_272 = arith.constant 0 : i32
        %dma_wait3A_273 = tpu.memref_slice %arg3[%add3A_51, %dma_wait3A_271, %dma_wait3A_272] : memref<320x8x128xi32, #tpu.memory_space<hbm>> -> memref<1x8x128xi32, #tpu.memory_space<hbm>>
        %dma_wait3A_274 = tpu.memref_squeeze %dma_wait3A_273 : memref<1x8x128xi32, #tpu.memory_space<hbm>> -> memref<8x128xi32, #tpu.memory_space<hbm>>
        tpu.wait_dma2 semaphore(%run_scoped3A_258 : memref<!tpu.dma_semaphore, #tpu.memory_space<semaphore_mem>>) src(%dma_wait3A_274 : memref<8x128xi32, #tpu.memory_space<hbm>>) dst(%arg6 : memref<8x128xi32, #tpu.memory_space<vmem>>)
        tpu.yield
      }) : () -> ()
      "tpu.region"() ({
        %run_scoped3A_258 = tpu.sem_alloc : memref<!tpu.dma_semaphore, #tpu.memory_space<semaphore_mem>>
        %dma_start3A_259 = arith.constant 0 : i32
        %dma_start3A_260 = arith.constant 0 : i32
        %dma_start3A_261 = tpu.memref_slice %arg4[%add3A_51, %dma_start3A_259, %dma_start3A_260] : memref<320x8x128xi32, #tpu.memory_space<hbm>> -> memref<1x8x128xi32, #tpu.memory_space<hbm>>
        %dma_start3A_262 = tpu.memref_squeeze %dma_start3A_261 : memref<1x8x128xi32, #tpu.memory_space<hbm>> -> memref<8x128xi32, #tpu.memory_space<hbm>>
        %dma_start3A_263 = arith.constant 0 : i32
        %dma_start3A_264 = arith.constant 0 : i32
        %dma_start3A_265 = tpu.memref_slice %arg4[%add3A_51, %dma_start3A_263, %dma_start3A_264] : memref<320x8x128xi32, #tpu.memory_space<hbm>> -> memref<1x8x128xi32, #tpu.memory_space<hbm>>
        %dma_start3A_266 = tpu.memref_squeeze %dma_start3A_265 : memref<1x8x128xi32, #tpu.memory_space<hbm>> -> memref<8x128xi32, #tpu.memory_space<hbm>>
        tpu.enqueue_dma source(%dma_start3A_266 : memref<8x128xi32, #tpu.memory_space<hbm>>) target(%arg7 : memref<8x128xi32, #tpu.memory_space<vmem>>) target_semaphore(%run_scoped3A_258 : memref<!tpu.dma_semaphore, #tpu.memory_space<semaphore_mem>>)
        %dma_wait3A_267 = arith.constant 0 : i32
        %dma_wait3A_268 = arith.constant 0 : i32
        %dma_wait3A_269 = tpu.memref_slice %arg4[%add3A_51, %dma_wait3A_267, %dma_wait3A_268] : memref<320x8x128xi32, #tpu.memory_space<hbm>> -> memref<1x8x128xi32, #tpu.memory_space<hbm>>
        %dma_wait3A_270 = tpu.memref_squeeze %dma_wait3A_269 : memref<1x8x128xi32, #tpu.memory_space<hbm>> -> memref<8x128xi32, #tpu.memory_space<hbm>>
        %dma_wait3A_271 = arith.constant 0 : i32
        %dma_wait3A_272 = arith.constant 0 : i32
        %dma_wait3A_273 = tpu.memref_slice %arg4[%add3A_51, %dma_wait3A_271, %dma_wait3A_272] : memref<320x8x128xi32, #tpu.memory_space<hbm>> -> memref<1x8x128xi32, #tpu.memory_space<hbm>>
        %dma_wait3A_274 = tpu.memref_squeeze %dma_wait3A_273 : memref<1x8x128xi32, #tpu.memory_space<hbm>> -> memref<8x128xi32, #tpu.memory_space<hbm>>
        tpu.wait_dma2 semaphore(%run_scoped3A_258 : memref<!tpu.dma_semaphore, #tpu.memory_space<semaphore_mem>>) src(%dma_wait3A_274 : memref<8x128xi32, #tpu.memory_space<hbm>>) dst(%arg7 : memref<8x128xi32, #tpu.memory_space<vmem>>)
        tpu.yield
      }) : () -> ()
      %dma_start3A = arith.constant 0 : i32
      %dma_start3A_52 = arith.constant 0 : i32
      %dma_start3A_53 = arith.constant 0 : i32
      %dma_start3A_54 = arith.constant 0 : i32
      %dma_start3A_55 = tpu.memref_slice %arg8[%dma_start3A_52, %dma_start3A_53, %dma_start3A_54] : memref<2x128x128xf32, #tpu.memory_space<vmem>> -> memref<1x128x128xf32, #tpu.memory_space<vmem>>
      %dma_start3A_56 = tpu.memref_squeeze %dma_start3A_55 : memref<1x128x128xf32, #tpu.memory_space<vmem>> -> memref<128x128xf32, #tpu.memory_space<vmem>>
      %dma_start3A_57 = arith.constant 0 : i32
      %dma_start3A_58 = tpu.memref_slice %arg6[%dma_start3A, %dma_start3A_57] : memref<8x128xi32, #tpu.memory_space<vmem>> -> memref<1x128xi32, #tpu.memory_space<vmem>>
      %dma_start3A_59 = tpu.memref_squeeze %dma_start3A_58 : memref<1x128xi32, #tpu.memory_space<vmem>> -> memref<128xi32, #tpu.memory_space<vmem>>
      %dma_start3A_60 = arith.constant 0 : i32
      %dma_start3A_61 = arith.constant 0 : i32
      %dma_start3A_62 = tpu.memref_slice %arg2[%dma_start3A_60, %dma_start3A_61] : memref<10240x128xf32, #tpu.memory_space<hbm>> -> memref<10240x128xf32, #tpu.memory_space<hbm>>
      tpu.enqueue_indirect_dma source(%dma_start3A_62 : memref<10240x128xf32, #tpu.memory_space<hbm>>) target(%dma_start3A_56 : memref<128x128xf32, #tpu.memory_space<vmem>>) offsets(%dma_start3A_59 : memref<128xi32, #tpu.memory_space<vmem>>) semaphore(%arg10 : memref<!tpu.dma_semaphore, #tpu.memory_space<semaphore_mem>>)
      %dma_wait3A = arith.constant 0 : i32
      %dma_wait3A_63 = arith.constant 0 : i32
      %dma_wait3A_64 = arith.constant 0 : i32
      %dma_wait3A_65 = arith.constant 0 : i32
      %dma_wait3A_66 = tpu.memref_slice %arg8[%dma_wait3A_63, %dma_wait3A_64, %dma_wait3A_65] : memref<2x128x128xf32, #tpu.memory_space<vmem>> -> memref<1x128x128xf32, #tpu.memory_space<vmem>>
      %dma_wait3A_67 = tpu.memref_squeeze %dma_wait3A_66 : memref<1x128x128xf32, #tpu.memory_space<vmem>> -> memref<128x128xf32, #tpu.memory_space<vmem>>
      %dma_wait3A_68 = arith.constant 0 : i32
      %dma_wait3A_69 = tpu.memref_slice %arg6[%dma_wait3A, %dma_wait3A_68] : memref<8x128xi32, #tpu.memory_space<vmem>> -> memref<1x128xi32, #tpu.memory_space<vmem>>
      %dma_wait3A_70 = tpu.memref_squeeze %dma_wait3A_69 : memref<1x128xi32, #tpu.memory_space<vmem>> -> memref<128xi32, #tpu.memory_space<vmem>>
      %dma_wait3A_71 = arith.constant 0 : i32
      %dma_wait3A_72 = arith.constant 0 : i32
      %dma_wait3A_73 = tpu.memref_slice %arg2[%dma_wait3A_71, %dma_wait3A_72] : memref<10240x128xf32, #tpu.memory_space<hbm>> -> memref<10240x128xf32, #tpu.memory_space<hbm>>
      tpu.wait_indirect_dma semaphore(%arg10 : memref<!tpu.dma_semaphore, #tpu.memory_space<semaphore_mem>>) src(%dma_wait3A_73 : memref<10240x128xf32, #tpu.memory_space<hbm>>) dst(%dma_wait3A_67 : memref<128x128xf32, #tpu.memory_space<vmem>>)
      %dma_start3A_74 = arith.constant 1 : i32
      %dma_start3A_75 = arith.constant 1 : i32
      %dma_start3A_76 = arith.constant 0 : i32
      %dma_start3A_77 = arith.constant 0 : i32
      %dma_start3A_78 = tpu.memref_slice %arg8[%dma_start3A_75, %dma_start3A_76, %dma_start3A_77] : memref<2x128x128xf32, #tpu.memory_space<vmem>> -> memref<1x128x128xf32, #tpu.memory_space<vmem>>
      %dma_start3A_79 = tpu.memref_squeeze %dma_start3A_78 : memref<1x128x128xf32, #tpu.memory_space<vmem>> -> memref<128x128xf32, #tpu.memory_space<vmem>>
      %dma_start3A_80 = arith.constant 0 : i32
      %dma_start3A_81 = tpu.memref_slice %arg6[%dma_start3A_74, %dma_start3A_80] : memref<8x128xi32, #tpu.memory_space<vmem>> -> memref<1x128xi32, #tpu.memory_space<vmem>>
      %dma_start3A_82 = tpu.memref_squeeze %dma_start3A_81 : memref<1x128xi32, #tpu.memory_space<vmem>> -> memref<128xi32, #tpu.memory_space<vmem>>
      %dma_start3A_83 = arith.constant 0 : i32
      %dma_start3A_84 = arith.constant 0 : i32
      %dma_start3A_85 = tpu.memref_slice %arg2[%dma_start3A_83, %dma_start3A_84] : memref<10240x128xf32, #tpu.memory_space<hbm>> -> memref<10240x128xf32, #tpu.memory_space<hbm>>
      tpu.enqueue_indirect_dma source(%dma_start3A_85 : memref<10240x128xf32, #tpu.memory_space<hbm>>) target(%dma_start3A_79 : memref<128x128xf32, #tpu.memory_space<vmem>>) offsets(%dma_start3A_82 : memref<128xi32, #tpu.memory_space<vmem>>) semaphore(%arg11 : memref<!tpu.dma_semaphore, #tpu.memory_space<semaphore_mem>>)
      %run_scoped3A_86 = arith.constant 0 : i32
      %run_scoped3A_87 = arith.constant 0 : i32
      "tpu.region"() ({
        %run_scoped3A_258 = tpu.sem_alloc : memref<!tpu.dma_semaphore, #tpu.memory_space<semaphore_mem>>
        %dma_start3A_259 = arith.constant 0 : i32
        %dma_start3A_260 = arith.constant 0 : i32
        %dma_start3A_261 = tpu.memref_slice %arg8[%run_scoped3A_86, %dma_start3A_259, %dma_start3A_260] : memref<2x128x128xf32, #tpu.memory_space<vmem>> -> memref<1x128x128xf32, #tpu.memory_space<vmem>>
        %dma_start3A_262 = tpu.memref_squeeze %dma_start3A_261 : memref<1x128x128xf32, #tpu.memory_space<vmem>> -> memref<128x128xf32, #tpu.memory_space<vmem>>
        %dma_start3A_263 = arith.constant 0 : i32
        %dma_start3A_264 = tpu.memref_slice %arg7[%run_scoped3A_87, %dma_start3A_263] : memref<8x128xi32, #tpu.memory_space<vmem>> -> memref<1x128xi32, #tpu.memory_space<vmem>>
        %dma_start3A_265 = tpu.memref_squeeze %dma_start3A_264 : memref<1x128xi32, #tpu.memory_space<vmem>> -> memref<128xi32, #tpu.memory_space<vmem>>
        %dma_start3A_266 = arith.constant 0 : i32
        %dma_start3A_267 = arith.constant 0 : i32
        %dma_start3A_268 = tpu.memref_slice %arg9[%dma_start3A_266, %dma_start3A_267] : memref<10240x128xf32, #tpu.memory_space<vmem_shared>> -> memref<10240x128xf32, #tpu.memory_space<vmem_shared>>
        tpu.enqueue_indirect_dma source(%dma_start3A_262 : memref<128x128xf32, #tpu.memory_space<vmem>>) target(%dma_start3A_268 : memref<10240x128xf32, #tpu.memory_space<vmem_shared>>) offsets(%dma_start3A_265 : memref<128xi32, #tpu.memory_space<vmem>>) semaphore(%run_scoped3A_258 : memref<!tpu.dma_semaphore, #tpu.memory_space<semaphore_mem>>) {add = true}
        %dma_wait3A_269 = arith.constant 0 : i32
        %dma_wait3A_270 = arith.constant 0 : i32
        %dma_wait3A_271 = tpu.memref_slice %arg8[%run_scoped3A_86, %dma_wait3A_269, %dma_wait3A_270] : memref<2x128x128xf32, #tpu.memory_space<vmem>> -> memref<1x128x128xf32, #tpu.memory_space<vmem>>
        %dma_wait3A_272 = tpu.memref_squeeze %dma_wait3A_271 : memref<1x128x128xf32, #tpu.memory_space<vmem>> -> memref<128x128xf32, #tpu.memory_space<vmem>>
        %dma_wait3A_273 = arith.constant 0 : i32
        %dma_wait3A_274 = tpu.memref_slice %arg7[%run_scoped3A_87, %dma_wait3A_273] : memref<8x128xi32, #tpu.memory_space<vmem>> -> memref<1x128xi32, #tpu.memory_space<vmem>>
        %dma_wait3A_275 = tpu.memref_squeeze %dma_wait3A_274 : memref<1x128xi32, #tpu.memory_space<vmem>> -> memref<128xi32, #tpu.memory_space<vmem>>
        %dma_wait3A_276 = arith.constant 0 : i32
        %dma_wait3A_277 = arith.constant 0 : i32
        %dma_wait3A_278 = tpu.memref_slice %arg9[%dma_wait3A_276, %dma_wait3A_277] : memref<10240x128xf32, #tpu.memory_space<vmem_shared>> -> memref<10240x128xf32, #tpu.memory_space<vmem_shared>>
        tpu.wait_indirect_dma semaphore(%run_scoped3A_258 : memref<!tpu.dma_semaphore, #tpu.memory_space<semaphore_mem>>) src(%dma_wait3A_272 : memref<128x128xf32, #tpu.memory_space<vmem>>) dst(%dma_wait3A_278 : memref<10240x128xf32, #tpu.memory_space<vmem_shared>>)
        tpu.yield
      }) : () -> ()
      %dma_wait3A_88 = arith.constant 1 : i32
      %dma_wait3A_89 = arith.constant 1 : i32
      %dma_wait3A_90 = arith.constant 0 : i32
      %dma_wait3A_91 = arith.constant 0 : i32
      %dma_wait3A_92 = tpu.memref_slice %arg8[%dma_wait3A_89, %dma_wait3A_90, %dma_wait3A_91] : memref<2x128x128xf32, #tpu.memory_space<vmem>> -> memref<1x128x128xf32, #tpu.memory_space<vmem>>
      %dma_wait3A_93 = tpu.memref_squeeze %dma_wait3A_92 : memref<1x128x128xf32, #tpu.memory_space<vmem>> -> memref<128x128xf32, #tpu.memory_space<vmem>>
      %dma_wait3A_94 = arith.constant 0 : i32
      %dma_wait3A_95 = tpu.memref_slice %arg6[%dma_wait3A_88, %dma_wait3A_94] : memref<8x128xi32, #tpu.memory_space<vmem>> -> memref<1x128xi32, #tpu.memory_space<vmem>>
      %dma_wait3A_96 = tpu.memref_squeeze %dma_wait3A_95 : memref<1x128xi32, #tpu.memory_space<vmem>> -> memref<128xi32, #tpu.memory_space<vmem>>
      %dma_wait3A_97 = arith.constant 0 : i32
      %dma_wait3A_98 = arith.constant 0 : i32
      %dma_wait3A_99 = tpu.memref_slice %arg2[%dma_wait3A_97, %dma_wait3A_98] : memref<10240x128xf32, #tpu.memory_space<hbm>> -> memref<10240x128xf32, #tpu.memory_space<hbm>>
      tpu.wait_indirect_dma semaphore(%arg11 : memref<!tpu.dma_semaphore, #tpu.memory_space<semaphore_mem>>) src(%dma_wait3A_99 : memref<10240x128xf32, #tpu.memory_space<hbm>>) dst(%dma_wait3A_93 : memref<128x128xf32, #tpu.memory_space<vmem>>)
      %dma_start3A_100 = arith.constant 2 : i32
      %dma_start3A_101 = arith.constant 0 : i32
      %dma_start3A_102 = arith.constant 0 : i32
      %dma_start3A_103 = arith.constant 0 : i32
      %dma_start3A_104 = tpu.memref_slice %arg8[%dma_start3A_101, %dma_start3A_102, %dma_start3A_103] : memref<2x128x128xf32, #tpu.memory_space<vmem>> -> memref<1x128x128xf32, #tpu.memory_space<vmem>>
      %dma_start3A_105 = tpu.memref_squeeze %dma_start3A_104 : memref<1x128x128xf32, #tpu.memory_space<vmem>> -> memref<128x128xf32, #tpu.memory_space<vmem>>
      %dma_start3A_106 = arith.constant 0 : i32
      %dma_start3A_107 = tpu.memref_slice %arg6[%dma_start3A_100, %dma_start3A_106] : memref<8x128xi32, #tpu.memory_space<vmem>> -> memref<1x128xi32, #tpu.memory_space<vmem>>
      %dma_start3A_108 = tpu.memref_squeeze %dma_start3A_107 : memref<1x128xi32, #tpu.memory_space<vmem>> -> memref<128xi32, #tpu.memory_space<vmem>>
      %dma_start3A_109 = arith.constant 0 : i32
      %dma_start3A_110 = arith.constant 0 : i32
      %dma_start3A_111 = tpu.memref_slice %arg2[%dma_start3A_109, %dma_start3A_110] : memref<10240x128xf32, #tpu.memory_space<hbm>> -> memref<10240x128xf32, #tpu.memory_space<hbm>>
      tpu.enqueue_indirect_dma source(%dma_start3A_111 : memref<10240x128xf32, #tpu.memory_space<hbm>>) target(%dma_start3A_105 : memref<128x128xf32, #tpu.memory_space<vmem>>) offsets(%dma_start3A_108 : memref<128xi32, #tpu.memory_space<vmem>>) semaphore(%arg11 : memref<!tpu.dma_semaphore, #tpu.memory_space<semaphore_mem>>)
      %run_scoped3A_112 = arith.constant 1 : i32
      %run_scoped3A_113 = arith.constant 1 : i32
      "tpu.region"() ({
        %run_scoped3A_258 = tpu.sem_alloc : memref<!tpu.dma_semaphore, #tpu.memory_space<semaphore_mem>>
        %dma_start3A_259 = arith.constant 0 : i32
        %dma_start3A_260 = arith.constant 0 : i32
        %dma_start3A_261 = tpu.memref_slice %arg8[%run_scoped3A_112, %dma_start3A_259, %dma_start3A_260] : memref<2x128x128xf32, #tpu.memory_space<vmem>> -> memref<1x128x128xf32, #tpu.memory_space<vmem>>
        %dma_start3A_262 = tpu.memref_squeeze %dma_start3A_261 : memref<1x128x128xf32, #tpu.memory_space<vmem>> -> memref<128x128xf32, #tpu.memory_space<vmem>>
        %dma_start3A_263 = arith.constant 0 : i32
        %dma_start3A_264 = tpu.memref_slice %arg7[%run_scoped3A_113, %dma_start3A_263] : memref<8x128xi32, #tpu.memory_space<vmem>> -> memref<1x128xi32, #tpu.memory_space<vmem>>
        %dma_start3A_265 = tpu.memref_squeeze %dma_start3A_264 : memref<1x128xi32, #tpu.memory_space<vmem>> -> memref<128xi32, #tpu.memory_space<vmem>>
        %dma_start3A_266 = arith.constant 0 : i32
        %dma_start3A_267 = arith.constant 0 : i32
        %dma_start3A_268 = tpu.memref_slice %arg9[%dma_start3A_266, %dma_start3A_267] : memref<10240x128xf32, #tpu.memory_space<vmem_shared>> -> memref<10240x128xf32, #tpu.memory_space<vmem_shared>>
        tpu.enqueue_indirect_dma source(%dma_start3A_262 : memref<128x128xf32, #tpu.memory_space<vmem>>) target(%dma_start3A_268 : memref<10240x128xf32, #tpu.memory_space<vmem_shared>>) offsets(%dma_start3A_265 : memref<128xi32, #tpu.memory_space<vmem>>) semaphore(%run_scoped3A_258 : memref<!tpu.dma_semaphore, #tpu.memory_space<semaphore_mem>>) {add = true}
        %dma_wait3A_269 = arith.constant 0 : i32
        %dma_wait3A_270 = arith.constant 0 : i32
        %dma_wait3A_271 = tpu.memref_slice %arg8[%run_scoped3A_112, %dma_wait3A_269, %dma_wait3A_270] : memref<2x128x128xf32, #tpu.memory_space<vmem>> -> memref<1x128x128xf32, #tpu.memory_space<vmem>>
        %dma_wait3A_272 = tpu.memref_squeeze %dma_wait3A_271 : memref<1x128x128xf32, #tpu.memory_space<vmem>> -> memref<128x128xf32, #tpu.memory_space<vmem>>
        %dma_wait3A_273 = arith.constant 0 : i32
        %dma_wait3A_274 = tpu.memref_slice %arg7[%run_scoped3A_113, %dma_wait3A_273] : memref<8x128xi32, #tpu.memory_space<vmem>> -> memref<1x128xi32, #tpu.memory_space<vmem>>
        %dma_wait3A_275 = tpu.memref_squeeze %dma_wait3A_274 : memref<1x128xi32, #tpu.memory_space<vmem>> -> memref<128xi32, #tpu.memory_space<vmem>>
        %dma_wait3A_276 = arith.constant 0 : i32
        %dma_wait3A_277 = arith.constant 0 : i32
        %dma_wait3A_278 = tpu.memref_slice %arg9[%dma_wait3A_276, %dma_wait3A_277] : memref<10240x128xf32, #tpu.memory_space<vmem_shared>> -> memref<10240x128xf32, #tpu.memory_space<vmem_shared>>
        tpu.wait_indirect_dma semaphore(%run_scoped3A_258 : memref<!tpu.dma_semaphore, #tpu.memory_space<semaphore_mem>>) src(%dma_wait3A_272 : memref<128x128xf32, #tpu.memory_space<vmem>>) dst(%dma_wait3A_278 : memref<10240x128xf32, #tpu.memory_space<vmem_shared>>)
        tpu.yield
      }) : () -> ()
      %dma_wait3A_114 = arith.constant 2 : i32
      %dma_wait3A_115 = arith.constant 0 : i32
      %dma_wait3A_116 = arith.constant 0 : i32
      %dma_wait3A_117 = arith.constant 0 : i32
      %dma_wait3A_118 = tpu.memref_slice %arg8[%dma_wait3A_115, %dma_wait3A_116, %dma_wait3A_117] : memref<2x128x128xf32, #tpu.memory_space<vmem>> -> memref<1x128x128xf32, #tpu.memory_space<vmem>>
      %dma_wait3A_119 = tpu.memref_squeeze %dma_wait3A_118 : memref<1x128x128xf32, #tpu.memory_space<vmem>> -> memref<128x128xf32, #tpu.memory_space<vmem>>
      %dma_wait3A_120 = arith.constant 0 : i32
      %dma_wait3A_121 = tpu.memref_slice %arg6[%dma_wait3A_114, %dma_wait3A_120] : memref<8x128xi32, #tpu.memory_space<vmem>> -> memref<1x128xi32, #tpu.memory_space<vmem>>
      %dma_wait3A_122 = tpu.memref_squeeze %dma_wait3A_121 : memref<1x128xi32, #tpu.memory_space<vmem>> -> memref<128xi32, #tpu.memory_space<vmem>>
      %dma_wait3A_123 = arith.constant 0 : i32
      %dma_wait3A_124 = arith.constant 0 : i32
      %dma_wait3A_125 = tpu.memref_slice %arg2[%dma_wait3A_123, %dma_wait3A_124] : memref<10240x128xf32, #tpu.memory_space<hbm>> -> memref<10240x128xf32, #tpu.memory_space<hbm>>
      tpu.wait_indirect_dma semaphore(%arg11 : memref<!tpu.dma_semaphore, #tpu.memory_space<semaphore_mem>>) src(%dma_wait3A_125 : memref<10240x128xf32, #tpu.memory_space<hbm>>) dst(%dma_wait3A_119 : memref<128x128xf32, #tpu.memory_space<vmem>>)
      %dma_start3A_126 = arith.constant 3 : i32
      %dma_start3A_127 = arith.constant 1 : i32
      %dma_start3A_128 = arith.constant 0 : i32
      %dma_start3A_129 = arith.constant 0 : i32
      %dma_start3A_130 = tpu.memref_slice %arg8[%dma_start3A_127, %dma_start3A_128, %dma_start3A_129] : memref<2x128x128xf32, #tpu.memory_space<vmem>> -> memref<1x128x128xf32, #tpu.memory_space<vmem>>
      %dma_start3A_131 = tpu.memref_squeeze %dma_start3A_130 : memref<1x128x128xf32, #tpu.memory_space<vmem>> -> memref<128x128xf32, #tpu.memory_space<vmem>>
      %dma_start3A_132 = arith.constant 0 : i32
      %dma_start3A_133 = tpu.memref_slice %arg6[%dma_start3A_126, %dma_start3A_132] : memref<8x128xi32, #tpu.memory_space<vmem>> -> memref<1x128xi32, #tpu.memory_space<vmem>>
      %dma_start3A_134 = tpu.memref_squeeze %dma_start3A_133 : memref<1x128xi32, #tpu.memory_space<vmem>> -> memref<128xi32, #tpu.memory_space<vmem>>
      %dma_start3A_135 = arith.constant 0 : i32
      %dma_start3A_136 = arith.constant 0 : i32
      %dma_start3A_137 = tpu.memref_slice %arg2[%dma_start3A_135, %dma_start3A_136] : memref<10240x128xf32, #tpu.memory_space<hbm>> -> memref<10240x128xf32, #tpu.memory_space<hbm>>
      tpu.enqueue_indirect_dma source(%dma_start3A_137 : memref<10240x128xf32, #tpu.memory_space<hbm>>) target(%dma_start3A_131 : memref<128x128xf32, #tpu.memory_space<vmem>>) offsets(%dma_start3A_134 : memref<128xi32, #tpu.memory_space<vmem>>) semaphore(%arg11 : memref<!tpu.dma_semaphore, #tpu.memory_space<semaphore_mem>>)
      %run_scoped3A_138 = arith.constant 0 : i32
      %run_scoped3A_139 = arith.constant 2 : i32
      "tpu.region"() ({
        %run_scoped3A_258 = tpu.sem_alloc : memref<!tpu.dma_semaphore, #tpu.memory_space<semaphore_mem>>
        %dma_start3A_259 = arith.constant 0 : i32
        %dma_start3A_260 = arith.constant 0 : i32
        %dma_start3A_261 = tpu.memref_slice %arg8[%run_scoped3A_138, %dma_start3A_259, %dma_start3A_260] : memref<2x128x128xf32, #tpu.memory_space<vmem>> -> memref<1x128x128xf32, #tpu.memory_space<vmem>>
        %dma_start3A_262 = tpu.memref_squeeze %dma_start3A_261 : memref<1x128x128xf32, #tpu.memory_space<vmem>> -> memref<128x128xf32, #tpu.memory_space<vmem>>
        %dma_start3A_263 = arith.constant 0 : i32
        %dma_start3A_264 = tpu.memref_slice %arg7[%run_scoped3A_139, %dma_start3A_263] : memref<8x128xi32, #tpu.memory_space<vmem>> -> memref<1x128xi32, #tpu.memory_space<vmem>>
        %dma_start3A_265 = tpu.memref_squeeze %dma_start3A_264 : memref<1x128xi32, #tpu.memory_space<vmem>> -> memref<128xi32, #tpu.memory_space<vmem>>
        %dma_start3A_266 = arith.constant 0 : i32
        %dma_start3A_267 = arith.constant 0 : i32
        %dma_start3A_268 = tpu.memref_slice %arg9[%dma_start3A_266, %dma_start3A_267] : memref<10240x128xf32, #tpu.memory_space<vmem_shared>> -> memref<10240x128xf32, #tpu.memory_space<vmem_shared>>
        tpu.enqueue_indirect_dma source(%dma_start3A_262 : memref<128x128xf32, #tpu.memory_space<vmem>>) target(%dma_start3A_268 : memref<10240x128xf32, #tpu.memory_space<vmem_shared>>) offsets(%dma_start3A_265 : memref<128xi32, #tpu.memory_space<vmem>>) semaphore(%run_scoped3A_258 : memref<!tpu.dma_semaphore, #tpu.memory_space<semaphore_mem>>) {add = true}
        %dma_wait3A_269 = arith.constant 0 : i32
        %dma_wait3A_270 = arith.constant 0 : i32
        %dma_wait3A_271 = tpu.memref_slice %arg8[%run_scoped3A_138, %dma_wait3A_269, %dma_wait3A_270] : memref<2x128x128xf32, #tpu.memory_space<vmem>> -> memref<1x128x128xf32, #tpu.memory_space<vmem>>
        %dma_wait3A_272 = tpu.memref_squeeze %dma_wait3A_271 : memref<1x128x128xf32, #tpu.memory_space<vmem>> -> memref<128x128xf32, #tpu.memory_space<vmem>>
        %dma_wait3A_273 = arith.constant 0 : i32
        %dma_wait3A_274 = tpu.memref_slice %arg7[%run_scoped3A_139, %dma_wait3A_273] : memref<8x128xi32, #tpu.memory_space<vmem>> -> memref<1x128xi32, #tpu.memory_space<vmem>>
        %dma_wait3A_275 = tpu.memref_squeeze %dma_wait3A_274 : memref<1x128xi32, #tpu.memory_space<vmem>> -> memref<128xi32, #tpu.memory_space<vmem>>
        %dma_wait3A_276 = arith.constant 0 : i32
        %dma_wait3A_277 = arith.constant 0 : i32
        %dma_wait3A_278 = tpu.memref_slice %arg9[%dma_wait3A_276, %dma_wait3A_277] : memref<10240x128xf32, #tpu.memory_space<vmem_shared>> -> memref<10240x128xf32, #tpu.memory_space<vmem_shared>>
        tpu.wait_indirect_dma semaphore(%run_scoped3A_258 : memref<!tpu.dma_semaphore, #tpu.memory_space<semaphore_mem>>) src(%dma_wait3A_272 : memref<128x128xf32, #tpu.memory_space<vmem>>) dst(%dma_wait3A_278 : memref<10240x128xf32, #tpu.memory_space<vmem_shared>>)
        tpu.yield
      }) : () -> ()
      %dma_wait3A_140 = arith.constant 3 : i32
      %dma_wait3A_141 = arith.constant 1 : i32
      %dma_wait3A_142 = arith.constant 0 : i32
      %dma_wait3A_143 = arith.constant 0 : i32
      %dma_wait3A_144 = tpu.memref_slice %arg8[%dma_wait3A_141, %dma_wait3A_142, %dma_wait3A_143] : memref<2x128x128xf32, #tpu.memory_space<vmem>> -> memref<1x128x128xf32, #tpu.memory_space<vmem>>
      %dma_wait3A_145 = tpu.memref_squeeze %dma_wait3A_144 : memref<1x128x128xf32, #tpu.memory_space<vmem>> -> memref<128x128xf32, #tpu.memory_space<vmem>>
      %dma_wait3A_146 = arith.constant 0 : i32
      %dma_wait3A_147 = tpu.memref_slice %arg6[%dma_wait3A_140, %dma_wait3A_146] : memref<8x128xi32, #tpu.memory_space<vmem>> -> memref<1x128xi32, #tpu.memory_space<vmem>>
      %dma_wait3A_148 = tpu.memref_squeeze %dma_wait3A_147 : memref<1x128xi32, #tpu.memory_space<vmem>> -> memref<128xi32, #tpu.memory_space<vmem>>
      %dma_wait3A_149 = arith.constant 0 : i32
      %dma_wait3A_150 = arith.constant 0 : i32
      %dma_wait3A_151 = tpu.memref_slice %arg2[%dma_wait3A_149, %dma_wait3A_150] : memref<10240x128xf32, #tpu.memory_space<hbm>> -> memref<10240x128xf32, #tpu.memory_space<hbm>>
      tpu.wait_indirect_dma semaphore(%arg11 : memref<!tpu.dma_semaphore, #tpu.memory_space<semaphore_mem>>) src(%dma_wait3A_151 : memref<10240x128xf32, #tpu.memory_space<hbm>>) dst(%dma_wait3A_145 : memref<128x128xf32, #tpu.memory_space<vmem>>)
      %dma_start3A_152 = arith.constant 4 : i32
      %dma_start3A_153 = arith.constant 0 : i32
      %dma_start3A_154 = arith.constant 0 : i32
      %dma_start3A_155 = arith.constant 0 : i32
      %dma_start3A_156 = tpu.memref_slice %arg8[%dma_start3A_153, %dma_start3A_154, %dma_start3A_155] : memref<2x128x128xf32, #tpu.memory_space<vmem>> -> memref<1x128x128xf32, #tpu.memory_space<vmem>>
      %dma_start3A_157 = tpu.memref_squeeze %dma_start3A_156 : memref<1x128x128xf32, #tpu.memory_space<vmem>> -> memref<128x128xf32, #tpu.memory_space<vmem>>
      %dma_start3A_158 = arith.constant 0 : i32
      %dma_start3A_159 = tpu.memref_slice %arg6[%dma_start3A_152, %dma_start3A_158] : memref<8x128xi32, #tpu.memory_space<vmem>> -> memref<1x128xi32, #tpu.memory_space<vmem>>
      %dma_start3A_160 = tpu.memref_squeeze %dma_start3A_159 : memref<1x128xi32, #tpu.memory_space<vmem>> -> memref<128xi32, #tpu.memory_space<vmem>>
      %dma_start3A_161 = arith.constant 0 : i32
      %dma_start3A_162 = arith.constant 0 : i32
      %dma_start3A_163 = tpu.memref_slice %arg2[%dma_start3A_161, %dma_start3A_162] : memref<10240x128xf32, #tpu.memory_space<hbm>> -> memref<10240x128xf32, #tpu.memory_space<hbm>>
      tpu.enqueue_indirect_dma source(%dma_start3A_163 : memref<10240x128xf32, #tpu.memory_space<hbm>>) target(%dma_start3A_157 : memref<128x128xf32, #tpu.memory_space<vmem>>) offsets(%dma_start3A_160 : memref<128xi32, #tpu.memory_space<vmem>>) semaphore(%arg11 : memref<!tpu.dma_semaphore, #tpu.memory_space<semaphore_mem>>)
      %run_scoped3A_164 = arith.constant 1 : i32
      %run_scoped3A_165 = arith.constant 3 : i32
      "tpu.region"() ({
        %run_scoped3A_258 = tpu.sem_alloc : memref<!tpu.dma_semaphore, #tpu.memory_space<semaphore_mem>>
        %dma_start3A_259 = arith.constant 0 : i32
        %dma_start3A_260 = arith.constant 0 : i32
        %dma_start3A_261 = tpu.memref_slice %arg8[%run_scoped3A_164, %dma_start3A_259, %dma_start3A_260] : memref<2x128x128xf32, #tpu.memory_space<vmem>> -> memref<1x128x128xf32, #tpu.memory_space<vmem>>
        %dma_start3A_262 = tpu.memref_squeeze %dma_start3A_261 : memref<1x128x128xf32, #tpu.memory_space<vmem>> -> memref<128x128xf32, #tpu.memory_space<vmem>>
        %dma_start3A_263 = arith.constant 0 : i32
        %dma_start3A_264 = tpu.memref_slice %arg7[%run_scoped3A_165, %dma_start3A_263] : memref<8x128xi32, #tpu.memory_space<vmem>> -> memref<1x128xi32, #tpu.memory_space<vmem>>
        %dma_start3A_265 = tpu.memref_squeeze %dma_start3A_264 : memref<1x128xi32, #tpu.memory_space<vmem>> -> memref<128xi32, #tpu.memory_space<vmem>>
        %dma_start3A_266 = arith.constant 0 : i32
        %dma_start3A_267 = arith.constant 0 : i32
        %dma_start3A_268 = tpu.memref_slice %arg9[%dma_start3A_266, %dma_start3A_267] : memref<10240x128xf32, #tpu.memory_space<vmem_shared>> -> memref<10240x128xf32, #tpu.memory_space<vmem_shared>>
        tpu.enqueue_indirect_dma source(%dma_start3A_262 : memref<128x128xf32, #tpu.memory_space<vmem>>) target(%dma_start3A_268 : memref<10240x128xf32, #tpu.memory_space<vmem_shared>>) offsets(%dma_start3A_265 : memref<128xi32, #tpu.memory_space<vmem>>) semaphore(%run_scoped3A_258 : memref<!tpu.dma_semaphore, #tpu.memory_space<semaphore_mem>>) {add = true}
        %dma_wait3A_269 = arith.constant 0 : i32
        %dma_wait3A_270 = arith.constant 0 : i32
        %dma_wait3A_271 = tpu.memref_slice %arg8[%run_scoped3A_164, %dma_wait3A_269, %dma_wait3A_270] : memref<2x128x128xf32, #tpu.memory_space<vmem>> -> memref<1x128x128xf32, #tpu.memory_space<vmem>>
        %dma_wait3A_272 = tpu.memref_squeeze %dma_wait3A_271 : memref<1x128x128xf32, #tpu.memory_space<vmem>> -> memref<128x128xf32, #tpu.memory_space<vmem>>
        %dma_wait3A_273 = arith.constant 0 : i32
        %dma_wait3A_274 = tpu.memref_slice %arg7[%run_scoped3A_165, %dma_wait3A_273] : memref<8x128xi32, #tpu.memory_space<vmem>> -> memref<1x128xi32, #tpu.memory_space<vmem>>
        %dma_wait3A_275 = tpu.memref_squeeze %dma_wait3A_274 : memref<1x128xi32, #tpu.memory_space<vmem>> -> memref<128xi32, #tpu.memory_space<vmem>>
        %dma_wait3A_276 = arith.constant 0 : i32
        %dma_wait3A_277 = arith.constant 0 : i32
        %dma_wait3A_278 = tpu.memref_slice %arg9[%dma_wait3A_276, %dma_wait3A_277] : memref<10240x128xf32, #tpu.memory_space<vmem_shared>> -> memref<10240x128xf32, #tpu.memory_space<vmem_shared>>
        tpu.wait_indirect_dma semaphore(%run_scoped3A_258 : memref<!tpu.dma_semaphore, #tpu.memory_space<semaphore_mem>>) src(%dma_wait3A_272 : memref<128x128xf32, #tpu.memory_space<vmem>>) dst(%dma_wait3A_278 : memref<10240x128xf32, #tpu.memory_space<vmem_shared>>)
        tpu.yield
      }) : () -> ()
      %dma_wait3A_166 = arith.constant 4 : i32
      %dma_wait3A_167 = arith.constant 0 : i32
      %dma_wait3A_168 = arith.constant 0 : i32
      %dma_wait3A_169 = arith.constant 0 : i32
      %dma_wait3A_170 = tpu.memref_slice %arg8[%dma_wait3A_167, %dma_wait3A_168, %dma_wait3A_169] : memref<2x128x128xf32, #tpu.memory_space<vmem>> -> memref<1x128x128xf32, #tpu.memory_space<vmem>>
      %dma_wait3A_171 = tpu.memref_squeeze %dma_wait3A_170 : memref<1x128x128xf32, #tpu.memory_space<vmem>> -> memref<128x128xf32, #tpu.memory_space<vmem>>
      %dma_wait3A_172 = arith.constant 0 : i32
      %dma_wait3A_173 = tpu.memref_slice %arg6[%dma_wait3A_166, %dma_wait3A_172] : memref<8x128xi32, #tpu.memory_space<vmem>> -> memref<1x128xi32, #tpu.memory_space<vmem>>
      %dma_wait3A_174 = tpu.memref_squeeze %dma_wait3A_173 : memref<1x128xi32, #tpu.memory_space<vmem>> -> memref<128xi32, #tpu.memory_space<vmem>>
      %dma_wait3A_175 = arith.constant 0 : i32
      %dma_wait3A_176 = arith.constant 0 : i32
      %dma_wait3A_177 = tpu.memref_slice %arg2[%dma_wait3A_175, %dma_wait3A_176] : memref<10240x128xf32, #tpu.memory_space<hbm>> -> memref<10240x128xf32, #tpu.memory_space<hbm>>
      tpu.wait_indirect_dma semaphore(%arg11 : memref<!tpu.dma_semaphore, #tpu.memory_space<semaphore_mem>>) src(%dma_wait3A_177 : memref<10240x128xf32, #tpu.memory_space<hbm>>) dst(%dma_wait3A_171 : memref<128x128xf32, #tpu.memory_space<vmem>>)
      %dma_start3A_178 = arith.constant 5 : i32
      %dma_start3A_179 = arith.constant 1 : i32
      %dma_start3A_180 = arith.constant 0 : i32
      %dma_start3A_181 = arith.constant 0 : i32
      %dma_start3A_182 = tpu.memref_slice %arg8[%dma_start3A_179, %dma_start3A_180, %dma_start3A_181] : memref<2x128x128xf32, #tpu.memory_space<vmem>> -> memref<1x128x128xf32, #tpu.memory_space<vmem>>
      %dma_start3A_183 = tpu.memref_squeeze %dma_start3A_182 : memref<1x128x128xf32, #tpu.memory_space<vmem>> -> memref<128x128xf32, #tpu.memory_space<vmem>>
      %dma_start3A_184 = arith.constant 0 : i32
      %dma_start3A_185 = tpu.memref_slice %arg6[%dma_start3A_178, %dma_start3A_184] : memref<8x128xi32, #tpu.memory_space<vmem>> -> memref<1x128xi32, #tpu.memory_space<vmem>>
      %dma_start3A_186 = tpu.memref_squeeze %dma_start3A_185 : memref<1x128xi32, #tpu.memory_space<vmem>> -> memref<128xi32, #tpu.memory_space<vmem>>
      %dma_start3A_187 = arith.constant 0 : i32
      %dma_start3A_188 = arith.constant 0 : i32
      %dma_start3A_189 = tpu.memref_slice %arg2[%dma_start3A_187, %dma_start3A_188] : memref<10240x128xf32, #tpu.memory_space<hbm>> -> memref<10240x128xf32, #tpu.memory_space<hbm>>
      tpu.enqueue_indirect_dma source(%dma_start3A_189 : memref<10240x128xf32, #tpu.memory_space<hbm>>) target(%dma_start3A_183 : memref<128x128xf32, #tpu.memory_space<vmem>>) offsets(%dma_start3A_186 : memref<128xi32, #tpu.memory_space<vmem>>) semaphore(%arg11 : memref<!tpu.dma_semaphore, #tpu.memory_space<semaphore_mem>>)
      %run_scoped3A_190 = arith.constant 0 : i32
      %run_scoped3A_191 = arith.constant 4 : i32
      "tpu.region"() ({
        %run_scoped3A_258 = tpu.sem_alloc : memref<!tpu.dma_semaphore, #tpu.memory_space<semaphore_mem>>
        %dma_start3A_259 = arith.constant 0 : i32
        %dma_start3A_260 = arith.constant 0 : i32
        %dma_start3A_261 = tpu.memref_slice %arg8[%run_scoped3A_190, %dma_start3A_259, %dma_start3A_260] : memref<2x128x128xf32, #tpu.memory_space<vmem>> -> memref<1x128x128xf32, #tpu.memory_space<vmem>>
        %dma_start3A_262 = tpu.memref_squeeze %dma_start3A_261 : memref<1x128x128xf32, #tpu.memory_space<vmem>> -> memref<128x128xf32, #tpu.memory_space<vmem>>
        %dma_start3A_263 = arith.constant 0 : i32
        %dma_start3A_264 = tpu.memref_slice %arg7[%run_scoped3A_191, %dma_start3A_263] : memref<8x128xi32, #tpu.memory_space<vmem>> -> memref<1x128xi32, #tpu.memory_space<vmem>>
        %dma_start3A_265 = tpu.memref_squeeze %dma_start3A_264 : memref<1x128xi32, #tpu.memory_space<vmem>> -> memref<128xi32, #tpu.memory_space<vmem>>
        %dma_start3A_266 = arith.constant 0 : i32
        %dma_start3A_267 = arith.constant 0 : i32
        %dma_start3A_268 = tpu.memref_slice %arg9[%dma_start3A_266, %dma_start3A_267] : memref<10240x128xf32, #tpu.memory_space<vmem_shared>> -> memref<10240x128xf32, #tpu.memory_space<vmem_shared>>
        tpu.enqueue_indirect_dma source(%dma_start3A_262 : memref<128x128xf32, #tpu.memory_space<vmem>>) target(%dma_start3A_268 : memref<10240x128xf32, #tpu.memory_space<vmem_shared>>) offsets(%dma_start3A_265 : memref<128xi32, #tpu.memory_space<vmem>>) semaphore(%run_scoped3A_258 : memref<!tpu.dma_semaphore, #tpu.memory_space<semaphore_mem>>) {add = true}
        %dma_wait3A_269 = arith.constant 0 : i32
        %dma_wait3A_270 = arith.constant 0 : i32
        %dma_wait3A_271 = tpu.memref_slice %arg8[%run_scoped3A_190, %dma_wait3A_269, %dma_wait3A_270] : memref<2x128x128xf32, #tpu.memory_space<vmem>> -> memref<1x128x128xf32, #tpu.memory_space<vmem>>
        %dma_wait3A_272 = tpu.memref_squeeze %dma_wait3A_271 : memref<1x128x128xf32, #tpu.memory_space<vmem>> -> memref<128x128xf32, #tpu.memory_space<vmem>>
        %dma_wait3A_273 = arith.constant 0 : i32
        %dma_wait3A_274 = tpu.memref_slice %arg7[%run_scoped3A_191, %dma_wait3A_273] : memref<8x128xi32, #tpu.memory_space<vmem>> -> memref<1x128xi32, #tpu.memory_space<vmem>>
        %dma_wait3A_275 = tpu.memref_squeeze %dma_wait3A_274 : memref<1x128xi32, #tpu.memory_space<vmem>> -> memref<128xi32, #tpu.memory_space<vmem>>
        %dma_wait3A_276 = arith.constant 0 : i32
        %dma_wait3A_277 = arith.constant 0 : i32
        %dma_wait3A_278 = tpu.memref_slice %arg9[%dma_wait3A_276, %dma_wait3A_277] : memref<10240x128xf32, #tpu.memory_space<vmem_shared>> -> memref<10240x128xf32, #tpu.memory_space<vmem_shared>>
        tpu.wait_indirect_dma semaphore(%run_scoped3A_258 : memref<!tpu.dma_semaphore, #tpu.memory_space<semaphore_mem>>) src(%dma_wait3A_272 : memref<128x128xf32, #tpu.memory_space<vmem>>) dst(%dma_wait3A_278 : memref<10240x128xf32, #tpu.memory_space<vmem_shared>>)
        tpu.yield
      }) : () -> ()
      %dma_wait3A_192 = arith.constant 5 : i32
      %dma_wait3A_193 = arith.constant 1 : i32
      %dma_wait3A_194 = arith.constant 0 : i32
      %dma_wait3A_195 = arith.constant 0 : i32
      %dma_wait3A_196 = tpu.memref_slice %arg8[%dma_wait3A_193, %dma_wait3A_194, %dma_wait3A_195] : memref<2x128x128xf32, #tpu.memory_space<vmem>> -> memref<1x128x128xf32, #tpu.memory_space<vmem>>
      %dma_wait3A_197 = tpu.memref_squeeze %dma_wait3A_196 : memref<1x128x128xf32, #tpu.memory_space<vmem>> -> memref<128x128xf32, #tpu.memory_space<vmem>>
      %dma_wait3A_198 = arith.constant 0 : i32
      %dma_wait3A_199 = tpu.memref_slice %arg6[%dma_wait3A_192, %dma_wait3A_198] : memref<8x128xi32, #tpu.memory_space<vmem>> -> memref<1x128xi32, #tpu.memory_space<vmem>>
      %dma_wait3A_200 = tpu.memref_squeeze %dma_wait3A_199 : memref<1x128xi32, #tpu.memory_space<vmem>> -> memref<128xi32, #tpu.memory_space<vmem>>
      %dma_wait3A_201 = arith.constant 0 : i32
      %dma_wait3A_202 = arith.constant 0 : i32
      %dma_wait3A_203 = tpu.memref_slice %arg2[%dma_wait3A_201, %dma_wait3A_202] : memref<10240x128xf32, #tpu.memory_space<hbm>> -> memref<10240x128xf32, #tpu.memory_space<hbm>>
      tpu.wait_indirect_dma semaphore(%arg11 : memref<!tpu.dma_semaphore, #tpu.memory_space<semaphore_mem>>) src(%dma_wait3A_203 : memref<10240x128xf32, #tpu.memory_space<hbm>>) dst(%dma_wait3A_197 : memref<128x128xf32, #tpu.memory_space<vmem>>)
      %dma_start3A_204 = arith.constant 6 : i32
      %dma_start3A_205 = arith.constant 0 : i32
      %dma_start3A_206 = arith.constant 0 : i32
      %dma_start3A_207 = arith.constant 0 : i32
      %dma_start3A_208 = tpu.memref_slice %arg8[%dma_start3A_205, %dma_start3A_206, %dma_start3A_207] : memref<2x128x128xf32, #tpu.memory_space<vmem>> -> memref<1x128x128xf32, #tpu.memory_space<vmem>>
      %dma_start3A_209 = tpu.memref_squeeze %dma_start3A_208 : memref<1x128x128xf32, #tpu.memory_space<vmem>> -> memref<128x128xf32, #tpu.memory_space<vmem>>
      %dma_start3A_210 = arith.constant 0 : i32
      %dma_start3A_211 = tpu.memref_slice %arg6[%dma_start3A_204, %dma_start3A_210] : memref<8x128xi32, #tpu.memory_space<vmem>> -> memref<1x128xi32, #tpu.memory_space<vmem>>
      %dma_start3A_212 = tpu.memref_squeeze %dma_start3A_211 : memref<1x128xi32, #tpu.memory_space<vmem>> -> memref<128xi32, #tpu.memory_space<vmem>>
      %dma_start3A_213 = arith.constant 0 : i32
      %dma_start3A_214 = arith.constant 0 : i32
      %dma_start3A_215 = tpu.memref_slice %arg2[%dma_start3A_213, %dma_start3A_214] : memref<10240x128xf32, #tpu.memory_space<hbm>> -> memref<10240x128xf32, #tpu.memory_space<hbm>>
      tpu.enqueue_indirect_dma source(%dma_start3A_215 : memref<10240x128xf32, #tpu.memory_space<hbm>>) target(%dma_start3A_209 : memref<128x128xf32, #tpu.memory_space<vmem>>) offsets(%dma_start3A_212 : memref<128xi32, #tpu.memory_space<vmem>>) semaphore(%arg11 : memref<!tpu.dma_semaphore, #tpu.memory_space<semaphore_mem>>)
      %run_scoped3A_216 = arith.constant 1 : i32
      %run_scoped3A_217 = arith.constant 5 : i32
      "tpu.region"() ({
        %run_scoped3A_258 = tpu.sem_alloc : memref<!tpu.dma_semaphore, #tpu.memory_space<semaphore_mem>>
        %dma_start3A_259 = arith.constant 0 : i32
        %dma_start3A_260 = arith.constant 0 : i32
        %dma_start3A_261 = tpu.memref_slice %arg8[%run_scoped3A_216, %dma_start3A_259, %dma_start3A_260] : memref<2x128x128xf32, #tpu.memory_space<vmem>> -> memref<1x128x128xf32, #tpu.memory_space<vmem>>
        %dma_start3A_262 = tpu.memref_squeeze %dma_start3A_261 : memref<1x128x128xf32, #tpu.memory_space<vmem>> -> memref<128x128xf32, #tpu.memory_space<vmem>>
        %dma_start3A_263 = arith.constant 0 : i32
        %dma_start3A_264 = tpu.memref_slice %arg7[%run_scoped3A_217, %dma_start3A_263] : memref<8x128xi32, #tpu.memory_space<vmem>> -> memref<1x128xi32, #tpu.memory_space<vmem>>
        %dma_start3A_265 = tpu.memref_squeeze %dma_start3A_264 : memref<1x128xi32, #tpu.memory_space<vmem>> -> memref<128xi32, #tpu.memory_space<vmem>>
        %dma_start3A_266 = arith.constant 0 : i32
        %dma_start3A_267 = arith.constant 0 : i32
        %dma_start3A_268 = tpu.memref_slice %arg9[%dma_start3A_266, %dma_start3A_267] : memref<10240x128xf32, #tpu.memory_space<vmem_shared>> -> memref<10240x128xf32, #tpu.memory_space<vmem_shared>>
        tpu.enqueue_indirect_dma source(%dma_start3A_262 : memref<128x128xf32, #tpu.memory_space<vmem>>) target(%dma_start3A_268 : memref<10240x128xf32, #tpu.memory_space<vmem_shared>>) offsets(%dma_start3A_265 : memref<128xi32, #tpu.memory_space<vmem>>) semaphore(%run_scoped3A_258 : memref<!tpu.dma_semaphore, #tpu.memory_space<semaphore_mem>>) {add = true}
        %dma_wait3A_269 = arith.constant 0 : i32
        %dma_wait3A_270 = arith.constant 0 : i32
        %dma_wait3A_271 = tpu.memref_slice %arg8[%run_scoped3A_216, %dma_wait3A_269, %dma_wait3A_270] : memref<2x128x128xf32, #tpu.memory_space<vmem>> -> memref<1x128x128xf32, #tpu.memory_space<vmem>>
        %dma_wait3A_272 = tpu.memref_squeeze %dma_wait3A_271 : memref<1x128x128xf32, #tpu.memory_space<vmem>> -> memref<128x128xf32, #tpu.memory_space<vmem>>
        %dma_wait3A_273 = arith.constant 0 : i32
        %dma_wait3A_274 = tpu.memref_slice %arg7[%run_scoped3A_217, %dma_wait3A_273] : memref<8x128xi32, #tpu.memory_space<vmem>> -> memref<1x128xi32, #tpu.memory_space<vmem>>
        %dma_wait3A_275 = tpu.memref_squeeze %dma_wait3A_274 : memref<1x128xi32, #tpu.memory_space<vmem>> -> memref<128xi32, #tpu.memory_space<vmem>>
        %dma_wait3A_276 = arith.constant 0 : i32
        %dma_wait3A_277 = arith.constant 0 : i32
        %dma_wait3A_278 = tpu.memref_slice %arg9[%dma_wait3A_276, %dma_wait3A_277] : memref<10240x128xf32, #tpu.memory_space<vmem_shared>> -> memref<10240x128xf32, #tpu.memory_space<vmem_shared>>
        tpu.wait_indirect_dma semaphore(%run_scoped3A_258 : memref<!tpu.dma_semaphore, #tpu.memory_space<semaphore_mem>>) src(%dma_wait3A_272 : memref<128x128xf32, #tpu.memory_space<vmem>>) dst(%dma_wait3A_278 : memref<10240x128xf32, #tpu.memory_space<vmem_shared>>)
        tpu.yield
      }) : () -> ()
      %dma_wait3A_218 = arith.constant 6 : i32
      %dma_wait3A_219 = arith.constant 0 : i32
      %dma_wait3A_220 = arith.constant 0 : i32
      %dma_wait3A_221 = arith.constant 0 : i32
      %dma_wait3A_222 = tpu.memref_slice %arg8[%dma_wait3A_219, %dma_wait3A_220, %dma_wait3A_221] : memref<2x128x128xf32, #tpu.memory_space<vmem>> -> memref<1x128x128xf32, #tpu.memory_space<vmem>>
      %dma_wait3A_223 = tpu.memref_squeeze %dma_wait3A_222 : memref<1x128x128xf32, #tpu.memory_space<vmem>> -> memref<128x128xf32, #tpu.memory_space<vmem>>
      %dma_wait3A_224 = arith.constant 0 : i32
      %dma_wait3A_225 = tpu.memref_slice %arg6[%dma_wait3A_218, %dma_wait3A_224] : memref<8x128xi32, #tpu.memory_space<vmem>> -> memref<1x128xi32, #tpu.memory_space<vmem>>
      %dma_wait3A_226 = tpu.memref_squeeze %dma_wait3A_225 : memref<1x128xi32, #tpu.memory_space<vmem>> -> memref<128xi32, #tpu.memory_space<vmem>>
      %dma_wait3A_227 = arith.constant 0 : i32
      %dma_wait3A_228 = arith.constant 0 : i32
      %dma_wait3A_229 = tpu.memref_slice %arg2[%dma_wait3A_227, %dma_wait3A_228] : memref<10240x128xf32, #tpu.memory_space<hbm>> -> memref<10240x128xf32, #tpu.memory_space<hbm>>
      tpu.wait_indirect_dma semaphore(%arg11 : memref<!tpu.dma_semaphore, #tpu.memory_space<semaphore_mem>>) src(%dma_wait3A_229 : memref<10240x128xf32, #tpu.memory_space<hbm>>) dst(%dma_wait3A_223 : memref<128x128xf32, #tpu.memory_space<vmem>>)
      %dma_start3A_230 = arith.constant 7 : i32
      %dma_start3A_231 = arith.constant 1 : i32
      %dma_start3A_232 = arith.constant 0 : i32
      %dma_start3A_233 = arith.constant 0 : i32
      %dma_start3A_234 = tpu.memref_slice %arg8[%dma_start3A_231, %dma_start3A_232, %dma_start3A_233] : memref<2x128x128xf32, #tpu.memory_space<vmem>> -> memref<1x128x128xf32, #tpu.memory_space<vmem>>
      %dma_start3A_235 = tpu.memref_squeeze %dma_start3A_234 : memref<1x128x128xf32, #tpu.memory_space<vmem>> -> memref<128x128xf32, #tpu.memory_space<vmem>>
      %dma_start3A_236 = arith.constant 0 : i32
      %dma_start3A_237 = tpu.memref_slice %arg6[%dma_start3A_230, %dma_start3A_236] : memref<8x128xi32, #tpu.memory_space<vmem>> -> memref<1x128xi32, #tpu.memory_space<vmem>>
      %dma_start3A_238 = tpu.memref_squeeze %dma_start3A_237 : memref<1x128xi32, #tpu.memory_space<vmem>> -> memref<128xi32, #tpu.memory_space<vmem>>
      %dma_start3A_239 = arith.constant 0 : i32
      %dma_start3A_240 = arith.constant 0 : i32
      %dma_start3A_241 = tpu.memref_slice %arg2[%dma_start3A_239, %dma_start3A_240] : memref<10240x128xf32, #tpu.memory_space<hbm>> -> memref<10240x128xf32, #tpu.memory_space<hbm>>
      tpu.enqueue_indirect_dma source(%dma_start3A_241 : memref<10240x128xf32, #tpu.memory_space<hbm>>) target(%dma_start3A_235 : memref<128x128xf32, #tpu.memory_space<vmem>>) offsets(%dma_start3A_238 : memref<128xi32, #tpu.memory_space<vmem>>) semaphore(%arg11 : memref<!tpu.dma_semaphore, #tpu.memory_space<semaphore_mem>>)
      %run_scoped3A_242 = arith.constant 0 : i32
      %run_scoped3A_243 = arith.constant 6 : i32
      "tpu.region"() ({
        %run_scoped3A_258 = tpu.sem_alloc : memref<!tpu.dma_semaphore, #tpu.memory_space<semaphore_mem>>
        %dma_start3A_259 = arith.constant 0 : i32
        %dma_start3A_260 = arith.constant 0 : i32
        %dma_start3A_261 = tpu.memref_slice %arg8[%run_scoped3A_242, %dma_start3A_259, %dma_start3A_260] : memref<2x128x128xf32, #tpu.memory_space<vmem>> -> memref<1x128x128xf32, #tpu.memory_space<vmem>>
        %dma_start3A_262 = tpu.memref_squeeze %dma_start3A_261 : memref<1x128x128xf32, #tpu.memory_space<vmem>> -> memref<128x128xf32, #tpu.memory_space<vmem>>
        %dma_start3A_263 = arith.constant 0 : i32
        %dma_start3A_264 = tpu.memref_slice %arg7[%run_scoped3A_243, %dma_start3A_263] : memref<8x128xi32, #tpu.memory_space<vmem>> -> memref<1x128xi32, #tpu.memory_space<vmem>>
        %dma_start3A_265 = tpu.memref_squeeze %dma_start3A_264 : memref<1x128xi32, #tpu.memory_space<vmem>> -> memref<128xi32, #tpu.memory_space<vmem>>
        %dma_start3A_266 = arith.constant 0 : i32
        %dma_start3A_267 = arith.constant 0 : i32
        %dma_start3A_268 = tpu.memref_slice %arg9[%dma_start3A_266, %dma_start3A_267] : memref<10240x128xf32, #tpu.memory_space<vmem_shared>> -> memref<10240x128xf32, #tpu.memory_space<vmem_shared>>
        tpu.enqueue_indirect_dma source(%dma_start3A_262 : memref<128x128xf32, #tpu.memory_space<vmem>>) target(%dma_start3A_268 : memref<10240x128xf32, #tpu.memory_space<vmem_shared>>) offsets(%dma_start3A_265 : memref<128xi32, #tpu.memory_space<vmem>>) semaphore(%run_scoped3A_258 : memref<!tpu.dma_semaphore, #tpu.memory_space<semaphore_mem>>) {add = true}
        %dma_wait3A_269 = arith.constant 0 : i32
        %dma_wait3A_270 = arith.constant 0 : i32
        %dma_wait3A_271 = tpu.memref_slice %arg8[%run_scoped3A_242, %dma_wait3A_269, %dma_wait3A_270] : memref<2x128x128xf32, #tpu.memory_space<vmem>> -> memref<1x128x128xf32, #tpu.memory_space<vmem>>
        %dma_wait3A_272 = tpu.memref_squeeze %dma_wait3A_271 : memref<1x128x128xf32, #tpu.memory_space<vmem>> -> memref<128x128xf32, #tpu.memory_space<vmem>>
        %dma_wait3A_273 = arith.constant 0 : i32
        %dma_wait3A_274 = tpu.memref_slice %arg7[%run_scoped3A_243, %dma_wait3A_273] : memref<8x128xi32, #tpu.memory_space<vmem>> -> memref<1x128xi32, #tpu.memory_space<vmem>>
        %dma_wait3A_275 = tpu.memref_squeeze %dma_wait3A_274 : memref<1x128xi32, #tpu.memory_space<vmem>> -> memref<128xi32, #tpu.memory_space<vmem>>
        %dma_wait3A_276 = arith.constant 0 : i32
        %dma_wait3A_277 = arith.constant 0 : i32
        %dma_wait3A_278 = tpu.memref_slice %arg9[%dma_wait3A_276, %dma_wait3A_277] : memref<10240x128xf32, #tpu.memory_space<vmem_shared>> -> memref<10240x128xf32, #tpu.memory_space<vmem_shared>>
        tpu.wait_indirect_dma semaphore(%run_scoped3A_258 : memref<!tpu.dma_semaphore, #tpu.memory_space<semaphore_mem>>) src(%dma_wait3A_272 : memref<128x128xf32, #tpu.memory_space<vmem>>) dst(%dma_wait3A_278 : memref<10240x128xf32, #tpu.memory_space<vmem_shared>>)
        tpu.yield
      }) : () -> ()
      %dma_wait3A_244 = arith.constant 7 : i32
      %dma_wait3A_245 = arith.constant 1 : i32
      %dma_wait3A_246 = arith.constant 0 : i32
      %dma_wait3A_247 = arith.constant 0 : i32
      %dma_wait3A_248 = tpu.memref_slice %arg8[%dma_wait3A_245, %dma_wait3A_246, %dma_wait3A_247] : memref<2x128x128xf32, #tpu.memory_space<vmem>> -> memref<1x128x128xf32, #tpu.memory_space<vmem>>
      %dma_wait3A_249 = tpu.memref_squeeze %dma_wait3A_248 : memref<1x128x128xf32, #tpu.memory_space<vmem>> -> memref<128x128xf32, #tpu.memory_space<vmem>>
      %dma_wait3A_250 = arith.constant 0 : i32
      %dma_wait3A_251 = tpu.memref_slice %arg6[%dma_wait3A_244, %dma_wait3A_250] : memref<8x128xi32, #tpu.memory_space<vmem>> -> memref<1x128xi32, #tpu.memory_space<vmem>>
      %dma_wait3A_252 = tpu.memref_squeeze %dma_wait3A_251 : memref<1x128xi32, #tpu.memory_space<vmem>> -> memref<128xi32, #tpu.memory_space<vmem>>
      %dma_wait3A_253 = arith.constant 0 : i32
      %dma_wait3A_254 = arith.constant 0 : i32
      %dma_wait3A_255 = tpu.memref_slice %arg2[%dma_wait3A_253, %dma_wait3A_254] : memref<10240x128xf32, #tpu.memory_space<hbm>> -> memref<10240x128xf32, #tpu.memory_space<hbm>>
      tpu.wait_indirect_dma semaphore(%arg11 : memref<!tpu.dma_semaphore, #tpu.memory_space<semaphore_mem>>) src(%dma_wait3A_255 : memref<10240x128xf32, #tpu.memory_space<hbm>>) dst(%dma_wait3A_249 : memref<128x128xf32, #tpu.memory_space<vmem>>)
      %run_scoped3A_256 = arith.constant 1 : i32
      %run_scoped3A_257 = arith.constant 7 : i32
      "tpu.region"() ({
        %run_scoped3A_258 = tpu.sem_alloc : memref<!tpu.dma_semaphore, #tpu.memory_space<semaphore_mem>>
        %dma_start3A_259 = arith.constant 0 : i32
        %dma_start3A_260 = arith.constant 0 : i32
        %dma_start3A_261 = tpu.memref_slice %arg8[%run_scoped3A_256, %dma_start3A_259, %dma_start3A_260] : memref<2x128x128xf32, #tpu.memory_space<vmem>> -> memref<1x128x128xf32, #tpu.memory_space<vmem>>
        %dma_start3A_262 = tpu.memref_squeeze %dma_start3A_261 : memref<1x128x128xf32, #tpu.memory_space<vmem>> -> memref<128x128xf32, #tpu.memory_space<vmem>>
        %dma_start3A_263 = arith.constant 0 : i32
        %dma_start3A_264 = tpu.memref_slice %arg7[%run_scoped3A_257, %dma_start3A_263] : memref<8x128xi32, #tpu.memory_space<vmem>> -> memref<1x128xi32, #tpu.memory_space<vmem>>
        %dma_start3A_265 = tpu.memref_squeeze %dma_start3A_264 : memref<1x128xi32, #tpu.memory_space<vmem>> -> memref<128xi32, #tpu.memory_space<vmem>>
        %dma_start3A_266 = arith.constant 0 : i32
        %dma_start3A_267 = arith.constant 0 : i32
        %dma_start3A_268 = tpu.memref_slice %arg9[%dma_start3A_266, %dma_start3A_267] : memref<10240x128xf32, #tpu.memory_space<vmem_shared>> -> memref<10240x128xf32, #tpu.memory_space<vmem_shared>>
        tpu.enqueue_indirect_dma source(%dma_start3A_262 : memref<128x128xf32, #tpu.memory_space<vmem>>) target(%dma_start3A_268 : memref<10240x128xf32, #tpu.memory_space<vmem_shared>>) offsets(%dma_start3A_265 : memref<128xi32, #tpu.memory_space<vmem>>) semaphore(%run_scoped3A_258 : memref<!tpu.dma_semaphore, #tpu.memory_space<semaphore_mem>>) {add = true}
        %dma_wait3A_269 = arith.constant 0 : i32
        %dma_wait3A_270 = arith.constant 0 : i32
        %dma_wait3A_271 = tpu.memref_slice %arg8[%run_scoped3A_256, %dma_wait3A_269, %dma_wait3A_270] : memref<2x128x128xf32, #tpu.memory_space<vmem>> -> memref<1x128x128xf32, #tpu.memory_space<vmem>>
        %dma_wait3A_272 = tpu.memref_squeeze %dma_wait3A_271 : memref<1x128x128xf32, #tpu.memory_space<vmem>> -> memref<128x128xf32, #tpu.memory_space<vmem>>
        %dma_wait3A_273 = arith.constant 0 : i32
        %dma_wait3A_274 = tpu.memref_slice %arg7[%run_scoped3A_257, %dma_wait3A_273] : memref<8x128xi32, #tpu.memory_space<vmem>> -> memref<1x128xi32, #tpu.memory_space<vmem>>
        %dma_wait3A_275 = tpu.memref_squeeze %dma_wait3A_274 : memref<1x128xi32, #tpu.memory_space<vmem>> -> memref<128xi32, #tpu.memory_space<vmem>>
        %dma_wait3A_276 = arith.constant 0 : i32
        %dma_wait3A_277 = arith.constant 0 : i32
        %dma_wait3A_278 = tpu.memref_slice %arg9[%dma_wait3A_276, %dma_wait3A_277] : memref<10240x128xf32, #tpu.memory_space<vmem_shared>> -> memref<10240x128xf32, #tpu.memory_space<vmem_shared>>
        tpu.wait_indirect_dma semaphore(%run_scoped3A_258 : memref<!tpu.dma_semaphore, #tpu.memory_space<semaphore_mem>>) src(%dma_wait3A_272 : memref<128x128xf32, #tpu.memory_space<vmem>>) dst(%dma_wait3A_278 : memref<10240x128xf32, #tpu.memory_space<vmem_shared>>)
        tpu.yield
      }) : () -> ()
    }
    %barrier3A_45 = arith.constant 0 : index
    tpu.barrier barrier_id(%barrier3A_45)
    %mul3A_46 = arith.constant 640 : i32
    %mul3A_47 = arith.muli %arg1, %mul3A_46 : i32
    %mul3A_48 = arith.constant 640 : i32
    %mul3A_49 = arith.muli %arg1, %mul3A_48 : i32
    "tpu.region"() ({
      %run_scoped3A_50 = tpu.sem_alloc : memref<!tpu.dma_semaphore, #tpu.memory_space<semaphore_mem>>
      %dma_start3A = arith.constant 0 : i32
      %dma_start3A_51 = tpu.memref_slice %arg5[%arg0, %mul3A_49, %dma_start3A] : memref<2x10240x128xf32, #tpu.memory_space<hbm>> -> memref<1x640x128xf32, #tpu.memory_space<hbm>>
      %dma_start3A_52 = tpu.memref_squeeze %dma_start3A_51 : memref<1x640x128xf32, #tpu.memory_space<hbm>> -> memref<640x128xf32, #tpu.memory_space<hbm>>
      %dma_start3A_53 = arith.constant 0 : i32
      %dma_start3A_54 = tpu.memref_slice %arg9[%mul3A_47, %dma_start3A_53] : memref<10240x128xf32, #tpu.memory_space<vmem_shared>> -> memref<640x128xf32, #tpu.memory_space<vmem_shared>>
      tpu.enqueue_dma source(%dma_start3A_54 : memref<640x128xf32, #tpu.memory_space<vmem_shared>>) target(%dma_start3A_52 : memref<640x128xf32, #tpu.memory_space<hbm>>) target_semaphore(%run_scoped3A_50 : memref<!tpu.dma_semaphore, #tpu.memory_space<semaphore_mem>>)
      %dma_wait3A = arith.constant 0 : i32
      %dma_wait3A_55 = tpu.memref_slice %arg5[%arg0, %mul3A_49, %dma_wait3A] : memref<2x10240x128xf32, #tpu.memory_space<hbm>> -> memref<1x640x128xf32, #tpu.memory_space<hbm>>
      %dma_wait3A_56 = tpu.memref_squeeze %dma_wait3A_55 : memref<1x640x128xf32, #tpu.memory_space<hbm>> -> memref<640x128xf32, #tpu.memory_space<hbm>>
      %dma_wait3A_57 = arith.constant 0 : i32
      %dma_wait3A_58 = tpu.memref_slice %arg9[%mul3A_47, %dma_wait3A_57] : memref<10240x128xf32, #tpu.memory_space<vmem_shared>> -> memref<640x128xf32, #tpu.memory_space<vmem_shared>>
      tpu.wait_dma2 semaphore(%run_scoped3A_50 : memref<!tpu.dma_semaphore, #tpu.memory_space<semaphore_mem>>) src(%dma_wait3A_58 : memref<640x128xf32, #tpu.memory_space<vmem_shared>>) dst(%dma_wait3A_56 : memref<640x128xf32, #tpu.memory_space<hbm>>)
      tpu.yield
    }) : () -> ()
    return
  }
}

#map = affine_map<(d0, d1) -> (0, 0)>
#map1 = affine_map<(d0, d1) -> (0)>
module attributes {stable_mosaic.version = 14 : i64} {
  func.func @_count_body(%arg0: i32, %arg1: i32, %arg2: memref<2560x128xi32, #tpu.memory_space<hbm>>, %arg3: memref<2560x128xi32, #tpu.memory_space<hbm>>, %arg4: memref<20480xf32, #tpu.memory_space<hbm>>, %arg5: memref<20480xf32, #tpu.memory_space<hbm>>, %arg6: memref<80x128xi32, #tpu.memory_space<vmem>>, %arg7: memref<80x128xi32, #tpu.memory_space<vmem>>, %arg8: memref<128xf32, #tpu.memory_space<vmem>>, %arg9: memref<640xf32, #tpu.memory_space<vmem>>, %arg10: memref<10240xf32, #tpu.memory_space<vmem_shared>>, %arg11: memref<10240xf32, #tpu.memory_space<vmem_shared>>) attributes {dimension_semantics = [#tpu.dimension_semantics<core_parallel>, #tpu.dimension_semantics<subcore_parallel>], iteration_bounds = array<i64: 2, 16>, scalar_prefetch = 0 : i64, scratch_operands = 6 : i64, tpu.core_type = #tpu.core_type<sc_vector_subcore>, window_params = [{transform_indices = #map}, {transform_indices = #map}, {transform_indices = #map1}, {transform_indices = #map1}]} {
    %mul3A = arith.constant 2 : i32
    %mul3A_0 = arith.muli %arg1, %mul3A : i32
    %add3A = arith.addi %mul3A_0, %arg0 : i32
    %scan3A = arith.constant 0 : i32
    %scan3A_1 = arith.constant 40 : i32
    %scan3A_2 = arith.addi %scan3A, %scan3A_1 : i32
    %scan3A_3 = arith.constant 1 : i32
    scf.for %scan3A_79 = %scan3A to %scan3A_2 step %scan3A_3  : i32 {
      %broadcast_in_dim3A_80 = arith.constant 0.000000e+00 : f32
      %broadcast_in_dim3A_81 = vector.broadcast %broadcast_in_dim3A_80 : f32 to vector<16xf32>
      %mul3A_82 = arith.constant 16 : i32
      %mul3A_83 = arith.muli %scan3A_79, %mul3A_82 : i32
      %swap3A_84 = arith.index_cast %mul3A_83 : i32 to index
      %swap3A_85 = tpu.vector_load %arg9[%swap3A_84] {strides = array<i32>} : memref<640xf32, #tpu.memory_space<vmem>>, vector<16xf32>,
      %swap3A_86 = vector.shape_cast %swap3A_85 : vector<16xf32> to vector<16xf32>
      %swap3A_87 = vector.shape_cast %broadcast_in_dim3A_81 : vector<16xf32> to vector<16xf32>
      tpu.vector_store %arg9[%swap3A_84], %swap3A_87 {strides = array<i32>} : memref<640xf32, #tpu.memory_space<vmem>>, vector<16xf32>,
    }
    %scan3A_4 = arith.constant 40 : i32
    %broadcast_in_dim3A = arith.constant 1.000000e+00 : f32
    %broadcast_in_dim3A_5 = vector.broadcast %broadcast_in_dim3A : f32 to vector<16xf32>
    %swap3A = arith.constant 0 : index
    %swap3A_6 = tpu.vector_load %arg8[%swap3A] {strides = array<i32>} : memref<128xf32, #tpu.memory_space<vmem>>, vector<16xf32>,
    %swap3A_7 = vector.shape_cast %swap3A_6 : vector<16xf32> to vector<16xf32>
    %swap3A_8 = vector.shape_cast %broadcast_in_dim3A_5 : vector<16xf32> to vector<16xf32>
    tpu.vector_store %arg8[%swap3A], %swap3A_8 {strides = array<i32>} : memref<128xf32, #tpu.memory_space<vmem>>, vector<16xf32>,
    %broadcast_in_dim3A_9 = arith.constant 1.000000e+00 : f32
    %broadcast_in_dim3A_10 = vector.broadcast %broadcast_in_dim3A_9 : f32 to vector<16xf32>
    %swap3A_11 = arith.constant 16 : index
    %swap3A_12 = tpu.vector_load %arg8[%swap3A_11] {strides = array<i32>} : memref<128xf32, #tpu.memory_space<vmem>>, vector<16xf32>,
    %swap3A_13 = vector.shape_cast %swap3A_12 : vector<16xf32> to vector<16xf32>
    %swap3A_14 = vector.shape_cast %broadcast_in_dim3A_10 : vector<16xf32> to vector<16xf32>
    tpu.vector_store %arg8[%swap3A_11], %swap3A_14 {strides = array<i32>} : memref<128xf32, #tpu.memory_space<vmem>>, vector<16xf32>,
    %broadcast_in_dim3A_15 = arith.constant 1.000000e+00 : f32
    %broadcast_in_dim3A_16 = vector.broadcast %broadcast_in_dim3A_15 : f32 to vector<16xf32>
    %swap3A_17 = arith.constant 32 : index
    %swap3A_18 = tpu.vector_load %arg8[%swap3A_17] {strides = array<i32>} : memref<128xf32, #tpu.memory_space<vmem>>, vector<16xf32>,
    %swap3A_19 = vector.shape_cast %swap3A_18 : vector<16xf32> to vector<16xf32>
    %swap3A_20 = vector.shape_cast %broadcast_in_dim3A_16 : vector<16xf32> to vector<16xf32>
    tpu.vector_store %arg8[%swap3A_17], %swap3A_20 {strides = array<i32>} : memref<128xf32, #tpu.memory_space<vmem>>, vector<16xf32>,
    %broadcast_in_dim3A_21 = arith.constant 1.000000e+00 : f32
    %broadcast_in_dim3A_22 = vector.broadcast %broadcast_in_dim3A_21 : f32 to vector<16xf32>
    %swap3A_23 = arith.constant 48 : index
    %swap3A_24 = tpu.vector_load %arg8[%swap3A_23] {strides = array<i32>} : memref<128xf32, #tpu.memory_space<vmem>>, vector<16xf32>,
    %swap3A_25 = vector.shape_cast %swap3A_24 : vector<16xf32> to vector<16xf32>
    %swap3A_26 = vector.shape_cast %broadcast_in_dim3A_22 : vector<16xf32> to vector<16xf32>
    tpu.vector_store %arg8[%swap3A_23], %swap3A_26 {strides = array<i32>} : memref<128xf32, #tpu.memory_space<vmem>>, vector<16xf32>,
    %broadcast_in_dim3A_27 = arith.constant 1.000000e+00 : f32
    %broadcast_in_dim3A_28 = vector.broadcast %broadcast_in_dim3A_27 : f32 to vector<16xf32>
    %swap3A_29 = arith.constant 64 : index
    %swap3A_30 = tpu.vector_load %arg8[%swap3A_29] {strides = array<i32>} : memref<128xf32, #tpu.memory_space<vmem>>, vector<16xf32>,
    %swap3A_31 = vector.shape_cast %swap3A_30 : vector<16xf32> to vector<16xf32>
    %swap3A_32 = vector.shape_cast %broadcast_in_dim3A_28 : vector<16xf32> to vector<16xf32>
    tpu.vector_store %arg8[%swap3A_29], %swap3A_32 {strides = array<i32>} : memref<128xf32, #tpu.memory_space<vmem>>, vector<16xf32>,
    %broadcast_in_dim3A_33 = arith.constant 1.000000e+00 : f32
    %broadcast_in_dim3A_34 = vector.broadcast %broadcast_in_dim3A_33 : f32 to vector<16xf32>
    %swap3A_35 = arith.constant 80 : index
    %swap3A_36 = tpu.vector_load %arg8[%swap3A_35] {strides = array<i32>} : memref<128xf32, #tpu.memory_space<vmem>>, vector<16xf32>,
    %swap3A_37 = vector.shape_cast %swap3A_36 : vector<16xf32> to vector<16xf32>
    %swap3A_38 = vector.shape_cast %broadcast_in_dim3A_34 : vector<16xf32> to vector<16xf32>
    tpu.vector_store %arg8[%swap3A_35], %swap3A_38 {strides = array<i32>} : memref<128xf32, #tpu.memory_space<vmem>>, vector<16xf32>,
    %broadcast_in_dim3A_39 = arith.constant 1.000000e+00 : f32
    %broadcast_in_dim3A_40 = vector.broadcast %broadcast_in_dim3A_39 : f32 to vector<16xf32>
    %swap3A_41 = arith.constant 96 : index
    %swap3A_42 = tpu.vector_load %arg8[%swap3A_41] {strides = array<i32>} : memref<128xf32, #tpu.memory_space<vmem>>, vector<16xf32>,
    %swap3A_43 = vector.shape_cast %swap3A_42 : vector<16xf32> to vector<16xf32>
    %swap3A_44 = vector.shape_cast %broadcast_in_dim3A_40 : vector<16xf32> to vector<16xf32>
    tpu.vector_store %arg8[%swap3A_41], %swap3A_44 {strides = array<i32>} : memref<128xf32, #tpu.memory_space<vmem>>, vector<16xf32>,
    %broadcast_in_dim3A_45 = arith.constant 1.000000e+00 : f32
    %broadcast_in_dim3A_46 = vector.broadcast %broadcast_in_dim3A_45 : f32 to vector<16xf32>
    %swap3A_47 = arith.constant 112 : index
    %swap3A_48 = tpu.vector_load %arg8[%swap3A_47] {strides = array<i32>} : memref<128xf32, #tpu.memory_space<vmem>>, vector<16xf32>,
    %swap3A_49 = vector.shape_cast %swap3A_48 : vector<16xf32> to vector<16xf32>
    %swap3A_50 = vector.shape_cast %broadcast_in_dim3A_46 : vector<16xf32> to vector<16xf32>
    tpu.vector_store %arg8[%swap3A_47], %swap3A_50 {strides = array<i32>} : memref<128xf32, #tpu.memory_space<vmem>>, vector<16xf32>,
    %mul3A_51 = arith.constant 640 : i32
    %mul3A_52 = arith.muli %arg1, %mul3A_51 : i32
    "tpu.region"() ({
      %run_scoped3A = tpu.sem_alloc : memref<!tpu.dma_semaphore, #tpu.memory_space<semaphore_mem>>
      %dma_start3A = tpu.memref_slice %arg10[%mul3A_52] : memref<10240xf32, #tpu.memory_space<vmem_shared>> -> memref<640xf32, #tpu.memory_space<vmem_shared>>
      %dma_start3A_79 = tpu.memref_slice %arg10[%mul3A_52] : memref<10240xf32, #tpu.memory_space<vmem_shared>> -> memref<640xf32, #tpu.memory_space<vmem_shared>>
      tpu.enqueue_dma source(%arg9 : memref<640xf32, #tpu.memory_space<vmem>>) target(%dma_start3A_79 : memref<640xf32, #tpu.memory_space<vmem_shared>>) target_semaphore(%run_scoped3A : memref<!tpu.dma_semaphore, #tpu.memory_space<semaphore_mem>>)
      %dma_wait3A = tpu.memref_slice %arg10[%mul3A_52] : memref<10240xf32, #tpu.memory_space<vmem_shared>> -> memref<640xf32, #tpu.memory_space<vmem_shared>>
      %dma_wait3A_80 = tpu.memref_slice %arg10[%mul3A_52] : memref<10240xf32, #tpu.memory_space<vmem_shared>> -> memref<640xf32, #tpu.memory_space<vmem_shared>>
      tpu.wait_dma2 semaphore(%run_scoped3A : memref<!tpu.dma_semaphore, #tpu.memory_space<semaphore_mem>>) src(%arg9 : memref<640xf32, #tpu.memory_space<vmem>>) dst(%dma_wait3A_80 : memref<640xf32, #tpu.memory_space<vmem_shared>>)
      tpu.yield
    }) : () -> ()
    %mul3A_53 = arith.constant 640 : i32
    %mul3A_54 = arith.muli %arg1, %mul3A_53 : i32
    "tpu.region"() ({
      %run_scoped3A = tpu.sem_alloc : memref<!tpu.dma_semaphore, #tpu.memory_space<semaphore_mem>>
      %dma_start3A = tpu.memref_slice %arg11[%mul3A_54] : memref<10240xf32, #tpu.memory_space<vmem_shared>> -> memref<640xf32, #tpu.memory_space<vmem_shared>>
      %dma_start3A_79 = tpu.memref_slice %arg11[%mul3A_54] : memref<10240xf32, #tpu.memory_space<vmem_shared>> -> memref<640xf32, #tpu.memory_space<vmem_shared>>
      tpu.enqueue_dma source(%arg9 : memref<640xf32, #tpu.memory_space<vmem>>) target(%dma_start3A_79 : memref<640xf32, #tpu.memory_space<vmem_shared>>) target_semaphore(%run_scoped3A : memref<!tpu.dma_semaphore, #tpu.memory_space<semaphore_mem>>)
      %dma_wait3A = tpu.memref_slice %arg11[%mul3A_54] : memref<10240xf32, #tpu.memory_space<vmem_shared>> -> memref<640xf32, #tpu.memory_space<vmem_shared>>
      %dma_wait3A_80 = tpu.memref_slice %arg11[%mul3A_54] : memref<10240xf32, #tpu.memory_space<vmem_shared>> -> memref<640xf32, #tpu.memory_space<vmem_shared>>
      tpu.wait_dma2 semaphore(%run_scoped3A : memref<!tpu.dma_semaphore, #tpu.memory_space<semaphore_mem>>) src(%arg9 : memref<640xf32, #tpu.memory_space<vmem>>) dst(%dma_wait3A_80 : memref<640xf32, #tpu.memory_space<vmem_shared>>)
      tpu.yield
    }) : () -> ()
    %barrier3A = arith.constant 0 : index
    tpu.barrier barrier_id(%barrier3A)
    %mul3A_55 = arith.constant 80 : i32
    %mul3A_56 = arith.muli %add3A, %mul3A_55 : i32
    "tpu.region"() ({
      %run_scoped3A = tpu.sem_alloc : memref<!tpu.dma_semaphore, #tpu.memory_space<semaphore_mem>>
      %dma_start3A = arith.constant 0 : i32
      %dma_start3A_79 = tpu.memref_slice %arg2[%mul3A_56, %dma_start3A] : memref<2560x128xi32, #tpu.memory_space<hbm>> -> memref<80x128xi32, #tpu.memory_space<hbm>>
      %dma_start3A_80 = arith.constant 0 : i32
      %dma_start3A_81 = tpu.memref_slice %arg2[%mul3A_56, %dma_start3A_80] : memref<2560x128xi32, #tpu.memory_space<hbm>> -> memref<80x128xi32, #tpu.memory_space<hbm>>
      tpu.enqueue_dma source(%dma_start3A_81 : memref<80x128xi32, #tpu.memory_space<hbm>>) target(%arg6 : memref<80x128xi32, #tpu.memory_space<vmem>>) target_semaphore(%run_scoped3A : memref<!tpu.dma_semaphore, #tpu.memory_space<semaphore_mem>>)
      %dma_wait3A = arith.constant 0 : i32
      %dma_wait3A_82 = tpu.memref_slice %arg2[%mul3A_56, %dma_wait3A] : memref<2560x128xi32, #tpu.memory_space<hbm>> -> memref<80x128xi32, #tpu.memory_space<hbm>>
      %dma_wait3A_83 = arith.constant 0 : i32
      %dma_wait3A_84 = tpu.memref_slice %arg2[%mul3A_56, %dma_wait3A_83] : memref<2560x128xi32, #tpu.memory_space<hbm>> -> memref<80x128xi32, #tpu.memory_space<hbm>>
      tpu.wait_dma2 semaphore(%run_scoped3A : memref<!tpu.dma_semaphore, #tpu.memory_space<semaphore_mem>>) src(%dma_wait3A_84 : memref<80x128xi32, #tpu.memory_space<hbm>>) dst(%arg6 : memref<80x128xi32, #tpu.memory_space<vmem>>)
      tpu.yield
    }) : () -> ()
    %mul3A_57 = arith.constant 80 : i32
    %mul3A_58 = arith.muli %add3A, %mul3A_57 : i32
    "tpu.region"() ({
      %run_scoped3A = tpu.sem_alloc : memref<!tpu.dma_semaphore, #tpu.memory_space<semaphore_mem>>
      %dma_start3A = arith.constant 0 : i32
      %dma_start3A_79 = tpu.memref_slice %arg3[%mul3A_58, %dma_start3A] : memref<2560x128xi32, #tpu.memory_space<hbm>> -> memref<80x128xi32, #tpu.memory_space<hbm>>
      %dma_start3A_80 = arith.constant 0 : i32
      %dma_start3A_81 = tpu.memref_slice %arg3[%mul3A_58, %dma_start3A_80] : memref<2560x128xi32, #tpu.memory_space<hbm>> -> memref<80x128xi32, #tpu.memory_space<hbm>>
      tpu.enqueue_dma source(%dma_start3A_81 : memref<80x128xi32, #tpu.memory_space<hbm>>) target(%arg7 : memref<80x128xi32, #tpu.memory_space<vmem>>) target_semaphore(%run_scoped3A : memref<!tpu.dma_semaphore, #tpu.memory_space<semaphore_mem>>)
      %dma_wait3A = arith.constant 0 : i32
      %dma_wait3A_82 = tpu.memref_slice %arg3[%mul3A_58, %dma_wait3A] : memref<2560x128xi32, #tpu.memory_space<hbm>> -> memref<80x128xi32, #tpu.memory_space<hbm>>
      %dma_wait3A_83 = arith.constant 0 : i32
      %dma_wait3A_84 = tpu.memref_slice %arg3[%mul3A_58, %dma_wait3A_83] : memref<2560x128xi32, #tpu.memory_space<hbm>> -> memref<80x128xi32, #tpu.memory_space<hbm>>
      tpu.wait_dma2 semaphore(%run_scoped3A : memref<!tpu.dma_semaphore, #tpu.memory_space<semaphore_mem>>) src(%dma_wait3A_84 : memref<80x128xi32, #tpu.memory_space<hbm>>) dst(%arg7 : memref<80x128xi32, #tpu.memory_space<vmem>>)
      tpu.yield
    }) : () -> ()
    %scan3A_59 = arith.constant 0 : i32
    %scan3A_60 = arith.constant 80 : i32
    %scan3A_61 = arith.addi %scan3A_59, %scan3A_60 : i32
    %scan3A_62 = arith.constant 1 : i32
    scf.for %scan3A_79 = %scan3A_59 to %scan3A_61 step %scan3A_62  : i32 {
      "tpu.region"() ({
        %run_scoped3A = tpu.sem_alloc : memref<!tpu.dma_semaphore, #tpu.memory_space<semaphore_mem>>
        %dma_start3A = arith.constant 0 : i32
        %dma_start3A_80 = tpu.memref_slice %arg6[%scan3A_79, %dma_start3A] : memref<80x128xi32, #tpu.memory_space<vmem>> -> memref<1x128xi32, #tpu.memory_space<vmem>>
        %dma_start3A_81 = tpu.memref_squeeze %dma_start3A_80 : memref<1x128xi32, #tpu.memory_space<vmem>> -> memref<128xi32, #tpu.memory_space<vmem>>
        %dma_start3A_82 = arith.constant 0 : i32
        %dma_start3A_83 = tpu.memref_slice %arg10[%dma_start3A_82] : memref<10240xf32, #tpu.memory_space<vmem_shared>> -> memref<10240xf32, #tpu.memory_space<vmem_shared>>
        tpu.enqueue_indirect_dma source(%arg8 : memref<128xf32, #tpu.memory_space<vmem>>) target(%dma_start3A_83 : memref<10240xf32, #tpu.memory_space<vmem_shared>>) offsets(%dma_start3A_81 : memref<128xi32, #tpu.memory_space<vmem>>) semaphore(%run_scoped3A : memref<!tpu.dma_semaphore, #tpu.memory_space<semaphore_mem>>) {add = true}
        %dma_wait3A = arith.constant 0 : i32
        %dma_wait3A_84 = tpu.memref_slice %arg6[%scan3A_79, %dma_wait3A] : memref<80x128xi32, #tpu.memory_space<vmem>> -> memref<1x128xi32, #tpu.memory_space<vmem>>
        %dma_wait3A_85 = tpu.memref_squeeze %dma_wait3A_84 : memref<1x128xi32, #tpu.memory_space<vmem>> -> memref<128xi32, #tpu.memory_space<vmem>>
        %dma_wait3A_86 = arith.constant 0 : i32
        %dma_wait3A_87 = tpu.memref_slice %arg10[%dma_wait3A_86] : memref<10240xf32, #tpu.memory_space<vmem_shared>> -> memref<10240xf32, #tpu.memory_space<vmem_shared>>
        tpu.wait_indirect_dma semaphore(%run_scoped3A : memref<!tpu.dma_semaphore, #tpu.memory_space<semaphore_mem>>) src(%arg8 : memref<128xf32, #tpu.memory_space<vmem>>) dst(%dma_wait3A_87 : memref<10240xf32, #tpu.memory_space<vmem_shared>>)
        tpu.yield
      }) : () -> ()
      "tpu.region"() ({
        %run_scoped3A = tpu.sem_alloc : memref<!tpu.dma_semaphore, #tpu.memory_space<semaphore_mem>>
        %dma_start3A = arith.constant 0 : i32
        %dma_start3A_80 = tpu.memref_slice %arg7[%scan3A_79, %dma_start3A] : memref<80x128xi32, #tpu.memory_space<vmem>> -> memref<1x128xi32, #tpu.memory_space<vmem>>
        %dma_start3A_81 = tpu.memref_squeeze %dma_start3A_80 : memref<1x128xi32, #tpu.memory_space<vmem>> -> memref<128xi32, #tpu.memory_space<vmem>>
        %dma_start3A_82 = arith.constant 0 : i32
        %dma_start3A_83 = tpu.memref_slice %arg11[%dma_start3A_82] : memref<10240xf32, #tpu.memory_space<vmem_shared>> -> memref<10240xf32, #tpu.memory_space<vmem_shared>>
        tpu.enqueue_indirect_dma source(%arg8 : memref<128xf32, #tpu.memory_space<vmem>>) target(%dma_start3A_83 : memref<10240xf32, #tpu.memory_space<vmem_shared>>) offsets(%dma_start3A_81 : memref<128xi32, #tpu.memory_space<vmem>>) semaphore(%run_scoped3A : memref<!tpu.dma_semaphore, #tpu.memory_space<semaphore_mem>>) {add = true}
        %dma_wait3A = arith.constant 0 : i32
        %dma_wait3A_84 = tpu.memref_slice %arg7[%scan3A_79, %dma_wait3A] : memref<80x128xi32, #tpu.memory_space<vmem>> -> memref<1x128xi32, #tpu.memory_space<vmem>>
        %dma_wait3A_85 = tpu.memref_squeeze %dma_wait3A_84 : memref<1x128xi32, #tpu.memory_space<vmem>> -> memref<128xi32, #tpu.memory_space<vmem>>
        %dma_wait3A_86 = arith.constant 0 : i32
        %dma_wait3A_87 = tpu.memref_slice %arg11[%dma_wait3A_86] : memref<10240xf32, #tpu.memory_space<vmem_shared>> -> memref<10240xf32, #tpu.memory_space<vmem_shared>>
        tpu.wait_indirect_dma semaphore(%run_scoped3A : memref<!tpu.dma_semaphore, #tpu.memory_space<semaphore_mem>>) src(%arg8 : memref<128xf32, #tpu.memory_space<vmem>>) dst(%dma_wait3A_87 : memref<10240xf32, #tpu.memory_space<vmem_shared>>)
        tpu.yield
      }) : () -> ()
    }
    %scan3A_63 = arith.constant 80 : i32
    %barrier3A_64 = arith.constant 0 : index
    tpu.barrier barrier_id(%barrier3A_64)
    %mul3A_65 = arith.constant 640 : i32
    %mul3A_66 = arith.muli %arg1, %mul3A_65 : i32
    "tpu.region"() ({
      %run_scoped3A = tpu.sem_alloc : memref<!tpu.dma_semaphore, #tpu.memory_space<semaphore_mem>>
      %dma_start3A = tpu.memref_slice %arg10[%mul3A_66] : memref<10240xf32, #tpu.memory_space<vmem_shared>> -> memref<640xf32, #tpu.memory_space<vmem_shared>>
      %dma_start3A_79 = tpu.memref_slice %arg10[%mul3A_66] : memref<10240xf32, #tpu.memory_space<vmem_shared>> -> memref<640xf32, #tpu.memory_space<vmem_shared>>
      tpu.enqueue_dma source(%dma_start3A_79 : memref<640xf32, #tpu.memory_space<vmem_shared>>) target(%arg9 : memref<640xf32, #tpu.memory_space<vmem>>) target_semaphore(%run_scoped3A : memref<!tpu.dma_semaphore, #tpu.memory_space<semaphore_mem>>)
      %dma_wait3A = tpu.memref_slice %arg10[%mul3A_66] : memref<10240xf32, #tpu.memory_space<vmem_shared>> -> memref<640xf32, #tpu.memory_space<vmem_shared>>
      %dma_wait3A_80 = tpu.memref_slice %arg10[%mul3A_66] : memref<10240xf32, #tpu.memory_space<vmem_shared>> -> memref<640xf32, #tpu.memory_space<vmem_shared>>
      tpu.wait_dma2 semaphore(%run_scoped3A : memref<!tpu.dma_semaphore, #tpu.memory_space<semaphore_mem>>) src(%dma_wait3A_80 : memref<640xf32, #tpu.memory_space<vmem_shared>>) dst(%arg9 : memref<640xf32, #tpu.memory_space<vmem>>)
      tpu.yield
    }) : () -> ()
    %mul3A_67 = arith.constant 10240 : i32
    %mul3A_68 = arith.muli %arg0, %mul3A_67 : i32
    %mul3A_69 = arith.constant 640 : i32
    %mul3A_70 = arith.muli %arg1, %mul3A_69 : i32
    %add3A_71 = arith.addi %mul3A_68, %mul3A_70 : i32
    "tpu.region"() ({
      %run_scoped3A = tpu.sem_alloc : memref<!tpu.dma_semaphore, #tpu.memory_space<semaphore_mem>>
      %dma_start3A = tpu.memref_slice %arg4[%add3A_71] : memref<20480xf32, #tpu.memory_space<hbm>> -> memref<640xf32, #tpu.memory_space<hbm>>
      %dma_start3A_79 = tpu.memref_slice %arg4[%add3A_71] : memref<20480xf32, #tpu.memory_space<hbm>> -> memref<640xf32, #tpu.memory_space<hbm>>
      tpu.enqueue_dma source(%arg9 : memref<640xf32, #tpu.memory_space<vmem>>) target(%dma_start3A_79 : memref<640xf32, #tpu.memory_space<hbm>>) target_semaphore(%run_scoped3A : memref<!tpu.dma_semaphore, #tpu.memory_space<semaphore_mem>>)
      %dma_wait3A = tpu.memref_slice %arg4[%add3A_71] : memref<20480xf32, #tpu.memory_space<hbm>> -> memref<640xf32, #tpu.memory_space<hbm>>
      %dma_wait3A_80 = tpu.memref_slice %arg4[%add3A_71] : memref<20480xf32, #tpu.memory_space<hbm>> -> memref<640xf32, #tpu.memory_space<hbm>>
      tpu.wait_dma2 semaphore(%run_scoped3A : memref<!tpu.dma_semaphore, #tpu.memory_space<semaphore_mem>>) src(%arg9 : memref<640xf32, #tpu.memory_space<vmem>>) dst(%dma_wait3A_80 : memref<640xf32, #tpu.memory_space<hbm>>)
      tpu.yield
    }) : () -> ()
    %mul3A_72 = arith.constant 640 : i32
    %mul3A_73 = arith.muli %arg1, %mul3A_72 : i32
    "tpu.region"() ({
      %run_scoped3A = tpu.sem_alloc : memref<!tpu.dma_semaphore, #tpu.memory_space<semaphore_mem>>
      %dma_start3A = tpu.memref_slice %arg11[%mul3A_73] : memref<10240xf32, #tpu.memory_space<vmem_shared>> -> memref<640xf32, #tpu.memory_space<vmem_shared>>
      %dma_start3A_79 = tpu.memref_slice %arg11[%mul3A_73] : memref<10240xf32, #tpu.memory_space<vmem_shared>> -> memref<640xf32, #tpu.memory_space<vmem_shared>>
      tpu.enqueue_dma source(%dma_start3A_79 : memref<640xf32, #tpu.memory_space<vmem_shared>>) target(%arg9 : memref<640xf32, #tpu.memory_space<vmem>>) target_semaphore(%run_scoped3A : memref<!tpu.dma_semaphore, #tpu.memory_space<semaphore_mem>>)
      %dma_wait3A = tpu.memref_slice %arg11[%mul3A_73] : memref<10240xf32, #tpu.memory_space<vmem_shared>> -> memref<640xf32, #tpu.memory_space<vmem_shared>>
      %dma_wait3A_80 = tpu.memref_slice %arg11[%mul3A_73] : memref<10240xf32, #tpu.memory_space<vmem_shared>> -> memref<640xf32, #tpu.memory_space<vmem_shared>>
      tpu.wait_dma2 semaphore(%run_scoped3A : memref<!tpu.dma_semaphore, #tpu.memory_space<semaphore_mem>>) src(%dma_wait3A_80 : memref<640xf32, #tpu.memory_space<vmem_shared>>) dst(%arg9 : memref<640xf32, #tpu.memory_space<vmem>>)
      tpu.yield
    }) : () -> ()
    %mul3A_74 = arith.constant 10240 : i32
    %mul3A_75 = arith.muli %arg0, %mul3A_74 : i32
    %mul3A_76 = arith.constant 640 : i32
    %mul3A_77 = arith.muli %arg1, %mul3A_76 : i32
    %add3A_78 = arith.addi %mul3A_75, %mul3A_77 : i32
    "tpu.region"() ({
      %run_scoped3A = tpu.sem_alloc : memref<!tpu.dma_semaphore, #tpu.memory_space<semaphore_mem>>
      %dma_start3A = tpu.memref_slice %arg5[%add3A_78] : memref<20480xf32, #tpu.memory_space<hbm>> -> memref<640xf32, #tpu.memory_space<hbm>>
      %dma_start3A_79 = tpu.memref_slice %arg5[%add3A_78] : memref<20480xf32, #tpu.memory_space<hbm>> -> memref<640xf32, #tpu.memory_space<hbm>>
      tpu.enqueue_dma source(%arg9 : memref<640xf32, #tpu.memory_space<vmem>>) target(%dma_start3A_79 : memref<640xf32, #tpu.memory_space<hbm>>) target_semaphore(%run_scoped3A : memref<!tpu.dma_semaphore, #tpu.memory_space<semaphore_mem>>)
      %dma_wait3A = tpu.memref_slice %arg5[%add3A_78] : memref<20480xf32, #tpu.memory_space<hbm>> -> memref<640xf32, #tpu.memory_space<hbm>>
      %dma_wait3A_80 = tpu.memref_slice %arg5[%add3A_78] : memref<20480xf32, #tpu.memory_space<hbm>> -> memref<640xf32, #tpu.memory_space<hbm>>
      tpu.wait_dma2 semaphore(%run_scoped3A : memref<!tpu.dma_semaphore, #tpu.memory_space<semaphore_mem>>) src(%arg9 : memref<640xf32, #tpu.memory_space<vmem>>) dst(%dma_wait3A_80 : memref<640xf32, #tpu.memory_space<hbm>>)
      tpu.yield
    }) : () -> ()
    return
  }
}

#map = affine_map<(d0, d1) -> (0, 0)>
#map1 = affine_map<(d0, d1) -> (0, 0, 0)>
module attributes {stable_mosaic.version = 14 : i64} {
  func.func @_scatter_body(%arg0: i32, %arg1: i32, %arg2: memref<10240x128xf32, #tpu.memory_space<hbm>>, %arg3: memref<320x8x128xi32, #tpu.memory_space<hbm>>, %arg4: memref<320x8x128xi32, #tpu.memory_space<hbm>>, %arg5: memref<2x10240x128xf32, #tpu.memory_space<hbm>>, %arg6: memref<8x128xi32, #tpu.memory_space<vmem>>, %arg7: memref<8x128xi32, #tpu.memory_space<vmem>>, %arg8: memref<2x128x128xf32, #tpu.memory_space<vmem>>, %arg9: memref<10240x128xf32, #tpu.memory_space<vmem_shared>>, %arg10: memref<!tpu.dma_semaphore, #tpu.memory_space<semaphore_mem>>, %arg11: memref<!tpu.dma_semaphore, #tpu.memory_space<semaphore_mem>>) attributes {dimension_semantics = [#tpu.dimension_semantics<core_parallel>, #tpu.dimension_semantics<subcore_parallel>], iteration_bounds = array<i64: 2, 16>, scalar_prefetch = 0 : i64, scratch_operands = 6 : i64, tpu.core_type = #tpu.core_type<sc_vector_subcore>, window_params = [{transform_indices = #map}, {transform_indices = #map1}, {transform_indices = #map1}, {transform_indices = #map1}]} {
    %scan3A = arith.constant 0 : i32
    %scan3A_0 = arith.constant 128 : i32
    %scan3A_1 = arith.addi %scan3A, %scan3A_0 : i32
    %scan3A_2 = arith.constant 1 : i32
    scf.for %scan3A_50 = %scan3A to %scan3A_1 step %scan3A_2  : i32 {
      %broadcast_in_dim3A = arith.constant 0.000000e+00 : f32
      %broadcast_in_dim3A_51 = vector.broadcast %broadcast_in_dim3A : f32 to vector<16xf32>
      %swap3A = arith.constant 0 : i32
      %swap3A_52 = arith.index_cast %swap3A : i32 to index
      %swap3A_53 = arith.index_cast %scan3A_50 : i32 to index
      %swap3A_54 = arith.constant 0 : index
      %swap3A_55 = tpu.vector_load %arg8[%swap3A_52, %swap3A_53, %swap3A_54] {strides = array<i32>} : memref<2x128x128xf32, #tpu.memory_space<vmem>>, vector<1x1x16xf32>,
      %swap3A_56 = vector.shape_cast %swap3A_55 : vector<1x1x16xf32> to vector<16xf32>
      %swap3A_57 = vector.shape_cast %broadcast_in_dim3A_51 : vector<16xf32> to vector<1x1x16xf32>
      tpu.vector_store %arg8[%swap3A_52, %swap3A_53, %swap3A_54], %swap3A_57 {strides = array<i32>} : memref<2x128x128xf32, #tpu.memory_space<vmem>>, vector<1x1x16xf32>,
      %broadcast_in_dim3A_58 = arith.constant 0.000000e+00 : f32
      %broadcast_in_dim3A_59 = vector.broadcast %broadcast_in_dim3A_58 : f32 to vector<16xf32>
      %swap3A_60 = arith.constant 0 : i32
      %swap3A_61 = arith.index_cast %swap3A_60 : i32 to index
      %swap3A_62 = arith.index_cast %scan3A_50 : i32 to index
      %swap3A_63 = arith.constant 16 : index
      %swap3A_64 = tpu.vector_load %arg8[%swap3A_61, %swap3A_62, %swap3A_63] {strides = array<i32>} : memref<2x128x128xf32, #tpu.memory_space<vmem>>, vector<1x1x16xf32>,
      %swap3A_65 = vector.shape_cast %swap3A_64 : vector<1x1x16xf32> to vector<16xf32>
      %swap3A_66 = vector.shape_cast %broadcast_in_dim3A_59 : vector<16xf32> to vector<1x1x16xf32>
      tpu.vector_store %arg8[%swap3A_61, %swap3A_62, %swap3A_63], %swap3A_66 {strides = array<i32>} : memref<2x128x128xf32, #tpu.memory_space<vmem>>, vector<1x1x16xf32>,
      %broadcast_in_dim3A_67 = arith.constant 0.000000e+00 : f32
      %broadcast_in_dim3A_68 = vector.broadcast %broadcast_in_dim3A_67 : f32 to vector<16xf32>
      %swap3A_69 = arith.constant 0 : i32
      %swap3A_70 = arith.index_cast %swap3A_69 : i32 to index
      %swap3A_71 = arith.index_cast %scan3A_50 : i32 to index
      %swap3A_72 = arith.constant 32 : index
      %swap3A_73 = tpu.vector_load %arg8[%swap3A_70, %swap3A_71, %swap3A_72] {strides = array<i32>} : memref<2x128x128xf32, #tpu.memory_space<vmem>>, vector<1x1x16xf32>,
      %swap3A_74 = vector.shape_cast %swap3A_73 : vector<1x1x16xf32> to vector<16xf32>
      %swap3A_75 = vector.shape_cast %broadcast_in_dim3A_68 : vector<16xf32> to vector<1x1x16xf32>
      tpu.vector_store %arg8[%swap3A_70, %swap3A_71, %swap3A_72], %swap3A_75 {strides = array<i32>} : memref<2x128x128xf32, #tpu.memory_space<vmem>>, vector<1x1x16xf32>,
      %broadcast_in_dim3A_76 = arith.constant 0.000000e+00 : f32
      %broadcast_in_dim3A_77 = vector.broadcast %broadcast_in_dim3A_76 : f32 to vector<16xf32>
      %swap3A_78 = arith.constant 0 : i32
      %swap3A_79 = arith.index_cast %swap3A_78 : i32 to index
      %swap3A_80 = arith.index_cast %scan3A_50 : i32 to index
      %swap3A_81 = arith.constant 48 : index
      %swap3A_82 = tpu.vector_load %arg8[%swap3A_79, %swap3A_80, %swap3A_81] {strides = array<i32>} : memref<2x128x128xf32, #tpu.memory_space<vmem>>, vector<1x1x16xf32>,
      %swap3A_83 = vector.shape_cast %swap3A_82 : vector<1x1x16xf32> to vector<16xf32>
      %swap3A_84 = vector.shape_cast %broadcast_in_dim3A_77 : vector<16xf32> to vector<1x1x16xf32>
      tpu.vector_store %arg8[%swap3A_79, %swap3A_80, %swap3A_81], %swap3A_84 {strides = array<i32>} : memref<2x128x128xf32, #tpu.memory_space<vmem>>, vector<1x1x16xf32>,
      %broadcast_in_dim3A_85 = arith.constant 0.000000e+00 : f32
      %broadcast_in_dim3A_86 = vector.broadcast %broadcast_in_dim3A_85 : f32 to vector<16xf32>
      %swap3A_87 = arith.constant 0 : i32
      %swap3A_88 = arith.index_cast %swap3A_87 : i32 to index
      %swap3A_89 = arith.index_cast %scan3A_50 : i32 to index
      %swap3A_90 = arith.constant 64 : index
      %swap3A_91 = tpu.vector_load %arg8[%swap3A_88, %swap3A_89, %swap3A_90] {strides = array<i32>} : memref<2x128x128xf32, #tpu.memory_space<vmem>>, vector<1x1x16xf32>,
      %swap3A_92 = vector.shape_cast %swap3A_91 : vector<1x1x16xf32> to vector<16xf32>
      %swap3A_93 = vector.shape_cast %broadcast_in_dim3A_86 : vector<16xf32> to vector<1x1x16xf32>
      tpu.vector_store %arg8[%swap3A_88, %swap3A_89, %swap3A_90], %swap3A_93 {strides = array<i32>} : memref<2x128x128xf32, #tpu.memory_space<vmem>>, vector<1x1x16xf32>,
      %broadcast_in_dim3A_94 = arith.constant 0.000000e+00 : f32
      %broadcast_in_dim3A_95 = vector.broadcast %broadcast_in_dim3A_94 : f32 to vector<16xf32>
      %swap3A_96 = arith.constant 0 : i32
      %swap3A_97 = arith.index_cast %swap3A_96 : i32 to index
      %swap3A_98 = arith.index_cast %scan3A_50 : i32 to index
      %swap3A_99 = arith.constant 80 : index
      %swap3A_100 = tpu.vector_load %arg8[%swap3A_97, %swap3A_98, %swap3A_99] {strides = array<i32>} : memref<2x128x128xf32, #tpu.memory_space<vmem>>, vector<1x1x16xf32>,
      %swap3A_101 = vector.shape_cast %swap3A_100 : vector<1x1x16xf32> to vector<16xf32>
      %swap3A_102 = vector.shape_cast %broadcast_in_dim3A_95 : vector<16xf32> to vector<1x1x16xf32>
      tpu.vector_store %arg8[%swap3A_97, %swap3A_98, %swap3A_99], %swap3A_102 {strides = array<i32>} : memref<2x128x128xf32, #tpu.memory_space<vmem>>, vector<1x1x16xf32>,
      %broadcast_in_dim3A_103 = arith.constant 0.000000e+00 : f32
      %broadcast_in_dim3A_104 = vector.broadcast %broadcast_in_dim3A_103 : f32 to vector<16xf32>
      %swap3A_105 = arith.constant 0 : i32
      %swap3A_106 = arith.index_cast %swap3A_105 : i32 to index
      %swap3A_107 = arith.index_cast %scan3A_50 : i32 to index
      %swap3A_108 = arith.constant 96 : index
      %swap3A_109 = tpu.vector_load %arg8[%swap3A_106, %swap3A_107, %swap3A_108] {strides = array<i32>} : memref<2x128x128xf32, #tpu.memory_space<vmem>>, vector<1x1x16xf32>,
      %swap3A_110 = vector.shape_cast %swap3A_109 : vector<1x1x16xf32> to vector<16xf32>
      %swap3A_111 = vector.shape_cast %broadcast_in_dim3A_104 : vector<16xf32> to vector<1x1x16xf32>
      tpu.vector_store %arg8[%swap3A_106, %swap3A_107, %swap3A_108], %swap3A_111 {strides = array<i32>} : memref<2x128x128xf32, #tpu.memory_space<vmem>>, vector<1x1x16xf32>,
      %broadcast_in_dim3A_112 = arith.constant 0.000000e+00 : f32
      %broadcast_in_dim3A_113 = vector.broadcast %broadcast_in_dim3A_112 : f32 to vector<16xf32>
      %swap3A_114 = arith.constant 0 : i32
      %swap3A_115 = arith.index_cast %swap3A_114 : i32 to index
      %swap3A_116 = arith.index_cast %scan3A_50 : i32 to index
      %swap3A_117 = arith.constant 112 : index
      %swap3A_118 = tpu.vector_load %arg8[%swap3A_115, %swap3A_116, %swap3A_117] {strides = array<i32>} : memref<2x128x128xf32, #tpu.memory_space<vmem>>, vector<1x1x16xf32>,
      %swap3A_119 = vector.shape_cast %swap3A_118 : vector<1x1x16xf32> to vector<16xf32>
      %swap3A_120 = vector.shape_cast %broadcast_in_dim3A_113 : vector<16xf32> to vector<1x1x16xf32>
      tpu.vector_store %arg8[%swap3A_115, %swap3A_116, %swap3A_117], %swap3A_120 {strides = array<i32>} : memref<2x128x128xf32, #tpu.memory_space<vmem>>, vector<1x1x16xf32>,
    }
    %scan3A_3 = arith.constant 128 : i32
    %mul3A = arith.constant 640 : i32
    %mul3A_4 = arith.muli %arg1, %mul3A : i32
    %add3A = arith.constant 0 : i32
    %add3A_5 = arith.addi %mul3A_4, %add3A : i32
    %run_scoped3A = arith.constant 0 : i32
    "tpu.region"() ({
      %run_scoped3A_50 = tpu.sem_alloc : memref<!tpu.dma_semaphore, #tpu.memory_space<semaphore_mem>>
      %dma_start3A = arith.constant 0 : i32
      %dma_start3A_51 = arith.constant 0 : i32
      %dma_start3A_52 = tpu.memref_slice %arg8[%run_scoped3A, %dma_start3A, %dma_start3A_51] : memref<2x128x128xf32, #tpu.memory_space<vmem>> -> memref<1x128x128xf32, #tpu.memory_space<vmem>>
      %dma_start3A_53 = tpu.memref_squeeze %dma_start3A_52 : memref<1x128x128xf32, #tpu.memory_space<vmem>> -> memref<128x128xf32, #tpu.memory_space<vmem>>
      %dma_start3A_54 = arith.constant 0 : i32
      %dma_start3A_55 = tpu.memref_slice %arg9[%add3A_5, %dma_start3A_54] : memref<10240x128xf32, #tpu.memory_space<vmem_shared>> -> memref<128x128xf32, #tpu.memory_space<vmem_shared>>
      %dma_start3A_56 = arith.constant 0 : i32
      %dma_start3A_57 = tpu.memref_slice %arg9[%add3A_5, %dma_start3A_56] : memref<10240x128xf32, #tpu.memory_space<vmem_shared>> -> memref<128x128xf32, #tpu.memory_space<vmem_shared>>
      %dma_start3A_58 = arith.constant 0 : i32
      %dma_start3A_59 = arith.constant 0 : i32
      %dma_start3A_60 = tpu.memref_slice %arg8[%run_scoped3A, %dma_start3A_58, %dma_start3A_59] : memref<2x128x128xf32, #tpu.memory_space<vmem>> -> memref<1x128x128xf32, #tpu.memory_space<vmem>>
      %dma_start3A_61 = tpu.memref_squeeze %dma_start3A_60 : memref<1x128x128xf32, #tpu.memory_space<vmem>> -> memref<128x128xf32, #tpu.memory_space<vmem>>
      tpu.enqueue_dma source(%dma_start3A_61 : memref<128x128xf32, #tpu.memory_space<vmem>>) target(%dma_start3A_57 : memref<128x128xf32, #tpu.memory_space<vmem_shared>>) target_semaphore(%run_scoped3A_50 : memref<!tpu.dma_semaphore, #tpu.memory_space<semaphore_mem>>)
      %dma_wait3A = arith.constant 0 : i32
      %dma_wait3A_62 = arith.constant 0 : i32
      %dma_wait3A_63 = tpu.memref_slice %arg8[%run_scoped3A, %dma_wait3A, %dma_wait3A_62] : memref<2x128x128xf32, #tpu.memory_space<vmem>> -> memref<1x128x128xf32, #tpu.memory_space<vmem>>
      %dma_wait3A_64 = tpu.memref_squeeze %dma_wait3A_63 : memref<1x128x128xf32, #tpu.memory_space<vmem>> -> memref<128x128xf32, #tpu.memory_space<vmem>>
      %dma_wait3A_65 = arith.constant 0 : i32
      %dma_wait3A_66 = tpu.memref_slice %arg9[%add3A_5, %dma_wait3A_65] : memref<10240x128xf32, #tpu.memory_space<vmem_shared>> -> memref<128x128xf32, #tpu.memory_space<vmem_shared>>
      %dma_wait3A_67 = arith.constant 0 : i32
      %dma_wait3A_68 = tpu.memref_slice %arg9[%add3A_5, %dma_wait3A_67] : memref<10240x128xf32, #tpu.memory_space<vmem_shared>> -> memref<128x128xf32, #tpu.memory_space<vmem_shared>>
      %dma_wait3A_69 = arith.constant 0 : i32
      %dma_wait3A_70 = arith.constant 0 : i32
      %dma_wait3A_71 = tpu.memref_slice %arg8[%run_scoped3A, %dma_wait3A_69, %dma_wait3A_70] : memref<2x128x128xf32, #tpu.memory_space<vmem>> -> memref<1x128x128xf32, #tpu.memory_space<vmem>>
      %dma_wait3A_72 = tpu.memref_squeeze %dma_wait3A_71 : memref<1x128x128xf32, #tpu.memory_space<vmem>> -> memref<128x128xf32, #tpu.memory_space<vmem>>
      tpu.wait_dma2 semaphore(%run_scoped3A_50 : memref<!tpu.dma_semaphore, #tpu.memory_space<semaphore_mem>>) src(%dma_wait3A_72 : memref<128x128xf32, #tpu.memory_space<vmem>>) dst(%dma_wait3A_68 : memref<128x128xf32, #tpu.memory_space<vmem_shared>>)
      tpu.yield
    }) : () -> ()
    %mul3A_6 = arith.constant 640 : i32
    %mul3A_7 = arith.muli %arg1, %mul3A_6 : i32
    %add3A_8 = arith.constant 128 : i32
    %add3A_9 = arith.addi %mul3A_7, %add3A_8 : i32
    %run_scoped3A_10 = arith.constant 0 : i32
    "tpu.region"() ({
      %run_scoped3A_50 = tpu.sem_alloc : memref<!tpu.dma_semaphore, #tpu.memory_space<semaphore_mem>>
      %dma_start3A = arith.constant 0 : i32
      %dma_start3A_51 = arith.constant 0 : i32
      %dma_start3A_52 = tpu.memref_slice %arg8[%run_scoped3A_10, %dma_start3A, %dma_start3A_51] : memref<2x128x128xf32, #tpu.memory_space<vmem>> -> memref<1x128x128xf32, #tpu.memory_space<vmem>>
      %dma_start3A_53 = tpu.memref_squeeze %dma_start3A_52 : memref<1x128x128xf32, #tpu.memory_space<vmem>> -> memref<128x128xf32, #tpu.memory_space<vmem>>
      %dma_start3A_54 = arith.constant 0 : i32
      %dma_start3A_55 = tpu.memref_slice %arg9[%add3A_9, %dma_start3A_54] : memref<10240x128xf32, #tpu.memory_space<vmem_shared>> -> memref<128x128xf32, #tpu.memory_space<vmem_shared>>
      %dma_start3A_56 = arith.constant 0 : i32
      %dma_start3A_57 = tpu.memref_slice %arg9[%add3A_9, %dma_start3A_56] : memref<10240x128xf32, #tpu.memory_space<vmem_shared>> -> memref<128x128xf32, #tpu.memory_space<vmem_shared>>
      %dma_start3A_58 = arith.constant 0 : i32
      %dma_start3A_59 = arith.constant 0 : i32
      %dma_start3A_60 = tpu.memref_slice %arg8[%run_scoped3A_10, %dma_start3A_58, %dma_start3A_59] : memref<2x128x128xf32, #tpu.memory_space<vmem>> -> memref<1x128x128xf32, #tpu.memory_space<vmem>>
      %dma_start3A_61 = tpu.memref_squeeze %dma_start3A_60 : memref<1x128x128xf32, #tpu.memory_space<vmem>> -> memref<128x128xf32, #tpu.memory_space<vmem>>
      tpu.enqueue_dma source(%dma_start3A_61 : memref<128x128xf32, #tpu.memory_space<vmem>>) target(%dma_start3A_57 : memref<128x128xf32, #tpu.memory_space<vmem_shared>>) target_semaphore(%run_scoped3A_50 : memref<!tpu.dma_semaphore, #tpu.memory_space<semaphore_mem>>)
      %dma_wait3A = arith.constant 0 : i32
      %dma_wait3A_62 = arith.constant 0 : i32
      %dma_wait3A_63 = tpu.memref_slice %arg8[%run_scoped3A_10, %dma_wait3A, %dma_wait3A_62] : memref<2x128x128xf32, #tpu.memory_space<vmem>> -> memref<1x128x128xf32, #tpu.memory_space<vmem>>
      %dma_wait3A_64 = tpu.memref_squeeze %dma_wait3A_63 : memref<1x128x128xf32, #tpu.memory_space<vmem>> -> memref<128x128xf32, #tpu.memory_space<vmem>>
      %dma_wait3A_65 = arith.constant 0 : i32
      %dma_wait3A_66 = tpu.memref_slice %arg9[%add3A_9, %dma_wait3A_65] : memref<10240x128xf32, #tpu.memory_space<vmem_shared>> -> memref<128x128xf32, #tpu.memory_space<vmem_shared>>
      %dma_wait3A_67 = arith.constant 0 : i32
      %dma_wait3A_68 = tpu.memref_slice %arg9[%add3A_9, %dma_wait3A_67] : memref<10240x128xf32, #tpu.memory_space<vmem_shared>> -> memref<128x128xf32, #tpu.memory_space<vmem_shared>>
      %dma_wait3A_69 = arith.constant 0 : i32
      %dma_wait3A_70 = arith.constant 0 : i32
      %dma_wait3A_71 = tpu.memref_slice %arg8[%run_scoped3A_10, %dma_wait3A_69, %dma_wait3A_70] : memref<2x128x128xf32, #tpu.memory_space<vmem>> -> memref<1x128x128xf32, #tpu.memory_space<vmem>>
      %dma_wait3A_72 = tpu.memref_squeeze %dma_wait3A_71 : memref<1x128x128xf32, #tpu.memory_space<vmem>> -> memref<128x128xf32, #tpu.memory_space<vmem>>
      tpu.wait_dma2 semaphore(%run_scoped3A_50 : memref<!tpu.dma_semaphore, #tpu.memory_space<semaphore_mem>>) src(%dma_wait3A_72 : memref<128x128xf32, #tpu.memory_space<vmem>>) dst(%dma_wait3A_68 : memref<128x128xf32, #tpu.memory_space<vmem_shared>>)
      tpu.yield
    }) : () -> ()
    %mul3A_11 = arith.constant 640 : i32
    %mul3A_12 = arith.muli %arg1, %mul3A_11 : i32
    %add3A_13 = arith.constant 256 : i32
    %add3A_14 = arith.addi %mul3A_12, %add3A_13 : i32
    %run_scoped3A_15 = arith.constant 0 : i32
    "tpu.region"() ({
      %run_scoped3A_50 = tpu.sem_alloc : memref<!tpu.dma_semaphore, #tpu.memory_space<semaphore_mem>>
      %dma_start3A = arith.constant 0 : i32
      %dma_start3A_51 = arith.constant 0 : i32
      %dma_start3A_52 = tpu.memref_slice %arg8[%run_scoped3A_15, %dma_start3A, %dma_start3A_51] : memref<2x128x128xf32, #tpu.memory_space<vmem>> -> memref<1x128x128xf32, #tpu.memory_space<vmem>>
      %dma_start3A_53 = tpu.memref_squeeze %dma_start3A_52 : memref<1x128x128xf32, #tpu.memory_space<vmem>> -> memref<128x128xf32, #tpu.memory_space<vmem>>
      %dma_start3A_54 = arith.constant 0 : i32
      %dma_start3A_55 = tpu.memref_slice %arg9[%add3A_14, %dma_start3A_54] : memref<10240x128xf32, #tpu.memory_space<vmem_shared>> -> memref<128x128xf32, #tpu.memory_space<vmem_shared>>
      %dma_start3A_56 = arith.constant 0 : i32
      %dma_start3A_57 = tpu.memref_slice %arg9[%add3A_14, %dma_start3A_56] : memref<10240x128xf32, #tpu.memory_space<vmem_shared>> -> memref<128x128xf32, #tpu.memory_space<vmem_shared>>
      %dma_start3A_58 = arith.constant 0 : i32
      %dma_start3A_59 = arith.constant 0 : i32
      %dma_start3A_60 = tpu.memref_slice %arg8[%run_scoped3A_15, %dma_start3A_58, %dma_start3A_59] : memref<2x128x128xf32, #tpu.memory_space<vmem>> -> memref<1x128x128xf32, #tpu.memory_space<vmem>>
      %dma_start3A_61 = tpu.memref_squeeze %dma_start3A_60 : memref<1x128x128xf32, #tpu.memory_space<vmem>> -> memref<128x128xf32, #tpu.memory_space<vmem>>
      tpu.enqueue_dma source(%dma_start3A_61 : memref<128x128xf32, #tpu.memory_space<vmem>>) target(%dma_start3A_57 : memref<128x128xf32, #tpu.memory_space<vmem_shared>>) target_semaphore(%run_scoped3A_50 : memref<!tpu.dma_semaphore, #tpu.memory_space<semaphore_mem>>)
      %dma_wait3A = arith.constant 0 : i32
      %dma_wait3A_62 = arith.constant 0 : i32
      %dma_wait3A_63 = tpu.memref_slice %arg8[%run_scoped3A_15, %dma_wait3A, %dma_wait3A_62] : memref<2x128x128xf32, #tpu.memory_space<vmem>> -> memref<1x128x128xf32, #tpu.memory_space<vmem>>
      %dma_wait3A_64 = tpu.memref_squeeze %dma_wait3A_63 : memref<1x128x128xf32, #tpu.memory_space<vmem>> -> memref<128x128xf32, #tpu.memory_space<vmem>>
      %dma_wait3A_65 = arith.constant 0 : i32
      %dma_wait3A_66 = tpu.memref_slice %arg9[%add3A_14, %dma_wait3A_65] : memref<10240x128xf32, #tpu.memory_space<vmem_shared>> -> memref<128x128xf32, #tpu.memory_space<vmem_shared>>
      %dma_wait3A_67 = arith.constant 0 : i32
      %dma_wait3A_68 = tpu.memref_slice %arg9[%add3A_14, %dma_wait3A_67] : memref<10240x128xf32, #tpu.memory_space<vmem_shared>> -> memref<128x128xf32, #tpu.memory_space<vmem_shared>>
      %dma_wait3A_69 = arith.constant 0 : i32
      %dma_wait3A_70 = arith.constant 0 : i32
      %dma_wait3A_71 = tpu.memref_slice %arg8[%run_scoped3A_15, %dma_wait3A_69, %dma_wait3A_70] : memref<2x128x128xf32, #tpu.memory_space<vmem>> -> memref<1x128x128xf32, #tpu.memory_space<vmem>>
      %dma_wait3A_72 = tpu.memref_squeeze %dma_wait3A_71 : memref<1x128x128xf32, #tpu.memory_space<vmem>> -> memref<128x128xf32, #tpu.memory_space<vmem>>
      tpu.wait_dma2 semaphore(%run_scoped3A_50 : memref<!tpu.dma_semaphore, #tpu.memory_space<semaphore_mem>>) src(%dma_wait3A_72 : memref<128x128xf32, #tpu.memory_space<vmem>>) dst(%dma_wait3A_68 : memref<128x128xf32, #tpu.memory_space<vmem_shared>>)
      tpu.yield
    }) : () -> ()
    %mul3A_16 = arith.constant 640 : i32
    %mul3A_17 = arith.muli %arg1, %mul3A_16 : i32
    %add3A_18 = arith.constant 384 : i32
    %add3A_19 = arith.addi %mul3A_17, %add3A_18 : i32
    %run_scoped3A_20 = arith.constant 0 : i32
    "tpu.region"() ({
      %run_scoped3A_50 = tpu.sem_alloc : memref<!tpu.dma_semaphore, #tpu.memory_space<semaphore_mem>>
      %dma_start3A = arith.constant 0 : i32
      %dma_start3A_51 = arith.constant 0 : i32
      %dma_start3A_52 = tpu.memref_slice %arg8[%run_scoped3A_20, %dma_start3A, %dma_start3A_51] : memref<2x128x128xf32, #tpu.memory_space<vmem>> -> memref<1x128x128xf32, #tpu.memory_space<vmem>>
      %dma_start3A_53 = tpu.memref_squeeze %dma_start3A_52 : memref<1x128x128xf32, #tpu.memory_space<vmem>> -> memref<128x128xf32, #tpu.memory_space<vmem>>
      %dma_start3A_54 = arith.constant 0 : i32
      %dma_start3A_55 = tpu.memref_slice %arg9[%add3A_19, %dma_start3A_54] : memref<10240x128xf32, #tpu.memory_space<vmem_shared>> -> memref<128x128xf32, #tpu.memory_space<vmem_shared>>
      %dma_start3A_56 = arith.constant 0 : i32
      %dma_start3A_57 = tpu.memref_slice %arg9[%add3A_19, %dma_start3A_56] : memref<10240x128xf32, #tpu.memory_space<vmem_shared>> -> memref<128x128xf32, #tpu.memory_space<vmem_shared>>
      %dma_start3A_58 = arith.constant 0 : i32
      %dma_start3A_59 = arith.constant 0 : i32
      %dma_start3A_60 = tpu.memref_slice %arg8[%run_scoped3A_20, %dma_start3A_58, %dma_start3A_59] : memref<2x128x128xf32, #tpu.memory_space<vmem>> -> memref<1x128x128xf32, #tpu.memory_space<vmem>>
      %dma_start3A_61 = tpu.memref_squeeze %dma_start3A_60 : memref<1x128x128xf32, #tpu.memory_space<vmem>> -> memref<128x128xf32, #tpu.memory_space<vmem>>
      tpu.enqueue_dma source(%dma_start3A_61 : memref<128x128xf32, #tpu.memory_space<vmem>>) target(%dma_start3A_57 : memref<128x128xf32, #tpu.memory_space<vmem_shared>>) target_semaphore(%run_scoped3A_50 : memref<!tpu.dma_semaphore, #tpu.memory_space<semaphore_mem>>)
      %dma_wait3A = arith.constant 0 : i32
      %dma_wait3A_62 = arith.constant 0 : i32
      %dma_wait3A_63 = tpu.memref_slice %arg8[%run_scoped3A_20, %dma_wait3A, %dma_wait3A_62] : memref<2x128x128xf32, #tpu.memory_space<vmem>> -> memref<1x128x128xf32, #tpu.memory_space<vmem>>
      %dma_wait3A_64 = tpu.memref_squeeze %dma_wait3A_63 : memref<1x128x128xf32, #tpu.memory_space<vmem>> -> memref<128x128xf32, #tpu.memory_space<vmem>>
      %dma_wait3A_65 = arith.constant 0 : i32
      %dma_wait3A_66 = tpu.memref_slice %arg9[%add3A_19, %dma_wait3A_65] : memref<10240x128xf32, #tpu.memory_space<vmem_shared>> -> memref<128x128xf32, #tpu.memory_space<vmem_shared>>
      %dma_wait3A_67 = arith.constant 0 : i32
      %dma_wait3A_68 = tpu.memref_slice %arg9[%add3A_19, %dma_wait3A_67] : memref<10240x128xf32, #tpu.memory_space<vmem_shared>> -> memref<128x128xf32, #tpu.memory_space<vmem_shared>>
      %dma_wait3A_69 = arith.constant 0 : i32
      %dma_wait3A_70 = arith.constant 0 : i32
      %dma_wait3A_71 = tpu.memref_slice %arg8[%run_scoped3A_20, %dma_wait3A_69, %dma_wait3A_70] : memref<2x128x128xf32, #tpu.memory_space<vmem>> -> memref<1x128x128xf32, #tpu.memory_space<vmem>>
      %dma_wait3A_72 = tpu.memref_squeeze %dma_wait3A_71 : memref<1x128x128xf32, #tpu.memory_space<vmem>> -> memref<128x128xf32, #tpu.memory_space<vmem>>
      tpu.wait_dma2 semaphore(%run_scoped3A_50 : memref<!tpu.dma_semaphore, #tpu.memory_space<semaphore_mem>>) src(%dma_wait3A_72 : memref<128x128xf32, #tpu.memory_space<vmem>>) dst(%dma_wait3A_68 : memref<128x128xf32, #tpu.memory_space<vmem_shared>>)
      tpu.yield
    }) : () -> ()
    %mul3A_21 = arith.constant 640 : i32
    %mul3A_22 = arith.muli %arg1, %mul3A_21 : i32
    %add3A_23 = arith.constant 512 : i32
    %add3A_24 = arith.addi %mul3A_22, %add3A_23 : i32
    %run_scoped3A_25 = arith.constant 0 : i32
    "tpu.region"() ({
      %run_scoped3A_50 = tpu.sem_alloc : memref<!tpu.dma_semaphore, #tpu.memory_space<semaphore_mem>>
      %dma_start3A = arith.constant 0 : i32
      %dma_start3A_51 = arith.constant 0 : i32
      %dma_start3A_52 = tpu.memref_slice %arg8[%run_scoped3A_25, %dma_start3A, %dma_start3A_51] : memref<2x128x128xf32, #tpu.memory_space<vmem>> -> memref<1x128x128xf32, #tpu.memory_space<vmem>>
      %dma_start3A_53 = tpu.memref_squeeze %dma_start3A_52 : memref<1x128x128xf32, #tpu.memory_space<vmem>> -> memref<128x128xf32, #tpu.memory_space<vmem>>
      %dma_start3A_54 = arith.constant 0 : i32
      %dma_start3A_55 = tpu.memref_slice %arg9[%add3A_24, %dma_start3A_54] : memref<10240x128xf32, #tpu.memory_space<vmem_shared>> -> memref<128x128xf32, #tpu.memory_space<vmem_shared>>
      %dma_start3A_56 = arith.constant 0 : i32
      %dma_start3A_57 = tpu.memref_slice %arg9[%add3A_24, %dma_start3A_56] : memref<10240x128xf32, #tpu.memory_space<vmem_shared>> -> memref<128x128xf32, #tpu.memory_space<vmem_shared>>
      %dma_start3A_58 = arith.constant 0 : i32
      %dma_start3A_59 = arith.constant 0 : i32
      %dma_start3A_60 = tpu.memref_slice %arg8[%run_scoped3A_25, %dma_start3A_58, %dma_start3A_59] : memref<2x128x128xf32, #tpu.memory_space<vmem>> -> memref<1x128x128xf32, #tpu.memory_space<vmem>>
      %dma_start3A_61 = tpu.memref_squeeze %dma_start3A_60 : memref<1x128x128xf32, #tpu.memory_space<vmem>> -> memref<128x128xf32, #tpu.memory_space<vmem>>
      tpu.enqueue_dma source(%dma_start3A_61 : memref<128x128xf32, #tpu.memory_space<vmem>>) target(%dma_start3A_57 : memref<128x128xf32, #tpu.memory_space<vmem_shared>>) target_semaphore(%run_scoped3A_50 : memref<!tpu.dma_semaphore, #tpu.memory_space<semaphore_mem>>)
      %dma_wait3A = arith.constant 0 : i32
      %dma_wait3A_62 = arith.constant 0 : i32
      %dma_wait3A_63 = tpu.memref_slice %arg8[%run_scoped3A_25, %dma_wait3A, %dma_wait3A_62] : memref<2x128x128xf32, #tpu.memory_space<vmem>> -> memref<1x128x128xf32, #tpu.memory_space<vmem>>
      %dma_wait3A_64 = tpu.memref_squeeze %dma_wait3A_63 : memref<1x128x128xf32, #tpu.memory_space<vmem>> -> memref<128x128xf32, #tpu.memory_space<vmem>>
      %dma_wait3A_65 = arith.constant 0 : i32
      %dma_wait3A_66 = tpu.memref_slice %arg9[%add3A_24, %dma_wait3A_65] : memref<10240x128xf32, #tpu.memory_space<vmem_shared>> -> memref<128x128xf32, #tpu.memory_space<vmem_shared>>
      %dma_wait3A_67 = arith.constant 0 : i32
      %dma_wait3A_68 = tpu.memref_slice %arg9[%add3A_24, %dma_wait3A_67] : memref<10240x128xf32, #tpu.memory_space<vmem_shared>> -> memref<128x128xf32, #tpu.memory_space<vmem_shared>>
      %dma_wait3A_69 = arith.constant 0 : i32
      %dma_wait3A_70 = arith.constant 0 : i32
      %dma_wait3A_71 = tpu.memref_slice %arg8[%run_scoped3A_25, %dma_wait3A_69, %dma_wait3A_70] : memref<2x128x128xf32, #tpu.memory_space<vmem>> -> memref<1x128x128xf32, #tpu.memory_space<vmem>>
      %dma_wait3A_72 = tpu.memref_squeeze %dma_wait3A_71 : memref<1x128x128xf32, #tpu.memory_space<vmem>> -> memref<128x128xf32, #tpu.memory_space<vmem>>
      tpu.wait_dma2 semaphore(%run_scoped3A_50 : memref<!tpu.dma_semaphore, #tpu.memory_space<semaphore_mem>>) src(%dma_wait3A_72 : memref<128x128xf32, #tpu.memory_space<vmem>>) dst(%dma_wait3A_68 : memref<128x128xf32, #tpu.memory_space<vmem_shared>>)
      tpu.yield
    }) : () -> ()
    %barrier3A = arith.constant 0 : index
    tpu.barrier barrier_id(%barrier3A)
    %eq3A = arith.constant 0 : i32
    %eq3A_26 = arith.cmpi eq, %arg0, %eq3A : i32
    %jit3A = arith.constant 18 : i32
    %jit3A_27 = arith.constant 2 : i32
    %select_n3A = arith.select %eq3A_26, %jit3A, %jit3A_27 : i32
    %eq3A_28 = arith.constant 0 : i32
    %eq3A_29 = arith.cmpi eq, %arg0, %eq3A_28 : i32
    %mul3A_30 = arith.constant 18 : i32
    %mul3A_31 = arith.muli %arg1, %mul3A_30 : i32
    %mul3A_32 = arith.constant 2 : i32
    %mul3A_33 = arith.muli %arg1, %mul3A_32 : i32
    %add3A_34 = arith.constant 288 : i32
    %add3A_35 = arith.addi %add3A_34, %mul3A_33 : i32
    %select_n3A_36 = arith.select %eq3A_29, %mul3A_31, %add3A_35 : i32
    %while3A = arith.constant 0 : i32
    %while3A_37 = arith.subi %select_n3A, %while3A : i32
    %while3A_38 = arith.addi %while3A, %while3A_37 : i32
    %while3A_39 = arith.constant 1 : i32
    %while3A_40 = arith.divsi %while3A_37, %while3A_39 : i32
    %while3A_41 = arith.muli %while3A_40, %while3A_39 : i32
    %while3A_42 = arith.addi %while3A, %while3A_41 : i32
    %while3A_43 = arith.constant 1 : i32
    scf.for %while3A_50 = %while3A to %while3A_42 step %while3A_43  : i32 {
      %add3A_51 = arith.addi %select_n3A_36, %while3A_50 : i32
      "tpu.region"() ({
        %run_scoped3A_258 = tpu.sem_alloc : memref<!tpu.dma_semaphore, #tpu.memory_space<semaphore_mem>>
        %dma_start3A_259 = arith.constant 0 : i32
        %dma_start3A_260 = arith.constant 0 : i32
        %dma_start3A_261 = tpu.memref_slice %arg3[%add3A_51, %dma_start3A_259, %dma_start3A_260] : memref<320x8x128xi32, #tpu.memory_space<hbm>> -> memref<1x8x128xi32, #tpu.memory_space<hbm>>
        %dma_start3A_262 = tpu.memref_squeeze %dma_start3A_261 : memref<1x8x128xi32, #tpu.memory_space<hbm>> -> memref<8x128xi32, #tpu.memory_space<hbm>>
        %dma_start3A_263 = arith.constant 0 : i32
        %dma_start3A_264 = arith.constant 0 : i32
        %dma_start3A_265 = tpu.memref_slice %arg3[%add3A_51, %dma_start3A_263, %dma_start3A_264] : memref<320x8x128xi32, #tpu.memory_space<hbm>> -> memref<1x8x128xi32, #tpu.memory_space<hbm>>
        %dma_start3A_266 = tpu.memref_squeeze %dma_start3A_265 : memref<1x8x128xi32, #tpu.memory_space<hbm>> -> memref<8x128xi32, #tpu.memory_space<hbm>>
        tpu.enqueue_dma source(%dma_start3A_266 : memref<8x128xi32, #tpu.memory_space<hbm>>) target(%arg6 : memref<8x128xi32, #tpu.memory_space<vmem>>) target_semaphore(%run_scoped3A_258 : memref<!tpu.dma_semaphore, #tpu.memory_space<semaphore_mem>>)
        %dma_wait3A_267 = arith.constant 0 : i32
        %dma_wait3A_268 = arith.constant 0 : i32
        %dma_wait3A_269 = tpu.memref_slice %arg3[%add3A_51, %dma_wait3A_267, %dma_wait3A_268] : memref<320x8x128xi32, #tpu.memory_space<hbm>> -> memref<1x8x128xi32, #tpu.memory_space<hbm>>
        %dma_wait3A_270 = tpu.memref_squeeze %dma_wait3A_269 : memref<1x8x128xi32, #tpu.memory_space<hbm>> -> memref<8x128xi32, #tpu.memory_space<hbm>>
        %dma_wait3A_271 = arith.constant 0 : i32
        %dma_wait3A_272 = arith.constant 0 : i32
        %dma_wait3A_273 = tpu.memref_slice %arg3[%add3A_51, %dma_wait3A_271, %dma_wait3A_272] : memref<320x8x128xi32, #tpu.memory_space<hbm>> -> memref<1x8x128xi32, #tpu.memory_space<hbm>>
        %dma_wait3A_274 = tpu.memref_squeeze %dma_wait3A_273 : memref<1x8x128xi32, #tpu.memory_space<hbm>> -> memref<8x128xi32, #tpu.memory_space<hbm>>
        tpu.wait_dma2 semaphore(%run_scoped3A_258 : memref<!tpu.dma_semaphore, #tpu.memory_space<semaphore_mem>>) src(%dma_wait3A_274 : memref<8x128xi32, #tpu.memory_space<hbm>>) dst(%arg6 : memref<8x128xi32, #tpu.memory_space<vmem>>)
        tpu.yield
      }) : () -> ()
      "tpu.region"() ({
        %run_scoped3A_258 = tpu.sem_alloc : memref<!tpu.dma_semaphore, #tpu.memory_space<semaphore_mem>>
        %dma_start3A_259 = arith.constant 0 : i32
        %dma_start3A_260 = arith.constant 0 : i32
        %dma_start3A_261 = tpu.memref_slice %arg4[%add3A_51, %dma_start3A_259, %dma_start3A_260] : memref<320x8x128xi32, #tpu.memory_space<hbm>> -> memref<1x8x128xi32, #tpu.memory_space<hbm>>
        %dma_start3A_262 = tpu.memref_squeeze %dma_start3A_261 : memref<1x8x128xi32, #tpu.memory_space<hbm>> -> memref<8x128xi32, #tpu.memory_space<hbm>>
        %dma_start3A_263 = arith.constant 0 : i32
        %dma_start3A_264 = arith.constant 0 : i32
        %dma_start3A_265 = tpu.memref_slice %arg4[%add3A_51, %dma_start3A_263, %dma_start3A_264] : memref<320x8x128xi32, #tpu.memory_space<hbm>> -> memref<1x8x128xi32, #tpu.memory_space<hbm>>
        %dma_start3A_266 = tpu.memref_squeeze %dma_start3A_265 : memref<1x8x128xi32, #tpu.memory_space<hbm>> -> memref<8x128xi32, #tpu.memory_space<hbm>>
        tpu.enqueue_dma source(%dma_start3A_266 : memref<8x128xi32, #tpu.memory_space<hbm>>) target(%arg7 : memref<8x128xi32, #tpu.memory_space<vmem>>) target_semaphore(%run_scoped3A_258 : memref<!tpu.dma_semaphore, #tpu.memory_space<semaphore_mem>>)
        %dma_wait3A_267 = arith.constant 0 : i32
        %dma_wait3A_268 = arith.constant 0 : i32
        %dma_wait3A_269 = tpu.memref_slice %arg4[%add3A_51, %dma_wait3A_267, %dma_wait3A_268] : memref<320x8x128xi32, #tpu.memory_space<hbm>> -> memref<1x8x128xi32, #tpu.memory_space<hbm>>
        %dma_wait3A_270 = tpu.memref_squeeze %dma_wait3A_269 : memref<1x8x128xi32, #tpu.memory_space<hbm>> -> memref<8x128xi32, #tpu.memory_space<hbm>>
        %dma_wait3A_271 = arith.constant 0 : i32
        %dma_wait3A_272 = arith.constant 0 : i32
        %dma_wait3A_273 = tpu.memref_slice %arg4[%add3A_51, %dma_wait3A_271, %dma_wait3A_272] : memref<320x8x128xi32, #tpu.memory_space<hbm>> -> memref<1x8x128xi32, #tpu.memory_space<hbm>>
        %dma_wait3A_274 = tpu.memref_squeeze %dma_wait3A_273 : memref<1x8x128xi32, #tpu.memory_space<hbm>> -> memref<8x128xi32, #tpu.memory_space<hbm>>
        tpu.wait_dma2 semaphore(%run_scoped3A_258 : memref<!tpu.dma_semaphore, #tpu.memory_space<semaphore_mem>>) src(%dma_wait3A_274 : memref<8x128xi32, #tpu.memory_space<hbm>>) dst(%arg7 : memref<8x128xi32, #tpu.memory_space<vmem>>)
        tpu.yield
      }) : () -> ()
      %dma_start3A = arith.constant 0 : i32
      %dma_start3A_52 = arith.constant 0 : i32
      %dma_start3A_53 = arith.constant 0 : i32
      %dma_start3A_54 = arith.constant 0 : i32
      %dma_start3A_55 = tpu.memref_slice %arg8[%dma_start3A_52, %dma_start3A_53, %dma_start3A_54] : memref<2x128x128xf32, #tpu.memory_space<vmem>> -> memref<1x128x128xf32, #tpu.memory_space<vmem>>
      %dma_start3A_56 = tpu.memref_squeeze %dma_start3A_55 : memref<1x128x128xf32, #tpu.memory_space<vmem>> -> memref<128x128xf32, #tpu.memory_space<vmem>>
      %dma_start3A_57 = arith.constant 0 : i32
      %dma_start3A_58 = tpu.memref_slice %arg6[%dma_start3A, %dma_start3A_57] : memref<8x128xi32, #tpu.memory_space<vmem>> -> memref<1x128xi32, #tpu.memory_space<vmem>>
      %dma_start3A_59 = tpu.memref_squeeze %dma_start3A_58 : memref<1x128xi32, #tpu.memory_space<vmem>> -> memref<128xi32, #tpu.memory_space<vmem>>
      %dma_start3A_60 = arith.constant 0 : i32
      %dma_start3A_61 = arith.constant 0 : i32
      %dma_start3A_62 = tpu.memref_slice %arg2[%dma_start3A_60, %dma_start3A_61] : memref<10240x128xf32, #tpu.memory_space<hbm>> -> memref<10240x128xf32, #tpu.memory_space<hbm>>
      tpu.enqueue_indirect_dma source(%dma_start3A_62 : memref<10240x128xf32, #tpu.memory_space<hbm>>) target(%dma_start3A_56 : memref<128x128xf32, #tpu.memory_space<vmem>>) offsets(%dma_start3A_59 : memref<128xi32, #tpu.memory_space<vmem>>) semaphore(%arg10 : memref<!tpu.dma_semaphore, #tpu.memory_space<semaphore_mem>>)
      %dma_wait3A = arith.constant 0 : i32
      %dma_wait3A_63 = arith.constant 0 : i32
      %dma_wait3A_64 = arith.constant 0 : i32
      %dma_wait3A_65 = arith.constant 0 : i32
      %dma_wait3A_66 = tpu.memref_slice %arg8[%dma_wait3A_63, %dma_wait3A_64, %dma_wait3A_65] : memref<2x128x128xf32, #tpu.memory_space<vmem>> -> memref<1x128x128xf32, #tpu.memory_space<vmem>>
      %dma_wait3A_67 = tpu.memref_squeeze %dma_wait3A_66 : memref<1x128x128xf32, #tpu.memory_space<vmem>> -> memref<128x128xf32, #tpu.memory_space<vmem>>
      %dma_wait3A_68 = arith.constant 0 : i32
      %dma_wait3A_69 = tpu.memref_slice %arg6[%dma_wait3A, %dma_wait3A_68] : memref<8x128xi32, #tpu.memory_space<vmem>> -> memref<1x128xi32, #tpu.memory_space<vmem>>
      %dma_wait3A_70 = tpu.memref_squeeze %dma_wait3A_69 : memref<1x128xi32, #tpu.memory_space<vmem>> -> memref<128xi32, #tpu.memory_space<vmem>>
      %dma_wait3A_71 = arith.constant 0 : i32
      %dma_wait3A_72 = arith.constant 0 : i32
      %dma_wait3A_73 = tpu.memref_slice %arg2[%dma_wait3A_71, %dma_wait3A_72] : memref<10240x128xf32, #tpu.memory_space<hbm>> -> memref<10240x128xf32, #tpu.memory_space<hbm>>
      tpu.wait_indirect_dma semaphore(%arg10 : memref<!tpu.dma_semaphore, #tpu.memory_space<semaphore_mem>>) src(%dma_wait3A_73 : memref<10240x128xf32, #tpu.memory_space<hbm>>) dst(%dma_wait3A_67 : memref<128x128xf32, #tpu.memory_space<vmem>>)
      %dma_start3A_74 = arith.constant 1 : i32
      %dma_start3A_75 = arith.constant 1 : i32
      %dma_start3A_76 = arith.constant 0 : i32
      %dma_start3A_77 = arith.constant 0 : i32
      %dma_start3A_78 = tpu.memref_slice %arg8[%dma_start3A_75, %dma_start3A_76, %dma_start3A_77] : memref<2x128x128xf32, #tpu.memory_space<vmem>> -> memref<1x128x128xf32, #tpu.memory_space<vmem>>
      %dma_start3A_79 = tpu.memref_squeeze %dma_start3A_78 : memref<1x128x128xf32, #tpu.memory_space<vmem>> -> memref<128x128xf32, #tpu.memory_space<vmem>>
      %dma_start3A_80 = arith.constant 0 : i32
      %dma_start3A_81 = tpu.memref_slice %arg6[%dma_start3A_74, %dma_start3A_80] : memref<8x128xi32, #tpu.memory_space<vmem>> -> memref<1x128xi32, #tpu.memory_space<vmem>>
      %dma_start3A_82 = tpu.memref_squeeze %dma_start3A_81 : memref<1x128xi32, #tpu.memory_space<vmem>> -> memref<128xi32, #tpu.memory_space<vmem>>
      %dma_start3A_83 = arith.constant 0 : i32
      %dma_start3A_84 = arith.constant 0 : i32
      %dma_start3A_85 = tpu.memref_slice %arg2[%dma_start3A_83, %dma_start3A_84] : memref<10240x128xf32, #tpu.memory_space<hbm>> -> memref<10240x128xf32, #tpu.memory_space<hbm>>
      tpu.enqueue_indirect_dma source(%dma_start3A_85 : memref<10240x128xf32, #tpu.memory_space<hbm>>) target(%dma_start3A_79 : memref<128x128xf32, #tpu.memory_space<vmem>>) offsets(%dma_start3A_82 : memref<128xi32, #tpu.memory_space<vmem>>) semaphore(%arg11 : memref<!tpu.dma_semaphore, #tpu.memory_space<semaphore_mem>>)
      %run_scoped3A_86 = arith.constant 0 : i32
      %run_scoped3A_87 = arith.constant 0 : i32
      "tpu.region"() ({
        %run_scoped3A_258 = tpu.sem_alloc : memref<!tpu.dma_semaphore, #tpu.memory_space<semaphore_mem>>
        %dma_start3A_259 = arith.constant 0 : i32
        %dma_start3A_260 = arith.constant 0 : i32
        %dma_start3A_261 = tpu.memref_slice %arg8[%run_scoped3A_86, %dma_start3A_259, %dma_start3A_260] : memref<2x128x128xf32, #tpu.memory_space<vmem>> -> memref<1x128x128xf32, #tpu.memory_space<vmem>>
        %dma_start3A_262 = tpu.memref_squeeze %dma_start3A_261 : memref<1x128x128xf32, #tpu.memory_space<vmem>> -> memref<128x128xf32, #tpu.memory_space<vmem>>
        %dma_start3A_263 = arith.constant 0 : i32
        %dma_start3A_264 = tpu.memref_slice %arg7[%run_scoped3A_87, %dma_start3A_263] : memref<8x128xi32, #tpu.memory_space<vmem>> -> memref<1x128xi32, #tpu.memory_space<vmem>>
        %dma_start3A_265 = tpu.memref_squeeze %dma_start3A_264 : memref<1x128xi32, #tpu.memory_space<vmem>> -> memref<128xi32, #tpu.memory_space<vmem>>
        %dma_start3A_266 = arith.constant 0 : i32
        %dma_start3A_267 = arith.constant 0 : i32
        %dma_start3A_268 = tpu.memref_slice %arg9[%dma_start3A_266, %dma_start3A_267] : memref<10240x128xf32, #tpu.memory_space<vmem_shared>> -> memref<10240x128xf32, #tpu.memory_space<vmem_shared>>
        tpu.enqueue_indirect_dma source(%dma_start3A_262 : memref<128x128xf32, #tpu.memory_space<vmem>>) target(%dma_start3A_268 : memref<10240x128xf32, #tpu.memory_space<vmem_shared>>) offsets(%dma_start3A_265 : memref<128xi32, #tpu.memory_space<vmem>>) semaphore(%run_scoped3A_258 : memref<!tpu.dma_semaphore, #tpu.memory_space<semaphore_mem>>) {add = true}
        %dma_wait3A_269 = arith.constant 0 : i32
        %dma_wait3A_270 = arith.constant 0 : i32
        %dma_wait3A_271 = tpu.memref_slice %arg8[%run_scoped3A_86, %dma_wait3A_269, %dma_wait3A_270] : memref<2x128x128xf32, #tpu.memory_space<vmem>> -> memref<1x128x128xf32, #tpu.memory_space<vmem>>
        %dma_wait3A_272 = tpu.memref_squeeze %dma_wait3A_271 : memref<1x128x128xf32, #tpu.memory_space<vmem>> -> memref<128x128xf32, #tpu.memory_space<vmem>>
        %dma_wait3A_273 = arith.constant 0 : i32
        %dma_wait3A_274 = tpu.memref_slice %arg7[%run_scoped3A_87, %dma_wait3A_273] : memref<8x128xi32, #tpu.memory_space<vmem>> -> memref<1x128xi32, #tpu.memory_space<vmem>>
        %dma_wait3A_275 = tpu.memref_squeeze %dma_wait3A_274 : memref<1x128xi32, #tpu.memory_space<vmem>> -> memref<128xi32, #tpu.memory_space<vmem>>
        %dma_wait3A_276 = arith.constant 0 : i32
        %dma_wait3A_277 = arith.constant 0 : i32
        %dma_wait3A_278 = tpu.memref_slice %arg9[%dma_wait3A_276, %dma_wait3A_277] : memref<10240x128xf32, #tpu.memory_space<vmem_shared>> -> memref<10240x128xf32, #tpu.memory_space<vmem_shared>>
        tpu.wait_indirect_dma semaphore(%run_scoped3A_258 : memref<!tpu.dma_semaphore, #tpu.memory_space<semaphore_mem>>) src(%dma_wait3A_272 : memref<128x128xf32, #tpu.memory_space<vmem>>) dst(%dma_wait3A_278 : memref<10240x128xf32, #tpu.memory_space<vmem_shared>>)
        tpu.yield
      }) : () -> ()
      %dma_wait3A_88 = arith.constant 1 : i32
      %dma_wait3A_89 = arith.constant 1 : i32
      %dma_wait3A_90 = arith.constant 0 : i32
      %dma_wait3A_91 = arith.constant 0 : i32
      %dma_wait3A_92 = tpu.memref_slice %arg8[%dma_wait3A_89, %dma_wait3A_90, %dma_wait3A_91] : memref<2x128x128xf32, #tpu.memory_space<vmem>> -> memref<1x128x128xf32, #tpu.memory_space<vmem>>
      %dma_wait3A_93 = tpu.memref_squeeze %dma_wait3A_92 : memref<1x128x128xf32, #tpu.memory_space<vmem>> -> memref<128x128xf32, #tpu.memory_space<vmem>>
      %dma_wait3A_94 = arith.constant 0 : i32
      %dma_wait3A_95 = tpu.memref_slice %arg6[%dma_wait3A_88, %dma_wait3A_94] : memref<8x128xi32, #tpu.memory_space<vmem>> -> memref<1x128xi32, #tpu.memory_space<vmem>>
      %dma_wait3A_96 = tpu.memref_squeeze %dma_wait3A_95 : memref<1x128xi32, #tpu.memory_space<vmem>> -> memref<128xi32, #tpu.memory_space<vmem>>
      %dma_wait3A_97 = arith.constant 0 : i32
      %dma_wait3A_98 = arith.constant 0 : i32
      %dma_wait3A_99 = tpu.memref_slice %arg2[%dma_wait3A_97, %dma_wait3A_98] : memref<10240x128xf32, #tpu.memory_space<hbm>> -> memref<10240x128xf32, #tpu.memory_space<hbm>>
      tpu.wait_indirect_dma semaphore(%arg11 : memref<!tpu.dma_semaphore, #tpu.memory_space<semaphore_mem>>) src(%dma_wait3A_99 : memref<10240x128xf32, #tpu.memory_space<hbm>>) dst(%dma_wait3A_93 : memref<128x128xf32, #tpu.memory_space<vmem>>)
      %dma_start3A_100 = arith.constant 2 : i32
      %dma_start3A_101 = arith.constant 0 : i32
      %dma_start3A_102 = arith.constant 0 : i32
      %dma_start3A_103 = arith.constant 0 : i32
      %dma_start3A_104 = tpu.memref_slice %arg8[%dma_start3A_101, %dma_start3A_102, %dma_start3A_103] : memref<2x128x128xf32, #tpu.memory_space<vmem>> -> memref<1x128x128xf32, #tpu.memory_space<vmem>>
      %dma_start3A_105 = tpu.memref_squeeze %dma_start3A_104 : memref<1x128x128xf32, #tpu.memory_space<vmem>> -> memref<128x128xf32, #tpu.memory_space<vmem>>
      %dma_start3A_106 = arith.constant 0 : i32
      %dma_start3A_107 = tpu.memref_slice %arg6[%dma_start3A_100, %dma_start3A_106] : memref<8x128xi32, #tpu.memory_space<vmem>> -> memref<1x128xi32, #tpu.memory_space<vmem>>
      %dma_start3A_108 = tpu.memref_squeeze %dma_start3A_107 : memref<1x128xi32, #tpu.memory_space<vmem>> -> memref<128xi32, #tpu.memory_space<vmem>>
      %dma_start3A_109 = arith.constant 0 : i32
      %dma_start3A_110 = arith.constant 0 : i32
      %dma_start3A_111 = tpu.memref_slice %arg2[%dma_start3A_109, %dma_start3A_110] : memref<10240x128xf32, #tpu.memory_space<hbm>> -> memref<10240x128xf32, #tpu.memory_space<hbm>>
      tpu.enqueue_indirect_dma source(%dma_start3A_111 : memref<10240x128xf32, #tpu.memory_space<hbm>>) target(%dma_start3A_105 : memref<128x128xf32, #tpu.memory_space<vmem>>) offsets(%dma_start3A_108 : memref<128xi32, #tpu.memory_space<vmem>>) semaphore(%arg11 : memref<!tpu.dma_semaphore, #tpu.memory_space<semaphore_mem>>)
      %run_scoped3A_112 = arith.constant 1 : i32
      %run_scoped3A_113 = arith.constant 1 : i32
      "tpu.region"() ({
        %run_scoped3A_258 = tpu.sem_alloc : memref<!tpu.dma_semaphore, #tpu.memory_space<semaphore_mem>>
        %dma_start3A_259 = arith.constant 0 : i32
        %dma_start3A_260 = arith.constant 0 : i32
        %dma_start3A_261 = tpu.memref_slice %arg8[%run_scoped3A_112, %dma_start3A_259, %dma_start3A_260] : memref<2x128x128xf32, #tpu.memory_space<vmem>> -> memref<1x128x128xf32, #tpu.memory_space<vmem>>
        %dma_start3A_262 = tpu.memref_squeeze %dma_start3A_261 : memref<1x128x128xf32, #tpu.memory_space<vmem>> -> memref<128x128xf32, #tpu.memory_space<vmem>>
        %dma_start3A_263 = arith.constant 0 : i32
        %dma_start3A_264 = tpu.memref_slice %arg7[%run_scoped3A_113, %dma_start3A_263] : memref<8x128xi32, #tpu.memory_space<vmem>> -> memref<1x128xi32, #tpu.memory_space<vmem>>
        %dma_start3A_265 = tpu.memref_squeeze %dma_start3A_264 : memref<1x128xi32, #tpu.memory_space<vmem>> -> memref<128xi32, #tpu.memory_space<vmem>>
        %dma_start3A_266 = arith.constant 0 : i32
        %dma_start3A_267 = arith.constant 0 : i32
        %dma_start3A_268 = tpu.memref_slice %arg9[%dma_start3A_266, %dma_start3A_267] : memref<10240x128xf32, #tpu.memory_space<vmem_shared>> -> memref<10240x128xf32, #tpu.memory_space<vmem_shared>>
        tpu.enqueue_indirect_dma source(%dma_start3A_262 : memref<128x128xf32, #tpu.memory_space<vmem>>) target(%dma_start3A_268 : memref<10240x128xf32, #tpu.memory_space<vmem_shared>>) offsets(%dma_start3A_265 : memref<128xi32, #tpu.memory_space<vmem>>) semaphore(%run_scoped3A_258 : memref<!tpu.dma_semaphore, #tpu.memory_space<semaphore_mem>>) {add = true}
        %dma_wait3A_269 = arith.constant 0 : i32
        %dma_wait3A_270 = arith.constant 0 : i32
        %dma_wait3A_271 = tpu.memref_slice %arg8[%run_scoped3A_112, %dma_wait3A_269, %dma_wait3A_270] : memref<2x128x128xf32, #tpu.memory_space<vmem>> -> memref<1x128x128xf32, #tpu.memory_space<vmem>>
        %dma_wait3A_272 = tpu.memref_squeeze %dma_wait3A_271 : memref<1x128x128xf32, #tpu.memory_space<vmem>> -> memref<128x128xf32, #tpu.memory_space<vmem>>
        %dma_wait3A_273 = arith.constant 0 : i32
        %dma_wait3A_274 = tpu.memref_slice %arg7[%run_scoped3A_113, %dma_wait3A_273] : memref<8x128xi32, #tpu.memory_space<vmem>> -> memref<1x128xi32, #tpu.memory_space<vmem>>
        %dma_wait3A_275 = tpu.memref_squeeze %dma_wait3A_274 : memref<1x128xi32, #tpu.memory_space<vmem>> -> memref<128xi32, #tpu.memory_space<vmem>>
        %dma_wait3A_276 = arith.constant 0 : i32
        %dma_wait3A_277 = arith.constant 0 : i32
        %dma_wait3A_278 = tpu.memref_slice %arg9[%dma_wait3A_276, %dma_wait3A_277] : memref<10240x128xf32, #tpu.memory_space<vmem_shared>> -> memref<10240x128xf32, #tpu.memory_space<vmem_shared>>
        tpu.wait_indirect_dma semaphore(%run_scoped3A_258 : memref<!tpu.dma_semaphore, #tpu.memory_space<semaphore_mem>>) src(%dma_wait3A_272 : memref<128x128xf32, #tpu.memory_space<vmem>>) dst(%dma_wait3A_278 : memref<10240x128xf32, #tpu.memory_space<vmem_shared>>)
        tpu.yield
      }) : () -> ()
      %dma_wait3A_114 = arith.constant 2 : i32
      %dma_wait3A_115 = arith.constant 0 : i32
      %dma_wait3A_116 = arith.constant 0 : i32
      %dma_wait3A_117 = arith.constant 0 : i32
      %dma_wait3A_118 = tpu.memref_slice %arg8[%dma_wait3A_115, %dma_wait3A_116, %dma_wait3A_117] : memref<2x128x128xf32, #tpu.memory_space<vmem>> -> memref<1x128x128xf32, #tpu.memory_space<vmem>>
      %dma_wait3A_119 = tpu.memref_squeeze %dma_wait3A_118 : memref<1x128x128xf32, #tpu.memory_space<vmem>> -> memref<128x128xf32, #tpu.memory_space<vmem>>
      %dma_wait3A_120 = arith.constant 0 : i32
      %dma_wait3A_121 = tpu.memref_slice %arg6[%dma_wait3A_114, %dma_wait3A_120] : memref<8x128xi32, #tpu.memory_space<vmem>> -> memref<1x128xi32, #tpu.memory_space<vmem>>
      %dma_wait3A_122 = tpu.memref_squeeze %dma_wait3A_121 : memref<1x128xi32, #tpu.memory_space<vmem>> -> memref<128xi32, #tpu.memory_space<vmem>>
      %dma_wait3A_123 = arith.constant 0 : i32
      %dma_wait3A_124 = arith.constant 0 : i32
      %dma_wait3A_125 = tpu.memref_slice %arg2[%dma_wait3A_123, %dma_wait3A_124] : memref<10240x128xf32, #tpu.memory_space<hbm>> -> memref<10240x128xf32, #tpu.memory_space<hbm>>
      tpu.wait_indirect_dma semaphore(%arg11 : memref<!tpu.dma_semaphore, #tpu.memory_space<semaphore_mem>>) src(%dma_wait3A_125 : memref<10240x128xf32, #tpu.memory_space<hbm>>) dst(%dma_wait3A_119 : memref<128x128xf32, #tpu.memory_space<vmem>>)
      %dma_start3A_126 = arith.constant 3 : i32
      %dma_start3A_127 = arith.constant 1 : i32
      %dma_start3A_128 = arith.constant 0 : i32
      %dma_start3A_129 = arith.constant 0 : i32
      %dma_start3A_130 = tpu.memref_slice %arg8[%dma_start3A_127, %dma_start3A_128, %dma_start3A_129] : memref<2x128x128xf32, #tpu.memory_space<vmem>> -> memref<1x128x128xf32, #tpu.memory_space<vmem>>
      %dma_start3A_131 = tpu.memref_squeeze %dma_start3A_130 : memref<1x128x128xf32, #tpu.memory_space<vmem>> -> memref<128x128xf32, #tpu.memory_space<vmem>>
      %dma_start3A_132 = arith.constant 0 : i32
      %dma_start3A_133 = tpu.memref_slice %arg6[%dma_start3A_126, %dma_start3A_132] : memref<8x128xi32, #tpu.memory_space<vmem>> -> memref<1x128xi32, #tpu.memory_space<vmem>>
      %dma_start3A_134 = tpu.memref_squeeze %dma_start3A_133 : memref<1x128xi32, #tpu.memory_space<vmem>> -> memref<128xi32, #tpu.memory_space<vmem>>
      %dma_start3A_135 = arith.constant 0 : i32
      %dma_start3A_136 = arith.constant 0 : i32
      %dma_start3A_137 = tpu.memref_slice %arg2[%dma_start3A_135, %dma_start3A_136] : memref<10240x128xf32, #tpu.memory_space<hbm>> -> memref<10240x128xf32, #tpu.memory_space<hbm>>
      tpu.enqueue_indirect_dma source(%dma_start3A_137 : memref<10240x128xf32, #tpu.memory_space<hbm>>) target(%dma_start3A_131 : memref<128x128xf32, #tpu.memory_space<vmem>>) offsets(%dma_start3A_134 : memref<128xi32, #tpu.memory_space<vmem>>) semaphore(%arg11 : memref<!tpu.dma_semaphore, #tpu.memory_space<semaphore_mem>>)
      %run_scoped3A_138 = arith.constant 0 : i32
      %run_scoped3A_139 = arith.constant 2 : i32
      "tpu.region"() ({
        %run_scoped3A_258 = tpu.sem_alloc : memref<!tpu.dma_semaphore, #tpu.memory_space<semaphore_mem>>
        %dma_start3A_259 = arith.constant 0 : i32
        %dma_start3A_260 = arith.constant 0 : i32
        %dma_start3A_261 = tpu.memref_slice %arg8[%run_scoped3A_138, %dma_start3A_259, %dma_start3A_260] : memref<2x128x128xf32, #tpu.memory_space<vmem>> -> memref<1x128x128xf32, #tpu.memory_space<vmem>>
        %dma_start3A_262 = tpu.memref_squeeze %dma_start3A_261 : memref<1x128x128xf32, #tpu.memory_space<vmem>> -> memref<128x128xf32, #tpu.memory_space<vmem>>
        %dma_start3A_263 = arith.constant 0 : i32
        %dma_start3A_264 = tpu.memref_slice %arg7[%run_scoped3A_139, %dma_start3A_263] : memref<8x128xi32, #tpu.memory_space<vmem>> -> memref<1x128xi32, #tpu.memory_space<vmem>>
        %dma_start3A_265 = tpu.memref_squeeze %dma_start3A_264 : memref<1x128xi32, #tpu.memory_space<vmem>> -> memref<128xi32, #tpu.memory_space<vmem>>
        %dma_start3A_266 = arith.constant 0 : i32
        %dma_start3A_267 = arith.constant 0 : i32
        %dma_start3A_268 = tpu.memref_slice %arg9[%dma_start3A_266, %dma_start3A_267] : memref<10240x128xf32, #tpu.memory_space<vmem_shared>> -> memref<10240x128xf32, #tpu.memory_space<vmem_shared>>
        tpu.enqueue_indirect_dma source(%dma_start3A_262 : memref<128x128xf32, #tpu.memory_space<vmem>>) target(%dma_start3A_268 : memref<10240x128xf32, #tpu.memory_space<vmem_shared>>) offsets(%dma_start3A_265 : memref<128xi32, #tpu.memory_space<vmem>>) semaphore(%run_scoped3A_258 : memref<!tpu.dma_semaphore, #tpu.memory_space<semaphore_mem>>) {add = true}
        %dma_wait3A_269 = arith.constant 0 : i32
        %dma_wait3A_270 = arith.constant 0 : i32
        %dma_wait3A_271 = tpu.memref_slice %arg8[%run_scoped3A_138, %dma_wait3A_269, %dma_wait3A_270] : memref<2x128x128xf32, #tpu.memory_space<vmem>> -> memref<1x128x128xf32, #tpu.memory_space<vmem>>
        %dma_wait3A_272 = tpu.memref_squeeze %dma_wait3A_271 : memref<1x128x128xf32, #tpu.memory_space<vmem>> -> memref<128x128xf32, #tpu.memory_space<vmem>>
        %dma_wait3A_273 = arith.constant 0 : i32
        %dma_wait3A_274 = tpu.memref_slice %arg7[%run_scoped3A_139, %dma_wait3A_273] : memref<8x128xi32, #tpu.memory_space<vmem>> -> memref<1x128xi32, #tpu.memory_space<vmem>>
        %dma_wait3A_275 = tpu.memref_squeeze %dma_wait3A_274 : memref<1x128xi32, #tpu.memory_space<vmem>> -> memref<128xi32, #tpu.memory_space<vmem>>
        %dma_wait3A_276 = arith.constant 0 : i32
        %dma_wait3A_277 = arith.constant 0 : i32
        %dma_wait3A_278 = tpu.memref_slice %arg9[%dma_wait3A_276, %dma_wait3A_277] : memref<10240x128xf32, #tpu.memory_space<vmem_shared>> -> memref<10240x128xf32, #tpu.memory_space<vmem_shared>>
        tpu.wait_indirect_dma semaphore(%run_scoped3A_258 : memref<!tpu.dma_semaphore, #tpu.memory_space<semaphore_mem>>) src(%dma_wait3A_272 : memref<128x128xf32, #tpu.memory_space<vmem>>) dst(%dma_wait3A_278 : memref<10240x128xf32, #tpu.memory_space<vmem_shared>>)
        tpu.yield
      }) : () -> ()
      %dma_wait3A_140 = arith.constant 3 : i32
      %dma_wait3A_141 = arith.constant 1 : i32
      %dma_wait3A_142 = arith.constant 0 : i32
      %dma_wait3A_143 = arith.constant 0 : i32
      %dma_wait3A_144 = tpu.memref_slice %arg8[%dma_wait3A_141, %dma_wait3A_142, %dma_wait3A_143] : memref<2x128x128xf32, #tpu.memory_space<vmem>> -> memref<1x128x128xf32, #tpu.memory_space<vmem>>
      %dma_wait3A_145 = tpu.memref_squeeze %dma_wait3A_144 : memref<1x128x128xf32, #tpu.memory_space<vmem>> -> memref<128x128xf32, #tpu.memory_space<vmem>>
      %dma_wait3A_146 = arith.constant 0 : i32
      %dma_wait3A_147 = tpu.memref_slice %arg6[%dma_wait3A_140, %dma_wait3A_146] : memref<8x128xi32, #tpu.memory_space<vmem>> -> memref<1x128xi32, #tpu.memory_space<vmem>>
      %dma_wait3A_148 = tpu.memref_squeeze %dma_wait3A_147 : memref<1x128xi32, #tpu.memory_space<vmem>> -> memref<128xi32, #tpu.memory_space<vmem>>
      %dma_wait3A_149 = arith.constant 0 : i32
      %dma_wait3A_150 = arith.constant 0 : i32
      %dma_wait3A_151 = tpu.memref_slice %arg2[%dma_wait3A_149, %dma_wait3A_150] : memref<10240x128xf32, #tpu.memory_space<hbm>> -> memref<10240x128xf32, #tpu.memory_space<hbm>>
      tpu.wait_indirect_dma semaphore(%arg11 : memref<!tpu.dma_semaphore, #tpu.memory_space<semaphore_mem>>) src(%dma_wait3A_151 : memref<10240x128xf32, #tpu.memory_space<hbm>>) dst(%dma_wait3A_145 : memref<128x128xf32, #tpu.memory_space<vmem>>)
      %dma_start3A_152 = arith.constant 4 : i32
      %dma_start3A_153 = arith.constant 0 : i32
      %dma_start3A_154 = arith.constant 0 : i32
      %dma_start3A_155 = arith.constant 0 : i32
      %dma_start3A_156 = tpu.memref_slice %arg8[%dma_start3A_153, %dma_start3A_154, %dma_start3A_155] : memref<2x128x128xf32, #tpu.memory_space<vmem>> -> memref<1x128x128xf32, #tpu.memory_space<vmem>>
      %dma_start3A_157 = tpu.memref_squeeze %dma_start3A_156 : memref<1x128x128xf32, #tpu.memory_space<vmem>> -> memref<128x128xf32, #tpu.memory_space<vmem>>
      %dma_start3A_158 = arith.constant 0 : i32
      %dma_start3A_159 = tpu.memref_slice %arg6[%dma_start3A_152, %dma_start3A_158] : memref<8x128xi32, #tpu.memory_space<vmem>> -> memref<1x128xi32, #tpu.memory_space<vmem>>
      %dma_start3A_160 = tpu.memref_squeeze %dma_start3A_159 : memref<1x128xi32, #tpu.memory_space<vmem>> -> memref<128xi32, #tpu.memory_space<vmem>>
      %dma_start3A_161 = arith.constant 0 : i32
      %dma_start3A_162 = arith.constant 0 : i32
      %dma_start3A_163 = tpu.memref_slice %arg2[%dma_start3A_161, %dma_start3A_162] : memref<10240x128xf32, #tpu.memory_space<hbm>> -> memref<10240x128xf32, #tpu.memory_space<hbm>>
      tpu.enqueue_indirect_dma source(%dma_start3A_163 : memref<10240x128xf32, #tpu.memory_space<hbm>>) target(%dma_start3A_157 : memref<128x128xf32, #tpu.memory_space<vmem>>) offsets(%dma_start3A_160 : memref<128xi32, #tpu.memory_space<vmem>>) semaphore(%arg11 : memref<!tpu.dma_semaphore, #tpu.memory_space<semaphore_mem>>)
      %run_scoped3A_164 = arith.constant 1 : i32
      %run_scoped3A_165 = arith.constant 3 : i32
      "tpu.region"() ({
        %run_scoped3A_258 = tpu.sem_alloc : memref<!tpu.dma_semaphore, #tpu.memory_space<semaphore_mem>>
        %dma_start3A_259 = arith.constant 0 : i32
        %dma_start3A_260 = arith.constant 0 : i32
        %dma_start3A_261 = tpu.memref_slice %arg8[%run_scoped3A_164, %dma_start3A_259, %dma_start3A_260] : memref<2x128x128xf32, #tpu.memory_space<vmem>> -> memref<1x128x128xf32, #tpu.memory_space<vmem>>
        %dma_start3A_262 = tpu.memref_squeeze %dma_start3A_261 : memref<1x128x128xf32, #tpu.memory_space<vmem>> -> memref<128x128xf32, #tpu.memory_space<vmem>>
        %dma_start3A_263 = arith.constant 0 : i32
        %dma_start3A_264 = tpu.memref_slice %arg7[%run_scoped3A_165, %dma_start3A_263] : memref<8x128xi32, #tpu.memory_space<vmem>> -> memref<1x128xi32, #tpu.memory_space<vmem>>
        %dma_start3A_265 = tpu.memref_squeeze %dma_start3A_264 : memref<1x128xi32, #tpu.memory_space<vmem>> -> memref<128xi32, #tpu.memory_space<vmem>>
        %dma_start3A_266 = arith.constant 0 : i32
        %dma_start3A_267 = arith.constant 0 : i32
        %dma_start3A_268 = tpu.memref_slice %arg9[%dma_start3A_266, %dma_start3A_267] : memref<10240x128xf32, #tpu.memory_space<vmem_shared>> -> memref<10240x128xf32, #tpu.memory_space<vmem_shared>>
        tpu.enqueue_indirect_dma source(%dma_start3A_262 : memref<128x128xf32, #tpu.memory_space<vmem>>) target(%dma_start3A_268 : memref<10240x128xf32, #tpu.memory_space<vmem_shared>>) offsets(%dma_start3A_265 : memref<128xi32, #tpu.memory_space<vmem>>) semaphore(%run_scoped3A_258 : memref<!tpu.dma_semaphore, #tpu.memory_space<semaphore_mem>>) {add = true}
        %dma_wait3A_269 = arith.constant 0 : i32
        %dma_wait3A_270 = arith.constant 0 : i32
        %dma_wait3A_271 = tpu.memref_slice %arg8[%run_scoped3A_164, %dma_wait3A_269, %dma_wait3A_270] : memref<2x128x128xf32, #tpu.memory_space<vmem>> -> memref<1x128x128xf32, #tpu.memory_space<vmem>>
        %dma_wait3A_272 = tpu.memref_squeeze %dma_wait3A_271 : memref<1x128x128xf32, #tpu.memory_space<vmem>> -> memref<128x128xf32, #tpu.memory_space<vmem>>
        %dma_wait3A_273 = arith.constant 0 : i32
        %dma_wait3A_274 = tpu.memref_slice %arg7[%run_scoped3A_165, %dma_wait3A_273] : memref<8x128xi32, #tpu.memory_space<vmem>> -> memref<1x128xi32, #tpu.memory_space<vmem>>
        %dma_wait3A_275 = tpu.memref_squeeze %dma_wait3A_274 : memref<1x128xi32, #tpu.memory_space<vmem>> -> memref<128xi32, #tpu.memory_space<vmem>>
        %dma_wait3A_276 = arith.constant 0 : i32
        %dma_wait3A_277 = arith.constant 0 : i32
        %dma_wait3A_278 = tpu.memref_slice %arg9[%dma_wait3A_276, %dma_wait3A_277] : memref<10240x128xf32, #tpu.memory_space<vmem_shared>> -> memref<10240x128xf32, #tpu.memory_space<vmem_shared>>
        tpu.wait_indirect_dma semaphore(%run_scoped3A_258 : memref<!tpu.dma_semaphore, #tpu.memory_space<semaphore_mem>>) src(%dma_wait3A_272 : memref<128x128xf32, #tpu.memory_space<vmem>>) dst(%dma_wait3A_278 : memref<10240x128xf32, #tpu.memory_space<vmem_shared>>)
        tpu.yield
      }) : () -> ()
      %dma_wait3A_166 = arith.constant 4 : i32
      %dma_wait3A_167 = arith.constant 0 : i32
      %dma_wait3A_168 = arith.constant 0 : i32
      %dma_wait3A_169 = arith.constant 0 : i32
      %dma_wait3A_170 = tpu.memref_slice %arg8[%dma_wait3A_167, %dma_wait3A_168, %dma_wait3A_169] : memref<2x128x128xf32, #tpu.memory_space<vmem>> -> memref<1x128x128xf32, #tpu.memory_space<vmem>>
      %dma_wait3A_171 = tpu.memref_squeeze %dma_wait3A_170 : memref<1x128x128xf32, #tpu.memory_space<vmem>> -> memref<128x128xf32, #tpu.memory_space<vmem>>
      %dma_wait3A_172 = arith.constant 0 : i32
      %dma_wait3A_173 = tpu.memref_slice %arg6[%dma_wait3A_166, %dma_wait3A_172] : memref<8x128xi32, #tpu.memory_space<vmem>> -> memref<1x128xi32, #tpu.memory_space<vmem>>
      %dma_wait3A_174 = tpu.memref_squeeze %dma_wait3A_173 : memref<1x128xi32, #tpu.memory_space<vmem>> -> memref<128xi32, #tpu.memory_space<vmem>>
      %dma_wait3A_175 = arith.constant 0 : i32
      %dma_wait3A_176 = arith.constant 0 : i32
      %dma_wait3A_177 = tpu.memref_slice %arg2[%dma_wait3A_175, %dma_wait3A_176] : memref<10240x128xf32, #tpu.memory_space<hbm>> -> memref<10240x128xf32, #tpu.memory_space<hbm>>
      tpu.wait_indirect_dma semaphore(%arg11 : memref<!tpu.dma_semaphore, #tpu.memory_space<semaphore_mem>>) src(%dma_wait3A_177 : memref<10240x128xf32, #tpu.memory_space<hbm>>) dst(%dma_wait3A_171 : memref<128x128xf32, #tpu.memory_space<vmem>>)
      %dma_start3A_178 = arith.constant 5 : i32
      %dma_start3A_179 = arith.constant 1 : i32
      %dma_start3A_180 = arith.constant 0 : i32
      %dma_start3A_181 = arith.constant 0 : i32
      %dma_start3A_182 = tpu.memref_slice %arg8[%dma_start3A_179, %dma_start3A_180, %dma_start3A_181] : memref<2x128x128xf32, #tpu.memory_space<vmem>> -> memref<1x128x128xf32, #tpu.memory_space<vmem>>
      %dma_start3A_183 = tpu.memref_squeeze %dma_start3A_182 : memref<1x128x128xf32, #tpu.memory_space<vmem>> -> memref<128x128xf32, #tpu.memory_space<vmem>>
      %dma_start3A_184 = arith.constant 0 : i32
      %dma_start3A_185 = tpu.memref_slice %arg6[%dma_start3A_178, %dma_start3A_184] : memref<8x128xi32, #tpu.memory_space<vmem>> -> memref<1x128xi32, #tpu.memory_space<vmem>>
      %dma_start3A_186 = tpu.memref_squeeze %dma_start3A_185 : memref<1x128xi32, #tpu.memory_space<vmem>> -> memref<128xi32, #tpu.memory_space<vmem>>
      %dma_start3A_187 = arith.constant 0 : i32
      %dma_start3A_188 = arith.constant 0 : i32
      %dma_start3A_189 = tpu.memref_slice %arg2[%dma_start3A_187, %dma_start3A_188] : memref<10240x128xf32, #tpu.memory_space<hbm>> -> memref<10240x128xf32, #tpu.memory_space<hbm>>
      tpu.enqueue_indirect_dma source(%dma_start3A_189 : memref<10240x128xf32, #tpu.memory_space<hbm>>) target(%dma_start3A_183 : memref<128x128xf32, #tpu.memory_space<vmem>>) offsets(%dma_start3A_186 : memref<128xi32, #tpu.memory_space<vmem>>) semaphore(%arg11 : memref<!tpu.dma_semaphore, #tpu.memory_space<semaphore_mem>>)
      %run_scoped3A_190 = arith.constant 0 : i32
      %run_scoped3A_191 = arith.constant 4 : i32
      "tpu.region"() ({
        %run_scoped3A_258 = tpu.sem_alloc : memref<!tpu.dma_semaphore, #tpu.memory_space<semaphore_mem>>
        %dma_start3A_259 = arith.constant 0 : i32
        %dma_start3A_260 = arith.constant 0 : i32
        %dma_start3A_261 = tpu.memref_slice %arg8[%run_scoped3A_190, %dma_start3A_259, %dma_start3A_260] : memref<2x128x128xf32, #tpu.memory_space<vmem>> -> memref<1x128x128xf32, #tpu.memory_space<vmem>>
        %dma_start3A_262 = tpu.memref_squeeze %dma_start3A_261 : memref<1x128x128xf32, #tpu.memory_space<vmem>> -> memref<128x128xf32, #tpu.memory_space<vmem>>
        %dma_start3A_263 = arith.constant 0 : i32
        %dma_start3A_264 = tpu.memref_slice %arg7[%run_scoped3A_191, %dma_start3A_263] : memref<8x128xi32, #tpu.memory_space<vmem>> -> memref<1x128xi32, #tpu.memory_space<vmem>>
        %dma_start3A_265 = tpu.memref_squeeze %dma_start3A_264 : memref<1x128xi32, #tpu.memory_space<vmem>> -> memref<128xi32, #tpu.memory_space<vmem>>
        %dma_start3A_266 = arith.constant 0 : i32
        %dma_start3A_267 = arith.constant 0 : i32
        %dma_start3A_268 = tpu.memref_slice %arg9[%dma_start3A_266, %dma_start3A_267] : memref<10240x128xf32, #tpu.memory_space<vmem_shared>> -> memref<10240x128xf32, #tpu.memory_space<vmem_shared>>
        tpu.enqueue_indirect_dma source(%dma_start3A_262 : memref<128x128xf32, #tpu.memory_space<vmem>>) target(%dma_start3A_268 : memref<10240x128xf32, #tpu.memory_space<vmem_shared>>) offsets(%dma_start3A_265 : memref<128xi32, #tpu.memory_space<vmem>>) semaphore(%run_scoped3A_258 : memref<!tpu.dma_semaphore, #tpu.memory_space<semaphore_mem>>) {add = true}
        %dma_wait3A_269 = arith.constant 0 : i32
        %dma_wait3A_270 = arith.constant 0 : i32
        %dma_wait3A_271 = tpu.memref_slice %arg8[%run_scoped3A_190, %dma_wait3A_269, %dma_wait3A_270] : memref<2x128x128xf32, #tpu.memory_space<vmem>> -> memref<1x128x128xf32, #tpu.memory_space<vmem>>
        %dma_wait3A_272 = tpu.memref_squeeze %dma_wait3A_271 : memref<1x128x128xf32, #tpu.memory_space<vmem>> -> memref<128x128xf32, #tpu.memory_space<vmem>>
        %dma_wait3A_273 = arith.constant 0 : i32
        %dma_wait3A_274 = tpu.memref_slice %arg7[%run_scoped3A_191, %dma_wait3A_273] : memref<8x128xi32, #tpu.memory_space<vmem>> -> memref<1x128xi32, #tpu.memory_space<vmem>>
        %dma_wait3A_275 = tpu.memref_squeeze %dma_wait3A_274 : memref<1x128xi32, #tpu.memory_space<vmem>> -> memref<128xi32, #tpu.memory_space<vmem>>
        %dma_wait3A_276 = arith.constant 0 : i32
        %dma_wait3A_277 = arith.constant 0 : i32
        %dma_wait3A_278 = tpu.memref_slice %arg9[%dma_wait3A_276, %dma_wait3A_277] : memref<10240x128xf32, #tpu.memory_space<vmem_shared>> -> memref<10240x128xf32, #tpu.memory_space<vmem_shared>>
        tpu.wait_indirect_dma semaphore(%run_scoped3A_258 : memref<!tpu.dma_semaphore, #tpu.memory_space<semaphore_mem>>) src(%dma_wait3A_272 : memref<128x128xf32, #tpu.memory_space<vmem>>) dst(%dma_wait3A_278 : memref<10240x128xf32, #tpu.memory_space<vmem_shared>>)
        tpu.yield
      }) : () -> ()
      %dma_wait3A_192 = arith.constant 5 : i32
      %dma_wait3A_193 = arith.constant 1 : i32
      %dma_wait3A_194 = arith.constant 0 : i32
      %dma_wait3A_195 = arith.constant 0 : i32
      %dma_wait3A_196 = tpu.memref_slice %arg8[%dma_wait3A_193, %dma_wait3A_194, %dma_wait3A_195] : memref<2x128x128xf32, #tpu.memory_space<vmem>> -> memref<1x128x128xf32, #tpu.memory_space<vmem>>
      %dma_wait3A_197 = tpu.memref_squeeze %dma_wait3A_196 : memref<1x128x128xf32, #tpu.memory_space<vmem>> -> memref<128x128xf32, #tpu.memory_space<vmem>>
      %dma_wait3A_198 = arith.constant 0 : i32
      %dma_wait3A_199 = tpu.memref_slice %arg6[%dma_wait3A_192, %dma_wait3A_198] : memref<8x128xi32, #tpu.memory_space<vmem>> -> memref<1x128xi32, #tpu.memory_space<vmem>>
      %dma_wait3A_200 = tpu.memref_squeeze %dma_wait3A_199 : memref<1x128xi32, #tpu.memory_space<vmem>> -> memref<128xi32, #tpu.memory_space<vmem>>
      %dma_wait3A_201 = arith.constant 0 : i32
      %dma_wait3A_202 = arith.constant 0 : i32
      %dma_wait3A_203 = tpu.memref_slice %arg2[%dma_wait3A_201, %dma_wait3A_202] : memref<10240x128xf32, #tpu.memory_space<hbm>> -> memref<10240x128xf32, #tpu.memory_space<hbm>>
      tpu.wait_indirect_dma semaphore(%arg11 : memref<!tpu.dma_semaphore, #tpu.memory_space<semaphore_mem>>) src(%dma_wait3A_203 : memref<10240x128xf32, #tpu.memory_space<hbm>>) dst(%dma_wait3A_197 : memref<128x128xf32, #tpu.memory_space<vmem>>)
      %dma_start3A_204 = arith.constant 6 : i32
      %dma_start3A_205 = arith.constant 0 : i32
      %dma_start3A_206 = arith.constant 0 : i32
      %dma_start3A_207 = arith.constant 0 : i32
      %dma_start3A_208 = tpu.memref_slice %arg8[%dma_start3A_205, %dma_start3A_206, %dma_start3A_207] : memref<2x128x128xf32, #tpu.memory_space<vmem>> -> memref<1x128x128xf32, #tpu.memory_space<vmem>>
      %dma_start3A_209 = tpu.memref_squeeze %dma_start3A_208 : memref<1x128x128xf32, #tpu.memory_space<vmem>> -> memref<128x128xf32, #tpu.memory_space<vmem>>
      %dma_start3A_210 = arith.constant 0 : i32
      %dma_start3A_211 = tpu.memref_slice %arg6[%dma_start3A_204, %dma_start3A_210] : memref<8x128xi32, #tpu.memory_space<vmem>> -> memref<1x128xi32, #tpu.memory_space<vmem>>
      %dma_start3A_212 = tpu.memref_squeeze %dma_start3A_211 : memref<1x128xi32, #tpu.memory_space<vmem>> -> memref<128xi32, #tpu.memory_space<vmem>>
      %dma_start3A_213 = arith.constant 0 : i32
      %dma_start3A_214 = arith.constant 0 : i32
      %dma_start3A_215 = tpu.memref_slice %arg2[%dma_start3A_213, %dma_start3A_214] : memref<10240x128xf32, #tpu.memory_space<hbm>> -> memref<10240x128xf32, #tpu.memory_space<hbm>>
      tpu.enqueue_indirect_dma source(%dma_start3A_215 : memref<10240x128xf32, #tpu.memory_space<hbm>>) target(%dma_start3A_209 : memref<128x128xf32, #tpu.memory_space<vmem>>) offsets(%dma_start3A_212 : memref<128xi32, #tpu.memory_space<vmem>>) semaphore(%arg11 : memref<!tpu.dma_semaphore, #tpu.memory_space<semaphore_mem>>)
      %run_scoped3A_216 = arith.constant 1 : i32
      %run_scoped3A_217 = arith.constant 5 : i32
      "tpu.region"() ({
        %run_scoped3A_258 = tpu.sem_alloc : memref<!tpu.dma_semaphore, #tpu.memory_space<semaphore_mem>>
        %dma_start3A_259 = arith.constant 0 : i32
        %dma_start3A_260 = arith.constant 0 : i32
        %dma_start3A_261 = tpu.memref_slice %arg8[%run_scoped3A_216, %dma_start3A_259, %dma_start3A_260] : memref<2x128x128xf32, #tpu.memory_space<vmem>> -> memref<1x128x128xf32, #tpu.memory_space<vmem>>
        %dma_start3A_262 = tpu.memref_squeeze %dma_start3A_261 : memref<1x128x128xf32, #tpu.memory_space<vmem>> -> memref<128x128xf32, #tpu.memory_space<vmem>>
        %dma_start3A_263 = arith.constant 0 : i32
        %dma_start3A_264 = tpu.memref_slice %arg7[%run_scoped3A_217, %dma_start3A_263] : memref<8x128xi32, #tpu.memory_space<vmem>> -> memref<1x128xi32, #tpu.memory_space<vmem>>
        %dma_start3A_265 = tpu.memref_squeeze %dma_start3A_264 : memref<1x128xi32, #tpu.memory_space<vmem>> -> memref<128xi32, #tpu.memory_space<vmem>>
        %dma_start3A_266 = arith.constant 0 : i32
        %dma_start3A_267 = arith.constant 0 : i32
        %dma_start3A_268 = tpu.memref_slice %arg9[%dma_start3A_266, %dma_start3A_267] : memref<10240x128xf32, #tpu.memory_space<vmem_shared>> -> memref<10240x128xf32, #tpu.memory_space<vmem_shared>>
        tpu.enqueue_indirect_dma source(%dma_start3A_262 : memref<128x128xf32, #tpu.memory_space<vmem>>) target(%dma_start3A_268 : memref<10240x128xf32, #tpu.memory_space<vmem_shared>>) offsets(%dma_start3A_265 : memref<128xi32, #tpu.memory_space<vmem>>) semaphore(%run_scoped3A_258 : memref<!tpu.dma_semaphore, #tpu.memory_space<semaphore_mem>>) {add = true}
        %dma_wait3A_269 = arith.constant 0 : i32
        %dma_wait3A_270 = arith.constant 0 : i32
        %dma_wait3A_271 = tpu.memref_slice %arg8[%run_scoped3A_216, %dma_wait3A_269, %dma_wait3A_270] : memref<2x128x128xf32, #tpu.memory_space<vmem>> -> memref<1x128x128xf32, #tpu.memory_space<vmem>>
        %dma_wait3A_272 = tpu.memref_squeeze %dma_wait3A_271 : memref<1x128x128xf32, #tpu.memory_space<vmem>> -> memref<128x128xf32, #tpu.memory_space<vmem>>
        %dma_wait3A_273 = arith.constant 0 : i32
        %dma_wait3A_274 = tpu.memref_slice %arg7[%run_scoped3A_217, %dma_wait3A_273] : memref<8x128xi32, #tpu.memory_space<vmem>> -> memref<1x128xi32, #tpu.memory_space<vmem>>
        %dma_wait3A_275 = tpu.memref_squeeze %dma_wait3A_274 : memref<1x128xi32, #tpu.memory_space<vmem>> -> memref<128xi32, #tpu.memory_space<vmem>>
        %dma_wait3A_276 = arith.constant 0 : i32
        %dma_wait3A_277 = arith.constant 0 : i32
        %dma_wait3A_278 = tpu.memref_slice %arg9[%dma_wait3A_276, %dma_wait3A_277] : memref<10240x128xf32, #tpu.memory_space<vmem_shared>> -> memref<10240x128xf32, #tpu.memory_space<vmem_shared>>
        tpu.wait_indirect_dma semaphore(%run_scoped3A_258 : memref<!tpu.dma_semaphore, #tpu.memory_space<semaphore_mem>>) src(%dma_wait3A_272 : memref<128x128xf32, #tpu.memory_space<vmem>>) dst(%dma_wait3A_278 : memref<10240x128xf32, #tpu.memory_space<vmem_shared>>)
        tpu.yield
      }) : () -> ()
      %dma_wait3A_218 = arith.constant 6 : i32
      %dma_wait3A_219 = arith.constant 0 : i32
      %dma_wait3A_220 = arith.constant 0 : i32
      %dma_wait3A_221 = arith.constant 0 : i32
      %dma_wait3A_222 = tpu.memref_slice %arg8[%dma_wait3A_219, %dma_wait3A_220, %dma_wait3A_221] : memref<2x128x128xf32, #tpu.memory_space<vmem>> -> memref<1x128x128xf32, #tpu.memory_space<vmem>>
      %dma_wait3A_223 = tpu.memref_squeeze %dma_wait3A_222 : memref<1x128x128xf32, #tpu.memory_space<vmem>> -> memref<128x128xf32, #tpu.memory_space<vmem>>
      %dma_wait3A_224 = arith.constant 0 : i32
      %dma_wait3A_225 = tpu.memref_slice %arg6[%dma_wait3A_218, %dma_wait3A_224] : memref<8x128xi32, #tpu.memory_space<vmem>> -> memref<1x128xi32, #tpu.memory_space<vmem>>
      %dma_wait3A_226 = tpu.memref_squeeze %dma_wait3A_225 : memref<1x128xi32, #tpu.memory_space<vmem>> -> memref<128xi32, #tpu.memory_space<vmem>>
      %dma_wait3A_227 = arith.constant 0 : i32
      %dma_wait3A_228 = arith.constant 0 : i32
      %dma_wait3A_229 = tpu.memref_slice %arg2[%dma_wait3A_227, %dma_wait3A_228] : memref<10240x128xf32, #tpu.memory_space<hbm>> -> memref<10240x128xf32, #tpu.memory_space<hbm>>
      tpu.wait_indirect_dma semaphore(%arg11 : memref<!tpu.dma_semaphore, #tpu.memory_space<semaphore_mem>>) src(%dma_wait3A_229 : memref<10240x128xf32, #tpu.memory_space<hbm>>) dst(%dma_wait3A_223 : memref<128x128xf32, #tpu.memory_space<vmem>>)
      %dma_start3A_230 = arith.constant 7 : i32
      %dma_start3A_231 = arith.constant 1 : i32
      %dma_start3A_232 = arith.constant 0 : i32
      %dma_start3A_233 = arith.constant 0 : i32
      %dma_start3A_234 = tpu.memref_slice %arg8[%dma_start3A_231, %dma_start3A_232, %dma_start3A_233] : memref<2x128x128xf32, #tpu.memory_space<vmem>> -> memref<1x128x128xf32, #tpu.memory_space<vmem>>
      %dma_start3A_235 = tpu.memref_squeeze %dma_start3A_234 : memref<1x128x128xf32, #tpu.memory_space<vmem>> -> memref<128x128xf32, #tpu.memory_space<vmem>>
      %dma_start3A_236 = arith.constant 0 : i32
      %dma_start3A_237 = tpu.memref_slice %arg6[%dma_start3A_230, %dma_start3A_236] : memref<8x128xi32, #tpu.memory_space<vmem>> -> memref<1x128xi32, #tpu.memory_space<vmem>>
      %dma_start3A_238 = tpu.memref_squeeze %dma_start3A_237 : memref<1x128xi32, #tpu.memory_space<vmem>> -> memref<128xi32, #tpu.memory_space<vmem>>
      %dma_start3A_239 = arith.constant 0 : i32
      %dma_start3A_240 = arith.constant 0 : i32
      %dma_start3A_241 = tpu.memref_slice %arg2[%dma_start3A_239, %dma_start3A_240] : memref<10240x128xf32, #tpu.memory_space<hbm>> -> memref<10240x128xf32, #tpu.memory_space<hbm>>
      tpu.enqueue_indirect_dma source(%dma_start3A_241 : memref<10240x128xf32, #tpu.memory_space<hbm>>) target(%dma_start3A_235 : memref<128x128xf32, #tpu.memory_space<vmem>>) offsets(%dma_start3A_238 : memref<128xi32, #tpu.memory_space<vmem>>) semaphore(%arg11 : memref<!tpu.dma_semaphore, #tpu.memory_space<semaphore_mem>>)
      %run_scoped3A_242 = arith.constant 0 : i32
      %run_scoped3A_243 = arith.constant 6 : i32
      "tpu.region"() ({
        %run_scoped3A_258 = tpu.sem_alloc : memref<!tpu.dma_semaphore, #tpu.memory_space<semaphore_mem>>
        %dma_start3A_259 = arith.constant 0 : i32
        %dma_start3A_260 = arith.constant 0 : i32
        %dma_start3A_261 = tpu.memref_slice %arg8[%run_scoped3A_242, %dma_start3A_259, %dma_start3A_260] : memref<2x128x128xf32, #tpu.memory_space<vmem>> -> memref<1x128x128xf32, #tpu.memory_space<vmem>>
        %dma_start3A_262 = tpu.memref_squeeze %dma_start3A_261 : memref<1x128x128xf32, #tpu.memory_space<vmem>> -> memref<128x128xf32, #tpu.memory_space<vmem>>
        %dma_start3A_263 = arith.constant 0 : i32
        %dma_start3A_264 = tpu.memref_slice %arg7[%run_scoped3A_243, %dma_start3A_263] : memref<8x128xi32, #tpu.memory_space<vmem>> -> memref<1x128xi32, #tpu.memory_space<vmem>>
        %dma_start3A_265 = tpu.memref_squeeze %dma_start3A_264 : memref<1x128xi32, #tpu.memory_space<vmem>> -> memref<128xi32, #tpu.memory_space<vmem>>
        %dma_start3A_266 = arith.constant 0 : i32
        %dma_start3A_267 = arith.constant 0 : i32
        %dma_start3A_268 = tpu.memref_slice %arg9[%dma_start3A_266, %dma_start3A_267] : memref<10240x128xf32, #tpu.memory_space<vmem_shared>> -> memref<10240x128xf32, #tpu.memory_space<vmem_shared>>
        tpu.enqueue_indirect_dma source(%dma_start3A_262 : memref<128x128xf32, #tpu.memory_space<vmem>>) target(%dma_start3A_268 : memref<10240x128xf32, #tpu.memory_space<vmem_shared>>) offsets(%dma_start3A_265 : memref<128xi32, #tpu.memory_space<vmem>>) semaphore(%run_scoped3A_258 : memref<!tpu.dma_semaphore, #tpu.memory_space<semaphore_mem>>) {add = true}
        %dma_wait3A_269 = arith.constant 0 : i32
        %dma_wait3A_270 = arith.constant 0 : i32
        %dma_wait3A_271 = tpu.memref_slice %arg8[%run_scoped3A_242, %dma_wait3A_269, %dma_wait3A_270] : memref<2x128x128xf32, #tpu.memory_space<vmem>> -> memref<1x128x128xf32, #tpu.memory_space<vmem>>
        %dma_wait3A_272 = tpu.memref_squeeze %dma_wait3A_271 : memref<1x128x128xf32, #tpu.memory_space<vmem>> -> memref<128x128xf32, #tpu.memory_space<vmem>>
        %dma_wait3A_273 = arith.constant 0 : i32
        %dma_wait3A_274 = tpu.memref_slice %arg7[%run_scoped3A_243, %dma_wait3A_273] : memref<8x128xi32, #tpu.memory_space<vmem>> -> memref<1x128xi32, #tpu.memory_space<vmem>>
        %dma_wait3A_275 = tpu.memref_squeeze %dma_wait3A_274 : memref<1x128xi32, #tpu.memory_space<vmem>> -> memref<128xi32, #tpu.memory_space<vmem>>
        %dma_wait3A_276 = arith.constant 0 : i32
        %dma_wait3A_277 = arith.constant 0 : i32
        %dma_wait3A_278 = tpu.memref_slice %arg9[%dma_wait3A_276, %dma_wait3A_277] : memref<10240x128xf32, #tpu.memory_space<vmem_shared>> -> memref<10240x128xf32, #tpu.memory_space<vmem_shared>>
        tpu.wait_indirect_dma semaphore(%run_scoped3A_258 : memref<!tpu.dma_semaphore, #tpu.memory_space<semaphore_mem>>) src(%dma_wait3A_272 : memref<128x128xf32, #tpu.memory_space<vmem>>) dst(%dma_wait3A_278 : memref<10240x128xf32, #tpu.memory_space<vmem_shared>>)
        tpu.yield
      }) : () -> ()
      %dma_wait3A_244 = arith.constant 7 : i32
      %dma_wait3A_245 = arith.constant 1 : i32
      %dma_wait3A_246 = arith.constant 0 : i32
      %dma_wait3A_247 = arith.constant 0 : i32
      %dma_wait3A_248 = tpu.memref_slice %arg8[%dma_wait3A_245, %dma_wait3A_246, %dma_wait3A_247] : memref<2x128x128xf32, #tpu.memory_space<vmem>> -> memref<1x128x128xf32, #tpu.memory_space<vmem>>
      %dma_wait3A_249 = tpu.memref_squeeze %dma_wait3A_248 : memref<1x128x128xf32, #tpu.memory_space<vmem>> -> memref<128x128xf32, #tpu.memory_space<vmem>>
      %dma_wait3A_250 = arith.constant 0 : i32
      %dma_wait3A_251 = tpu.memref_slice %arg6[%dma_wait3A_244, %dma_wait3A_250] : memref<8x128xi32, #tpu.memory_space<vmem>> -> memref<1x128xi32, #tpu.memory_space<vmem>>
      %dma_wait3A_252 = tpu.memref_squeeze %dma_wait3A_251 : memref<1x128xi32, #tpu.memory_space<vmem>> -> memref<128xi32, #tpu.memory_space<vmem>>
      %dma_wait3A_253 = arith.constant 0 : i32
      %dma_wait3A_254 = arith.constant 0 : i32
      %dma_wait3A_255 = tpu.memref_slice %arg2[%dma_wait3A_253, %dma_wait3A_254] : memref<10240x128xf32, #tpu.memory_space<hbm>> -> memref<10240x128xf32, #tpu.memory_space<hbm>>
      tpu.wait_indirect_dma semaphore(%arg11 : memref<!tpu.dma_semaphore, #tpu.memory_space<semaphore_mem>>) src(%dma_wait3A_255 : memref<10240x128xf32, #tpu.memory_space<hbm>>) dst(%dma_wait3A_249 : memref<128x128xf32, #tpu.memory_space<vmem>>)
      %run_scoped3A_256 = arith.constant 1 : i32
      %run_scoped3A_257 = arith.constant 7 : i32
      "tpu.region"() ({
        %run_scoped3A_258 = tpu.sem_alloc : memref<!tpu.dma_semaphore, #tpu.memory_space<semaphore_mem>>
        %dma_start3A_259 = arith.constant 0 : i32
        %dma_start3A_260 = arith.constant 0 : i32
        %dma_start3A_261 = tpu.memref_slice %arg8[%run_scoped3A_256, %dma_start3A_259, %dma_start3A_260] : memref<2x128x128xf32, #tpu.memory_space<vmem>> -> memref<1x128x128xf32, #tpu.memory_space<vmem>>
        %dma_start3A_262 = tpu.memref_squeeze %dma_start3A_261 : memref<1x128x128xf32, #tpu.memory_space<vmem>> -> memref<128x128xf32, #tpu.memory_space<vmem>>
        %dma_start3A_263 = arith.constant 0 : i32
        %dma_start3A_264 = tpu.memref_slice %arg7[%run_scoped3A_257, %dma_start3A_263] : memref<8x128xi32, #tpu.memory_space<vmem>> -> memref<1x128xi32, #tpu.memory_space<vmem>>
        %dma_start3A_265 = tpu.memref_squeeze %dma_start3A_264 : memref<1x128xi32, #tpu.memory_space<vmem>> -> memref<128xi32, #tpu.memory_space<vmem>>
        %dma_start3A_266 = arith.constant 0 : i32
        %dma_start3A_267 = arith.constant 0 : i32
        %dma_start3A_268 = tpu.memref_slice %arg9[%dma_start3A_266, %dma_start3A_267] : memref<10240x128xf32, #tpu.memory_space<vmem_shared>> -> memref<10240x128xf32, #tpu.memory_space<vmem_shared>>
        tpu.enqueue_indirect_dma source(%dma_start3A_262 : memref<128x128xf32, #tpu.memory_space<vmem>>) target(%dma_start3A_268 : memref<10240x128xf32, #tpu.memory_space<vmem_shared>>) offsets(%dma_start3A_265 : memref<128xi32, #tpu.memory_space<vmem>>) semaphore(%run_scoped3A_258 : memref<!tpu.dma_semaphore, #tpu.memory_space<semaphore_mem>>) {add = true}
        %dma_wait3A_269 = arith.constant 0 : i32
        %dma_wait3A_270 = arith.constant 0 : i32
        %dma_wait3A_271 = tpu.memref_slice %arg8[%run_scoped3A_256, %dma_wait3A_269, %dma_wait3A_270] : memref<2x128x128xf32, #tpu.memory_space<vmem>> -> memref<1x128x128xf32, #tpu.memory_space<vmem>>
        %dma_wait3A_272 = tpu.memref_squeeze %dma_wait3A_271 : memref<1x128x128xf32, #tpu.memory_space<vmem>> -> memref<128x128xf32, #tpu.memory_space<vmem>>
        %dma_wait3A_273 = arith.constant 0 : i32
        %dma_wait3A_274 = tpu.memref_slice %arg7[%run_scoped3A_257, %dma_wait3A_273] : memref<8x128xi32, #tpu.memory_space<vmem>> -> memref<1x128xi32, #tpu.memory_space<vmem>>
        %dma_wait3A_275 = tpu.memref_squeeze %dma_wait3A_274 : memref<1x128xi32, #tpu.memory_space<vmem>> -> memref<128xi32, #tpu.memory_space<vmem>>
        %dma_wait3A_276 = arith.constant 0 : i32
        %dma_wait3A_277 = arith.constant 0 : i32
        %dma_wait3A_278 = tpu.memref_slice %arg9[%dma_wait3A_276, %dma_wait3A_277] : memref<10240x128xf32, #tpu.memory_space<vmem_shared>> -> memref<10240x128xf32, #tpu.memory_space<vmem_shared>>
        tpu.wait_indirect_dma semaphore(%run_scoped3A_258 : memref<!tpu.dma_semaphore, #tpu.memory_space<semaphore_mem>>) src(%dma_wait3A_272 : memref<128x128xf32, #tpu.memory_space<vmem>>) dst(%dma_wait3A_278 : memref<10240x128xf32, #tpu.memory_space<vmem_shared>>)
        tpu.yield
      }) : () -> ()
    }
    %while3A_44 = arith.constant 1 : i32
    scf.for %while3A_50 = %while3A_42 to %while3A_38 step %while3A_44  : i32 {
      %add3A_51 = arith.addi %select_n3A_36, %while3A_50 : i32
      "tpu.region"() ({
        %run_scoped3A_258 = tpu.sem_alloc : memref<!tpu.dma_semaphore, #tpu.memory_space<semaphore_mem>>
        %dma_start3A_259 = arith.constant 0 : i32
        %dma_start3A_260 = arith.constant 0 : i32
        %dma_start3A_261 = tpu.memref_slice %arg3[%add3A_51, %dma_start3A_259, %dma_start3A_260] : memref<320x8x128xi32, #tpu.memory_space<hbm>> -> memref<1x8x128xi32, #tpu.memory_space<hbm>>
        %dma_start3A_262 = tpu.memref_squeeze %dma_start3A_261 : memref<1x8x128xi32, #tpu.memory_space<hbm>> -> memref<8x128xi32, #tpu.memory_space<hbm>>
        %dma_start3A_263 = arith.constant 0 : i32
        %dma_start3A_264 = arith.constant 0 : i32
        %dma_start3A_265 = tpu.memref_slice %arg3[%add3A_51, %dma_start3A_263, %dma_start3A_264] : memref<320x8x128xi32, #tpu.memory_space<hbm>> -> memref<1x8x128xi32, #tpu.memory_space<hbm>>
        %dma_start3A_266 = tpu.memref_squeeze %dma_start3A_265 : memref<1x8x128xi32, #tpu.memory_space<hbm>> -> memref<8x128xi32, #tpu.memory_space<hbm>>
        tpu.enqueue_dma source(%dma_start3A_266 : memref<8x128xi32, #tpu.memory_space<hbm>>) target(%arg6 : memref<8x128xi32, #tpu.memory_space<vmem>>) target_semaphore(%run_scoped3A_258 : memref<!tpu.dma_semaphore, #tpu.memory_space<semaphore_mem>>)
        %dma_wait3A_267 = arith.constant 0 : i32
        %dma_wait3A_268 = arith.constant 0 : i32
        %dma_wait3A_269 = tpu.memref_slice %arg3[%add3A_51, %dma_wait3A_267, %dma_wait3A_268] : memref<320x8x128xi32, #tpu.memory_space<hbm>> -> memref<1x8x128xi32, #tpu.memory_space<hbm>>
        %dma_wait3A_270 = tpu.memref_squeeze %dma_wait3A_269 : memref<1x8x128xi32, #tpu.memory_space<hbm>> -> memref<8x128xi32, #tpu.memory_space<hbm>>
        %dma_wait3A_271 = arith.constant 0 : i32
        %dma_wait3A_272 = arith.constant 0 : i32
        %dma_wait3A_273 = tpu.memref_slice %arg3[%add3A_51, %dma_wait3A_271, %dma_wait3A_272] : memref<320x8x128xi32, #tpu.memory_space<hbm>> -> memref<1x8x128xi32, #tpu.memory_space<hbm>>
        %dma_wait3A_274 = tpu.memref_squeeze %dma_wait3A_273 : memref<1x8x128xi32, #tpu.memory_space<hbm>> -> memref<8x128xi32, #tpu.memory_space<hbm>>
        tpu.wait_dma2 semaphore(%run_scoped3A_258 : memref<!tpu.dma_semaphore, #tpu.memory_space<semaphore_mem>>) src(%dma_wait3A_274 : memref<8x128xi32, #tpu.memory_space<hbm>>) dst(%arg6 : memref<8x128xi32, #tpu.memory_space<vmem>>)
        tpu.yield
      }) : () -> ()
      "tpu.region"() ({
        %run_scoped3A_258 = tpu.sem_alloc : memref<!tpu.dma_semaphore, #tpu.memory_space<semaphore_mem>>
        %dma_start3A_259 = arith.constant 0 : i32
        %dma_start3A_260 = arith.constant 0 : i32
        %dma_start3A_261 = tpu.memref_slice %arg4[%add3A_51, %dma_start3A_259, %dma_start3A_260] : memref<320x8x128xi32, #tpu.memory_space<hbm>> -> memref<1x8x128xi32, #tpu.memory_space<hbm>>
        %dma_start3A_262 = tpu.memref_squeeze %dma_start3A_261 : memref<1x8x128xi32, #tpu.memory_space<hbm>> -> memref<8x128xi32, #tpu.memory_space<hbm>>
        %dma_start3A_263 = arith.constant 0 : i32
        %dma_start3A_264 = arith.constant 0 : i32
        %dma_start3A_265 = tpu.memref_slice %arg4[%add3A_51, %dma_start3A_263, %dma_start3A_264] : memref<320x8x128xi32, #tpu.memory_space<hbm>> -> memref<1x8x128xi32, #tpu.memory_space<hbm>>
        %dma_start3A_266 = tpu.memref_squeeze %dma_start3A_265 : memref<1x8x128xi32, #tpu.memory_space<hbm>> -> memref<8x128xi32, #tpu.memory_space<hbm>>
        tpu.enqueue_dma source(%dma_start3A_266 : memref<8x128xi32, #tpu.memory_space<hbm>>) target(%arg7 : memref<8x128xi32, #tpu.memory_space<vmem>>) target_semaphore(%run_scoped3A_258 : memref<!tpu.dma_semaphore, #tpu.memory_space<semaphore_mem>>)
        %dma_wait3A_267 = arith.constant 0 : i32
        %dma_wait3A_268 = arith.constant 0 : i32
        %dma_wait3A_269 = tpu.memref_slice %arg4[%add3A_51, %dma_wait3A_267, %dma_wait3A_268] : memref<320x8x128xi32, #tpu.memory_space<hbm>> -> memref<1x8x128xi32, #tpu.memory_space<hbm>>
        %dma_wait3A_270 = tpu.memref_squeeze %dma_wait3A_269 : memref<1x8x128xi32, #tpu.memory_space<hbm>> -> memref<8x128xi32, #tpu.memory_space<hbm>>
        %dma_wait3A_271 = arith.constant 0 : i32
        %dma_wait3A_272 = arith.constant 0 : i32
        %dma_wait3A_273 = tpu.memref_slice %arg4[%add3A_51, %dma_wait3A_271, %dma_wait3A_272] : memref<320x8x128xi32, #tpu.memory_space<hbm>> -> memref<1x8x128xi32, #tpu.memory_space<hbm>>
        %dma_wait3A_274 = tpu.memref_squeeze %dma_wait3A_273 : memref<1x8x128xi32, #tpu.memory_space<hbm>> -> memref<8x128xi32, #tpu.memory_space<hbm>>
        tpu.wait_dma2 semaphore(%run_scoped3A_258 : memref<!tpu.dma_semaphore, #tpu.memory_space<semaphore_mem>>) src(%dma_wait3A_274 : memref<8x128xi32, #tpu.memory_space<hbm>>) dst(%arg7 : memref<8x128xi32, #tpu.memory_space<vmem>>)
        tpu.yield
      }) : () -> ()
      %dma_start3A = arith.constant 0 : i32
      %dma_start3A_52 = arith.constant 0 : i32
      %dma_start3A_53 = arith.constant 0 : i32
      %dma_start3A_54 = arith.constant 0 : i32
      %dma_start3A_55 = tpu.memref_slice %arg8[%dma_start3A_52, %dma_start3A_53, %dma_start3A_54] : memref<2x128x128xf32, #tpu.memory_space<vmem>> -> memref<1x128x128xf32, #tpu.memory_space<vmem>>
      %dma_start3A_56 = tpu.memref_squeeze %dma_start3A_55 : memref<1x128x128xf32, #tpu.memory_space<vmem>> -> memref<128x128xf32, #tpu.memory_space<vmem>>
      %dma_start3A_57 = arith.constant 0 : i32
      %dma_start3A_58 = tpu.memref_slice %arg6[%dma_start3A, %dma_start3A_57] : memref<8x128xi32, #tpu.memory_space<vmem>> -> memref<1x128xi32, #tpu.memory_space<vmem>>
      %dma_start3A_59 = tpu.memref_squeeze %dma_start3A_58 : memref<1x128xi32, #tpu.memory_space<vmem>> -> memref<128xi32, #tpu.memory_space<vmem>>
      %dma_start3A_60 = arith.constant 0 : i32
      %dma_start3A_61 = arith.constant 0 : i32
      %dma_start3A_62 = tpu.memref_slice %arg2[%dma_start3A_60, %dma_start3A_61] : memref<10240x128xf32, #tpu.memory_space<hbm>> -> memref<10240x128xf32, #tpu.memory_space<hbm>>
      tpu.enqueue_indirect_dma source(%dma_start3A_62 : memref<10240x128xf32, #tpu.memory_space<hbm>>) target(%dma_start3A_56 : memref<128x128xf32, #tpu.memory_space<vmem>>) offsets(%dma_start3A_59 : memref<128xi32, #tpu.memory_space<vmem>>) semaphore(%arg10 : memref<!tpu.dma_semaphore, #tpu.memory_space<semaphore_mem>>)
      %dma_wait3A = arith.constant 0 : i32
      %dma_wait3A_63 = arith.constant 0 : i32
      %dma_wait3A_64 = arith.constant 0 : i32
      %dma_wait3A_65 = arith.constant 0 : i32
      %dma_wait3A_66 = tpu.memref_slice %arg8[%dma_wait3A_63, %dma_wait3A_64, %dma_wait3A_65] : memref<2x128x128xf32, #tpu.memory_space<vmem>> -> memref<1x128x128xf32, #tpu.memory_space<vmem>>
      %dma_wait3A_67 = tpu.memref_squeeze %dma_wait3A_66 : memref<1x128x128xf32, #tpu.memory_space<vmem>> -> memref<128x128xf32, #tpu.memory_space<vmem>>
      %dma_wait3A_68 = arith.constant 0 : i32
      %dma_wait3A_69 = tpu.memref_slice %arg6[%dma_wait3A, %dma_wait3A_68] : memref<8x128xi32, #tpu.memory_space<vmem>> -> memref<1x128xi32, #tpu.memory_space<vmem>>
      %dma_wait3A_70 = tpu.memref_squeeze %dma_wait3A_69 : memref<1x128xi32, #tpu.memory_space<vmem>> -> memref<128xi32, #tpu.memory_space<vmem>>
      %dma_wait3A_71 = arith.constant 0 : i32
      %dma_wait3A_72 = arith.constant 0 : i32
      %dma_wait3A_73 = tpu.memref_slice %arg2[%dma_wait3A_71, %dma_wait3A_72] : memref<10240x128xf32, #tpu.memory_space<hbm>> -> memref<10240x128xf32, #tpu.memory_space<hbm>>
      tpu.wait_indirect_dma semaphore(%arg10 : memref<!tpu.dma_semaphore, #tpu.memory_space<semaphore_mem>>) src(%dma_wait3A_73 : memref<10240x128xf32, #tpu.memory_space<hbm>>) dst(%dma_wait3A_67 : memref<128x128xf32, #tpu.memory_space<vmem>>)
      %dma_start3A_74 = arith.constant 1 : i32
      %dma_start3A_75 = arith.constant 1 : i32
      %dma_start3A_76 = arith.constant 0 : i32
      %dma_start3A_77 = arith.constant 0 : i32
      %dma_start3A_78 = tpu.memref_slice %arg8[%dma_start3A_75, %dma_start3A_76, %dma_start3A_77] : memref<2x128x128xf32, #tpu.memory_space<vmem>> -> memref<1x128x128xf32, #tpu.memory_space<vmem>>
      %dma_start3A_79 = tpu.memref_squeeze %dma_start3A_78 : memref<1x128x128xf32, #tpu.memory_space<vmem>> -> memref<128x128xf32, #tpu.memory_space<vmem>>
      %dma_start3A_80 = arith.constant 0 : i32
      %dma_start3A_81 = tpu.memref_slice %arg6[%dma_start3A_74, %dma_start3A_80] : memref<8x128xi32, #tpu.memory_space<vmem>> -> memref<1x128xi32, #tpu.memory_space<vmem>>
      %dma_start3A_82 = tpu.memref_squeeze %dma_start3A_81 : memref<1x128xi32, #tpu.memory_space<vmem>> -> memref<128xi32, #tpu.memory_space<vmem>>
      %dma_start3A_83 = arith.constant 0 : i32
      %dma_start3A_84 = arith.constant 0 : i32
      %dma_start3A_85 = tpu.memref_slice %arg2[%dma_start3A_83, %dma_start3A_84] : memref<10240x128xf32, #tpu.memory_space<hbm>> -> memref<10240x128xf32, #tpu.memory_space<hbm>>
      tpu.enqueue_indirect_dma source(%dma_start3A_85 : memref<10240x128xf32, #tpu.memory_space<hbm>>) target(%dma_start3A_79 : memref<128x128xf32, #tpu.memory_space<vmem>>) offsets(%dma_start3A_82 : memref<128xi32, #tpu.memory_space<vmem>>) semaphore(%arg11 : memref<!tpu.dma_semaphore, #tpu.memory_space<semaphore_mem>>)
      %run_scoped3A_86 = arith.constant 0 : i32
      %run_scoped3A_87 = arith.constant 0 : i32
      "tpu.region"() ({
        %run_scoped3A_258 = tpu.sem_alloc : memref<!tpu.dma_semaphore, #tpu.memory_space<semaphore_mem>>
        %dma_start3A_259 = arith.constant 0 : i32
        %dma_start3A_260 = arith.constant 0 : i32
        %dma_start3A_261 = tpu.memref_slice %arg8[%run_scoped3A_86, %dma_start3A_259, %dma_start3A_260] : memref<2x128x128xf32, #tpu.memory_space<vmem>> -> memref<1x128x128xf32, #tpu.memory_space<vmem>>
        %dma_start3A_262 = tpu.memref_squeeze %dma_start3A_261 : memref<1x128x128xf32, #tpu.memory_space<vmem>> -> memref<128x128xf32, #tpu.memory_space<vmem>>
        %dma_start3A_263 = arith.constant 0 : i32
        %dma_start3A_264 = tpu.memref_slice %arg7[%run_scoped3A_87, %dma_start3A_263] : memref<8x128xi32, #tpu.memory_space<vmem>> -> memref<1x128xi32, #tpu.memory_space<vmem>>
        %dma_start3A_265 = tpu.memref_squeeze %dma_start3A_264 : memref<1x128xi32, #tpu.memory_space<vmem>> -> memref<128xi32, #tpu.memory_space<vmem>>
        %dma_start3A_266 = arith.constant 0 : i32
        %dma_start3A_267 = arith.constant 0 : i32
        %dma_start3A_268 = tpu.memref_slice %arg9[%dma_start3A_266, %dma_start3A_267] : memref<10240x128xf32, #tpu.memory_space<vmem_shared>> -> memref<10240x128xf32, #tpu.memory_space<vmem_shared>>
        tpu.enqueue_indirect_dma source(%dma_start3A_262 : memref<128x128xf32, #tpu.memory_space<vmem>>) target(%dma_start3A_268 : memref<10240x128xf32, #tpu.memory_space<vmem_shared>>) offsets(%dma_start3A_265 : memref<128xi32, #tpu.memory_space<vmem>>) semaphore(%run_scoped3A_258 : memref<!tpu.dma_semaphore, #tpu.memory_space<semaphore_mem>>) {add = true}
        %dma_wait3A_269 = arith.constant 0 : i32
        %dma_wait3A_270 = arith.constant 0 : i32
        %dma_wait3A_271 = tpu.memref_slice %arg8[%run_scoped3A_86, %dma_wait3A_269, %dma_wait3A_270] : memref<2x128x128xf32, #tpu.memory_space<vmem>> -> memref<1x128x128xf32, #tpu.memory_space<vmem>>
        %dma_wait3A_272 = tpu.memref_squeeze %dma_wait3A_271 : memref<1x128x128xf32, #tpu.memory_space<vmem>> -> memref<128x128xf32, #tpu.memory_space<vmem>>
        %dma_wait3A_273 = arith.constant 0 : i32
        %dma_wait3A_274 = tpu.memref_slice %arg7[%run_scoped3A_87, %dma_wait3A_273] : memref<8x128xi32, #tpu.memory_space<vmem>> -> memref<1x128xi32, #tpu.memory_space<vmem>>
        %dma_wait3A_275 = tpu.memref_squeeze %dma_wait3A_274 : memref<1x128xi32, #tpu.memory_space<vmem>> -> memref<128xi32, #tpu.memory_space<vmem>>
        %dma_wait3A_276 = arith.constant 0 : i32
        %dma_wait3A_277 = arith.constant 0 : i32
        %dma_wait3A_278 = tpu.memref_slice %arg9[%dma_wait3A_276, %dma_wait3A_277] : memref<10240x128xf32, #tpu.memory_space<vmem_shared>> -> memref<10240x128xf32, #tpu.memory_space<vmem_shared>>
        tpu.wait_indirect_dma semaphore(%run_scoped3A_258 : memref<!tpu.dma_semaphore, #tpu.memory_space<semaphore_mem>>) src(%dma_wait3A_272 : memref<128x128xf32, #tpu.memory_space<vmem>>) dst(%dma_wait3A_278 : memref<10240x128xf32, #tpu.memory_space<vmem_shared>>)
        tpu.yield
      }) : () -> ()
      %dma_wait3A_88 = arith.constant 1 : i32
      %dma_wait3A_89 = arith.constant 1 : i32
      %dma_wait3A_90 = arith.constant 0 : i32
      %dma_wait3A_91 = arith.constant 0 : i32
      %dma_wait3A_92 = tpu.memref_slice %arg8[%dma_wait3A_89, %dma_wait3A_90, %dma_wait3A_91] : memref<2x128x128xf32, #tpu.memory_space<vmem>> -> memref<1x128x128xf32, #tpu.memory_space<vmem>>
      %dma_wait3A_93 = tpu.memref_squeeze %dma_wait3A_92 : memref<1x128x128xf32, #tpu.memory_space<vmem>> -> memref<128x128xf32, #tpu.memory_space<vmem>>
      %dma_wait3A_94 = arith.constant 0 : i32
      %dma_wait3A_95 = tpu.memref_slice %arg6[%dma_wait3A_88, %dma_wait3A_94] : memref<8x128xi32, #tpu.memory_space<vmem>> -> memref<1x128xi32, #tpu.memory_space<vmem>>
      %dma_wait3A_96 = tpu.memref_squeeze %dma_wait3A_95 : memref<1x128xi32, #tpu.memory_space<vmem>> -> memref<128xi32, #tpu.memory_space<vmem>>
      %dma_wait3A_97 = arith.constant 0 : i32
      %dma_wait3A_98 = arith.constant 0 : i32
      %dma_wait3A_99 = tpu.memref_slice %arg2[%dma_wait3A_97, %dma_wait3A_98] : memref<10240x128xf32, #tpu.memory_space<hbm>> -> memref<10240x128xf32, #tpu.memory_space<hbm>>
      tpu.wait_indirect_dma semaphore(%arg11 : memref<!tpu.dma_semaphore, #tpu.memory_space<semaphore_mem>>) src(%dma_wait3A_99 : memref<10240x128xf32, #tpu.memory_space<hbm>>) dst(%dma_wait3A_93 : memref<128x128xf32, #tpu.memory_space<vmem>>)
      %dma_start3A_100 = arith.constant 2 : i32
      %dma_start3A_101 = arith.constant 0 : i32
      %dma_start3A_102 = arith.constant 0 : i32
      %dma_start3A_103 = arith.constant 0 : i32
      %dma_start3A_104 = tpu.memref_slice %arg8[%dma_start3A_101, %dma_start3A_102, %dma_start3A_103] : memref<2x128x128xf32, #tpu.memory_space<vmem>> -> memref<1x128x128xf32, #tpu.memory_space<vmem>>
      %dma_start3A_105 = tpu.memref_squeeze %dma_start3A_104 : memref<1x128x128xf32, #tpu.memory_space<vmem>> -> memref<128x128xf32, #tpu.memory_space<vmem>>
      %dma_start3A_106 = arith.constant 0 : i32
      %dma_start3A_107 = tpu.memref_slice %arg6[%dma_start3A_100, %dma_start3A_106] : memref<8x128xi32, #tpu.memory_space<vmem>> -> memref<1x128xi32, #tpu.memory_space<vmem>>
      %dma_start3A_108 = tpu.memref_squeeze %dma_start3A_107 : memref<1x128xi32, #tpu.memory_space<vmem>> -> memref<128xi32, #tpu.memory_space<vmem>>
      %dma_start3A_109 = arith.constant 0 : i32
      %dma_start3A_110 = arith.constant 0 : i32
      %dma_start3A_111 = tpu.memref_slice %arg2[%dma_start3A_109, %dma_start3A_110] : memref<10240x128xf32, #tpu.memory_space<hbm>> -> memref<10240x128xf32, #tpu.memory_space<hbm>>
      tpu.enqueue_indirect_dma source(%dma_start3A_111 : memref<10240x128xf32, #tpu.memory_space<hbm>>) target(%dma_start3A_105 : memref<128x128xf32, #tpu.memory_space<vmem>>) offsets(%dma_start3A_108 : memref<128xi32, #tpu.memory_space<vmem>>) semaphore(%arg11 : memref<!tpu.dma_semaphore, #tpu.memory_space<semaphore_mem>>)
      %run_scoped3A_112 = arith.constant 1 : i32
      %run_scoped3A_113 = arith.constant 1 : i32
      "tpu.region"() ({
        %run_scoped3A_258 = tpu.sem_alloc : memref<!tpu.dma_semaphore, #tpu.memory_space<semaphore_mem>>
        %dma_start3A_259 = arith.constant 0 : i32
        %dma_start3A_260 = arith.constant 0 : i32
        %dma_start3A_261 = tpu.memref_slice %arg8[%run_scoped3A_112, %dma_start3A_259, %dma_start3A_260] : memref<2x128x128xf32, #tpu.memory_space<vmem>> -> memref<1x128x128xf32, #tpu.memory_space<vmem>>
        %dma_start3A_262 = tpu.memref_squeeze %dma_start3A_261 : memref<1x128x128xf32, #tpu.memory_space<vmem>> -> memref<128x128xf32, #tpu.memory_space<vmem>>
        %dma_start3A_263 = arith.constant 0 : i32
        %dma_start3A_264 = tpu.memref_slice %arg7[%run_scoped3A_113, %dma_start3A_263] : memref<8x128xi32, #tpu.memory_space<vmem>> -> memref<1x128xi32, #tpu.memory_space<vmem>>
        %dma_start3A_265 = tpu.memref_squeeze %dma_start3A_264 : memref<1x128xi32, #tpu.memory_space<vmem>> -> memref<128xi32, #tpu.memory_space<vmem>>
        %dma_start3A_266 = arith.constant 0 : i32
        %dma_start3A_267 = arith.constant 0 : i32
        %dma_start3A_268 = tpu.memref_slice %arg9[%dma_start3A_266, %dma_start3A_267] : memref<10240x128xf32, #tpu.memory_space<vmem_shared>> -> memref<10240x128xf32, #tpu.memory_space<vmem_shared>>
        tpu.enqueue_indirect_dma source(%dma_start3A_262 : memref<128x128xf32, #tpu.memory_space<vmem>>) target(%dma_start3A_268 : memref<10240x128xf32, #tpu.memory_space<vmem_shared>>) offsets(%dma_start3A_265 : memref<128xi32, #tpu.memory_space<vmem>>) semaphore(%run_scoped3A_258 : memref<!tpu.dma_semaphore, #tpu.memory_space<semaphore_mem>>) {add = true}
        %dma_wait3A_269 = arith.constant 0 : i32
        %dma_wait3A_270 = arith.constant 0 : i32
        %dma_wait3A_271 = tpu.memref_slice %arg8[%run_scoped3A_112, %dma_wait3A_269, %dma_wait3A_270] : memref<2x128x128xf32, #tpu.memory_space<vmem>> -> memref<1x128x128xf32, #tpu.memory_space<vmem>>
        %dma_wait3A_272 = tpu.memref_squeeze %dma_wait3A_271 : memref<1x128x128xf32, #tpu.memory_space<vmem>> -> memref<128x128xf32, #tpu.memory_space<vmem>>
        %dma_wait3A_273 = arith.constant 0 : i32
        %dma_wait3A_274 = tpu.memref_slice %arg7[%run_scoped3A_113, %dma_wait3A_273] : memref<8x128xi32, #tpu.memory_space<vmem>> -> memref<1x128xi32, #tpu.memory_space<vmem>>
        %dma_wait3A_275 = tpu.memref_squeeze %dma_wait3A_274 : memref<1x128xi32, #tpu.memory_space<vmem>> -> memref<128xi32, #tpu.memory_space<vmem>>
        %dma_wait3A_276 = arith.constant 0 : i32
        %dma_wait3A_277 = arith.constant 0 : i32
        %dma_wait3A_278 = tpu.memref_slice %arg9[%dma_wait3A_276, %dma_wait3A_277] : memref<10240x128xf32, #tpu.memory_space<vmem_shared>> -> memref<10240x128xf32, #tpu.memory_space<vmem_shared>>
        tpu.wait_indirect_dma semaphore(%run_scoped3A_258 : memref<!tpu.dma_semaphore, #tpu.memory_space<semaphore_mem>>) src(%dma_wait3A_272 : memref<128x128xf32, #tpu.memory_space<vmem>>) dst(%dma_wait3A_278 : memref<10240x128xf32, #tpu.memory_space<vmem_shared>>)
        tpu.yield
      }) : () -> ()
      %dma_wait3A_114 = arith.constant 2 : i32
      %dma_wait3A_115 = arith.constant 0 : i32
      %dma_wait3A_116 = arith.constant 0 : i32
      %dma_wait3A_117 = arith.constant 0 : i32
      %dma_wait3A_118 = tpu.memref_slice %arg8[%dma_wait3A_115, %dma_wait3A_116, %dma_wait3A_117] : memref<2x128x128xf32, #tpu.memory_space<vmem>> -> memref<1x128x128xf32, #tpu.memory_space<vmem>>
      %dma_wait3A_119 = tpu.memref_squeeze %dma_wait3A_118 : memref<1x128x128xf32, #tpu.memory_space<vmem>> -> memref<128x128xf32, #tpu.memory_space<vmem>>
      %dma_wait3A_120 = arith.constant 0 : i32
      %dma_wait3A_121 = tpu.memref_slice %arg6[%dma_wait3A_114, %dma_wait3A_120] : memref<8x128xi32, #tpu.memory_space<vmem>> -> memref<1x128xi32, #tpu.memory_space<vmem>>
      %dma_wait3A_122 = tpu.memref_squeeze %dma_wait3A_121 : memref<1x128xi32, #tpu.memory_space<vmem>> -> memref<128xi32, #tpu.memory_space<vmem>>
      %dma_wait3A_123 = arith.constant 0 : i32
      %dma_wait3A_124 = arith.constant 0 : i32
      %dma_wait3A_125 = tpu.memref_slice %arg2[%dma_wait3A_123, %dma_wait3A_124] : memref<10240x128xf32, #tpu.memory_space<hbm>> -> memref<10240x128xf32, #tpu.memory_space<hbm>>
      tpu.wait_indirect_dma semaphore(%arg11 : memref<!tpu.dma_semaphore, #tpu.memory_space<semaphore_mem>>) src(%dma_wait3A_125 : memref<10240x128xf32, #tpu.memory_space<hbm>>) dst(%dma_wait3A_119 : memref<128x128xf32, #tpu.memory_space<vmem>>)
      %dma_start3A_126 = arith.constant 3 : i32
      %dma_start3A_127 = arith.constant 1 : i32
      %dma_start3A_128 = arith.constant 0 : i32
      %dma_start3A_129 = arith.constant 0 : i32
      %dma_start3A_130 = tpu.memref_slice %arg8[%dma_start3A_127, %dma_start3A_128, %dma_start3A_129] : memref<2x128x128xf32, #tpu.memory_space<vmem>> -> memref<1x128x128xf32, #tpu.memory_space<vmem>>
      %dma_start3A_131 = tpu.memref_squeeze %dma_start3A_130 : memref<1x128x128xf32, #tpu.memory_space<vmem>> -> memref<128x128xf32, #tpu.memory_space<vmem>>
      %dma_start3A_132 = arith.constant 0 : i32
      %dma_start3A_133 = tpu.memref_slice %arg6[%dma_start3A_126, %dma_start3A_132] : memref<8x128xi32, #tpu.memory_space<vmem>> -> memref<1x128xi32, #tpu.memory_space<vmem>>
      %dma_start3A_134 = tpu.memref_squeeze %dma_start3A_133 : memref<1x128xi32, #tpu.memory_space<vmem>> -> memref<128xi32, #tpu.memory_space<vmem>>
      %dma_start3A_135 = arith.constant 0 : i32
      %dma_start3A_136 = arith.constant 0 : i32
      %dma_start3A_137 = tpu.memref_slice %arg2[%dma_start3A_135, %dma_start3A_136] : memref<10240x128xf32, #tpu.memory_space<hbm>> -> memref<10240x128xf32, #tpu.memory_space<hbm>>
      tpu.enqueue_indirect_dma source(%dma_start3A_137 : memref<10240x128xf32, #tpu.memory_space<hbm>>) target(%dma_start3A_131 : memref<128x128xf32, #tpu.memory_space<vmem>>) offsets(%dma_start3A_134 : memref<128xi32, #tpu.memory_space<vmem>>) semaphore(%arg11 : memref<!tpu.dma_semaphore, #tpu.memory_space<semaphore_mem>>)
      %run_scoped3A_138 = arith.constant 0 : i32
      %run_scoped3A_139 = arith.constant 2 : i32
      "tpu.region"() ({
        %run_scoped3A_258 = tpu.sem_alloc : memref<!tpu.dma_semaphore, #tpu.memory_space<semaphore_mem>>
        %dma_start3A_259 = arith.constant 0 : i32
        %dma_start3A_260 = arith.constant 0 : i32
        %dma_start3A_261 = tpu.memref_slice %arg8[%run_scoped3A_138, %dma_start3A_259, %dma_start3A_260] : memref<2x128x128xf32, #tpu.memory_space<vmem>> -> memref<1x128x128xf32, #tpu.memory_space<vmem>>
        %dma_start3A_262 = tpu.memref_squeeze %dma_start3A_261 : memref<1x128x128xf32, #tpu.memory_space<vmem>> -> memref<128x128xf32, #tpu.memory_space<vmem>>
        %dma_start3A_263 = arith.constant 0 : i32
        %dma_start3A_264 = tpu.memref_slice %arg7[%run_scoped3A_139, %dma_start3A_263] : memref<8x128xi32, #tpu.memory_space<vmem>> -> memref<1x128xi32, #tpu.memory_space<vmem>>
        %dma_start3A_265 = tpu.memref_squeeze %dma_start3A_264 : memref<1x128xi32, #tpu.memory_space<vmem>> -> memref<128xi32, #tpu.memory_space<vmem>>
        %dma_start3A_266 = arith.constant 0 : i32
        %dma_start3A_267 = arith.constant 0 : i32
        %dma_start3A_268 = tpu.memref_slice %arg9[%dma_start3A_266, %dma_start3A_267] : memref<10240x128xf32, #tpu.memory_space<vmem_shared>> -> memref<10240x128xf32, #tpu.memory_space<vmem_shared>>
        tpu.enqueue_indirect_dma source(%dma_start3A_262 : memref<128x128xf32, #tpu.memory_space<vmem>>) target(%dma_start3A_268 : memref<10240x128xf32, #tpu.memory_space<vmem_shared>>) offsets(%dma_start3A_265 : memref<128xi32, #tpu.memory_space<vmem>>) semaphore(%run_scoped3A_258 : memref<!tpu.dma_semaphore, #tpu.memory_space<semaphore_mem>>) {add = true}
        %dma_wait3A_269 = arith.constant 0 : i32
        %dma_wait3A_270 = arith.constant 0 : i32
        %dma_wait3A_271 = tpu.memref_slice %arg8[%run_scoped3A_138, %dma_wait3A_269, %dma_wait3A_270] : memref<2x128x128xf32, #tpu.memory_space<vmem>> -> memref<1x128x128xf32, #tpu.memory_space<vmem>>
        %dma_wait3A_272 = tpu.memref_squeeze %dma_wait3A_271 : memref<1x128x128xf32, #tpu.memory_space<vmem>> -> memref<128x128xf32, #tpu.memory_space<vmem>>
        %dma_wait3A_273 = arith.constant 0 : i32
        %dma_wait3A_274 = tpu.memref_slice %arg7[%run_scoped3A_139, %dma_wait3A_273] : memref<8x128xi32, #tpu.memory_space<vmem>> -> memref<1x128xi32, #tpu.memory_space<vmem>>
        %dma_wait3A_275 = tpu.memref_squeeze %dma_wait3A_274 : memref<1x128xi32, #tpu.memory_space<vmem>> -> memref<128xi32, #tpu.memory_space<vmem>>
        %dma_wait3A_276 = arith.constant 0 : i32
        %dma_wait3A_277 = arith.constant 0 : i32
        %dma_wait3A_278 = tpu.memref_slice %arg9[%dma_wait3A_276, %dma_wait3A_277] : memref<10240x128xf32, #tpu.memory_space<vmem_shared>> -> memref<10240x128xf32, #tpu.memory_space<vmem_shared>>
        tpu.wait_indirect_dma semaphore(%run_scoped3A_258 : memref<!tpu.dma_semaphore, #tpu.memory_space<semaphore_mem>>) src(%dma_wait3A_272 : memref<128x128xf32, #tpu.memory_space<vmem>>) dst(%dma_wait3A_278 : memref<10240x128xf32, #tpu.memory_space<vmem_shared>>)
        tpu.yield
      }) : () -> ()
      %dma_wait3A_140 = arith.constant 3 : i32
      %dma_wait3A_141 = arith.constant 1 : i32
      %dma_wait3A_142 = arith.constant 0 : i32
      %dma_wait3A_143 = arith.constant 0 : i32
      %dma_wait3A_144 = tpu.memref_slice %arg8[%dma_wait3A_141, %dma_wait3A_142, %dma_wait3A_143] : memref<2x128x128xf32, #tpu.memory_space<vmem>> -> memref<1x128x128xf32, #tpu.memory_space<vmem>>
      %dma_wait3A_145 = tpu.memref_squeeze %dma_wait3A_144 : memref<1x128x128xf32, #tpu.memory_space<vmem>> -> memref<128x128xf32, #tpu.memory_space<vmem>>
      %dma_wait3A_146 = arith.constant 0 : i32
      %dma_wait3A_147 = tpu.memref_slice %arg6[%dma_wait3A_140, %dma_wait3A_146] : memref<8x128xi32, #tpu.memory_space<vmem>> -> memref<1x128xi32, #tpu.memory_space<vmem>>
      %dma_wait3A_148 = tpu.memref_squeeze %dma_wait3A_147 : memref<1x128xi32, #tpu.memory_space<vmem>> -> memref<128xi32, #tpu.memory_space<vmem>>
      %dma_wait3A_149 = arith.constant 0 : i32
      %dma_wait3A_150 = arith.constant 0 : i32
      %dma_wait3A_151 = tpu.memref_slice %arg2[%dma_wait3A_149, %dma_wait3A_150] : memref<10240x128xf32, #tpu.memory_space<hbm>> -> memref<10240x128xf32, #tpu.memory_space<hbm>>
      tpu.wait_indirect_dma semaphore(%arg11 : memref<!tpu.dma_semaphore, #tpu.memory_space<semaphore_mem>>) src(%dma_wait3A_151 : memref<10240x128xf32, #tpu.memory_space<hbm>>) dst(%dma_wait3A_145 : memref<128x128xf32, #tpu.memory_space<vmem>>)
      %dma_start3A_152 = arith.constant 4 : i32
      %dma_start3A_153 = arith.constant 0 : i32
      %dma_start3A_154 = arith.constant 0 : i32
      %dma_start3A_155 = arith.constant 0 : i32
      %dma_start3A_156 = tpu.memref_slice %arg8[%dma_start3A_153, %dma_start3A_154, %dma_start3A_155] : memref<2x128x128xf32, #tpu.memory_space<vmem>> -> memref<1x128x128xf32, #tpu.memory_space<vmem>>
      %dma_start3A_157 = tpu.memref_squeeze %dma_start3A_156 : memref<1x128x128xf32, #tpu.memory_space<vmem>> -> memref<128x128xf32, #tpu.memory_space<vmem>>
      %dma_start3A_158 = arith.constant 0 : i32
      %dma_start3A_159 = tpu.memref_slice %arg6[%dma_start3A_152, %dma_start3A_158] : memref<8x128xi32, #tpu.memory_space<vmem>> -> memref<1x128xi32, #tpu.memory_space<vmem>>
      %dma_start3A_160 = tpu.memref_squeeze %dma_start3A_159 : memref<1x128xi32, #tpu.memory_space<vmem>> -> memref<128xi32, #tpu.memory_space<vmem>>
      %dma_start3A_161 = arith.constant 0 : i32
      %dma_start3A_162 = arith.constant 0 : i32
      %dma_start3A_163 = tpu.memref_slice %arg2[%dma_start3A_161, %dma_start3A_162] : memref<10240x128xf32, #tpu.memory_space<hbm>> -> memref<10240x128xf32, #tpu.memory_space<hbm>>
      tpu.enqueue_indirect_dma source(%dma_start3A_163 : memref<10240x128xf32, #tpu.memory_space<hbm>>) target(%dma_start3A_157 : memref<128x128xf32, #tpu.memory_space<vmem>>) offsets(%dma_start3A_160 : memref<128xi32, #tpu.memory_space<vmem>>) semaphore(%arg11 : memref<!tpu.dma_semaphore, #tpu.memory_space<semaphore_mem>>)
      %run_scoped3A_164 = arith.constant 1 : i32
      %run_scoped3A_165 = arith.constant 3 : i32
      "tpu.region"() ({
        %run_scoped3A_258 = tpu.sem_alloc : memref<!tpu.dma_semaphore, #tpu.memory_space<semaphore_mem>>
        %dma_start3A_259 = arith.constant 0 : i32
        %dma_start3A_260 = arith.constant 0 : i32
        %dma_start3A_261 = tpu.memref_slice %arg8[%run_scoped3A_164, %dma_start3A_259, %dma_start3A_260] : memref<2x128x128xf32, #tpu.memory_space<vmem>> -> memref<1x128x128xf32, #tpu.memory_space<vmem>>
        %dma_start3A_262 = tpu.memref_squeeze %dma_start3A_261 : memref<1x128x128xf32, #tpu.memory_space<vmem>> -> memref<128x128xf32, #tpu.memory_space<vmem>>
        %dma_start3A_263 = arith.constant 0 : i32
        %dma_start3A_264 = tpu.memref_slice %arg7[%run_scoped3A_165, %dma_start3A_263] : memref<8x128xi32, #tpu.memory_space<vmem>> -> memref<1x128xi32, #tpu.memory_space<vmem>>
        %dma_start3A_265 = tpu.memref_squeeze %dma_start3A_264 : memref<1x128xi32, #tpu.memory_space<vmem>> -> memref<128xi32, #tpu.memory_space<vmem>>
        %dma_start3A_266 = arith.constant 0 : i32
        %dma_start3A_267 = arith.constant 0 : i32
        %dma_start3A_268 = tpu.memref_slice %arg9[%dma_start3A_266, %dma_start3A_267] : memref<10240x128xf32, #tpu.memory_space<vmem_shared>> -> memref<10240x128xf32, #tpu.memory_space<vmem_shared>>
        tpu.enqueue_indirect_dma source(%dma_start3A_262 : memref<128x128xf32, #tpu.memory_space<vmem>>) target(%dma_start3A_268 : memref<10240x128xf32, #tpu.memory_space<vmem_shared>>) offsets(%dma_start3A_265 : memref<128xi32, #tpu.memory_space<vmem>>) semaphore(%run_scoped3A_258 : memref<!tpu.dma_semaphore, #tpu.memory_space<semaphore_mem>>) {add = true}
        %dma_wait3A_269 = arith.constant 0 : i32
        %dma_wait3A_270 = arith.constant 0 : i32
        %dma_wait3A_271 = tpu.memref_slice %arg8[%run_scoped3A_164, %dma_wait3A_269, %dma_wait3A_270] : memref<2x128x128xf32, #tpu.memory_space<vmem>> -> memref<1x128x128xf32, #tpu.memory_space<vmem>>
        %dma_wait3A_272 = tpu.memref_squeeze %dma_wait3A_271 : memref<1x128x128xf32, #tpu.memory_space<vmem>> -> memref<128x128xf32, #tpu.memory_space<vmem>>
        %dma_wait3A_273 = arith.constant 0 : i32
        %dma_wait3A_274 = tpu.memref_slice %arg7[%run_scoped3A_165, %dma_wait3A_273] : memref<8x128xi32, #tpu.memory_space<vmem>> -> memref<1x128xi32, #tpu.memory_space<vmem>>
        %dma_wait3A_275 = tpu.memref_squeeze %dma_wait3A_274 : memref<1x128xi32, #tpu.memory_space<vmem>> -> memref<128xi32, #tpu.memory_space<vmem>>
        %dma_wait3A_276 = arith.constant 0 : i32
        %dma_wait3A_277 = arith.constant 0 : i32
        %dma_wait3A_278 = tpu.memref_slice %arg9[%dma_wait3A_276, %dma_wait3A_277] : memref<10240x128xf32, #tpu.memory_space<vmem_shared>> -> memref<10240x128xf32, #tpu.memory_space<vmem_shared>>
        tpu.wait_indirect_dma semaphore(%run_scoped3A_258 : memref<!tpu.dma_semaphore, #tpu.memory_space<semaphore_mem>>) src(%dma_wait3A_272 : memref<128x128xf32, #tpu.memory_space<vmem>>) dst(%dma_wait3A_278 : memref<10240x128xf32, #tpu.memory_space<vmem_shared>>)
        tpu.yield
      }) : () -> ()
      %dma_wait3A_166 = arith.constant 4 : i32
      %dma_wait3A_167 = arith.constant 0 : i32
      %dma_wait3A_168 = arith.constant 0 : i32
      %dma_wait3A_169 = arith.constant 0 : i32
      %dma_wait3A_170 = tpu.memref_slice %arg8[%dma_wait3A_167, %dma_wait3A_168, %dma_wait3A_169] : memref<2x128x128xf32, #tpu.memory_space<vmem>> -> memref<1x128x128xf32, #tpu.memory_space<vmem>>
      %dma_wait3A_171 = tpu.memref_squeeze %dma_wait3A_170 : memref<1x128x128xf32, #tpu.memory_space<vmem>> -> memref<128x128xf32, #tpu.memory_space<vmem>>
      %dma_wait3A_172 = arith.constant 0 : i32
      %dma_wait3A_173 = tpu.memref_slice %arg6[%dma_wait3A_166, %dma_wait3A_172] : memref<8x128xi32, #tpu.memory_space<vmem>> -> memref<1x128xi32, #tpu.memory_space<vmem>>
      %dma_wait3A_174 = tpu.memref_squeeze %dma_wait3A_173 : memref<1x128xi32, #tpu.memory_space<vmem>> -> memref<128xi32, #tpu.memory_space<vmem>>
      %dma_wait3A_175 = arith.constant 0 : i32
      %dma_wait3A_176 = arith.constant 0 : i32
      %dma_wait3A_177 = tpu.memref_slice %arg2[%dma_wait3A_175, %dma_wait3A_176] : memref<10240x128xf32, #tpu.memory_space<hbm>> -> memref<10240x128xf32, #tpu.memory_space<hbm>>
      tpu.wait_indirect_dma semaphore(%arg11 : memref<!tpu.dma_semaphore, #tpu.memory_space<semaphore_mem>>) src(%dma_wait3A_177 : memref<10240x128xf32, #tpu.memory_space<hbm>>) dst(%dma_wait3A_171 : memref<128x128xf32, #tpu.memory_space<vmem>>)
      %dma_start3A_178 = arith.constant 5 : i32
      %dma_start3A_179 = arith.constant 1 : i32
      %dma_start3A_180 = arith.constant 0 : i32
      %dma_start3A_181 = arith.constant 0 : i32
      %dma_start3A_182 = tpu.memref_slice %arg8[%dma_start3A_179, %dma_start3A_180, %dma_start3A_181] : memref<2x128x128xf32, #tpu.memory_space<vmem>> -> memref<1x128x128xf32, #tpu.memory_space<vmem>>
      %dma_start3A_183 = tpu.memref_squeeze %dma_start3A_182 : memref<1x128x128xf32, #tpu.memory_space<vmem>> -> memref<128x128xf32, #tpu.memory_space<vmem>>
      %dma_start3A_184 = arith.constant 0 : i32
      %dma_start3A_185 = tpu.memref_slice %arg6[%dma_start3A_178, %dma_start3A_184] : memref<8x128xi32, #tpu.memory_space<vmem>> -> memref<1x128xi32, #tpu.memory_space<vmem>>
      %dma_start3A_186 = tpu.memref_squeeze %dma_start3A_185 : memref<1x128xi32, #tpu.memory_space<vmem>> -> memref<128xi32, #tpu.memory_space<vmem>>
      %dma_start3A_187 = arith.constant 0 : i32
      %dma_start3A_188 = arith.constant 0 : i32
      %dma_start3A_189 = tpu.memref_slice %arg2[%dma_start3A_187, %dma_start3A_188] : memref<10240x128xf32, #tpu.memory_space<hbm>> -> memref<10240x128xf32, #tpu.memory_space<hbm>>
      tpu.enqueue_indirect_dma source(%dma_start3A_189 : memref<10240x128xf32, #tpu.memory_space<hbm>>) target(%dma_start3A_183 : memref<128x128xf32, #tpu.memory_space<vmem>>) offsets(%dma_start3A_186 : memref<128xi32, #tpu.memory_space<vmem>>) semaphore(%arg11 : memref<!tpu.dma_semaphore, #tpu.memory_space<semaphore_mem>>)
      %run_scoped3A_190 = arith.constant 0 : i32
      %run_scoped3A_191 = arith.constant 4 : i32
      "tpu.region"() ({
        %run_scoped3A_258 = tpu.sem_alloc : memref<!tpu.dma_semaphore, #tpu.memory_space<semaphore_mem>>
        %dma_start3A_259 = arith.constant 0 : i32
        %dma_start3A_260 = arith.constant 0 : i32
        %dma_start3A_261 = tpu.memref_slice %arg8[%run_scoped3A_190, %dma_start3A_259, %dma_start3A_260] : memref<2x128x128xf32, #tpu.memory_space<vmem>> -> memref<1x128x128xf32, #tpu.memory_space<vmem>>
        %dma_start3A_262 = tpu.memref_squeeze %dma_start3A_261 : memref<1x128x128xf32, #tpu.memory_space<vmem>> -> memref<128x128xf32, #tpu.memory_space<vmem>>
        %dma_start3A_263 = arith.constant 0 : i32
        %dma_start3A_264 = tpu.memref_slice %arg7[%run_scoped3A_191, %dma_start3A_263] : memref<8x128xi32, #tpu.memory_space<vmem>> -> memref<1x128xi32, #tpu.memory_space<vmem>>
        %dma_start3A_265 = tpu.memref_squeeze %dma_start3A_264 : memref<1x128xi32, #tpu.memory_space<vmem>> -> memref<128xi32, #tpu.memory_space<vmem>>
        %dma_start3A_266 = arith.constant 0 : i32
        %dma_start3A_267 = arith.constant 0 : i32
        %dma_start3A_268 = tpu.memref_slice %arg9[%dma_start3A_266, %dma_start3A_267] : memref<10240x128xf32, #tpu.memory_space<vmem_shared>> -> memref<10240x128xf32, #tpu.memory_space<vmem_shared>>
        tpu.enqueue_indirect_dma source(%dma_start3A_262 : memref<128x128xf32, #tpu.memory_space<vmem>>) target(%dma_start3A_268 : memref<10240x128xf32, #tpu.memory_space<vmem_shared>>) offsets(%dma_start3A_265 : memref<128xi32, #tpu.memory_space<vmem>>) semaphore(%run_scoped3A_258 : memref<!tpu.dma_semaphore, #tpu.memory_space<semaphore_mem>>) {add = true}
        %dma_wait3A_269 = arith.constant 0 : i32
        %dma_wait3A_270 = arith.constant 0 : i32
        %dma_wait3A_271 = tpu.memref_slice %arg8[%run_scoped3A_190, %dma_wait3A_269, %dma_wait3A_270] : memref<2x128x128xf32, #tpu.memory_space<vmem>> -> memref<1x128x128xf32, #tpu.memory_space<vmem>>
        %dma_wait3A_272 = tpu.memref_squeeze %dma_wait3A_271 : memref<1x128x128xf32, #tpu.memory_space<vmem>> -> memref<128x128xf32, #tpu.memory_space<vmem>>
        %dma_wait3A_273 = arith.constant 0 : i32
        %dma_wait3A_274 = tpu.memref_slice %arg7[%run_scoped3A_191, %dma_wait3A_273] : memref<8x128xi32, #tpu.memory_space<vmem>> -> memref<1x128xi32, #tpu.memory_space<vmem>>
        %dma_wait3A_275 = tpu.memref_squeeze %dma_wait3A_274 : memref<1x128xi32, #tpu.memory_space<vmem>> -> memref<128xi32, #tpu.memory_space<vmem>>
        %dma_wait3A_276 = arith.constant 0 : i32
        %dma_wait3A_277 = arith.constant 0 : i32
        %dma_wait3A_278 = tpu.memref_slice %arg9[%dma_wait3A_276, %dma_wait3A_277] : memref<10240x128xf32, #tpu.memory_space<vmem_shared>> -> memref<10240x128xf32, #tpu.memory_space<vmem_shared>>
        tpu.wait_indirect_dma semaphore(%run_scoped3A_258 : memref<!tpu.dma_semaphore, #tpu.memory_space<semaphore_mem>>) src(%dma_wait3A_272 : memref<128x128xf32, #tpu.memory_space<vmem>>) dst(%dma_wait3A_278 : memref<10240x128xf32, #tpu.memory_space<vmem_shared>>)
        tpu.yield
      }) : () -> ()
      %dma_wait3A_192 = arith.constant 5 : i32
      %dma_wait3A_193 = arith.constant 1 : i32
      %dma_wait3A_194 = arith.constant 0 : i32
      %dma_wait3A_195 = arith.constant 0 : i32
      %dma_wait3A_196 = tpu.memref_slice %arg8[%dma_wait3A_193, %dma_wait3A_194, %dma_wait3A_195] : memref<2x128x128xf32, #tpu.memory_space<vmem>> -> memref<1x128x128xf32, #tpu.memory_space<vmem>>
      %dma_wait3A_197 = tpu.memref_squeeze %dma_wait3A_196 : memref<1x128x128xf32, #tpu.memory_space<vmem>> -> memref<128x128xf32, #tpu.memory_space<vmem>>
      %dma_wait3A_198 = arith.constant 0 : i32
      %dma_wait3A_199 = tpu.memref_slice %arg6[%dma_wait3A_192, %dma_wait3A_198] : memref<8x128xi32, #tpu.memory_space<vmem>> -> memref<1x128xi32, #tpu.memory_space<vmem>>
      %dma_wait3A_200 = tpu.memref_squeeze %dma_wait3A_199 : memref<1x128xi32, #tpu.memory_space<vmem>> -> memref<128xi32, #tpu.memory_space<vmem>>
      %dma_wait3A_201 = arith.constant 0 : i32
      %dma_wait3A_202 = arith.constant 0 : i32
      %dma_wait3A_203 = tpu.memref_slice %arg2[%dma_wait3A_201, %dma_wait3A_202] : memref<10240x128xf32, #tpu.memory_space<hbm>> -> memref<10240x128xf32, #tpu.memory_space<hbm>>
      tpu.wait_indirect_dma semaphore(%arg11 : memref<!tpu.dma_semaphore, #tpu.memory_space<semaphore_mem>>) src(%dma_wait3A_203 : memref<10240x128xf32, #tpu.memory_space<hbm>>) dst(%dma_wait3A_197 : memref<128x128xf32, #tpu.memory_space<vmem>>)
      %dma_start3A_204 = arith.constant 6 : i32
      %dma_start3A_205 = arith.constant 0 : i32
      %dma_start3A_206 = arith.constant 0 : i32
      %dma_start3A_207 = arith.constant 0 : i32
      %dma_start3A_208 = tpu.memref_slice %arg8[%dma_start3A_205, %dma_start3A_206, %dma_start3A_207] : memref<2x128x128xf32, #tpu.memory_space<vmem>> -> memref<1x128x128xf32, #tpu.memory_space<vmem>>
      %dma_start3A_209 = tpu.memref_squeeze %dma_start3A_208 : memref<1x128x128xf32, #tpu.memory_space<vmem>> -> memref<128x128xf32, #tpu.memory_space<vmem>>
      %dma_start3A_210 = arith.constant 0 : i32
      %dma_start3A_211 = tpu.memref_slice %arg6[%dma_start3A_204, %dma_start3A_210] : memref<8x128xi32, #tpu.memory_space<vmem>> -> memref<1x128xi32, #tpu.memory_space<vmem>>
      %dma_start3A_212 = tpu.memref_squeeze %dma_start3A_211 : memref<1x128xi32, #tpu.memory_space<vmem>> -> memref<128xi32, #tpu.memory_space<vmem>>
      %dma_start3A_213 = arith.constant 0 : i32
      %dma_start3A_214 = arith.constant 0 : i32
      %dma_start3A_215 = tpu.memref_slice %arg2[%dma_start3A_213, %dma_start3A_214] : memref<10240x128xf32, #tpu.memory_space<hbm>> -> memref<10240x128xf32, #tpu.memory_space<hbm>>
      tpu.enqueue_indirect_dma source(%dma_start3A_215 : memref<10240x128xf32, #tpu.memory_space<hbm>>) target(%dma_start3A_209 : memref<128x128xf32, #tpu.memory_space<vmem>>) offsets(%dma_start3A_212 : memref<128xi32, #tpu.memory_space<vmem>>) semaphore(%arg11 : memref<!tpu.dma_semaphore, #tpu.memory_space<semaphore_mem>>)
      %run_scoped3A_216 = arith.constant 1 : i32
      %run_scoped3A_217 = arith.constant 5 : i32
      "tpu.region"() ({
        %run_scoped3A_258 = tpu.sem_alloc : memref<!tpu.dma_semaphore, #tpu.memory_space<semaphore_mem>>
        %dma_start3A_259 = arith.constant 0 : i32
        %dma_start3A_260 = arith.constant 0 : i32
        %dma_start3A_261 = tpu.memref_slice %arg8[%run_scoped3A_216, %dma_start3A_259, %dma_start3A_260] : memref<2x128x128xf32, #tpu.memory_space<vmem>> -> memref<1x128x128xf32, #tpu.memory_space<vmem>>
        %dma_start3A_262 = tpu.memref_squeeze %dma_start3A_261 : memref<1x128x128xf32, #tpu.memory_space<vmem>> -> memref<128x128xf32, #tpu.memory_space<vmem>>
        %dma_start3A_263 = arith.constant 0 : i32
        %dma_start3A_264 = tpu.memref_slice %arg7[%run_scoped3A_217, %dma_start3A_263] : memref<8x128xi32, #tpu.memory_space<vmem>> -> memref<1x128xi32, #tpu.memory_space<vmem>>
        %dma_start3A_265 = tpu.memref_squeeze %dma_start3A_264 : memref<1x128xi32, #tpu.memory_space<vmem>> -> memref<128xi32, #tpu.memory_space<vmem>>
        %dma_start3A_266 = arith.constant 0 : i32
        %dma_start3A_267 = arith.constant 0 : i32
        %dma_start3A_268 = tpu.memref_slice %arg9[%dma_start3A_266, %dma_start3A_267] : memref<10240x128xf32, #tpu.memory_space<vmem_shared>> -> memref<10240x128xf32, #tpu.memory_space<vmem_shared>>
        tpu.enqueue_indirect_dma source(%dma_start3A_262 : memref<128x128xf32, #tpu.memory_space<vmem>>) target(%dma_start3A_268 : memref<10240x128xf32, #tpu.memory_space<vmem_shared>>) offsets(%dma_start3A_265 : memref<128xi32, #tpu.memory_space<vmem>>) semaphore(%run_scoped3A_258 : memref<!tpu.dma_semaphore, #tpu.memory_space<semaphore_mem>>) {add = true}
        %dma_wait3A_269 = arith.constant 0 : i32
        %dma_wait3A_270 = arith.constant 0 : i32
        %dma_wait3A_271 = tpu.memref_slice %arg8[%run_scoped3A_216, %dma_wait3A_269, %dma_wait3A_270] : memref<2x128x128xf32, #tpu.memory_space<vmem>> -> memref<1x128x128xf32, #tpu.memory_space<vmem>>
        %dma_wait3A_272 = tpu.memref_squeeze %dma_wait3A_271 : memref<1x128x128xf32, #tpu.memory_space<vmem>> -> memref<128x128xf32, #tpu.memory_space<vmem>>
        %dma_wait3A_273 = arith.constant 0 : i32
        %dma_wait3A_274 = tpu.memref_slice %arg7[%run_scoped3A_217, %dma_wait3A_273] : memref<8x128xi32, #tpu.memory_space<vmem>> -> memref<1x128xi32, #tpu.memory_space<vmem>>
        %dma_wait3A_275 = tpu.memref_squeeze %dma_wait3A_274 : memref<1x128xi32, #tpu.memory_space<vmem>> -> memref<128xi32, #tpu.memory_space<vmem>>
        %dma_wait3A_276 = arith.constant 0 : i32
        %dma_wait3A_277 = arith.constant 0 : i32
        %dma_wait3A_278 = tpu.memref_slice %arg9[%dma_wait3A_276, %dma_wait3A_277] : memref<10240x128xf32, #tpu.memory_space<vmem_shared>> -> memref<10240x128xf32, #tpu.memory_space<vmem_shared>>
        tpu.wait_indirect_dma semaphore(%run_scoped3A_258 : memref<!tpu.dma_semaphore, #tpu.memory_space<semaphore_mem>>) src(%dma_wait3A_272 : memref<128x128xf32, #tpu.memory_space<vmem>>) dst(%dma_wait3A_278 : memref<10240x128xf32, #tpu.memory_space<vmem_shared>>)
        tpu.yield
      }) : () -> ()
      %dma_wait3A_218 = arith.constant 6 : i32
      %dma_wait3A_219 = arith.constant 0 : i32
      %dma_wait3A_220 = arith.constant 0 : i32
      %dma_wait3A_221 = arith.constant 0 : i32
      %dma_wait3A_222 = tpu.memref_slice %arg8[%dma_wait3A_219, %dma_wait3A_220, %dma_wait3A_221] : memref<2x128x128xf32, #tpu.memory_space<vmem>> -> memref<1x128x128xf32, #tpu.memory_space<vmem>>
      %dma_wait3A_223 = tpu.memref_squeeze %dma_wait3A_222 : memref<1x128x128xf32, #tpu.memory_space<vmem>> -> memref<128x128xf32, #tpu.memory_space<vmem>>
      %dma_wait3A_224 = arith.constant 0 : i32
      %dma_wait3A_225 = tpu.memref_slice %arg6[%dma_wait3A_218, %dma_wait3A_224] : memref<8x128xi32, #tpu.memory_space<vmem>> -> memref<1x128xi32, #tpu.memory_space<vmem>>
      %dma_wait3A_226 = tpu.memref_squeeze %dma_wait3A_225 : memref<1x128xi32, #tpu.memory_space<vmem>> -> memref<128xi32, #tpu.memory_space<vmem>>
      %dma_wait3A_227 = arith.constant 0 : i32
      %dma_wait3A_228 = arith.constant 0 : i32
      %dma_wait3A_229 = tpu.memref_slice %arg2[%dma_wait3A_227, %dma_wait3A_228] : memref<10240x128xf32, #tpu.memory_space<hbm>> -> memref<10240x128xf32, #tpu.memory_space<hbm>>
      tpu.wait_indirect_dma semaphore(%arg11 : memref<!tpu.dma_semaphore, #tpu.memory_space<semaphore_mem>>) src(%dma_wait3A_229 : memref<10240x128xf32, #tpu.memory_space<hbm>>) dst(%dma_wait3A_223 : memref<128x128xf32, #tpu.memory_space<vmem>>)
      %dma_start3A_230 = arith.constant 7 : i32
      %dma_start3A_231 = arith.constant 1 : i32
      %dma_start3A_232 = arith.constant 0 : i32
      %dma_start3A_233 = arith.constant 0 : i32
      %dma_start3A_234 = tpu.memref_slice %arg8[%dma_start3A_231, %dma_start3A_232, %dma_start3A_233] : memref<2x128x128xf32, #tpu.memory_space<vmem>> -> memref<1x128x128xf32, #tpu.memory_space<vmem>>
      %dma_start3A_235 = tpu.memref_squeeze %dma_start3A_234 : memref<1x128x128xf32, #tpu.memory_space<vmem>> -> memref<128x128xf32, #tpu.memory_space<vmem>>
      %dma_start3A_236 = arith.constant 0 : i32
      %dma_start3A_237 = tpu.memref_slice %arg6[%dma_start3A_230, %dma_start3A_236] : memref<8x128xi32, #tpu.memory_space<vmem>> -> memref<1x128xi32, #tpu.memory_space<vmem>>
      %dma_start3A_238 = tpu.memref_squeeze %dma_start3A_237 : memref<1x128xi32, #tpu.memory_space<vmem>> -> memref<128xi32, #tpu.memory_space<vmem>>
      %dma_start3A_239 = arith.constant 0 : i32
      %dma_start3A_240 = arith.constant 0 : i32
      %dma_start3A_241 = tpu.memref_slice %arg2[%dma_start3A_239, %dma_start3A_240] : memref<10240x128xf32, #tpu.memory_space<hbm>> -> memref<10240x128xf32, #tpu.memory_space<hbm>>
      tpu.enqueue_indirect_dma source(%dma_start3A_241 : memref<10240x128xf32, #tpu.memory_space<hbm>>) target(%dma_start3A_235 : memref<128x128xf32, #tpu.memory_space<vmem>>) offsets(%dma_start3A_238 : memref<128xi32, #tpu.memory_space<vmem>>) semaphore(%arg11 : memref<!tpu.dma_semaphore, #tpu.memory_space<semaphore_mem>>)
      %run_scoped3A_242 = arith.constant 0 : i32
      %run_scoped3A_243 = arith.constant 6 : i32
      "tpu.region"() ({
        %run_scoped3A_258 = tpu.sem_alloc : memref<!tpu.dma_semaphore, #tpu.memory_space<semaphore_mem>>
        %dma_start3A_259 = arith.constant 0 : i32
        %dma_start3A_260 = arith.constant 0 : i32
        %dma_start3A_261 = tpu.memref_slice %arg8[%run_scoped3A_242, %dma_start3A_259, %dma_start3A_260] : memref<2x128x128xf32, #tpu.memory_space<vmem>> -> memref<1x128x128xf32, #tpu.memory_space<vmem>>
        %dma_start3A_262 = tpu.memref_squeeze %dma_start3A_261 : memref<1x128x128xf32, #tpu.memory_space<vmem>> -> memref<128x128xf32, #tpu.memory_space<vmem>>
        %dma_start3A_263 = arith.constant 0 : i32
        %dma_start3A_264 = tpu.memref_slice %arg7[%run_scoped3A_243, %dma_start3A_263] : memref<8x128xi32, #tpu.memory_space<vmem>> -> memref<1x128xi32, #tpu.memory_space<vmem>>
        %dma_start3A_265 = tpu.memref_squeeze %dma_start3A_264 : memref<1x128xi32, #tpu.memory_space<vmem>> -> memref<128xi32, #tpu.memory_space<vmem>>
        %dma_start3A_266 = arith.constant 0 : i32
        %dma_start3A_267 = arith.constant 0 : i32
        %dma_start3A_268 = tpu.memref_slice %arg9[%dma_start3A_266, %dma_start3A_267] : memref<10240x128xf32, #tpu.memory_space<vmem_shared>> -> memref<10240x128xf32, #tpu.memory_space<vmem_shared>>
        tpu.enqueue_indirect_dma source(%dma_start3A_262 : memref<128x128xf32, #tpu.memory_space<vmem>>) target(%dma_start3A_268 : memref<10240x128xf32, #tpu.memory_space<vmem_shared>>) offsets(%dma_start3A_265 : memref<128xi32, #tpu.memory_space<vmem>>) semaphore(%run_scoped3A_258 : memref<!tpu.dma_semaphore, #tpu.memory_space<semaphore_mem>>) {add = true}
        %dma_wait3A_269 = arith.constant 0 : i32
        %dma_wait3A_270 = arith.constant 0 : i32
        %dma_wait3A_271 = tpu.memref_slice %arg8[%run_scoped3A_242, %dma_wait3A_269, %dma_wait3A_270] : memref<2x128x128xf32, #tpu.memory_space<vmem>> -> memref<1x128x128xf32, #tpu.memory_space<vmem>>
        %dma_wait3A_272 = tpu.memref_squeeze %dma_wait3A_271 : memref<1x128x128xf32, #tpu.memory_space<vmem>> -> memref<128x128xf32, #tpu.memory_space<vmem>>
        %dma_wait3A_273 = arith.constant 0 : i32
        %dma_wait3A_274 = tpu.memref_slice %arg7[%run_scoped3A_243, %dma_wait3A_273] : memref<8x128xi32, #tpu.memory_space<vmem>> -> memref<1x128xi32, #tpu.memory_space<vmem>>
        %dma_wait3A_275 = tpu.memref_squeeze %dma_wait3A_274 : memref<1x128xi32, #tpu.memory_space<vmem>> -> memref<128xi32, #tpu.memory_space<vmem>>
        %dma_wait3A_276 = arith.constant 0 : i32
        %dma_wait3A_277 = arith.constant 0 : i32
        %dma_wait3A_278 = tpu.memref_slice %arg9[%dma_wait3A_276, %dma_wait3A_277] : memref<10240x128xf32, #tpu.memory_space<vmem_shared>> -> memref<10240x128xf32, #tpu.memory_space<vmem_shared>>
        tpu.wait_indirect_dma semaphore(%run_scoped3A_258 : memref<!tpu.dma_semaphore, #tpu.memory_space<semaphore_mem>>) src(%dma_wait3A_272 : memref<128x128xf32, #tpu.memory_space<vmem>>) dst(%dma_wait3A_278 : memref<10240x128xf32, #tpu.memory_space<vmem_shared>>)
        tpu.yield
      }) : () -> ()
      %dma_wait3A_244 = arith.constant 7 : i32
      %dma_wait3A_245 = arith.constant 1 : i32
      %dma_wait3A_246 = arith.constant 0 : i32
      %dma_wait3A_247 = arith.constant 0 : i32
      %dma_wait3A_248 = tpu.memref_slice %arg8[%dma_wait3A_245, %dma_wait3A_246, %dma_wait3A_247] : memref<2x128x128xf32, #tpu.memory_space<vmem>> -> memref<1x128x128xf32, #tpu.memory_space<vmem>>
      %dma_wait3A_249 = tpu.memref_squeeze %dma_wait3A_248 : memref<1x128x128xf32, #tpu.memory_space<vmem>> -> memref<128x128xf32, #tpu.memory_space<vmem>>
      %dma_wait3A_250 = arith.constant 0 : i32
      %dma_wait3A_251 = tpu.memref_slice %arg6[%dma_wait3A_244, %dma_wait3A_250] : memref<8x128xi32, #tpu.memory_space<vmem>> -> memref<1x128xi32, #tpu.memory_space<vmem>>
      %dma_wait3A_252 = tpu.memref_squeeze %dma_wait3A_251 : memref<1x128xi32, #tpu.memory_space<vmem>> -> memref<128xi32, #tpu.memory_space<vmem>>
      %dma_wait3A_253 = arith.constant 0 : i32
      %dma_wait3A_254 = arith.constant 0 : i32
      %dma_wait3A_255 = tpu.memref_slice %arg2[%dma_wait3A_253, %dma_wait3A_254] : memref<10240x128xf32, #tpu.memory_space<hbm>> -> memref<10240x128xf32, #tpu.memory_space<hbm>>
      tpu.wait_indirect_dma semaphore(%arg11 : memref<!tpu.dma_semaphore, #tpu.memory_space<semaphore_mem>>) src(%dma_wait3A_255 : memref<10240x128xf32, #tpu.memory_space<hbm>>) dst(%dma_wait3A_249 : memref<128x128xf32, #tpu.memory_space<vmem>>)
      %run_scoped3A_256 = arith.constant 1 : i32
      %run_scoped3A_257 = arith.constant 7 : i32
      "tpu.region"() ({
        %run_scoped3A_258 = tpu.sem_alloc : memref<!tpu.dma_semaphore, #tpu.memory_space<semaphore_mem>>
        %dma_start3A_259 = arith.constant 0 : i32
        %dma_start3A_260 = arith.constant 0 : i32
        %dma_start3A_261 = tpu.memref_slice %arg8[%run_scoped3A_256, %dma_start3A_259, %dma_start3A_260] : memref<2x128x128xf32, #tpu.memory_space<vmem>> -> memref<1x128x128xf32, #tpu.memory_space<vmem>>
        %dma_start3A_262 = tpu.memref_squeeze %dma_start3A_261 : memref<1x128x128xf32, #tpu.memory_space<vmem>> -> memref<128x128xf32, #tpu.memory_space<vmem>>
        %dma_start3A_263 = arith.constant 0 : i32
        %dma_start3A_264 = tpu.memref_slice %arg7[%run_scoped3A_257, %dma_start3A_263] : memref<8x128xi32, #tpu.memory_space<vmem>> -> memref<1x128xi32, #tpu.memory_space<vmem>>
        %dma_start3A_265 = tpu.memref_squeeze %dma_start3A_264 : memref<1x128xi32, #tpu.memory_space<vmem>> -> memref<128xi32, #tpu.memory_space<vmem>>
        %dma_start3A_266 = arith.constant 0 : i32
        %dma_start3A_267 = arith.constant 0 : i32
        %dma_start3A_268 = tpu.memref_slice %arg9[%dma_start3A_266, %dma_start3A_267] : memref<10240x128xf32, #tpu.memory_space<vmem_shared>> -> memref<10240x128xf32, #tpu.memory_space<vmem_shared>>
        tpu.enqueue_indirect_dma source(%dma_start3A_262 : memref<128x128xf32, #tpu.memory_space<vmem>>) target(%dma_start3A_268 : memref<10240x128xf32, #tpu.memory_space<vmem_shared>>) offsets(%dma_start3A_265 : memref<128xi32, #tpu.memory_space<vmem>>) semaphore(%run_scoped3A_258 : memref<!tpu.dma_semaphore, #tpu.memory_space<semaphore_mem>>) {add = true}
        %dma_wait3A_269 = arith.constant 0 : i32
        %dma_wait3A_270 = arith.constant 0 : i32
        %dma_wait3A_271 = tpu.memref_slice %arg8[%run_scoped3A_256, %dma_wait3A_269, %dma_wait3A_270] : memref<2x128x128xf32, #tpu.memory_space<vmem>> -> memref<1x128x128xf32, #tpu.memory_space<vmem>>
        %dma_wait3A_272 = tpu.memref_squeeze %dma_wait3A_271 : memref<1x128x128xf32, #tpu.memory_space<vmem>> -> memref<128x128xf32, #tpu.memory_space<vmem>>
        %dma_wait3A_273 = arith.constant 0 : i32
        %dma_wait3A_274 = tpu.memref_slice %arg7[%run_scoped3A_257, %dma_wait3A_273] : memref<8x128xi32, #tpu.memory_space<vmem>> -> memref<1x128xi32, #tpu.memory_space<vmem>>
        %dma_wait3A_275 = tpu.memref_squeeze %dma_wait3A_274 : memref<1x128xi32, #tpu.memory_space<vmem>> -> memref<128xi32, #tpu.memory_space<vmem>>
        %dma_wait3A_276 = arith.constant 0 : i32
        %dma_wait3A_277 = arith.constant 0 : i32
        %dma_wait3A_278 = tpu.memref_slice %arg9[%dma_wait3A_276, %dma_wait3A_277] : memref<10240x128xf32, #tpu.memory_space<vmem_shared>> -> memref<10240x128xf32, #tpu.memory_space<vmem_shared>>
        tpu.wait_indirect_dma semaphore(%run_scoped3A_258 : memref<!tpu.dma_semaphore, #tpu.memory_space<semaphore_mem>>) src(%dma_wait3A_272 : memref<128x128xf32, #tpu.memory_space<vmem>>) dst(%dma_wait3A_278 : memref<10240x128xf32, #tpu.memory_space<vmem_shared>>)
        tpu.yield
      }) : () -> ()
    }
    %barrier3A_45 = arith.constant 0 : index
    tpu.barrier barrier_id(%barrier3A_45)
    %mul3A_46 = arith.constant 640 : i32
    %mul3A_47 = arith.muli %arg1, %mul3A_46 : i32
    %mul3A_48 = arith.constant 640 : i32
    %mul3A_49 = arith.muli %arg1, %mul3A_48 : i32
    "tpu.region"() ({
      %run_scoped3A_50 = tpu.sem_alloc : memref<!tpu.dma_semaphore, #tpu.memory_space<semaphore_mem>>
      %dma_start3A = arith.constant 0 : i32
      %dma_start3A_51 = tpu.memref_slice %arg5[%arg0, %mul3A_49, %dma_start3A] : memref<2x10240x128xf32, #tpu.memory_space<hbm>> -> memref<1x640x128xf32, #tpu.memory_space<hbm>>
      %dma_start3A_52 = tpu.memref_squeeze %dma_start3A_51 : memref<1x640x128xf32, #tpu.memory_space<hbm>> -> memref<640x128xf32, #tpu.memory_space<hbm>>
      %dma_start3A_53 = arith.constant 0 : i32
      %dma_start3A_54 = tpu.memref_slice %arg9[%mul3A_47, %dma_start3A_53] : memref<10240x128xf32, #tpu.memory_space<vmem_shared>> -> memref<640x128xf32, #tpu.memory_space<vmem_shared>>
      tpu.enqueue_dma source(%dma_start3A_54 : memref<640x128xf32, #tpu.memory_space<vmem_shared>>) target(%dma_start3A_52 : memref<640x128xf32, #tpu.memory_space<hbm>>) target_semaphore(%run_scoped3A_50 : memref<!tpu.dma_semaphore, #tpu.memory_space<semaphore_mem>>)
      %dma_wait3A = arith.constant 0 : i32
      %dma_wait3A_55 = tpu.memref_slice %arg5[%arg0, %mul3A_49, %dma_wait3A] : memref<2x10240x128xf32, #tpu.memory_space<hbm>> -> memref<1x640x128xf32, #tpu.memory_space<hbm>>
      %dma_wait3A_56 = tpu.memref_squeeze %dma_wait3A_55 : memref<1x640x128xf32, #tpu.memory_space<hbm>> -> memref<640x128xf32, #tpu.memory_space<hbm>>
      %dma_wait3A_57 = arith.constant 0 : i32
      %dma_wait3A_58 = tpu.memref_slice %arg9[%mul3A_47, %dma_wait3A_57] : memref<10240x128xf32, #tpu.memory_space<vmem_shared>> -> memref<640x128xf32, #tpu.memory_space<vmem_shared>>
      tpu.wait_dma2 semaphore(%run_scoped3A_50 : memref<!tpu.dma_semaphore, #tpu.memory_space<semaphore_mem>>) src(%dma_wait3A_58 : memref<640x128xf32, #tpu.memory_space<vmem_shared>>) dst(%dma_wait3A_56 : memref<640x128xf32, #tpu.memory_space<hbm>>)
      tpu.yield
    }) : () -> ()
    return
  }
}

module attributes {stable_mosaic.version = 14 : i64} {
  func.func @_norm_body(%arg0: i32, %arg1: memref<512x128xf32, #tpu.memory_space<vmem>>, %arg2: memref<2x512xf32, #tpu.memory_space<vmem>>, %arg3: memref<512x128xf32, #tpu.memory_space<vmem>>) attributes {dimension_semantics = [#tpu.dimension_semantics<arbitrary>], iteration_bounds = array<i64: 20>, scalar_prefetch = 0 : i64, scratch_operands = 0 : i64, tpu.core_type = #tpu.core_type<tc>, window_params = [{transform_indices = @transform_0, window_bounds = array<i64: 512, 128>}, {transform_indices = @transform_1, window_bounds = array<i64: 2, 512>}, {transform_indices = @transform_2, window_bounds = array<i64: 512, 128>}]} {
    %get3A = arith.constant 0 : index
    %get3A_0 = arith.constant 0 : index
    %get3A_1 = vector.load %arg2[%get3A, %get3A_0] : memref<2x512xf32, #tpu.memory_space<vmem>>, vector<1x512xf32>
    %get3A_2 = vector.shape_cast %get3A_1 : vector<1x512xf32> to vector<512xf32>
    %get3A_3 = arith.constant 1 : index
    %get3A_4 = arith.constant 0 : index
    %get3A_5 = vector.load %arg2[%get3A_3, %get3A_4] : memref<2x512xf32, #tpu.memory_space<vmem>>, vector<1x512xf32>
    %get3A_6 = vector.shape_cast %get3A_5 : vector<1x512xf32> to vector<512xf32>
    %add3A = arith.addf %get3A_2, %get3A_6 : vector<512xf32>
    %add3A_7 = arith.constant 1.000000e+00 : f32
    %add3A_8 = vector.broadcast %add3A_7 : f32 to vector<512xf32>
    %add3A_9 = arith.addf %add3A, %add3A_8 : vector<512xf32>
    %get3A_10 = arith.constant 0 : index
    %get3A_11 = arith.constant 0 : index
    %get3A_12 = vector.load %arg1[%get3A_10, %get3A_11] : memref<512x128xf32, #tpu.memory_space<vmem>>, vector<512x128xf32>
    %rsqrt3A = math.rsqrt %add3A_9 : vector<512xf32>
    %broadcast_in_dim3A = vector.shape_cast %rsqrt3A : vector<512xf32> to vector<512x1xf32>
    %mul3A = vector.broadcast %broadcast_in_dim3A : vector<512x1xf32> to vector<512x128xf32>
    %mul3A_13 = arith.mulf %get3A_12, %mul3A : vector<512x128xf32>
    %swap3A = arith.constant 0 : index
    %swap3A_14 = arith.constant 0 : index
    %swap3A_15 = vector.load %arg3[%swap3A, %swap3A_14] : memref<512x128xf32, #tpu.memory_space<vmem>>, vector<512x128xf32>
    tpu.vector_store %arg3[%swap3A, %swap3A_14], %mul3A_13 {strides = array<i32>} : memref<512x128xf32, #tpu.memory_space<vmem>>, vector<512x128xf32>,
    return
  }
  func.func @transform_0(%arg0: i32) -> (i32, i32) {
    %c0_i32 = arith.constant 0 : i32
    %c0_i32_0 = arith.constant 0 : i32
    return %arg0, %c0_i32 : i32, i32
  }
  func.func @transform_1(%arg0: i32) -> (i32, i32) {
    %c0_i32 = arith.constant 0 : i32
    %c0_i32_0 = arith.constant 0 : i32
    return %c0_i32, %arg0 : i32, i32
  }
  func.func @transform_2(%arg0: i32) -> (i32, i32) {
    %c0_i32 = arith.constant 0 : i32
    %c0_i32_0 = arith.constant 0 : i32
    return %arg0, %c0_i32 : i32, i32
  }
}

module attributes {stable_mosaic.version = 14 : i64} {
  func.func @_layer_body(%arg0: i32, %arg1: memref<2x512x128xf32, #tpu.memory_space<vmem>>, %arg2: memref<512x128xf32, #tpu.memory_space<vmem>>, %arg3: memref<2x512xf32, #tpu.memory_space<vmem>>, %arg4: memref<2x512xf32, #tpu.memory_space<vmem>>, %arg5: memref<128x128xf32, #tpu.memory_space<vmem>>, %arg6: memref<1x128xf32, #tpu.memory_space<vmem>>, %arg7: memref<512x128xf32, #tpu.memory_space<vmem>>, %arg8: memref<512x128xf32, #tpu.memory_space<vmem>>, %arg9: memref<1x128xf32, #tpu.memory_space<vmem>>) attributes {dimension_semantics = [#tpu.dimension_semantics<arbitrary>], iteration_bounds = array<i64: 20>, scalar_prefetch = 0 : i64, scratch_operands = 0 : i64, tpu.core_type = #tpu.core_type<tc>, window_params = [{transform_indices = @transform_0, window_bounds = array<i64: 2, 512, 128>}, {transform_indices = @transform_1, window_bounds = array<i64: 512, 128>}, {transform_indices = @transform_2, window_bounds = array<i64: 2, 512>}, {transform_indices = @transform_3, window_bounds = array<i64: 2, 512>}, {pipeline_mode = #tpu.pipeline_mode<synchronous>, transform_indices = @transform_4, window_bounds = array<i64: 128, 128>}, {pipeline_mode = #tpu.pipeline_mode<synchronous>, transform_indices = @transform_5, window_bounds = array<i64: 1, 128>}, {transform_indices = @transform_6, window_bounds = array<i64: 512, 128>}, {transform_indices = @transform_7, window_bounds = array<i64: 512, 128>}, {pipeline_mode = #tpu.pipeline_mode<synchronous>, transform_indices = @transform_8, window_bounds = array<i64: 1, 128>}]} {
    %get3A = arith.constant 0 : index
    %get3A_0 = arith.constant 0 : index
    %get3A_1 = vector.load %arg4[%get3A, %get3A_0] : memref<2x512xf32, #tpu.memory_space<vmem>>, vector<1x512xf32>
    %get3A_2 = vector.shape_cast %get3A_1 : vector<1x512xf32> to vector<512xf32>
    %get3A_3 = arith.constant 1 : index
    %get3A_4 = arith.constant 0 : index
    %get3A_5 = vector.load %arg4[%get3A_3, %get3A_4] : memref<2x512xf32, #tpu.memory_space<vmem>>, vector<1x512xf32>
    %get3A_6 = vector.shape_cast %get3A_5 : vector<1x512xf32> to vector<512xf32>
    %add3A = arith.addf %get3A_2, %get3A_6 : vector<512xf32>
    %add3A_7 = arith.constant 1.000000e+00 : f32
    %add3A_8 = vector.broadcast %add3A_7 : f32 to vector<512xf32>
    %add3A_9 = arith.addf %add3A, %add3A_8 : vector<512xf32>
    %get3A_10 = arith.constant 0 : index
    %get3A_11 = arith.constant 0 : index
    %get3A_12 = vector.load %arg3[%get3A_10, %get3A_11] : memref<2x512xf32, #tpu.memory_space<vmem>>, vector<1x512xf32>
    %get3A_13 = vector.shape_cast %get3A_12 : vector<1x512xf32> to vector<512xf32>
    %get3A_14 = arith.constant 1 : index
    %get3A_15 = arith.constant 0 : index
    %get3A_16 = vector.load %arg3[%get3A_14, %get3A_15] : memref<2x512xf32, #tpu.memory_space<vmem>>, vector<1x512xf32>
    %get3A_17 = vector.shape_cast %get3A_16 : vector<1x512xf32> to vector<512xf32>
    %add3A_18 = arith.addf %get3A_13, %get3A_17 : vector<512xf32>
    %add3A_19 = arith.constant 1.000000e+00 : f32
    %add3A_20 = vector.broadcast %add3A_19 : f32 to vector<512xf32>
    %add3A_21 = arith.addf %add3A_18, %add3A_20 : vector<512xf32>
    %get3A_22 = arith.constant 0 : index
    %get3A_23 = arith.constant 0 : index
    %get3A_24 = arith.constant 0 : index
    %get3A_25 = vector.load %arg1[%get3A_22, %get3A_23, %get3A_24] : memref<2x512x128xf32, #tpu.memory_space<vmem>>, vector<1x512x128xf32>
    %get3A_26 = vector.shape_cast %get3A_25 : vector<1x512x128xf32> to vector<512x128xf32>
    %get3A_27 = arith.constant 1 : index
    %get3A_28 = arith.constant 0 : index
    %get3A_29 = arith.constant 0 : index
    %get3A_30 = vector.load %arg1[%get3A_27, %get3A_28, %get3A_29] : memref<2x512x128xf32, #tpu.memory_space<vmem>>, vector<1x512x128xf32>
    %get3A_31 = vector.shape_cast %get3A_30 : vector<1x512x128xf32> to vector<512x128xf32>
    %add3A_32 = arith.addf %get3A_26, %get3A_31 : vector<512x128xf32>
    %get3A_33 = arith.constant 0 : index
    %get3A_34 = arith.constant 0 : index
    %get3A_35 = vector.load %arg2[%get3A_33, %get3A_34] : memref<512x128xf32, #tpu.memory_space<vmem>>, vector<512x128xf32>
    %add3A_36 = arith.addf %add3A_32, %get3A_35 : vector<512x128xf32>
    %rsqrt3A = math.rsqrt %add3A_9 : vector<512xf32>
    %broadcast_in_dim3A = vector.shape_cast %rsqrt3A : vector<512xf32> to vector<512x1xf32>
    %mul3A = vector.broadcast %broadcast_in_dim3A : vector<512x1xf32> to vector<512x128xf32>
    %mul3A_37 = arith.mulf %add3A_36, %mul3A : vector<512x128xf32>
    %get3A_38 = arith.constant 0 : index
    %get3A_39 = arith.constant 0 : index
    %get3A_40 = vector.load %arg5[%get3A_38, %get3A_39] : memref<128x128xf32, #tpu.memory_space<vmem>>, vector<128x128xf32>
    %dot_general3A = arith.constant dense<0.000000e+00> : vector<512x128xf32>
    %dot_general3A_41 = tpu.matmul %mul3A_37, %get3A_40, %dot_general3A {dimension_numbers = #tpu.dot_dimension_numbers<[1], [0], [0], [1], [0, 0, 1, 1], [], []>, transpose_lhs_hint = false} : vector<512x128xf32>, vector<128x128xf32>, vector<512x128xf32> -> vector<512x128xf32>
    %get3A_42 = arith.constant 0 : index
    %get3A_43 = arith.constant 0 : index
    %get3A_44 = vector.load %arg6[%get3A_42, %get3A_43] : memref<1x128xf32, #tpu.memory_space<vmem>>, vector<1x128xf32>
    %add3A_45 = vector.broadcast %get3A_44 : vector<1x128xf32> to vector<512x128xf32>
    %add3A_46 = arith.addf %dot_general3A_41, %add3A_45 : vector<512x128xf32>
    %max3A = arith.constant 0.000000e+00 : f32
    %max3A_47 = vector.broadcast %max3A : f32 to vector<512x128xf32>
    %max3A_48 = arith.maximumf %add3A_46, %max3A_47 : vector<512x128xf32>
    %swap3A = arith.constant 0 : index
    %swap3A_49 = arith.constant 0 : index
    %swap3A_50 = vector.load %arg7[%swap3A, %swap3A_49] : memref<512x128xf32, #tpu.memory_space<vmem>>, vector<512x128xf32>
    tpu.vector_store %arg7[%swap3A, %swap3A_49], %max3A_48 {strides = array<i32>} : memref<512x128xf32, #tpu.memory_space<vmem>>, vector<512x128xf32>,
    %rsqrt3A_51 = math.rsqrt %add3A_21 : vector<512xf32>
    %broadcast_in_dim3A_52 = vector.shape_cast %rsqrt3A_51 : vector<512xf32> to vector<512x1xf32>
    %mul3A_53 = vector.broadcast %broadcast_in_dim3A_52 : vector<512x1xf32> to vector<512x128xf32>
    %mul3A_54 = arith.mulf %max3A_48, %mul3A_53 : vector<512x128xf32>
    %swap3A_55 = arith.constant 0 : index
    %swap3A_56 = arith.constant 0 : index
    %swap3A_57 = vector.load %arg8[%swap3A_55, %swap3A_56] : memref<512x128xf32, #tpu.memory_space<vmem>>, vector<512x128xf32>
    tpu.vector_store %arg8[%swap3A_55, %swap3A_56], %mul3A_54 {strides = array<i32>} : memref<512x128xf32, #tpu.memory_space<vmem>>, vector<512x128xf32>,
    %iota3A = tpu.iota {dimensions = array<i32: 0>} : vector<512x1xi32>
    %mul3A_58 = arith.constant 512 : i32
    %mul3A_59 = arith.muli %arg0, %mul3A_58 : i32
    %add3A_60 = vector.broadcast %mul3A_59 : i32 to vector<512x1xi32>
    %add3A_61 = arith.addi %iota3A, %add3A_60 : vector<512x1xi32>
    %lt3A = arith.constant 10000 : i32
    %lt3A_62 = vector.broadcast %lt3A : i32 to vector<512x1xi32>
    %lt3A_63 = arith.cmpi slt, %add3A_61, %lt3A_62 : vector<512x1xi32>
    %jit3A = arith.constant 0.000000e+00 : f32
    %broadcast_in_dim3A_64 = vector.shape_cast %lt3A_63 : vector<512x1xi1> to vector<512x1xi1>
    %broadcast_in_dim3A_65 = vector.broadcast %broadcast_in_dim3A_64 : vector<512x1xi1> to vector<512x128xi1>
    %broadcast_in_dim3A_66 = vector.broadcast %jit3A : f32 to vector<512x128xf32>
    %select_n3A = arith.select %broadcast_in_dim3A_65, %max3A_48, %broadcast_in_dim3A_66 : vector<512x128xi1>, vector<512x128xf32>
    %reduce_sum3A = arith.constant dense<0.000000e+00> : vector<128xf32>
    %reduce_sum3A_67 = vector.multi_reduction <add>, %select_n3A, %reduce_sum3A [0] : vector<512x128xf32> to vector<128xf32>
    %broadcast_in_dim3A_68 = vector.shape_cast %reduce_sum3A_67 : vector<128xf32> to vector<1x128xf32>
    %eq3A = arith.constant 0 : i32
    %eq3A_69 = arith.cmpi eq, %arg0, %eq3A : i32
    %convert_element_type3A = arith.extui %eq3A_69 : i1 to i32
    %cond3A = arith.constant 0 : i32
    %cond3A_70 = arith.cmpi ne, %convert_element_type3A, %cond3A : i32
    scf.if %cond3A_70 {
      %swap3A_75 = arith.constant 0 : index
      %swap3A_76 = arith.constant 0 : index
      %swap3A_77 = vector.load %arg9[%swap3A_75, %swap3A_76] : memref<1x128xf32, #tpu.memory_space<vmem>>, vector<1x128xf32>
      tpu.vector_store %arg9[%swap3A_75, %swap3A_76], %broadcast_in_dim3A_68 {strides = array<i32>} : memref<1x128xf32, #tpu.memory_space<vmem>>, vector<1x128xf32>,
    } else {
    }
    %gt3A = arith.constant 0 : i32
    %gt3A_71 = arith.cmpi sgt, %arg0, %gt3A : i32
    %convert_element_type3A_72 = arith.extui %gt3A_71 : i1 to i32
    %cond3A_73 = arith.constant 0 : i32
    %cond3A_74 = arith.cmpi ne, %convert_element_type3A_72, %cond3A_73 : i32
    scf.if %cond3A_74 {
      %get3A_75 = arith.constant 0 : index
      %get3A_76 = arith.constant 0 : index
      %get3A_77 = vector.load %arg9[%get3A_75, %get3A_76] : memref<1x128xf32, #tpu.memory_space<vmem>>, vector<1x128xf32>
      %add3A_78 = arith.addf %get3A_77, %broadcast_in_dim3A_68 : vector<1x128xf32>
      %swap3A_79 = arith.constant 0 : index
      %swap3A_80 = arith.constant 0 : index
      %swap3A_81 = vector.load %arg9[%swap3A_79, %swap3A_80] : memref<1x128xf32, #tpu.memory_space<vmem>>, vector<1x128xf32>
      tpu.vector_store %arg9[%swap3A_79, %swap3A_80], %add3A_78 {strides = array<i32>} : memref<1x128xf32, #tpu.memory_space<vmem>>, vector<1x128xf32>,
    } else {
    }
    return
  }
  func.func @transform_0(%arg0: i32) -> (i32, i32, i32) {
    %c0_i32 = arith.constant 0 : i32
    %c0_i32_0 = arith.constant 0 : i32
    %c0_i32_1 = arith.constant 0 : i32
    return %c0_i32, %arg0, %c0_i32_0 : i32, i32, i32
  }
  func.func @transform_1(%arg0: i32) -> (i32, i32) {
    %c0_i32 = arith.constant 0 : i32
    %c0_i32_0 = arith.constant 0 : i32
    return %arg0, %c0_i32 : i32, i32
  }
  func.func @transform_2(%arg0: i32) -> (i32, i32) {
    %c0_i32 = arith.constant 0 : i32
    %c0_i32_0 = arith.constant 0 : i32
    return %c0_i32, %arg0 : i32, i32
  }
  func.func @transform_3(%arg0: i32) -> (i32, i32) {
    %c0_i32 = arith.constant 0 : i32
    %c0_i32_0 = arith.constant 0 : i32
    return %c0_i32, %arg0 : i32, i32
  }
  func.func @transform_4(%arg0: i32) -> (i32, i32) {
    %c0_i32 = arith.constant 0 : i32
    %c0_i32_0 = arith.constant 0 : i32
    %c0_i32_1 = arith.constant 0 : i32
    return %c0_i32, %c0_i32_0 : i32, i32
  }
  func.func @transform_5(%arg0: i32) -> (i32, i32) {
    %c0_i32 = arith.constant 0 : i32
    %c0_i32_0 = arith.constant 0 : i32
    %c0_i32_1 = arith.constant 0 : i32
    return %c0_i32, %c0_i32_0 : i32, i32
  }
  func.func @transform_6(%arg0: i32) -> (i32, i32) {
    %c0_i32 = arith.constant 0 : i32
    %c0_i32_0 = arith.constant 0 : i32
    return %arg0, %c0_i32 : i32, i32
  }
  func.func @transform_7(%arg0: i32) -> (i32, i32) {
    %c0_i32 = arith.constant 0 : i32
    %c0_i32_0 = arith.constant 0 : i32
    return %arg0, %c0_i32 : i32, i32
  }
  func.func @transform_8(%arg0: i32) -> (i32, i32) {
    %c0_i32 = arith.constant 0 : i32
    %c0_i32_0 = arith.constant 0 : i32
    %c0_i32_1 = arith.constant 0 : i32
    return %c0_i32, %c0_i32_0 : i32, i32
  }
}

module attributes {stable_mosaic.version = 14 : i64} {
  func.func @_layer_body(%arg0: i32, %arg1: memref<2x512x128xf32, #tpu.memory_space<vmem>>, %arg2: memref<512x128xf32, #tpu.memory_space<vmem>>, %arg3: memref<2x512xf32, #tpu.memory_space<vmem>>, %arg4: memref<2x512xf32, #tpu.memory_space<vmem>>, %arg5: memref<128x128xf32, #tpu.memory_space<vmem>>, %arg6: memref<1x128xf32, #tpu.memory_space<vmem>>, %arg7: memref<512x128xf32, #tpu.memory_space<vmem>>, %arg8: memref<512x128xf32, #tpu.memory_space<vmem>>, %arg9: memref<1x128xf32, #tpu.memory_space<vmem>>) attributes {dimension_semantics = [#tpu.dimension_semantics<arbitrary>], iteration_bounds = array<i64: 20>, scalar_prefetch = 0 : i64, scratch_operands = 0 : i64, tpu.core_type = #tpu.core_type<tc>, window_params = [{transform_indices = @transform_0, window_bounds = array<i64: 2, 512, 128>}, {transform_indices = @transform_1, window_bounds = array<i64: 512, 128>}, {transform_indices = @transform_2, window_bounds = array<i64: 2, 512>}, {transform_indices = @transform_3, window_bounds = array<i64: 2, 512>}, {pipeline_mode = #tpu.pipeline_mode<synchronous>, transform_indices = @transform_4, window_bounds = array<i64: 128, 128>}, {pipeline_mode = #tpu.pipeline_mode<synchronous>, transform_indices = @transform_5, window_bounds = array<i64: 1, 128>}, {transform_indices = @transform_6, window_bounds = array<i64: 512, 128>}, {transform_indices = @transform_7, window_bounds = array<i64: 512, 128>}, {pipeline_mode = #tpu.pipeline_mode<synchronous>, transform_indices = @transform_8, window_bounds = array<i64: 1, 128>}]} {
    %get3A = arith.constant 0 : index
    %get3A_0 = arith.constant 0 : index
    %get3A_1 = vector.load %arg4[%get3A, %get3A_0] : memref<2x512xf32, #tpu.memory_space<vmem>>, vector<1x512xf32>
    %get3A_2 = vector.shape_cast %get3A_1 : vector<1x512xf32> to vector<512xf32>
    %get3A_3 = arith.constant 1 : index
    %get3A_4 = arith.constant 0 : index
    %get3A_5 = vector.load %arg4[%get3A_3, %get3A_4] : memref<2x512xf32, #tpu.memory_space<vmem>>, vector<1x512xf32>
    %get3A_6 = vector.shape_cast %get3A_5 : vector<1x512xf32> to vector<512xf32>
    %add3A = arith.addf %get3A_2, %get3A_6 : vector<512xf32>
    %add3A_7 = arith.constant 1.000000e+00 : f32
    %add3A_8 = vector.broadcast %add3A_7 : f32 to vector<512xf32>
    %add3A_9 = arith.addf %add3A, %add3A_8 : vector<512xf32>
    %get3A_10 = arith.constant 0 : index
    %get3A_11 = arith.constant 0 : index
    %get3A_12 = vector.load %arg3[%get3A_10, %get3A_11] : memref<2x512xf32, #tpu.memory_space<vmem>>, vector<1x512xf32>
    %get3A_13 = vector.shape_cast %get3A_12 : vector<1x512xf32> to vector<512xf32>
    %get3A_14 = arith.constant 1 : index
    %get3A_15 = arith.constant 0 : index
    %get3A_16 = vector.load %arg3[%get3A_14, %get3A_15] : memref<2x512xf32, #tpu.memory_space<vmem>>, vector<1x512xf32>
    %get3A_17 = vector.shape_cast %get3A_16 : vector<1x512xf32> to vector<512xf32>
    %add3A_18 = arith.addf %get3A_13, %get3A_17 : vector<512xf32>
    %add3A_19 = arith.constant 1.000000e+00 : f32
    %add3A_20 = vector.broadcast %add3A_19 : f32 to vector<512xf32>
    %add3A_21 = arith.addf %add3A_18, %add3A_20 : vector<512xf32>
    %get3A_22 = arith.constant 0 : index
    %get3A_23 = arith.constant 0 : index
    %get3A_24 = arith.constant 0 : index
    %get3A_25 = vector.load %arg1[%get3A_22, %get3A_23, %get3A_24] : memref<2x512x128xf32, #tpu.memory_space<vmem>>, vector<1x512x128xf32>
    %get3A_26 = vector.shape_cast %get3A_25 : vector<1x512x128xf32> to vector<512x128xf32>
    %get3A_27 = arith.constant 1 : index
    %get3A_28 = arith.constant 0 : index
    %get3A_29 = arith.constant 0 : index
    %get3A_30 = vector.load %arg1[%get3A_27, %get3A_28, %get3A_29] : memref<2x512x128xf32, #tpu.memory_space<vmem>>, vector<1x512x128xf32>
    %get3A_31 = vector.shape_cast %get3A_30 : vector<1x512x128xf32> to vector<512x128xf32>
    %add3A_32 = arith.addf %get3A_26, %get3A_31 : vector<512x128xf32>
    %get3A_33 = arith.constant 0 : index
    %get3A_34 = arith.constant 0 : index
    %get3A_35 = vector.load %arg2[%get3A_33, %get3A_34] : memref<512x128xf32, #tpu.memory_space<vmem>>, vector<512x128xf32>
    %add3A_36 = arith.addf %add3A_32, %get3A_35 : vector<512x128xf32>
    %rsqrt3A = math.rsqrt %add3A_9 : vector<512xf32>
    %broadcast_in_dim3A = vector.shape_cast %rsqrt3A : vector<512xf32> to vector<512x1xf32>
    %mul3A = vector.broadcast %broadcast_in_dim3A : vector<512x1xf32> to vector<512x128xf32>
    %mul3A_37 = arith.mulf %add3A_36, %mul3A : vector<512x128xf32>
    %get3A_38 = arith.constant 0 : index
    %get3A_39 = arith.constant 0 : index
    %get3A_40 = vector.load %arg5[%get3A_38, %get3A_39] : memref<128x128xf32, #tpu.memory_space<vmem>>, vector<128x128xf32>
    %dot_general3A = arith.constant dense<0.000000e+00> : vector<512x128xf32>
    %dot_general3A_41 = tpu.matmul %mul3A_37, %get3A_40, %dot_general3A {dimension_numbers = #tpu.dot_dimension_numbers<[1], [0], [0], [1], [0, 0, 1, 1], [], []>, transpose_lhs_hint = false} : vector<512x128xf32>, vector<128x128xf32>, vector<512x128xf32> -> vector<512x128xf32>
    %get3A_42 = arith.constant 0 : index
    %get3A_43 = arith.constant 0 : index
    %get3A_44 = vector.load %arg6[%get3A_42, %get3A_43] : memref<1x128xf32, #tpu.memory_space<vmem>>, vector<1x128xf32>
    %add3A_45 = vector.broadcast %get3A_44 : vector<1x128xf32> to vector<512x128xf32>
    %add3A_46 = arith.addf %dot_general3A_41, %add3A_45 : vector<512x128xf32>
    %max3A = arith.constant 0.000000e+00 : f32
    %max3A_47 = vector.broadcast %max3A : f32 to vector<512x128xf32>
    %max3A_48 = arith.maximumf %add3A_46, %max3A_47 : vector<512x128xf32>
    %swap3A = arith.constant 0 : index
    %swap3A_49 = arith.constant 0 : index
    %swap3A_50 = vector.load %arg7[%swap3A, %swap3A_49] : memref<512x128xf32, #tpu.memory_space<vmem>>, vector<512x128xf32>
    tpu.vector_store %arg7[%swap3A, %swap3A_49], %max3A_48 {strides = array<i32>} : memref<512x128xf32, #tpu.memory_space<vmem>>, vector<512x128xf32>,
    %rsqrt3A_51 = math.rsqrt %add3A_21 : vector<512xf32>
    %broadcast_in_dim3A_52 = vector.shape_cast %rsqrt3A_51 : vector<512xf32> to vector<512x1xf32>
    %mul3A_53 = vector.broadcast %broadcast_in_dim3A_52 : vector<512x1xf32> to vector<512x128xf32>
    %mul3A_54 = arith.mulf %max3A_48, %mul3A_53 : vector<512x128xf32>
    %swap3A_55 = arith.constant 0 : index
    %swap3A_56 = arith.constant 0 : index
    %swap3A_57 = vector.load %arg8[%swap3A_55, %swap3A_56] : memref<512x128xf32, #tpu.memory_space<vmem>>, vector<512x128xf32>
    tpu.vector_store %arg8[%swap3A_55, %swap3A_56], %mul3A_54 {strides = array<i32>} : memref<512x128xf32, #tpu.memory_space<vmem>>, vector<512x128xf32>,
    %iota3A = tpu.iota {dimensions = array<i32: 0>} : vector<512x1xi32>
    %mul3A_58 = arith.constant 512 : i32
    %mul3A_59 = arith.muli %arg0, %mul3A_58 : i32
    %add3A_60 = vector.broadcast %mul3A_59 : i32 to vector<512x1xi32>
    %add3A_61 = arith.addi %iota3A, %add3A_60 : vector<512x1xi32>
    %lt3A = arith.constant 10000 : i32
    %lt3A_62 = vector.broadcast %lt3A : i32 to vector<512x1xi32>
    %lt3A_63 = arith.cmpi slt, %add3A_61, %lt3A_62 : vector<512x1xi32>
    %jit3A = arith.constant 0.000000e+00 : f32
    %broadcast_in_dim3A_64 = vector.shape_cast %lt3A_63 : vector<512x1xi1> to vector<512x1xi1>
    %broadcast_in_dim3A_65 = vector.broadcast %broadcast_in_dim3A_64 : vector<512x1xi1> to vector<512x128xi1>
    %broadcast_in_dim3A_66 = vector.broadcast %jit3A : f32 to vector<512x128xf32>
    %select_n3A = arith.select %broadcast_in_dim3A_65, %max3A_48, %broadcast_in_dim3A_66 : vector<512x128xi1>, vector<512x128xf32>
    %reduce_sum3A = arith.constant dense<0.000000e+00> : vector<128xf32>
    %reduce_sum3A_67 = vector.multi_reduction <add>, %select_n3A, %reduce_sum3A [0] : vector<512x128xf32> to vector<128xf32>
    %broadcast_in_dim3A_68 = vector.shape_cast %reduce_sum3A_67 : vector<128xf32> to vector<1x128xf32>
    %eq3A = arith.constant 0 : i32
    %eq3A_69 = arith.cmpi eq, %arg0, %eq3A : i32
    %convert_element_type3A = arith.extui %eq3A_69 : i1 to i32
    %cond3A = arith.constant 0 : i32
    %cond3A_70 = arith.cmpi ne, %convert_element_type3A, %cond3A : i32
    scf.if %cond3A_70 {
      %swap3A_75 = arith.constant 0 : index
      %swap3A_76 = arith.constant 0 : index
      %swap3A_77 = vector.load %arg9[%swap3A_75, %swap3A_76] : memref<1x128xf32, #tpu.memory_space<vmem>>, vector<1x128xf32>
      tpu.vector_store %arg9[%swap3A_75, %swap3A_76], %broadcast_in_dim3A_68 {strides = array<i32>} : memref<1x128xf32, #tpu.memory_space<vmem>>, vector<1x128xf32>,
    } else {
    }
    %gt3A = arith.constant 0 : i32
    %gt3A_71 = arith.cmpi sgt, %arg0, %gt3A : i32
    %convert_element_type3A_72 = arith.extui %gt3A_71 : i1 to i32
    %cond3A_73 = arith.constant 0 : i32
    %cond3A_74 = arith.cmpi ne, %convert_element_type3A_72, %cond3A_73 : i32
    scf.if %cond3A_74 {
      %get3A_75 = arith.constant 0 : index
      %get3A_76 = arith.constant 0 : index
      %get3A_77 = vector.load %arg9[%get3A_75, %get3A_76] : memref<1x128xf32, #tpu.memory_space<vmem>>, vector<1x128xf32>
      %add3A_78 = arith.addf %get3A_77, %broadcast_in_dim3A_68 : vector<1x128xf32>
      %swap3A_79 = arith.constant 0 : index
      %swap3A_80 = arith.constant 0 : index
      %swap3A_81 = vector.load %arg9[%swap3A_79, %swap3A_80] : memref<1x128xf32, #tpu.memory_space<vmem>>, vector<1x128xf32>
      tpu.vector_store %arg9[%swap3A_79, %swap3A_80], %add3A_78 {strides = array<i32>} : memref<1x128xf32, #tpu.memory_space<vmem>>, vector<1x128xf32>,
    } else {
    }
    return
  }
  func.func @transform_0(%arg0: i32) -> (i32, i32, i32) {
    %c0_i32 = arith.constant 0 : i32
    %c0_i32_0 = arith.constant 0 : i32
    %c0_i32_1 = arith.constant 0 : i32
    return %c0_i32, %arg0, %c0_i32_0 : i32, i32, i32
  }
  func.func @transform_1(%arg0: i32) -> (i32, i32) {
    %c0_i32 = arith.constant 0 : i32
    %c0_i32_0 = arith.constant 0 : i32
    return %arg0, %c0_i32 : i32, i32
  }
  func.func @transform_2(%arg0: i32) -> (i32, i32) {
    %c0_i32 = arith.constant 0 : i32
    %c0_i32_0 = arith.constant 0 : i32
    return %c0_i32, %arg0 : i32, i32
  }
  func.func @transform_3(%arg0: i32) -> (i32, i32) {
    %c0_i32 = arith.constant 0 : i32
    %c0_i32_0 = arith.constant 0 : i32
    return %c0_i32, %arg0 : i32, i32
  }
  func.func @transform_4(%arg0: i32) -> (i32, i32) {
    %c0_i32 = arith.constant 0 : i32
    %c0_i32_0 = arith.constant 0 : i32
    %c0_i32_1 = arith.constant 0 : i32
    return %c0_i32, %c0_i32_0 : i32, i32
  }
  func.func @transform_5(%arg0: i32) -> (i32, i32) {
    %c0_i32 = arith.constant 0 : i32
    %c0_i32_0 = arith.constant 0 : i32
    %c0_i32_1 = arith.constant 0 : i32
    return %c0_i32, %c0_i32_0 : i32, i32
  }
  func.func @transform_6(%arg0: i32) -> (i32, i32) {
    %c0_i32 = arith.constant 0 : i32
    %c0_i32_0 = arith.constant 0 : i32
    return %arg0, %c0_i32 : i32, i32
  }
  func.func @transform_7(%arg0: i32) -> (i32, i32) {
    %c0_i32 = arith.constant 0 : i32
    %c0_i32_0 = arith.constant 0 : i32
    return %arg0, %c0_i32 : i32, i32
  }
  func.func @transform_8(%arg0: i32) -> (i32, i32) {
    %c0_i32 = arith.constant 0 : i32
    %c0_i32_0 = arith.constant 0 : i32
    %c0_i32_1 = arith.constant 0 : i32
    return %c0_i32, %c0_i32_0 : i32, i32
  }
}

</mosaic_0001>

<sc_bundles>
// kernel: kernel.11.cloned.1.call-start
scs
__scs_entry_jumppad:
0x0: {  	(pc) =	sbr.rel $0x88, $3  }
0x1: {  	(tag) =	ssettag $0x0;
	lr =	simm.s32 $0x1  }
0x2: {  	[smem:$0x3F9B] =	sst lr;
	_ =	strace $0xD0000000  }
0x3: {  	_ = 	snop  }
0x4: {  	_ = 	snop  }
0x5: {  	_ = 	snop  }
0x6: {  	_ = 	snop  }
0x7: {  	_ = 	snop  }
__scs_overlays_trampoline_lowered:
0x8: {  	[smem:$0x3FAA] =	sst s0  }
0x9: {  	[smem:$0x3FAB] =	sst s1  }
0xa: {  	[smem:$0x3FAC] =	sst s2  }
0xb: {  	[smem:$0x3FAD] =	sst s3  }
0xc: {  	[smem:$0x3FAE] =	sst s4  }
0xd: {  	[smem:$0x3FAF] =	sst s5  }
0xe: {  	[smem:$0x3FB0] =	sst s6  }
0xf: {  	[smem:$0x3FB1] =	sst s7  }
0x10: {  	[smem:$0x3FB2] =	sst s8  }
0x11: {  	[smem:$0x3FB3] =	sst s9;
	s0 =	simm.s32 @!p0 $0x0  }
0x12: {  	s1 =	sld [smem:$0x3F99];
	s0 =	simm.s32 @p0 $0x1  }
0x13: {  	[smem:$0x3FB4] =	sst s0;
	s0 =	simm.s32 @!p1 $0x0  }
0x14: {  	s2 =	sld [smem:$0x3F98];
	s0 =	simm.s32 @p1 $0x1  }
0x15: {  	[smem:$0x3FB5] =	sst s0;
	s0 =	simm.s32 @!p2 $0x0  }
0x16: {  	s3 =	sld [smem:$0x3FDB];
	s0 =	simm.s32 @p2 $0x1  }
0x17: {  	s4 =	simm.s32 $0x1BF5;
	[smem:$0x3FB7] =	sst s0  }
0x18: {  	s0 =	sld [smem:$0x3F9A];
	_ =	swait.ge [sflag:s4], $0x0  }
0x19: {  	s7 =	sld [smem:$0x3F9B]  }
0x1a: {  	s8 =	sadd.s32 $0xFFFFE003, lr  }
0x1b: {  	s9 =	sadd.s32 $0xFFFFFEF7, lr;
	s5 =	simm.s32 $0xFFFFFFFF;
	p2 =	slt.u32 s8, $0xFFFFF086  }
0x1c: {  	p1 =	slt.u32 s9, $0xF7A;
	s5 =	simm.s32 @!p2 $0x0  }
0x1d: {  	s5 =	simm.s32 @p1 $0x1;
	p0 =	seq.s32 s7, s2  }
0x1e: {  	s7 =	smul.u32 @!p0 $0xF7A, s2;
	p2 =	seq.s32 @!p0 s5, $0x0  }
0x1f: {  	s9 =	smul.u32 $0xF7A, s1;
	s8 =	simm.s32 @!p0 $0x1BF5;
	p2 =	por !p2, p0  }
0x20: {  	[sflag:s8] =	ssyncset.s32 @!p0 $0xFFFFF086;
	s6 =	sadd.s32 @!p0 s3, s7;
	s7 =	simm.s32 @!p0 $0x108  }
0x21: {  	s3 =	sadd.s32 s3, s9;
	s6 =	sadd.s32 @!p0 $0x88, s6;
	s7 =	simm.s32 @p2 $0x1082  }
0x22: {  	[simem:s7], [sflag:s8] =	dma.local @!p0 [hbm:s6], $0xF7A  }
0x23: {  	s9 =	sor.u32 $0xD0000000, s2;
	s6 =	simm.s32 $0x108;
	_ =	swait.ge @!p0 [sflag:s8], $0x0  }
0x24: {  	s3 =	sadd.s32 $0x88, s3;
	s6 =	simm.s32 @!p1 $0x1082;
	[sflag:s4] =	ssyncset.s32 $0xFFFFF086  }
0x25: {  	[simem:s6], [sflag:s4] =	dma.local [hbm:s3], $0xF7A  }
0x26: {  	[smem:$0x3F9B] =	sst s1;
	(tag) =	ssettag s2;
	_ =	strace s9  }
0x27: {  	s1 =	sld [smem:$0x3FAB]  }
0x28: {  	s2 =	sld [smem:$0x3FAC]  }
0x29: {  	s4 =	sld [smem:$0x3FAE]  }
0x2a: {  	p0 =	seq.s32 s5, $0x0;
	s5 =	sld [smem:$0x3FAF]  }
0x2b: {  	s6 =	sld [smem:$0x3FB0]  }
0x2c: {  	s7 =	sld [smem:$0x3FB1]  }
0x2d: {  	s3 =	simm.s32 $0x108;
	s8 =	sld [smem:$0x3FB2]  }
0x2e: {  	s3 =	simm.s32 @!p0 $0x1082;
	s9 =	sld [smem:$0x3FB3]  }
0x2f: {  	lr =	sadd.s32 s0, s3;
	s0 =	sld [smem:$0x3FAA]  }
0x30: {  	s3 =	sld [smem:$0x3FAD]  }
0x31: {  	[smem:$0x3FB6] =	sst s10  }
0x32: {  	s10 =	sld [smem:$0x3FB4];
	_ =	sdelay $0x3  }
0x33: {  	p0 =	seq.s32 s10, $0x1;
	s10 =	sld [smem:$0x3FB6];
	_ =	sdelay $0x3  }
0x34: {  	[smem:$0x3FB6] =	sst s10  }
0x35: {  	s10 =	sld [smem:$0x3FB5];
	_ =	sdelay $0x3  }
0x36: {  	p1 =	seq.s32 s10, $0x1;
	s10 =	sld [smem:$0x3FB6];
	_ =	sdelay $0x3  }
0x37: {  	[smem:$0x3FB6] =	sst s10  }
0x38: {  	s10 =	sld [smem:$0x3FB7]  }
0x39: {  	_ = 	snop;
	(pc) =	sbr.ind lr, $3  }
0x3a: {  	_ = 	snop  }
0x3b: {  	_ = 	snop  }
0x3c: {  	p2 =	seq.s32 s10, $0x1;
	s10 =	sld [smem:$0x3FB6]  }
0x3d: {  	_ =	shalt  }
0x3e: {  	_ =	shalt  }
0x3f: {  	_ =	shalt  }
0x40: {  	_ =	shalt  }
0x41: {  	_ =	shalt  }
0x42: {  	_ =	shalt  }
0x43: {  	_ =	shalt  }
0x44: {  	_ =	shalt  }
0x45: {  	_ =	shalt  }
0x46: {  	_ =	shalt  }
0x47: {  	_ =	shalt  }
0x48: {  	_ =	shalt  }
0x49: {  	_ =	shalt  }
0x4a: {  	_ =	shalt  }
0x4b: {  	_ =	shalt  }
0x4c: {  	_ =	shalt  }
0x4d: {  	_ =	shalt  }
0x4e: {  	_ =	shalt  }
0x4f: {  	_ =	shalt  }
0x50: {  	_ =	shalt  }
0x51: {  	_ =	shalt  }
0x52: {  	_ =	shalt  }
0x53: {  	_ =	shalt  }
0x54: {  	_ =	shalt  }
0x55: {  	_ =	shalt  }
0x56: {  	_ =	shalt  }
0x57: {  	_ =	shalt  }
0x58: {  	_ =	shalt  }
0x59: {  	_ =	shalt  }
0x5a: {  	_ =	shalt  }
0x5b: {  	_ =	shalt  }
0x5c: {  	_ =	shalt  }
0x5d: {  	_ =	shalt  }
0x5e: {  	_ =	shalt  }
0x5f: {  	_ =	shalt  }
0x60: {  	_ =	shalt  }
0x61: {  	_ =	shalt  }
0x62: {  	_ =	shalt  }
0x63: {  	_ =	shalt  }
0x64: {  	_ =	shalt  }
0x65: {  	_ =	shalt  }
0x66: {  	_ =	shalt  }
0x67: {  	_ =	shalt  }
0x68: {  	_ =	shalt  }
0x69: {  	_ =	shalt  }
0x6a: {  	_ =	shalt  }
0x6b: {  	_ =	shalt  }
0x6c: {  	_ =	shalt  }
0x6d: {  	_ =	shalt  }
0x6e: {  	_ =	shalt  }
0x6f: {  	_ =	shalt  }
0x70: {  	_ =	shalt  }
0x71: {  	_ =	shalt  }
0x72: {  	_ =	shalt  }
0x73: {  	_ =	shalt  }
0x74: {  	_ =	shalt  }
0x75: {  	_ =	shalt  }
0x76: {  	_ =	shalt  }
0x77: {  	_ =	shalt  }
0x78: {  	_ =	shalt  }
0x79: {  	_ =	shalt  }
0x7a: {  	_ =	shalt  }
0x7b: {  	_ =	shalt  }
0x7c: {  	_ =	shalt  }
0x7d: {  	_ =	shalt  }
0x7e: {  	_ =	shalt  }
0x7f: {  	_ =	shalt  }
0x80: {  	_ =	shalt  }
0x81: {  	_ =	shalt  }
0x82: {  	_ =	shalt  }
0x83: {  	_ =	shalt  }
0x84: {  	_ =	shalt  }
0x85: {  	_ =	shalt  }
0x86: {  	_ =	shalt  }
0x87: {  	_ =	shalt  }
.Lfunc_end0:
.L_simem_size_0:
called_computation.1_lowered:
.L_overlay_start_0:
0x88: {  	s2 =	sld [smem:$0x3FD9]  }
0x89: {  	s3 =	sld [smem:$0x3FFE];
	_ =	sdelay $0x1  }
0x8a: {  	s1 =	srdreg.scid  }
0x8b: {  	s0 =	sand.u32 $0x1, s1  }
0x8c: {  	s14 =	sshll.u32 s0, $0xA;
	s2 =	sadd.s32 s3, s2  }
0x8d: {  	s2 =	sadd.s32 s2, s14  }
0x8e: {  	[smem:$0x3FC2] =	sst s2  }
0x8f: {  	_ = 	snop  }
0x90: {  	s2 =	sld [smem:$0x3FD0];
	_ =	sdelay $0x2  }
0x91: {  	s15 =	simm.s32 $0xA;
	s4 =	simm.s32 $0x10  }
0x92: {  	[smem:s4], [sflag:s15] =	dma.local [hbm:s2], $0x1  }
0x93: {  	_ =	swait.eq [sflag:s15], $0x1  }
0x94: {  	[sflag:s15] =	ssyncset.done $0x0  }
0x95: {  	[sflag:s15] =	ssyncadd.s32 $0xFFFFFFFF  }
0x96: {  	s16 =	sld [smem:$0x11];
	(tm) =	ssettm $0x1  }
0x97: {  	s17 =	sld [smem:$0x3FFB];
	_ =	sdelay $0x3  }
0x98: {  	_ =	strace s17  }
0x99: {  	s3 =	sld [smem:$0x3FFC];
	_ =	sdelay $0x3  }
0x9a: {  	_ =	strace s3  }
0x9b: {  	s3 =	sld [smem:$0x3FFD];
	_ =	sdelay $0x3  }
0x9c: {  	_ =	strace s3  }
0x9d: {  	_ =	strace $0x8FFFFFFF  }
0x9e: {  	s18 =	sld [smem:$0x3FDB];
	_ =	sdelay $0x1  }
0x9f: {  	s19 =	simm.s32 $_scs_section_size  }
0xa0: {  	s5 =	simm.s32 $_size__tile_overlayer_lowered;
	s6 =	simm.s32 $_tile_overlayer_lowered  }
0xa1: {  	s22 =	simm.s32 $0x1BFF;
	s21 =	sshll.u32 s6, $0x1;
	s3 =	sadd.s32 s19, s18  }
0xa2: {  	s7 =	simm.s32 $0x0;
	s20 =	sshll.u32 s5, $0x1;
	s5 =	sadd.s32 s21, s3  }
0xa3: {  	[timem:s7], [sflag:s22] =	dma.local [hbm:s5], s20  }
0xa4: {  	_ =	swait.ge [sflag:s22], s20  }
0xa5: {  	s4 =	ssub.s32 $0x0, s20;
	[sflag:s22] =	ssyncset.done $0x0  }
0xa6: {  	[sflag:s22] =	ssyncadd.s32 s4;
	_ =	sdelay $0x1  }
0xa7: {  	s23 =	simm.s32 $0x1B8B  }
0xa8: {  	_ =	swait.ge [sflag:s23], $0x1  }
0xa9: {  	[sflag:s23] =	ssyncset.done $0x0  }
0xaa: {  	s25 =	simm.s32 $0x1B8E;
	s24 =	sld [smem:$0x3FFE];
	[sflag:s23] =	ssyncadd.s32 $0xFFFFFFFF  }
0xab: {  	s26 =	simm.s32 $execute0_lowered;
	[smem:$0x3FD2] =	sst s25  }
0xac: {  	s5 =	sshll.u32 s26, $0x1;
	_ =	strace $0x80000049;
	[dreg:$0x1] =	wrdreg $0xFFFFFFFF  }
0xad: {  	s28 =	simm.s32 $_size_execute0_lowered;
	s3 =	sadd.s32 s3, s5;
	[dreg:$0x0] =	wrdreg $0x0  }
0xae: {  	s5 =	sshll.u32 s28, $0x1;
	[dreg:$0x2] =	wrdreg s3  }
0xaf: {  	[dreg:$0x3] =	wrdreg s5  }
0xb0: {  	[dreg:$0x4] =	wrdreg $0xC0  }
0xb1: {  	_ =	task [dreg:s7], $0x5FFFF  }
0xb2: {  	[dreg:$0x1] =	wrdreg $0xFFFFFFFF  }
0xb3: {  	[dreg:$0x0] =	wrdreg $0x60  }
0xb4: {  	[dreg:$0x2] =	wrdreg s24  }
0xb5: {  	[dreg:$0x3] =	wrdreg s16  }
0xb6: {  	[dreg:$0x4] =	wrdreg $0x88000  }
0xb7: {  	[dreg:$0x5] =	wrdreg $0x9  }
0xb8: {  	_ =	task.clear_ibuf [dreg:s7], $0x6FFFF;
	_ =	strace $0x90000049  }
0xb9: {  	s29 =	simm.s32 $0x9;
	_ =	strace $0x8000004B  }
0xba: {  	_ =	swait.ge [sflag:s29], $0x1  }
0xbb: {  	[sflag:s29] =	ssyncadd.s32 $0xFFFFFFFF  }
0xbc: {  	_ =	strace $0x9000004B  }
0xbd: {  	_ =	sfence  }
0xbe: {  	s30 =	sld [smem:$0x0];
	_ =	sdelay $0x2  }
0xbf: {  	s31 =	sshll.u32 s1, $0xD;
	s1 =	sshrl.u32 s1, $0x2  }
0xc0: {  	s3 =	sand.u32 $0x4000, s31;
	s1 =	sadd.s32 s1, s30  }
0xc1: {  	s0 =	sor.u32 s3, s0;
	s1 =	sshll.u32 s1, $0x11  }
0xc2: {  	s0 =	sor.u32 s1, s0  }
0xc3: {  	s0 =	sadd.s32 $0x8F2B, s0  }
0xc4: {  	[sflag:s0] =	ssyncadd.remote.s32 $0x1  }
0xc5: {  	_ =	sfence.sel $0xFFFF  }
0xc6: {  	[dreg:$0x0] =	wrdreg $0xFFFFFFFF;
	(pc) =	sbr.abs _section_cstart, $3  }
0xc7: {  	[dreg:$0x1] =	wrdreg $0xFFFFFFFF  }
0xc8: {  	_ =	task.clear_ibuf [dreg:s7], $0x2FFFF;
	_ =	strace $0x9FFFFFFF  }
0xc9: {  	(tm) =	ssettm $0x7FFFFFFF  }
tec
execute0_lowered:
.L_overlay_start_1:
0x0: {  	(tag) =	ssettag $0x1  }
0x1: {  	s0 =	rddreg [dreg:$0x0]  }
0x2: {  	s1 =	rddreg [dreg:$0x1]  }
0x3: {  	s2 =	rddreg [dreg:$0x2]  }
0x4: {  	s3 =	srdreg.scid;
	s9 =	stileid.u32  }
0x5: {  	s15 =	simm.s32 $0x800;
	s16 =	simm.s32 $0x3;
	s28 =	simm.s32 $0x580  }
0x6: {  	s29 =	simm.s32 $0x280;
	s30 =	simm.s32 $0x600;
	s4 =	smul.u32 $0x12, s9  }
0x7: {  	s31 =	simm.s32 $0x300;
	s5 =	sand.u32 $0x1, s3;
	s8 =	smul.u32 $0x14000, s9  }
0x8: {  	s17 =	sshll.u32 s9, $0x1;
	s3 =	simm.s32 $0x0;
	s9 =	smul.u32 $0x50000, s9  }
0x9: {  	p0 =	seq.s32 s5, $0x0;
	s6 =	sor.u32 $0x120, s17;
	s7 =	smul.u32 $0x140000, s5  }
0xa: {  	[smem:$0x7FF] =	sst s3;
	s18 =	ssub.s32 $0x2, s5;
	s17 =	simm.s32 $0x400  }
0xb: {  	s6 =	smov.u32 @p0 s4;
	_ =	strace $0x8000004A;
	s4 =	sadd.s32 $0x22800, s0  }
0xc: {  	s19 =	sshrl.u32 s9, $0x2;
	s20 =	sshrl.u32 s18, $0x1;
	s9 =	simm.s32 $0x12  }
0xd: {  	s6 =	sshll.u32 s6, $0x7;
	s7 =	sadd.s32 s8, s7;
	s5 =	sadd.s32 s19, s2  }
0xe: {  	s21 =	ssub.s32 s18, s20;
	s9 =	simm.s32 @!p0 $0x2;
	s18 =	simm.s32 $0x80  }
0xf: {  	s19 =	simm.s32 $0x1;
	s20 =	simm.s32 $0x4800;
	s8 =	simm.s32 $0x0  }
0x10: {  	s10 =	sadd.s32 s6, s0;
	s7 =	sshrl.u32 s7, $0x3;
	s22 =	sadd.s32 $0x4000, s5  }
0x11: {  	s23 =	sadd.s32 $0x8000, s5;
	s24 =	sadd.s32 $0xC000, s5;
	[dreg:$0x4] =	wrdreg s22  }
0x12: {  	s25 =	sadd.s32 $0x10000, s5;
	s26 =	smax.u32 s21, $0x1;
	[dreg:$0x5] =	wrdreg s23  }
0x13: {  	s11 =	sadd.s32 s6, s1;
	s21 =	simm.s32 $0x2;
	[dreg:$0x6] =	wrdreg s24  }
0x14: {  	s1 =	simm.s32 $0x380;
	s6 =	simm.s32 $0x700;
	[dreg:$0x7] =	wrdreg s25  }
0x15: {  	s0 =	sadd.s32 s7, s0;
	[dreg:$0x9] =	wrdreg s26;
	s12 =	sadd.s32 $0x17400, s10  }
0x16: {  	s22 =	simm.s32 $0x100;
	s23 =	simm.s32 $0x480;
	s24 =	simm.s32 $0x180  }
0x17: {  	s25 =	simm.s32 $0x500;
	s26 =	simm.s32 $0x200;
	s0 =	sadd.s32 $0x4A800, s0  }
0x18: {  	v0 =	vimm.f32 $0.0e+00;
	s7 =	simm.s32 $0x780;
	[dreg:$0x8] =	wrdreg s0;
	s0 =	simm.s32 $0x680  }
.LBB2_1:
0x19: {  	s10 =	simm.s32 $0x0;
	s13 =	simm.s32 $0x200  }
.LBB2_2:
0x1a: {  	p0 =	sne.s32 s13, $0xFE00;
	[tilespmem:s10+$0x870] =	vst v0  }
0x1b: {  	[tilespmem:s10+$0x800] =	vst v0  }
0x1c: {  	[tilespmem:s10+$0x810] =	vst v0  }
.Ltmp0:
0x1d: {  	[tilespmem:s10+$0x820] =	vst v0;
	(pc) =	sbr.rel @p0 .LBB2_2-.Ltmp0, $4  }
0x1e: {  	[tilespmem:s10+$0x830] =	vst v0  }
0x1f: {  	[tilespmem:s10+$0x840] =	vst v0  }
0x20: {  	[tilespmem:s10+$0x850] =	vst v0  }
0x21: {  	[tilespmem:s10+$0x860] =	vst v0;
	s10 =	sshra.s32 s13, $0x2;
	s13 =	sadd.s32 $0x200, s13  }
0x22: {  	[tilespmem:s10+$0x870] =	vst v0  }
0x23: {  	[tilespmem:s10+$0x800] =	vst v0  }
0x24: {  	[tilespmem:s10+$0x810] =	vst v0  }
0x25: {  	[tilespmem:s10+$0x820] =	vst v0  }
0x26: {  	[tilespmem:s10+$0x830] =	vst v0  }
0x27: {  	[tilespmem:s10+$0x840] =	vst v0  }
0x28: {  	[tilespmem:s10+$0x850] =	vst v0  }
0x29: {  	[tilespmem:s10+$0x860] =	vst v0  }
0x2a: {  	[spmem:s5] =	stream.linear.scatter [tilespmem:s15], [sflag:$0x3], $0x4000, $0x38;
	[tilespmem:$0x1C800] =	vst v63  }
0x2b: {  	_ =	swait.ge [sflag:s16], $0x4000  }
0x2c: {  	[sflag:s16] =	ssyncset.done $0x0  }
0x2d: {  	s13 =	rddreg [dreg:$0x4];
	[sflag:s16] =	ssyncadd.s32 $0xFFFFC000  }
0x2e: {  	[spmem:s13] =	stream.linear.scatter [tilespmem:s15], [sflag:$0x3], $0x4000, $0x38;
	[tilespmem:$0x1C800] =	vst v63  }
0x2f: {  	_ =	swait.ge [sflag:s16], $0x4000  }
0x30: {  	[sflag:s16] =	ssyncset.done $0x0  }
0x31: {  	s14 =	rddreg [dreg:$0x5];
	[sflag:s16] =	ssyncadd.s32 $0xFFFFC000  }
0x32: {  	[spmem:s14] =	stream.linear.scatter [tilespmem:s15], [sflag:$0x3], $0x4000, $0x38;
	[tilespmem:$0x1C800] =	vst v63  }
0x33: {  	_ =	swait.ge [sflag:s16], $0x4000  }
0x34: {  	[sflag:s16] =	ssyncset.done $0x0  }
0x35: {  	s13 =	rddreg [dreg:$0x6];
	[sflag:s16] =	ssyncadd.s32 $0xFFFFC000  }
0x36: {  	[spmem:s13] =	stream.linear.scatter [tilespmem:s15], [sflag:$0x3], $0x4000, $0x38;
	[tilespmem:$0x1C800] =	vst v63  }
0x37: {  	_ =	swait.ge [sflag:s16], $0x4000  }
0x38: {  	[sflag:s16] =	ssyncset.done $0x0  }
0x39: {  	s14 =	rddreg [dreg:$0x7];
	[sflag:s16] =	ssyncadd.s32 $0xFFFFC000  }
0x3a: {  	[spmem:s14] =	stream.linear.scatter [tilespmem:s15], [sflag:$0x3], $0x4000, $0x38;
	[tilespmem:$0x1C800] =	vst v63  }
0x3b: {  	_ =	swait.ge [sflag:s16], $0x4000  }
0x3c: {  	[sflag:s16] =	ssyncset.done $0x0  }
0x3d: {  	[sflag:s16] =	ssyncadd.s32 $0xFFFFC000  }
0x3e: {  	[bflag:$0x0] =	sbarrier.arrive $0xFFFF  }
0x3f: {  	[tilespmem:s3], [sflag:$0x3] =	stream.linear.gather [hbm4b:s12+s3], $0x400, $0x38;
	[tilespmem:$0x1C800] =	vst v63  }
0x40: {  	_ =	swait.ge [sflag:s16], $0x400  }
0x41: {  	[sflag:s16] =	ssyncset.done $0x0  }
0x42: {  	[sflag:s16] =	ssyncadd.s32 $0xFFFFFC00  }
0x43: {  	[tilespmem:s17], [sflag:$0x3] =	stream.linear.gather [hbm4b:s11+s3], $0x400, $0x38;
	[tilespmem:$0x1C800] =	vst v63  }
0x44: {  	_ =	swait.ge [sflag:s16], $0x400  }
0x45: {  	[sflag:s16] =	ssyncset.done $0x0  }
0x46: {  	[sflag:s16] =	ssyncadd.s32 $0xFFFFFC00  }
0x47: {  	[tilespmem:s15], [sflag:$0x1] =	stream.indirect.gather [hbm4b:s4+s18], $0x80, s3, s18, $0xb8;
	[tilespmem:$0x1C800] =	vst v63  }
0x48: {  	_ =	swait.ge [sflag:s19], $0x4000  }
0x49: {  	[sflag:s19] =	ssyncset.done $0x0  }
0x4a: {  	[sflag:s19] =	ssyncadd.s32 $0xFFFFC000  }
0x4b: {  	[tilespmem:s20], [sflag:$0x2] =	stream.indirect.gather [hbm4b:s4+s18], $0x80, s18, s18, $0xb8;
	[tilespmem:$0x1C800] =	vst v63  }
0x4c: {  	_ = 	snop  }
0x4d: {  	[spmem:s2] =	stream.indirect.scatter.add.f32 [tilespmem:s15], [sflag:$0x3], $0x80, s17, s18, $0xb8;
	[tilespmem:$0x1C800] =	vst v63  }
0x4e: {  	_ =	swait.ge [sflag:s16], $0x4000  }
0x4f: {  	[sflag:s16] =	ssyncset.done $0x0  }
0x50: {  	[sflag:s16] =	ssyncadd.s32 $0xFFFFC000  }
0x51: {  	_ =	swait.ge [sflag:s21], $0x4000  }
0x52: {  	[sflag:s21] =	ssyncset.done $0x0  }
0x53: {  	[sflag:s21] =	ssyncadd.s32 $0xFFFFC000  }
0x54: {  	[tilespmem:s15], [sflag:$0x2] =	stream.indirect.gather [hbm4b:s4+s18], $0x80, s22, s18, $0xb8;
	[tilespmem:$0x1C800] =	vst v63  }
0x55: {  	_ = 	snop  }
0x56: {  	[spmem:s2] =	stream.indirect.scatter.add.f32 [tilespmem:s20], [sflag:$0x3], $0x80, s23, s18, $0xb8;
	[tilespmem:$0x1C800] =	vst v63  }
0x57: {  	_ =	swait.ge [sflag:s16], $0x4000  }
0x58: {  	[sflag:s16] =	ssyncset.done $0x0  }
0x59: {  	[sflag:s16] =	ssyncadd.s32 $0xFFFFC000  }
0x5a: {  	_ =	swait.ge [sflag:s21], $0x4000  }
0x5b: {  	[sflag:s21] =	ssyncset.done $0x0  }
0x5c: {  	[sflag:s21] =	ssyncadd.s32 $0xFFFFC000  }
0x5d: {  	[tilespmem:s20], [sflag:$0x2] =	stream.indirect.gather [hbm4b:s4+s18], $0x80, s24, s18, $0xb8;
	[tilespmem:$0x1C800] =	vst v63  }
0x5e: {  	_ = 	snop  }
0x5f: {  	[spmem:s2] =	stream.indirect.scatter.add.f32 [tilespmem:s15], [sflag:$0x3], $0x80, s25, s18, $0xb8;
	[tilespmem:$0x1C800] =	vst v63  }
0x60: {  	_ =	swait.ge [sflag:s16], $0x4000  }
0x61: {  	[sflag:s16] =	ssyncset.done $0x0  }
0x62: {  	[sflag:s16] =	ssyncadd.s32 $0xFFFFC000  }
0x63: {  	_ =	swait.ge [sflag:s21], $0x4000  }
0x64: {  	[sflag:s21] =	ssyncset.done $0x0  }
0x65: {  	[sflag:s21] =	ssyncadd.s32 $0xFFFFC000  }
0x66: {  	[tilespmem:s15], [sflag:$0x2] =	stream.indirect.gather [hbm4b:s4+s18], $0x80, s26, s18, $0xb8;
	[tilespmem:$0x1C800] =	vst v63  }
0x67: {  	_ = 	snop  }
0x68: {  	[spmem:s2] =	stream.indirect.scatter.add.f32 [tilespmem:s20], [sflag:$0x3], $0x80, s28, s18, $0xb8;
	[tilespmem:$0x1C800] =	vst v63  }
0x69: {  	_ =	swait.ge [sflag:s16], $0x4000  }
0x6a: {  	[sflag:s16] =	ssyncset.done $0x0  }
0x6b: {  	[sflag:s16] =	ssyncadd.s32 $0xFFFFC000  }
0x6c: {  	_ =	swait.ge [sflag:s21], $0x4000  }
0x6d: {  	[sflag:s21] =	ssyncset.done $0x0  }
0x6e: {  	[sflag:s21] =	ssyncadd.s32 $0xFFFFC000  }
0x6f: {  	[tilespmem:s20], [sflag:$0x2] =	stream.indirect.gather [hbm4b:s4+s18], $0x80, s29, s18, $0xb8;
	[tilespmem:$0x1C800] =	vst v63  }
0x70: {  	_ = 	snop  }
0x71: {  	[spmem:s2] =	stream.indirect.scatter.add.f32 [tilespmem:s15], [sflag:$0x3], $0x80, s30, s18, $0xb8;
	[tilespmem:$0x1C800] =	vst v63  }
0x72: {  	_ =	swait.ge [sflag:s16], $0x4000  }
0x73: {  	[sflag:s16] =	ssyncset.done $0x0  }
0x74: {  	[sflag:s16] =	ssyncadd.s32 $0xFFFFC000  }
0x75: {  	_ =	swait.ge [sflag:s21], $0x4000  }
0x76: {  	[sflag:s21] =	ssyncset.done $0x0  }
0x77: {  	[sflag:s21] =	ssyncadd.s32 $0xFFFFC000  }
0x78: {  	[tilespmem:s15], [sflag:$0x2] =	stream.indirect.gather [hbm4b:s4+s18], $0x80, s31, s18, $0xb8;
	[tilespmem:$0x1C800] =	vst v63  }
0x79: {  	_ = 	snop  }
0x7a: {  	[spmem:s2] =	stream.indirect.scatter.add.f32 [tilespmem:s20], [sflag:$0x3], $0x80, s0, s18, $0xb8;
	[tilespmem:$0x1C800] =	vst v63  }
0x7b: {  	_ =	swait.ge [sflag:s16], $0x4000  }
0x7c: {  	[sflag:s16] =	ssyncset.done $0x0  }
0x7d: {  	[sflag:s16] =	ssyncadd.s32 $0xFFFFC000  }
0x7e: {  	_ =	swait.ge [sflag:s21], $0x4000  }
0x7f: {  	[sflag:s21] =	ssyncset.done $0x0  }
0x80: {  	[sflag:s21] =	ssyncadd.s32 $0xFFFFC000  }
0x81: {  	[tilespmem:s20], [sflag:$0x2] =	stream.indirect.gather [hbm4b:s4+s18], $0x80, s1, s18, $0xb8;
	[tilespmem:$0x1C800] =	vst v63  }
0x82: {  	_ = 	snop  }
0x83: {  	[spmem:s2] =	stream.indirect.scatter.add.f32 [tilespmem:s15], [sflag:$0x3], $0x80, s6, s18, $0xb8;
	[tilespmem:$0x1C800] =	vst v63  }
0x84: {  	_ =	swait.ge [sflag:s16], $0x4000  }
0x85: {  	[sflag:s16] =	ssyncset.done $0x0  }
0x86: {  	[sflag:s16] =	ssyncadd.s32 $0xFFFFC000  }
0x87: {  	p0 =	sne.s32 s9, $0x1;
	_ =	swait.ge [sflag:s21], $0x4000  }
.Ltmp1:
0x88: {  	[sflag:s21] =	ssyncset.done $0x0;
	(pc) =	sbr.rel @!p0 .LBB2_5-.Ltmp1, $4  }
0x89: {  	[sflag:s21] =	ssyncadd.s32 $0xFFFFC000  }
0x8a: {  	[spmem:s2] =	stream.indirect.scatter.add.f32 [tilespmem:s20], [sflag:$0x3], $0x80, s7, s18, $0xb8;
	[tilespmem:$0x1C800] =	vst v63  }
0x8b: {  	s10 =	sadd.s32 $0xFFFFFFFF, s9;
	_ =	swait.ge [sflag:s16], $0x4000  }
0x8c: {  	s13 =	smov.u32 s11;
	s14 =	smov.u32 s12;
	[sflag:s16] =	ssyncset.done $0x0  }
.LBB2_4:
0x8d: {  	[sflag:s16] =	ssyncadd.s32 $0xFFFFC000;
	s13 =	sadd.s32 $0x80, s13;
	s14 =	sadd.s32 $0x80, s14  }
0x8e: {  	[tilespmem:s3], [sflag:$0x3] =	stream.linear.gather [hbm4b:s14+s3], $0x400, $0x38;
	[tilespmem:$0x1C800] =	vst v63  }
0x8f: {  	p0 =	sne.s32 s10, $0x1;
	s10 =	sadd.s32 $0xFFFFFFFF, s10;
	_ =	swait.ge [sflag:s16], $0x400  }
0x90: {  	[sflag:s16] =	ssyncset.done $0x0  }
0x91: {  	[sflag:s16] =	ssyncadd.s32 $0xFFFFFC00  }
0x92: {  	[tilespmem:s17], [sflag:$0x3] =	stream.linear.gather [hbm4b:s13+s3], $0x400, $0x38;
	[tilespmem:$0x1C800] =	vst v63  }
0x93: {  	_ =	swait.ge [sflag:s16], $0x400  }
0x94: {  	[sflag:s16] =	ssyncset.done $0x0  }
0x95: {  	[sflag:s16] =	ssyncadd.s32 $0xFFFFFC00  }
0x96: {  	[tilespmem:s15], [sflag:$0x1] =	stream.indirect.gather [hbm4b:s4+s18], $0x80, s3, s18, $0xb8;
	[tilespmem:$0x1C800] =	vst v63  }
0x97: {  	_ =	swait.ge [sflag:s19], $0x4000  }
0x98: {  	[sflag:s19] =	ssyncset.done $0x0  }
0x99: {  	[sflag:s19] =	ssyncadd.s32 $0xFFFFC000  }
0x9a: {  	[tilespmem:s20], [sflag:$0x2] =	stream.indirect.gather [hbm4b:s4+s18], $0x80, s18, s18, $0xb8;
	[tilespmem:$0x1C800] =	vst v63  }
0x9b: {  	_ = 	snop  }
0x9c: {  	[spmem:s2] =	stream.indirect.scatter.add.f32 [tilespmem:s15], [sflag:$0x3], $0x80, s17, s18, $0xb8;
	[tilespmem:$0x1C800] =	vst v63  }
0x9d: {  	_ =	swait.ge [sflag:s16], $0x4000  }
0x9e: {  	[sflag:s16] =	ssyncset.done $0x0  }
0x9f: {  	[sflag:s16] =	ssyncadd.s32 $0xFFFFC000  }
0xa0: {  	_ =	swait.ge [sflag:s21], $0x4000  }
0xa1: {  	[sflag:s21] =	ssyncset.done $0x0  }
0xa2: {  	[sflag:s21] =	ssyncadd.s32 $0xFFFFC000  }
0xa3: {  	[tilespmem:s15], [sflag:$0x2] =	stream.indirect.gather [hbm4b:s4+s18], $0x80, s22, s18, $0xb8;
	[tilespmem:$0x1C800] =	vst v63  }
0xa4: {  	_ = 	snop  }
0xa5: {  	[spmem:s2] =	stream.indirect.scatter.add.f32 [tilespmem:s20], [sflag:$0x3], $0x80, s23, s18, $0xb8;
	[tilespmem:$0x1C800] =	vst v63  }
0xa6: {  	_ =	swait.ge [sflag:s16], $0x4000  }
0xa7: {  	[sflag:s16] =	ssyncset.done $0x0  }
0xa8: {  	[sflag:s16] =	ssyncadd.s32 $0xFFFFC000  }
0xa9: {  	_ =	swait.ge [sflag:s21], $0x4000  }
0xaa: {  	[sflag:s21] =	ssyncset.done $0x0  }
0xab: {  	[sflag:s21] =	ssyncadd.s32 $0xFFFFC000  }
0xac: {  	[tilespmem:s20], [sflag:$0x2] =	stream.indirect.gather [hbm4b:s4+s18], $0x80, s24, s18, $0xb8;
	[tilespmem:$0x1C800] =	vst v63  }
0xad: {  	_ = 	snop  }
0xae: {  	[spmem:s2] =	stream.indirect.scatter.add.f32 [tilespmem:s15], [sflag:$0x3], $0x80, s25, s18, $0xb8;
	[tilespmem:$0x1C800] =	vst v63  }
0xaf: {  	_ =	swait.ge [sflag:s16], $0x4000  }
0xb0: {  	[sflag:s16] =	ssyncset.done $0x0  }
0xb1: {  	[sflag:s16] =	ssyncadd.s32 $0xFFFFC000  }
0xb2: {  	_ =	swait.ge [sflag:s21], $0x4000  }
0xb3: {  	[sflag:s21] =	ssyncset.done $0x0  }
0xb4: {  	[sflag:s21] =	ssyncadd.s32 $0xFFFFC000  }
0xb5: {  	[tilespmem:s15], [sflag:$0x2] =	stream.indirect.gather [hbm4b:s4+s18], $0x80, s26, s18, $0xb8;
	[tilespmem:$0x1C800] =	vst v63  }
0xb6: {  	_ = 	snop  }
0xb7: {  	[spmem:s2] =	stream.indirect.scatter.add.f32 [tilespmem:s20], [sflag:$0x3], $0x80, s28, s18, $0xb8;
	[tilespmem:$0x1C800] =	vst v63  }
0xb8: {  	_ =	swait.ge [sflag:s16], $0x4000  }
0xb9: {  	[sflag:s16] =	ssyncset.done $0x0  }
0xba: {  	[sflag:s16] =	ssyncadd.s32 $0xFFFFC000  }
0xbb: {  	_ =	swait.ge [sflag:s21], $0x4000  }
0xbc: {  	[sflag:s21] =	ssyncset.done $0x0  }
0xbd: {  	[sflag:s21] =	ssyncadd.s32 $0xFFFFC000  }
0xbe: {  	[tilespmem:s20], [sflag:$0x2] =	stream.indirect.gather [hbm4b:s4+s18], $0x80, s29, s18, $0xb8;
	[tilespmem:$0x1C800] =	vst v63  }
0xbf: {  	_ = 	snop  }
0xc0: {  	[spmem:s2] =	stream.indirect.scatter.add.f32 [tilespmem:s15], [sflag:$0x3], $0x80, s30, s18, $0xb8;
	[tilespmem:$0x1C800] =	vst v63  }
0xc1: {  	_ =	swait.ge [sflag:s16], $0x4000  }
0xc2: {  	[sflag:s16] =	ssyncset.done $0x0  }
0xc3: {  	[sflag:s16] =	ssyncadd.s32 $0xFFFFC000  }
0xc4: {  	_ =	swait.ge [sflag:s21], $0x4000  }
0xc5: {  	[sflag:s21] =	ssyncset.done $0x0  }
0xc6: {  	[sflag:s21] =	ssyncadd.s32 $0xFFFFC000  }
0xc7: {  	[tilespmem:s15], [sflag:$0x2] =	stream.indirect.gather [hbm4b:s4+s18], $0x80, s31, s18, $0xb8;
	[tilespmem:$0x1C800] =	vst v63  }
0xc8: {  	_ = 	snop  }
0xc9: {  	[spmem:s2] =	stream.indirect.scatter.add.f32 [tilespmem:s20], [sflag:$0x3], $0x80, s0, s18, $0xb8;
	[tilespmem:$0x1C800] =	vst v63  }
0xca: {  	_ =	swait.ge [sflag:s16], $0x4000  }
0xcb: {  	[sflag:s16] =	ssyncset.done $0x0  }
0xcc: {  	[sflag:s16] =	ssyncadd.s32 $0xFFFFC000  }
0xcd: {  	_ =	swait.ge [sflag:s21], $0x4000  }
0xce: {  	[sflag:s21] =	ssyncset.done $0x0  }
0xcf: {  	[sflag:s21] =	ssyncadd.s32 $0xFFFFC000  }
0xd0: {  	[tilespmem:s20], [sflag:$0x2] =	stream.indirect.gather [hbm4b:s4+s18], $0x80, s1, s18, $0xb8;
	[tilespmem:$0x1C800] =	vst v63  }
0xd1: {  	_ = 	snop  }
0xd2: {  	[spmem:s2] =	stream.indirect.scatter.add.f32 [tilespmem:s15], [sflag:$0x3], $0x80, s6, s18, $0xb8;
	[tilespmem:$0x1C800] =	vst v63  }
0xd3: {  	_ =	swait.ge [sflag:s16], $0x4000  }
0xd4: {  	[sflag:s16] =	ssyncset.done $0x0  }
0xd5: {  	[sflag:s16] =	ssyncadd.s32 $0xFFFFC000  }
0xd6: {  	_ =	swait.ge [sflag:s21], $0x4000  }
.Ltmp2:
0xd7: {  	[sflag:s21] =	ssyncset.done $0x0;
	(pc) =	sbr.rel @p0 .LBB2_4-.Ltmp2, $4  }
0xd8: {  	[sflag:s21] =	ssyncadd.s32 $0xFFFFC000  }
0xd9: {  	[spmem:s2] =	stream.indirect.scatter.add.f32 [tilespmem:s20], [sflag:$0x3], $0x80, s7, s18, $0xb8;
	[tilespmem:$0x1C800] =	vst v63  }
0xda: {  	_ =	swait.ge [sflag:s16], $0x4000  }
0xdb: {  	[sflag:s16] =	ssyncset.done $0x0  }
.LBB2_5:
0xdc: {  	[sflag:s16] =	ssyncadd.s32 $0xFFFFC000;
	s10 =	stileid.u32  }
0xdd: {  	s10 =	sshll.u32 s10, $0x6;
	[bflag:$0x0] =	sbarrier.arrive $0xFFFF  }
0xde: {  	s13 =	sshrl.u32 s5, $0x3;
	s10 =	sor.u32 $0x1C03, s10;
	s14 =	rddreg [dreg:$0x8]  }
0xdf: {  	[hbm:s14], [sflag:s10] =	dma.local [spmem:s13], $0x2800  }
0xe0: {  	_ =	swait.ge [sflag:s16], $0x2800  }
0xe1: {  	s8 =	sadd.s32 $0x1, s8;
	s14 =	rddreg [dreg:$0x9]  }
0xe2: {  	p0 =	sne.s32 s8, s14  }
.Ltmp3:
0xe3: {  	_ = 	snop;
	(pc) =	sbr.rel @p0 .LBB2_1-.Ltmp3, $3  }
0xe4: {  	_ =	sdelay $0x1  }
0xe5: {  	[sflag:s16] =	ssyncset.done $0x0  }
0xe6: {  	[sflag:s16] =	ssyncadd.s32 $0xFFFFD800  }
0xe7: {  	_ =	sfence.sel $0x180000  }
0xe8: {  	[bflag:$0x0] =	sbarrier.arrive $0xFFFF  }
0xe9: {  	_ =	strace $0x9000004A  }
0xea: {  	s0 =	stileid.u32;
	[bflag:$0x2] =	sbarrier.arrive $0xFFFF  }
0xeb: {  	p0 =	sne.s32 s0, $0x0;
	s0 =	rddreg [dreg:$0x3]  }
0xec: {  	s0 =	sadd.s32 @!p0 $0x100000, s0  }
0xed: {  	[sflag:s0] =	ssyncadd.tile.s32 @!p0 $0x1;
	_ =	shalt  }
.Lfunc_end2:
_tile_overlayer_lowered:
.L_overlay_start_2:
0xee: {  	(tag) =	ssettag $0x2  }
0xef: {  	s0 =	rddreg [dreg:$0x0];
	s2 =	stileid.u32  }
0xf0: {  	s1 =	rddreg [dreg:$0x1];
	p0 =	sne.s32 s2, $0x0  }
0xf1: {  	s3 =	rddreg [dreg:$0x2];
	[bflag:$0x3] =	sbarrier.arrive $0xFFFF;
	s2 =	simm.s32 @!p0 $0x1C03  }
0xf2: {  	[timem:s3], [sflag:s2] =	dma.local @!p0 [hbm:s0], s1  }
0xf3: {  	s0 =	simm.s32 @!p0 $0x3  }
0xf4: {  	_ =	swait.ge @!p0 [sflag:s0], s1  }
0xf5: {  	s1 =	ssub.s32 @!p0 $0x0, s1;
	[sflag:s0] =	ssyncset.done @!p0 $0x0  }
0xf6: {  	[sflag:s0] =	ssyncadd.s32 @!p0 s1  }
0xf7: {  	[bflag:$0x3] =	sbarrier.arrive $0xFFFF  }
0xf8: {  	_ =	shalt  }

// kernel: kernel.14.cloned.1.call-start
scs
__scs_entry_jumppad:
0x0: {  	(pc) =	sbr.rel $0x88, $3  }
0x1: {  	(tag) =	ssettag $0x0;
	lr =	simm.s32 $0x1  }
0x2: {  	[smem:$0x3F9B] =	sst lr;
	_ =	strace $0xD0000000  }
0x3: {  	_ = 	snop  }
0x4: {  	_ = 	snop  }
0x5: {  	_ = 	snop  }
0x6: {  	_ = 	snop  }
0x7: {  	_ = 	snop  }
__scs_overlays_trampoline_lowered:
0x8: {  	[smem:$0x3FAA] =	sst s0  }
0x9: {  	[smem:$0x3FAB] =	sst s1  }
0xa: {  	[smem:$0x3FAC] =	sst s2  }
0xb: {  	[smem:$0x3FAD] =	sst s3  }
0xc: {  	[smem:$0x3FAE] =	sst s4  }
0xd: {  	[smem:$0x3FAF] =	sst s5  }
0xe: {  	[smem:$0x3FB0] =	sst s6  }
0xf: {  	[smem:$0x3FB1] =	sst s7  }
0x10: {  	[smem:$0x3FB2] =	sst s8  }
0x11: {  	[smem:$0x3FB3] =	sst s9;
	s0 =	simm.s32 @!p0 $0x0  }
0x12: {  	s1 =	sld [smem:$0x3F99];
	s0 =	simm.s32 @p0 $0x1  }
0x13: {  	[smem:$0x3FB4] =	sst s0;
	s0 =	simm.s32 @!p1 $0x0  }
0x14: {  	s2 =	sld [smem:$0x3F98];
	s0 =	simm.s32 @p1 $0x1  }
0x15: {  	[smem:$0x3FB5] =	sst s0;
	s0 =	simm.s32 @!p2 $0x0  }
0x16: {  	s3 =	sld [smem:$0x3FDB];
	s0 =	simm.s32 @p2 $0x1  }
0x17: {  	s4 =	simm.s32 $0x1BF5;
	[smem:$0x3FB7] =	sst s0  }
0x18: {  	s0 =	sld [smem:$0x3F9A];
	_ =	swait.ge [sflag:s4], $0x0  }
0x19: {  	s7 =	sld [smem:$0x3F9B]  }
0x1a: {  	s8 =	sadd.s32 $0xFFFFE003, lr  }
0x1b: {  	s9 =	sadd.s32 $0xFFFFFEF7, lr;
	s5 =	simm.s32 $0xFFFFFFFF;
	p2 =	slt.u32 s8, $0xFFFFF086  }
0x1c: {  	p1 =	slt.u32 s9, $0xF7A;
	s5 =	simm.s32 @!p2 $0x0  }
0x1d: {  	s5 =	simm.s32 @p1 $0x1;
	p0 =	seq.s32 s7, s2  }
0x1e: {  	s7 =	smul.u32 @!p0 $0xF7A, s2;
	p2 =	seq.s32 @!p0 s5, $0x0  }
0x1f: {  	s9 =	smul.u32 $0xF7A, s1;
	s8 =	simm.s32 @!p0 $0x1BF5;
	p2 =	por !p2, p0  }
0x20: {  	[sflag:s8] =	ssyncset.s32 @!p0 $0xFFFFF086;
	s6 =	sadd.s32 @!p0 s3, s7;
	s7 =	simm.s32 @!p0 $0x108  }
0x21: {  	s3 =	sadd.s32 s3, s9;
	s6 =	sadd.s32 @!p0 $0x88, s6;
	s7 =	simm.s32 @p2 $0x1082  }
0x22: {  	[simem:s7], [sflag:s8] =	dma.local @!p0 [hbm:s6], $0xF7A  }
0x23: {  	s9 =	sor.u32 $0xD0000000, s2;
	s6 =	simm.s32 $0x108;
	_ =	swait.ge @!p0 [sflag:s8], $0x0  }
0x24: {  	s3 =	sadd.s32 $0x88, s3;
	s6 =	simm.s32 @!p1 $0x1082;
	[sflag:s4] =	ssyncset.s32 $0xFFFFF086  }
0x25: {  	[simem:s6], [sflag:s4] =	dma.local [hbm:s3], $0xF7A  }
0x26: {  	[smem:$0x3F9B] =	sst s1;
	(tag) =	ssettag s2;
	_ =	strace s9  }
0x27: {  	s1 =	sld [smem:$0x3FAB]  }
0x28: {  	s2 =	sld [smem:$0x3FAC]  }
0x29: {  	s4 =	sld [smem:$0x3FAE]  }
0x2a: {  	p0 =	seq.s32 s5, $0x0;
	s5 =	sld [smem:$0x3FAF]  }
0x2b: {  	s6 =	sld [smem:$0x3FB0]  }
0x2c: {  	s7 =	sld [smem:$0x3FB1]  }
0x2d: {  	s3 =	simm.s32 $0x108;
	s8 =	sld [smem:$0x3FB2]  }
0x2e: {  	s3 =	simm.s32 @!p0 $0x1082;
	s9 =	sld [smem:$0x3FB3]  }
0x2f: {  	lr =	sadd.s32 s0, s3;
	s0 =	sld [smem:$0x3FAA]  }
0x30: {  	s3 =	sld [smem:$0x3FAD]  }
0x31: {  	[smem:$0x3FB6] =	sst s10  }
0x32: {  	s10 =	sld [smem:$0x3FB4];
	_ =	sdelay $0x3  }
0x33: {  	p0 =	seq.s32 s10, $0x1;
	s10 =	sld [smem:$0x3FB6];
	_ =	sdelay $0x3  }
0x34: {  	[smem:$0x3FB6] =	sst s10  }
0x35: {  	s10 =	sld [smem:$0x3FB5];
	_ =	sdelay $0x3  }
0x36: {  	p1 =	seq.s32 s10, $0x1;
	s10 =	sld [smem:$0x3FB6];
	_ =	sdelay $0x3  }
0x37: {  	[smem:$0x3FB6] =	sst s10  }
0x38: {  	s10 =	sld [smem:$0x3FB7]  }
0x39: {  	_ = 	snop;
	(pc) =	sbr.ind lr, $3  }
0x3a: {  	_ = 	snop  }
0x3b: {  	_ = 	snop  }
0x3c: {  	p2 =	seq.s32 s10, $0x1;
	s10 =	sld [smem:$0x3FB6]  }
0x3d: {  	_ =	shalt  }
0x3e: {  	_ =	shalt  }
0x3f: {  	_ =	shalt  }
0x40: {  	_ =	shalt  }
0x41: {  	_ =	shalt  }
0x42: {  	_ =	shalt  }
0x43: {  	_ =	shalt  }
0x44: {  	_ =	shalt  }
0x45: {  	_ =	shalt  }
0x46: {  	_ =	shalt  }
0x47: {  	_ =	shalt  }
0x48: {  	_ =	shalt  }
0x49: {  	_ =	shalt  }
0x4a: {  	_ =	shalt  }
0x4b: {  	_ =	shalt  }
0x4c: {  	_ =	shalt  }
0x4d: {  	_ =	shalt  }
0x4e: {  	_ =	shalt  }
0x4f: {  	_ =	shalt  }
0x50: {  	_ =	shalt  }
0x51: {  	_ =	shalt  }
0x52: {  	_ =	shalt  }
0x53: {  	_ =	shalt  }
0x54: {  	_ =	shalt  }
0x55: {  	_ =	shalt  }
0x56: {  	_ =	shalt  }
0x57: {  	_ =	shalt  }
0x58: {  	_ =	shalt  }
0x59: {  	_ =	shalt  }
0x5a: {  	_ =	shalt  }
0x5b: {  	_ =	shalt  }
0x5c: {  	_ =	shalt  }
0x5d: {  	_ =	shalt  }
0x5e: {  	_ =	shalt  }
0x5f: {  	_ =	shalt  }
0x60: {  	_ =	shalt  }
0x61: {  	_ =	shalt  }
0x62: {  	_ =	shalt  }
0x63: {  	_ =	shalt  }
0x64: {  	_ =	shalt  }
0x65: {  	_ =	shalt  }
0x66: {  	_ =	shalt  }
0x67: {  	_ =	shalt  }
0x68: {  	_ =	shalt  }
0x69: {  	_ =	shalt  }
0x6a: {  	_ =	shalt  }
0x6b: {  	_ =	shalt  }
0x6c: {  	_ =	shalt  }
0x6d: {  	_ =	shalt  }
0x6e: {  	_ =	shalt  }
0x6f: {  	_ =	shalt  }
0x70: {  	_ =	shalt  }
0x71: {  	_ =	shalt  }
0x72: {  	_ =	shalt  }
0x73: {  	_ =	shalt  }
0x74: {  	_ =	shalt  }
0x75: {  	_ =	shalt  }
0x76: {  	_ =	shalt  }
0x77: {  	_ =	shalt  }
0x78: {  	_ =	shalt  }
0x79: {  	_ =	shalt  }
0x7a: {  	_ =	shalt  }
0x7b: {  	_ =	shalt  }
0x7c: {  	_ =	shalt  }
0x7d: {  	_ =	shalt  }
0x7e: {  	_ =	shalt  }
0x7f: {  	_ =	shalt  }
0x80: {  	_ =	shalt  }
0x81: {  	_ =	shalt  }
0x82: {  	_ =	shalt  }
0x83: {  	_ =	shalt  }
0x84: {  	_ =	shalt  }
0x85: {  	_ =	shalt  }
0x86: {  	_ =	shalt  }
0x87: {  	_ =	shalt  }
.Lfunc_end0:
.L_simem_size_0:
called_computation.2_lowered:
.L_overlay_start_0:
0x88: {  	s2 =	sld [smem:$0x3FD9]  }
0x89: {  	s3 =	sld [smem:$0x3FFE];
	_ =	sdelay $0x1  }
0x8a: {  	s1 =	srdreg.scid  }
0x8b: {  	s0 =	sand.u32 $0x1, s1  }
0x8c: {  	s14 =	sshll.u32 s0, $0xA;
	s2 =	sadd.s32 s3, s2  }
0x8d: {  	s2 =	sadd.s32 s2, s14  }
0x8e: {  	[smem:$0x3FC2] =	sst s2  }
0x8f: {  	_ = 	snop  }
0x90: {  	s2 =	sld [smem:$0x3FD0];
	_ =	sdelay $0x2  }
0x91: {  	s15 =	simm.s32 $0xA;
	s4 =	simm.s32 $0x10  }
0x92: {  	[smem:s4], [sflag:s15] =	dma.local [hbm:s2], $0x1  }
0x93: {  	_ =	swait.eq [sflag:s15], $0x1  }
0x94: {  	[sflag:s15] =	ssyncset.done $0x0  }
0x95: {  	[sflag:s15] =	ssyncadd.s32 $0xFFFFFFFF  }
0x96: {  	s16 =	sld [smem:$0x11];
	(tm) =	ssettm $0x1  }
0x97: {  	s17 =	sld [smem:$0x3FFB];
	_ =	sdelay $0x3  }
0x98: {  	_ =	strace s17  }
0x99: {  	s3 =	sld [smem:$0x3FFC];
	_ =	sdelay $0x3  }
0x9a: {  	_ =	strace s3  }
0x9b: {  	s3 =	sld [smem:$0x3FFD];
	_ =	sdelay $0x3  }
0x9c: {  	_ =	strace s3  }
0x9d: {  	_ =	strace $0x8FFFFFFF  }
0x9e: {  	s18 =	sld [smem:$0x3FDB];
	_ =	sdelay $0x1  }
0x9f: {  	s19 =	simm.s32 $_scs_section_size  }
0xa0: {  	s5 =	simm.s32 $_size__tile_overlayer_lowered;
	s6 =	simm.s32 $_tile_overlayer_lowered  }
0xa1: {  	s22 =	simm.s32 $0x1BFF;
	s21 =	sshll.u32 s6, $0x1;
	s3 =	sadd.s32 s19, s18  }
0xa2: {  	s7 =	simm.s32 $0x0;
	s20 =	sshll.u32 s5, $0x1;
	s5 =	sadd.s32 s21, s3  }
0xa3: {  	[timem:s7], [sflag:s22] =	dma.local [hbm:s5], s20  }
0xa4: {  	_ =	swait.ge [sflag:s22], s20  }
0xa5: {  	s4 =	ssub.s32 $0x0, s20;
	[sflag:s22] =	ssyncset.done $0x0  }
0xa6: {  	[sflag:s22] =	ssyncadd.s32 s4;
	_ =	sdelay $0x1  }
0xa7: {  	s23 =	simm.s32 $0x1B8B  }
0xa8: {  	_ =	swait.ge [sflag:s23], $0x1  }
0xa9: {  	[sflag:s23] =	ssyncset.done $0x0  }
0xaa: {  	s25 =	simm.s32 $0x1B8E;
	s24 =	sld [smem:$0x3FFE];
	[sflag:s23] =	ssyncadd.s32 $0xFFFFFFFF  }
0xab: {  	s26 =	simm.s32 $execute0_lowered;
	[smem:$0x3FD2] =	sst s25  }
0xac: {  	s5 =	sshll.u32 s26, $0x1;
	_ =	strace $0x8000004C;
	[dreg:$0x1] =	wrdreg $0xFFFFFFFF  }
0xad: {  	s28 =	simm.s32 $_size_execute0_lowered;
	s3 =	sadd.s32 s3, s5;
	[dreg:$0x0] =	wrdreg $0x0  }
0xae: {  	s5 =	sshll.u32 s28, $0x1;
	[dreg:$0x2] =	wrdreg s3  }
0xaf: {  	[dreg:$0x3] =	wrdreg s5  }
0xb0: {  	[dreg:$0x4] =	wrdreg $0xC0  }
0xb1: {  	_ =	task [dreg:s7], $0x5FFFF  }
0xb2: {  	[dreg:$0x1] =	wrdreg $0xFFFFFFFF  }
0xb3: {  	[dreg:$0x0] =	wrdreg $0x60  }
0xb4: {  	[dreg:$0x2] =	wrdreg s24  }
0xb5: {  	[dreg:$0x3] =	wrdreg s16  }
0xb6: {  	[dreg:$0x4] =	wrdreg $0x88000  }
0xb7: {  	[dreg:$0x5] =	wrdreg $0x9  }
0xb8: {  	_ =	task.clear_ibuf [dreg:s7], $0x6FFFF;
	_ =	strace $0x9000004C  }
0xb9: {  	s29 =	simm.s32 $0x9;
	_ =	strace $0x8000004E  }
0xba: {  	_ =	swait.ge [sflag:s29], $0x1  }
0xbb: {  	[sflag:s29] =	ssyncadd.s32 $0xFFFFFFFF  }
0xbc: {  	_ =	strace $0x9000004E  }
0xbd: {  	_ =	sfence  }
0xbe: {  	s30 =	sld [smem:$0x0];
	_ =	sdelay $0x2  }
0xbf: {  	s31 =	sshll.u32 s1, $0xD;
	s1 =	sshrl.u32 s1, $0x2  }
0xc0: {  	s3 =	sand.u32 $0x4000, s31;
	s1 =	sadd.s32 s1, s30  }
0xc1: {  	s0 =	sor.u32 s3, s0;
	s1 =	sshll.u32 s1, $0x11  }
0xc2: {  	s0 =	sor.u32 s1, s0  }
0xc3: {  	s0 =	sadd.s32 $0x8F2B, s0  }
0xc4: {  	[sflag:s0] =	ssyncadd.remote.s32 $0x1  }
0xc5: {  	_ =	sfence.sel $0xFFFF  }
0xc6: {  	[dreg:$0x0] =	wrdreg $0xFFFFFFFF;
	(pc) =	sbr.abs _section_cstart, $3  }
0xc7: {  	[dreg:$0x1] =	wrdreg $0xFFFFFFFF  }
0xc8: {  	_ =	task.clear_ibuf [dreg:s7], $0x2FFFF;
	_ =	strace $0x9FFFFFFF  }
0xc9: {  	(tm) =	ssettm $0x7FFFFFFF  }
tec
execute0_lowered:
.L_overlay_start_1:
0x0: {  	(tag) =	ssettag $0x1  }
0x1: {  	s0 =	rddreg [dreg:$0x0]  }
0x2: {  	s1 =	rddreg [dreg:$0x1]  }
0x3: {  	s2 =	rddreg [dreg:$0x2]  }
0x4: {  	s3 =	srdreg.scid;
	s9 =	stileid.u32  }
0x5: {  	s15 =	simm.s32 $0x800;
	s16 =	simm.s32 $0x3;
	s28 =	simm.s32 $0x580  }
0x6: {  	s29 =	simm.s32 $0x280;
	s30 =	simm.s32 $0x600;
	s4 =	smul.u32 $0x12, s9  }
0x7: {  	s31 =	simm.s32 $0x300;
	s5 =	sand.u32 $0x1, s3;
	s8 =	smul.u32 $0x14000, s9  }
0x8: {  	s17 =	sshll.u32 s9, $0x1;
	s3 =	simm.s32 $0x0;
	s9 =	smul.u32 $0x50000, s9  }
0x9: {  	p0 =	seq.s32 s5, $0x0;
	s6 =	sor.u32 $0x120, s17;
	s7 =	smul.u32 $0x140000, s5  }
0xa: {  	[smem:$0x7FF] =	sst s3;
	s18 =	ssub.s32 $0x2, s5;
	s17 =	simm.s32 $0x400  }
0xb: {  	s6 =	smov.u32 @p0 s4;
	_ =	strace $0x8000004D;
	s4 =	sadd.s32 $0x21400, s0  }
0xc: {  	s19 =	sshrl.u32 s9, $0x2;
	s20 =	sshrl.u32 s18, $0x1;
	s9 =	simm.s32 $0x12  }
0xd: {  	s6 =	sshll.u32 s6, $0x7;
	s7 =	sadd.s32 s8, s7;
	s5 =	sadd.s32 s19, s2  }
0xe: {  	s21 =	ssub.s32 s18, s20;
	s9 =	simm.s32 @!p0 $0x2;
	s18 =	simm.s32 $0x80  }
0xf: {  	s19 =	simm.s32 $0x1;
	s20 =	simm.s32 $0x4800;
	s8 =	simm.s32 $0x0  }
0x10: {  	s10 =	sadd.s32 s6, s0;
	s7 =	sshrl.u32 s7, $0x3;
	s22 =	sadd.s32 $0x4000, s5  }
0x11: {  	s23 =	sadd.s32 $0x8000, s5;
	s24 =	sadd.s32 $0xC000, s5;
	[dreg:$0x4] =	wrdreg s22  }
0x12: {  	s25 =	sadd.s32 $0x10000, s5;
	s26 =	smax.u32 s21, $0x1;
	[dreg:$0x5] =	wrdreg s23  }
0x13: {  	s11 =	sadd.s32 s6, s1;
	s21 =	simm.s32 $0x2;
	[dreg:$0x6] =	wrdreg s24  }
0x14: {  	s1 =	simm.s32 $0x380;
	s6 =	simm.s32 $0x700;
	[dreg:$0x7] =	wrdreg s25  }
0x15: {  	s0 =	sadd.s32 s7, s0;
	[dreg:$0x9] =	wrdreg s26;
	s12 =	sadd.s32 $0x17400, s10  }
0x16: {  	s22 =	simm.s32 $0x100;
	s23 =	simm.s32 $0x480;
	s24 =	simm.s32 $0x180  }
0x17: {  	s25 =	simm.s32 $0x500;
	s26 =	simm.s32 $0x200;
	s0 =	sadd.s32 $0x49400, s0  }
0x18: {  	v0 =	vimm.f32 $0.0e+00;
	s7 =	simm.s32 $0x780;
	[dreg:$0x8] =	wrdreg s0;
	s0 =	simm.s32 $0x680  }
.LBB2_1:
0x19: {  	s10 =	simm.s32 $0x0;
	s13 =	simm.s32 $0x200  }
.LBB2_2:
0x1a: {  	p0 =	sne.s32 s13, $0xFE00;
	[tilespmem:s10+$0x870] =	vst v0  }
0x1b: {  	[tilespmem:s10+$0x800] =	vst v0  }
0x1c: {  	[tilespmem:s10+$0x810] =	vst v0  }
.Ltmp0:
0x1d: {  	[tilespmem:s10+$0x820] =	vst v0;
	(pc) =	sbr.rel @p0 .LBB2_2-.Ltmp0, $4  }
0x1e: {  	[tilespmem:s10+$0x830] =	vst v0  }
0x1f: {  	[tilespmem:s10+$0x840] =	vst v0  }
0x20: {  	[tilespmem:s10+$0x850] =	vst v0  }
0x21: {  	[tilespmem:s10+$0x860] =	vst v0;
	s10 =	sshra.s32 s13, $0x2;
	s13 =	sadd.s32 $0x200, s13  }
0x22: {  	[tilespmem:s10+$0x870] =	vst v0  }
0x23: {  	[tilespmem:s10+$0x800] =	vst v0  }
0x24: {  	[tilespmem:s10+$0x810] =	vst v0  }
0x25: {  	[tilespmem:s10+$0x820] =	vst v0  }
0x26: {  	[tilespmem:s10+$0x830] =	vst v0  }
0x27: {  	[tilespmem:s10+$0x840] =	vst v0  }
0x28: {  	[tilespmem:s10+$0x850] =	vst v0  }
0x29: {  	[tilespmem:s10+$0x860] =	vst v0  }
0x2a: {  	[spmem:s5] =	stream.linear.scatter [tilespmem:s15], [sflag:$0x3], $0x4000, $0x38;
	[tilespmem:$0x1C800] =	vst v63  }
0x2b: {  	_ =	swait.ge [sflag:s16], $0x4000  }
0x2c: {  	[sflag:s16] =	ssyncset.done $0x0  }
0x2d: {  	s13 =	rddreg [dreg:$0x4];
	[sflag:s16] =	ssyncadd.s32 $0xFFFFC000  }
0x2e: {  	[spmem:s13] =	stream.linear.scatter [tilespmem:s15], [sflag:$0x3], $0x4000, $0x38;
	[tilespmem:$0x1C800] =	vst v63  }
0x2f: {  	_ =	swait.ge [sflag:s16], $0x4000  }
0x30: {  	[sflag:s16] =	ssyncset.done $0x0  }
0x31: {  	s14 =	rddreg [dreg:$0x5];
	[sflag:s16] =	ssyncadd.s32 $0xFFFFC000  }
0x32: {  	[spmem:s14] =	stream.linear.scatter [tilespmem:s15], [sflag:$0x3], $0x4000, $0x38;
	[tilespmem:$0x1C800] =	vst v63  }
0x33: {  	_ =	swait.ge [sflag:s16], $0x4000  }
0x34: {  	[sflag:s16] =	ssyncset.done $0x0  }
0x35: {  	s13 =	rddreg [dreg:$0x6];
	[sflag:s16] =	ssyncadd.s32 $0xFFFFC000  }
0x36: {  	[spmem:s13] =	stream.linear.scatter [tilespmem:s15], [sflag:$0x3], $0x4000, $0x38;
	[tilespmem:$0x1C800] =	vst v63  }
0x37: {  	_ =	swait.ge [sflag:s16], $0x4000  }
0x38: {  	[sflag:s16] =	ssyncset.done $0x0  }
0x39: {  	s14 =	rddreg [dreg:$0x7];
	[sflag:s16] =	ssyncadd.s32 $0xFFFFC000  }
0x3a: {  	[spmem:s14] =	stream.linear.scatter [tilespmem:s15], [sflag:$0x3], $0x4000, $0x38;
	[tilespmem:$0x1C800] =	vst v63  }
0x3b: {  	_ =	swait.ge [sflag:s16], $0x4000  }
0x3c: {  	[sflag:s16] =	ssyncset.done $0x0  }
0x3d: {  	[sflag:s16] =	ssyncadd.s32 $0xFFFFC000  }
0x3e: {  	[bflag:$0x0] =	sbarrier.arrive $0xFFFF  }
0x3f: {  	[tilespmem:s3], [sflag:$0x3] =	stream.linear.gather [hbm4b:s12+s3], $0x400, $0x38;
	[tilespmem:$0x1C800] =	vst v63  }
0x40: {  	_ =	swait.ge [sflag:s16], $0x400  }
0x41: {  	[sflag:s16] =	ssyncset.done $0x0  }
0x42: {  	[sflag:s16] =	ssyncadd.s32 $0xFFFFFC00  }
0x43: {  	[tilespmem:s17], [sflag:$0x3] =	stream.linear.gather [hbm4b:s11+s3], $0x400, $0x38;
	[tilespmem:$0x1C800] =	vst v63  }
0x44: {  	_ =	swait.ge [sflag:s16], $0x400  }
0x45: {  	[sflag:s16] =	ssyncset.done $0x0  }
0x46: {  	[sflag:s16] =	ssyncadd.s32 $0xFFFFFC00  }
0x47: {  	[tilespmem:s15], [sflag:$0x1] =	stream.indirect.gather [hbm4b:s4+s18], $0x80, s3, s18, $0xb8;
	[tilespmem:$0x1C800] =	vst v63  }
0x48: {  	_ =	swait.ge [sflag:s19], $0x4000  }
0x49: {  	[sflag:s19] =	ssyncset.done $0x0  }
0x4a: {  	[sflag:s19] =	ssyncadd.s32 $0xFFFFC000  }
0x4b: {  	[tilespmem:s20], [sflag:$0x2] =	stream.indirect.gather [hbm4b:s4+s18], $0x80, s18, s18, $0xb8;
	[tilespmem:$0x1C800] =	vst v63  }
0x4c: {  	_ = 	snop  }
0x4d: {  	[spmem:s2] =	stream.indirect.scatter.add.f32 [tilespmem:s15], [sflag:$0x3], $0x80, s17, s18, $0xb8;
	[tilespmem:$0x1C800] =	vst v63  }
0x4e: {  	_ =	swait.ge [sflag:s16], $0x4000  }
0x4f: {  	[sflag:s16] =	ssyncset.done $0x0  }
0x50: {  	[sflag:s16] =	ssyncadd.s32 $0xFFFFC000  }
0x51: {  	_ =	swait.ge [sflag:s21], $0x4000  }
0x52: {  	[sflag:s21] =	ssyncset.done $0x0  }
0x53: {  	[sflag:s21] =	ssyncadd.s32 $0xFFFFC000  }
0x54: {  	[tilespmem:s15], [sflag:$0x2] =	stream.indirect.gather [hbm4b:s4+s18], $0x80, s22, s18, $0xb8;
	[tilespmem:$0x1C800] =	vst v63  }
0x55: {  	_ = 	snop  }
0x56: {  	[spmem:s2] =	stream.indirect.scatter.add.f32 [tilespmem:s20], [sflag:$0x3], $0x80, s23, s18, $0xb8;
	[tilespmem:$0x1C800] =	vst v63  }
0x57: {  	_ =	swait.ge [sflag:s16], $0x4000  }
0x58: {  	[sflag:s16] =	ssyncset.done $0x0  }
0x59: {  	[sflag:s16] =	ssyncadd.s32 $0xFFFFC000  }
0x5a: {  	_ =	swait.ge [sflag:s21], $0x4000  }
0x5b: {  	[sflag:s21] =	ssyncset.done $0x0  }
0x5c: {  	[sflag:s21] =	ssyncadd.s32 $0xFFFFC000  }
0x5d: {  	[tilespmem:s20], [sflag:$0x2] =	stream.indirect.gather [hbm4b:s4+s18], $0x80, s24, s18, $0xb8;
	[tilespmem:$0x1C800] =	vst v63  }
0x5e: {  	_ = 	snop  }
0x5f: {  	[spmem:s2] =	stream.indirect.scatter.add.f32 [tilespmem:s15], [sflag:$0x3], $0x80, s25, s18, $0xb8;
	[tilespmem:$0x1C800] =	vst v63  }
0x60: {  	_ =	swait.ge [sflag:s16], $0x4000  }
0x61: {  	[sflag:s16] =	ssyncset.done $0x0  }
0x62: {  	[sflag:s16] =	ssyncadd.s32 $0xFFFFC000  }
0x63: {  	_ =	swait.ge [sflag:s21], $0x4000  }
0x64: {  	[sflag:s21] =	ssyncset.done $0x0  }
0x65: {  	[sflag:s21] =	ssyncadd.s32 $0xFFFFC000  }
0x66: {  	[tilespmem:s15], [sflag:$0x2] =	stream.indirect.gather [hbm4b:s4+s18], $0x80, s26, s18, $0xb8;
	[tilespmem:$0x1C800] =	vst v63  }
0x67: {  	_ = 	snop  }
0x68: {  	[spmem:s2] =	stream.indirect.scatter.add.f32 [tilespmem:s20], [sflag:$0x3], $0x80, s28, s18, $0xb8;
	[tilespmem:$0x1C800] =	vst v63  }
0x69: {  	_ =	swait.ge [sflag:s16], $0x4000  }
0x6a: {  	[sflag:s16] =	ssyncset.done $0x0  }
0x6b: {  	[sflag:s16] =	ssyncadd.s32 $0xFFFFC000  }
0x6c: {  	_ =	swait.ge [sflag:s21], $0x4000  }
0x6d: {  	[sflag:s21] =	ssyncset.done $0x0  }
0x6e: {  	[sflag:s21] =	ssyncadd.s32 $0xFFFFC000  }
0x6f: {  	[tilespmem:s20], [sflag:$0x2] =	stream.indirect.gather [hbm4b:s4+s18], $0x80, s29, s18, $0xb8;
	[tilespmem:$0x1C800] =	vst v63  }
0x70: {  	_ = 	snop  }
0x71: {  	[spmem:s2] =	stream.indirect.scatter.add.f32 [tilespmem:s15], [sflag:$0x3], $0x80, s30, s18, $0xb8;
	[tilespmem:$0x1C800] =	vst v63  }
0x72: {  	_ =	swait.ge [sflag:s16], $0x4000  }
0x73: {  	[sflag:s16] =	ssyncset.done $0x0  }
0x74: {  	[sflag:s16] =	ssyncadd.s32 $0xFFFFC000  }
0x75: {  	_ =	swait.ge [sflag:s21], $0x4000  }
0x76: {  	[sflag:s21] =	ssyncset.done $0x0  }
0x77: {  	[sflag:s21] =	ssyncadd.s32 $0xFFFFC000  }
0x78: {  	[tilespmem:s15], [sflag:$0x2] =	stream.indirect.gather [hbm4b:s4+s18], $0x80, s31, s18, $0xb8;
	[tilespmem:$0x1C800] =	vst v63  }
0x79: {  	_ = 	snop  }
0x7a: {  	[spmem:s2] =	stream.indirect.scatter.add.f32 [tilespmem:s20], [sflag:$0x3], $0x80, s0, s18, $0xb8;
	[tilespmem:$0x1C800] =	vst v63  }
0x7b: {  	_ =	swait.ge [sflag:s16], $0x4000  }
0x7c: {  	[sflag:s16] =	ssyncset.done $0x0  }
0x7d: {  	[sflag:s16] =	ssyncadd.s32 $0xFFFFC000  }
0x7e: {  	_ =	swait.ge [sflag:s21], $0x4000  }
0x7f: {  	[sflag:s21] =	ssyncset.done $0x0  }
0x80: {  	[sflag:s21] =	ssyncadd.s32 $0xFFFFC000  }
0x81: {  	[tilespmem:s20], [sflag:$0x2] =	stream.indirect.gather [hbm4b:s4+s18], $0x80, s1, s18, $0xb8;
	[tilespmem:$0x1C800] =	vst v63  }
0x82: {  	_ = 	snop  }
0x83: {  	[spmem:s2] =	stream.indirect.scatter.add.f32 [tilespmem:s15], [sflag:$0x3], $0x80, s6, s18, $0xb8;
	[tilespmem:$0x1C800] =	vst v63  }
0x84: {  	_ =	swait.ge [sflag:s16], $0x4000  }
0x85: {  	[sflag:s16] =	ssyncset.done $0x0  }
0x86: {  	[sflag:s16] =	ssyncadd.s32 $0xFFFFC000  }
0x87: {  	p0 =	sne.s32 s9, $0x1;
	_ =	swait.ge [sflag:s21], $0x4000  }
.Ltmp1:
0x88: {  	[sflag:s21] =	ssyncset.done $0x0;
	(pc) =	sbr.rel @!p0 .LBB2_5-.Ltmp1, $4  }
0x89: {  	[sflag:s21] =	ssyncadd.s32 $0xFFFFC000  }
0x8a: {  	[spmem:s2] =	stream.indirect.scatter.add.f32 [tilespmem:s20], [sflag:$0x3], $0x80, s7, s18, $0xb8;
	[tilespmem:$0x1C800] =	vst v63  }
0x8b: {  	s10 =	sadd.s32 $0xFFFFFFFF, s9;
	_ =	swait.ge [sflag:s16], $0x4000  }
0x8c: {  	s13 =	smov.u32 s11;
	s14 =	smov.u32 s12;
	[sflag:s16] =	ssyncset.done $0x0  }
.LBB2_4:
0x8d: {  	[sflag:s16] =	ssyncadd.s32 $0xFFFFC000;
	s13 =	sadd.s32 $0x80, s13;
	s14 =	sadd.s32 $0x80, s14  }
0x8e: {  	[tilespmem:s3], [sflag:$0x3] =	stream.linear.gather [hbm4b:s14+s3], $0x400, $0x38;
	[tilespmem:$0x1C800] =	vst v63  }
0x8f: {  	p0 =	sne.s32 s10, $0x1;
	s10 =	sadd.s32 $0xFFFFFFFF, s10;
	_ =	swait.ge [sflag:s16], $0x400  }
0x90: {  	[sflag:s16] =	ssyncset.done $0x0  }
0x91: {  	[sflag:s16] =	ssyncadd.s32 $0xFFFFFC00  }
0x92: {  	[tilespmem:s17], [sflag:$0x3] =	stream.linear.gather [hbm4b:s13+s3], $0x400, $0x38;
	[tilespmem:$0x1C800] =	vst v63  }
0x93: {  	_ =	swait.ge [sflag:s16], $0x400  }
0x94: {  	[sflag:s16] =	ssyncset.done $0x0  }
0x95: {  	[sflag:s16] =	ssyncadd.s32 $0xFFFFFC00  }
0x96: {  	[tilespmem:s15], [sflag:$0x1] =	stream.indirect.gather [hbm4b:s4+s18], $0x80, s3, s18, $0xb8;
	[tilespmem:$0x1C800] =	vst v63  }
0x97: {  	_ =	swait.ge [sflag:s19], $0x4000  }
0x98: {  	[sflag:s19] =	ssyncset.done $0x0  }
0x99: {  	[sflag:s19] =	ssyncadd.s32 $0xFFFFC000  }
0x9a: {  	[tilespmem:s20], [sflag:$0x2] =	stream.indirect.gather [hbm4b:s4+s18], $0x80, s18, s18, $0xb8;
	[tilespmem:$0x1C800] =	vst v63  }
0x9b: {  	_ = 	snop  }
0x9c: {  	[spmem:s2] =	stream.indirect.scatter.add.f32 [tilespmem:s15], [sflag:$0x3], $0x80, s17, s18, $0xb8;
	[tilespmem:$0x1C800] =	vst v63  }
0x9d: {  	_ =	swait.ge [sflag:s16], $0x4000  }
0x9e: {  	[sflag:s16] =	ssyncset.done $0x0  }
0x9f: {  	[sflag:s16] =	ssyncadd.s32 $0xFFFFC000  }
0xa0: {  	_ =	swait.ge [sflag:s21], $0x4000  }
0xa1: {  	[sflag:s21] =	ssyncset.done $0x0  }
0xa2: {  	[sflag:s21] =	ssyncadd.s32 $0xFFFFC000  }
0xa3: {  	[tilespmem:s15], [sflag:$0x2] =	stream.indirect.gather [hbm4b:s4+s18], $0x80, s22, s18, $0xb8;
	[tilespmem:$0x1C800] =	vst v63  }
0xa4: {  	_ = 	snop  }
0xa5: {  	[spmem:s2] =	stream.indirect.scatter.add.f32 [tilespmem:s20], [sflag:$0x3], $0x80, s23, s18, $0xb8;
	[tilespmem:$0x1C800] =	vst v63  }
0xa6: {  	_ =	swait.ge [sflag:s16], $0x4000  }
0xa7: {  	[sflag:s16] =	ssyncset.done $0x0  }
0xa8: {  	[sflag:s16] =	ssyncadd.s32 $0xFFFFC000  }
0xa9: {  	_ =	swait.ge [sflag:s21], $0x4000  }
0xaa: {  	[sflag:s21] =	ssyncset.done $0x0  }
0xab: {  	[sflag:s21] =	ssyncadd.s32 $0xFFFFC000  }
0xac: {  	[tilespmem:s20], [sflag:$0x2] =	stream.indirect.gather [hbm4b:s4+s18], $0x80, s24, s18, $0xb8;
	[tilespmem:$0x1C800] =	vst v63  }
0xad: {  	_ = 	snop  }
0xae: {  	[spmem:s2] =	stream.indirect.scatter.add.f32 [tilespmem:s15], [sflag:$0x3], $0x80, s25, s18, $0xb8;
	[tilespmem:$0x1C800] =	vst v63  }
0xaf: {  	_ =	swait.ge [sflag:s16], $0x4000  }
0xb0: {  	[sflag:s16] =	ssyncset.done $0x0  }
0xb1: {  	[sflag:s16] =	ssyncadd.s32 $0xFFFFC000  }
0xb2: {  	_ =	swait.ge [sflag:s21], $0x4000  }
0xb3: {  	[sflag:s21] =	ssyncset.done $0x0  }
0xb4: {  	[sflag:s21] =	ssyncadd.s32 $0xFFFFC000  }
0xb5: {  	[tilespmem:s15], [sflag:$0x2] =	stream.indirect.gather [hbm4b:s4+s18], $0x80, s26, s18, $0xb8;
	[tilespmem:$0x1C800] =	vst v63  }
0xb6: {  	_ = 	snop  }
0xb7: {  	[spmem:s2] =	stream.indirect.scatter.add.f32 [tilespmem:s20], [sflag:$0x3], $0x80, s28, s18, $0xb8;
	[tilespmem:$0x1C800] =	vst v63  }
0xb8: {  	_ =	swait.ge [sflag:s16], $0x4000  }
0xb9: {  	[sflag:s16] =	ssyncset.done $0x0  }
0xba: {  	[sflag:s16] =	ssyncadd.s32 $0xFFFFC000  }
0xbb: {  	_ =	swait.ge [sflag:s21], $0x4000  }
0xbc: {  	[sflag:s21] =	ssyncset.done $0x0  }
0xbd: {  	[sflag:s21] =	ssyncadd.s32 $0xFFFFC000  }
0xbe: {  	[tilespmem:s20], [sflag:$0x2] =	stream.indirect.gather [hbm4b:s4+s18], $0x80, s29, s18, $0xb8;
	[tilespmem:$0x1C800] =	vst v63  }
0xbf: {  	_ = 	snop  }
0xc0: {  	[spmem:s2] =	stream.indirect.scatter.add.f32 [tilespmem:s15], [sflag:$0x3], $0x80, s30, s18, $0xb8;
	[tilespmem:$0x1C800] =	vst v63  }
0xc1: {  	_ =	swait.ge [sflag:s16], $0x4000  }
0xc2: {  	[sflag:s16] =	ssyncset.done $0x0  }
0xc3: {  	[sflag:s16] =	ssyncadd.s32 $0xFFFFC000  }
0xc4: {  	_ =	swait.ge [sflag:s21], $0x4000  }
0xc5: {  	[sflag:s21] =	ssyncset.done $0x0  }
0xc6: {  	[sflag:s21] =	ssyncadd.s32 $0xFFFFC000  }
0xc7: {  	[tilespmem:s15], [sflag:$0x2] =	stream.indirect.gather [hbm4b:s4+s18], $0x80, s31, s18, $0xb8;
	[tilespmem:$0x1C800] =	vst v63  }
0xc8: {  	_ = 	snop  }
0xc9: {  	[spmem:s2] =	stream.indirect.scatter.add.f32 [tilespmem:s20], [sflag:$0x3], $0x80, s0, s18, $0xb8;
	[tilespmem:$0x1C800] =	vst v63  }
0xca: {  	_ =	swait.ge [sflag:s16], $0x4000  }
0xcb: {  	[sflag:s16] =	ssyncset.done $0x0  }
0xcc: {  	[sflag:s16] =	ssyncadd.s32 $0xFFFFC000  }
0xcd: {  	_ =	swait.ge [sflag:s21], $0x4000  }
0xce: {  	[sflag:s21] =	ssyncset.done $0x0  }
0xcf: {  	[sflag:s21] =	ssyncadd.s32 $0xFFFFC000  }
0xd0: {  	[tilespmem:s20], [sflag:$0x2] =	stream.indirect.gather [hbm4b:s4+s18], $0x80, s1, s18, $0xb8;
	[tilespmem:$0x1C800] =	vst v63  }
0xd1: {  	_ = 	snop  }
0xd2: {  	[spmem:s2] =	stream.indirect.scatter.add.f32 [tilespmem:s15], [sflag:$0x3], $0x80, s6, s18, $0xb8;
	[tilespmem:$0x1C800] =	vst v63  }
0xd3: {  	_ =	swait.ge [sflag:s16], $0x4000  }
0xd4: {  	[sflag:s16] =	ssyncset.done $0x0  }
0xd5: {  	[sflag:s16] =	ssyncadd.s32 $0xFFFFC000  }
0xd6: {  	_ =	swait.ge [sflag:s21], $0x4000  }
.Ltmp2:
0xd7: {  	[sflag:s21] =	ssyncset.done $0x0;
	(pc) =	sbr.rel @p0 .LBB2_4-.Ltmp2, $4  }
0xd8: {  	[sflag:s21] =	ssyncadd.s32 $0xFFFFC000  }
0xd9: {  	[spmem:s2] =	stream.indirect.scatter.add.f32 [tilespmem:s20], [sflag:$0x3], $0x80, s7, s18, $0xb8;
	[tilespmem:$0x1C800] =	vst v63  }
0xda: {  	_ =	swait.ge [sflag:s16], $0x4000  }
0xdb: {  	[sflag:s16] =	ssyncset.done $0x0  }
.LBB2_5:
0xdc: {  	[sflag:s16] =	ssyncadd.s32 $0xFFFFC000;
	s10 =	stileid.u32  }
0xdd: {  	s10 =	sshll.u32 s10, $0x6;
	[bflag:$0x0] =	sbarrier.arrive $0xFFFF  }
0xde: {  	s13 =	sshrl.u32 s5, $0x3;
	s10 =	sor.u32 $0x1C03, s10;
	s14 =	rddreg [dreg:$0x8]  }
0xdf: {  	[hbm:s14], [sflag:s10] =	dma.local [spmem:s13], $0x2800  }
0xe0: {  	_ =	swait.ge [sflag:s16], $0x2800  }
0xe1: {  	s8 =	sadd.s32 $0x1, s8;
	s14 =	rddreg [dreg:$0x9]  }
0xe2: {  	p0 =	sne.s32 s8, s14  }
.Ltmp3:
0xe3: {  	_ = 	snop;
	(pc) =	sbr.rel @p0 .LBB2_1-.Ltmp3, $3  }
0xe4: {  	_ =	sdelay $0x1  }
0xe5: {  	[sflag:s16] =	ssyncset.done $0x0  }
0xe6: {  	[sflag:s16] =	ssyncadd.s32 $0xFFFFD800  }
0xe7: {  	_ =	sfence.sel $0x180000  }
0xe8: {  	[bflag:$0x0] =	sbarrier.arrive $0xFFFF  }
0xe9: {  	_ =	strace $0x9000004D  }
0xea: {  	s0 =	stileid.u32;
	[bflag:$0x2] =	sbarrier.arrive $0xFFFF  }
0xeb: {  	p0 =	sne.s32 s0, $0x0;
	s0 =	rddreg [dreg:$0x3]  }
0xec: {  	s0 =	sadd.s32 @!p0 $0x100000, s0  }
0xed: {  	[sflag:s0] =	ssyncadd.tile.s32 @!p0 $0x1;
	_ =	shalt  }
.Lfunc_end2:
_tile_overlayer_lowered:
.L_overlay_start_2:
0xee: {  	(tag) =	ssettag $0x2  }
0xef: {  	s0 =	rddreg [dreg:$0x0];
	s2 =	stileid.u32  }
0xf0: {  	s1 =	rddreg [dreg:$0x1];
	p0 =	sne.s32 s2, $0x0  }
0xf1: {  	s3 =	rddreg [dreg:$0x2];
	[bflag:$0x3] =	sbarrier.arrive $0xFFFF;
	s2 =	simm.s32 @!p0 $0x1C03  }
0xf2: {  	[timem:s3], [sflag:s2] =	dma.local @!p0 [hbm:s0], s1  }
0xf3: {  	s0 =	simm.s32 @!p0 $0x3  }
0xf4: {  	_ =	swait.ge @!p0 [sflag:s0], s1  }
0xf5: {  	s1 =	ssub.s32 @!p0 $0x0, s1;
	[sflag:s0] =	ssyncset.done @!p0 $0x0  }
0xf6: {  	[sflag:s0] =	ssyncadd.s32 @!p0 s1  }
0xf7: {  	[bflag:$0x3] =	sbarrier.arrive $0xFFFF  }
0xf8: {  	_ =	shalt  }

// kernel: kernel.8.cloned.1.call-start
scs
__scs_entry_jumppad:
0x0: {  	(pc) =	sbr.rel $0x88, $3  }
0x1: {  	(tag) =	ssettag $0x0;
	lr =	simm.s32 $0x1  }
0x2: {  	[smem:$0x3F9B] =	sst lr;
	_ =	strace $0xD0000000  }
0x3: {  	_ = 	snop  }
0x4: {  	_ = 	snop  }
0x5: {  	_ = 	snop  }
0x6: {  	_ = 	snop  }
0x7: {  	_ = 	snop  }
__scs_overlays_trampoline_lowered:
0x8: {  	[smem:$0x3FAA] =	sst s0  }
0x9: {  	[smem:$0x3FAB] =	sst s1  }
0xa: {  	[smem:$0x3FAC] =	sst s2  }
0xb: {  	[smem:$0x3FAD] =	sst s3  }
0xc: {  	[smem:$0x3FAE] =	sst s4  }
0xd: {  	[smem:$0x3FAF] =	sst s5  }
0xe: {  	[smem:$0x3FB0] =	sst s6  }
0xf: {  	[smem:$0x3FB1] =	sst s7  }
0x10: {  	[smem:$0x3FB2] =	sst s8  }
0x11: {  	[smem:$0x3FB3] =	sst s9;
	s0 =	simm.s32 @!p0 $0x0  }
0x12: {  	s1 =	sld [smem:$0x3F99];
	s0 =	simm.s32 @p0 $0x1  }
0x13: {  	[smem:$0x3FB4] =	sst s0;
	s0 =	simm.s32 @!p1 $0x0  }
0x14: {  	s2 =	sld [smem:$0x3F98];
	s0 =	simm.s32 @p1 $0x1  }
0x15: {  	[smem:$0x3FB5] =	sst s0;
	s0 =	simm.s32 @!p2 $0x0  }
0x16: {  	s3 =	sld [smem:$0x3FDB];
	s0 =	simm.s32 @p2 $0x1  }
0x17: {  	s4 =	simm.s32 $0x1BF5;
	[smem:$0x3FB7] =	sst s0  }
0x18: {  	s0 =	sld [smem:$0x3F9A];
	_ =	swait.ge [sflag:s4], $0x0  }
0x19: {  	s7 =	sld [smem:$0x3F9B]  }
0x1a: {  	s8 =	sadd.s32 $0xFFFFE003, lr  }
0x1b: {  	s9 =	sadd.s32 $0xFFFFFEF7, lr;
	s5 =	simm.s32 $0xFFFFFFFF;
	p2 =	slt.u32 s8, $0xFFFFF086  }
0x1c: {  	p1 =	slt.u32 s9, $0xF7A;
	s5 =	simm.s32 @!p2 $0x0  }
0x1d: {  	s5 =	simm.s32 @p1 $0x1;
	p0 =	seq.s32 s7, s2  }
0x1e: {  	s7 =	smul.u32 @!p0 $0xF7A, s2;
	p2 =	seq.s32 @!p0 s5, $0x0  }
0x1f: {  	s9 =	smul.u32 $0xF7A, s1;
	s8 =	simm.s32 @!p0 $0x1BF5;
	p2 =	por !p2, p0  }
0x20: {  	[sflag:s8] =	ssyncset.s32 @!p0 $0xFFFFF086;
	s6 =	sadd.s32 @!p0 s3, s7;
	s7 =	simm.s32 @!p0 $0x108  }
0x21: {  	s3 =	sadd.s32 s3, s9;
	s6 =	sadd.s32 @!p0 $0x88, s6;
	s7 =	simm.s32 @p2 $0x1082  }
0x22: {  	[simem:s7], [sflag:s8] =	dma.local @!p0 [hbm:s6], $0xF7A  }
0x23: {  	s9 =	sor.u32 $0xD0000000, s2;
	s6 =	simm.s32 $0x108;
	_ =	swait.ge @!p0 [sflag:s8], $0x0  }
0x24: {  	s3 =	sadd.s32 $0x88, s3;
	s6 =	simm.s32 @!p1 $0x1082;
	[sflag:s4] =	ssyncset.s32 $0xFFFFF086  }
0x25: {  	[simem:s6], [sflag:s4] =	dma.local [hbm:s3], $0xF7A  }
0x26: {  	[smem:$0x3F9B] =	sst s1;
	(tag) =	ssettag s2;
	_ =	strace s9  }
0x27: {  	s1 =	sld [smem:$0x3FAB]  }
0x28: {  	s2 =	sld [smem:$0x3FAC]  }
0x29: {  	s4 =	sld [smem:$0x3FAE]  }
0x2a: {  	p0 =	seq.s32 s5, $0x0;
	s5 =	sld [smem:$0x3FAF]  }
0x2b: {  	s6 =	sld [smem:$0x3FB0]  }
0x2c: {  	s7 =	sld [smem:$0x3FB1]  }
0x2d: {  	s3 =	simm.s32 $0x108;
	s8 =	sld [smem:$0x3FB2]  }
0x2e: {  	s3 =	simm.s32 @!p0 $0x1082;
	s9 =	sld [smem:$0x3FB3]  }
0x2f: {  	lr =	sadd.s32 s0, s3;
	s0 =	sld [smem:$0x3FAA]  }
0x30: {  	s3 =	sld [smem:$0x3FAD]  }
0x31: {  	[smem:$0x3FB6] =	sst s10  }
0x32: {  	s10 =	sld [smem:$0x3FB4];
	_ =	sdelay $0x3  }
0x33: {  	p0 =	seq.s32 s10, $0x1;
	s10 =	sld [smem:$0x3FB6];
	_ =	sdelay $0x3  }
0x34: {  	[smem:$0x3FB6] =	sst s10  }
0x35: {  	s10 =	sld [smem:$0x3FB5];
	_ =	sdelay $0x3  }
0x36: {  	p1 =	seq.s32 s10, $0x1;
	s10 =	sld [smem:$0x3FB6];
	_ =	sdelay $0x3  }
0x37: {  	[smem:$0x3FB6] =	sst s10  }
0x38: {  	s10 =	sld [smem:$0x3FB7]  }
0x39: {  	_ = 	snop;
	(pc) =	sbr.ind lr, $3  }
0x3a: {  	_ = 	snop  }
0x3b: {  	_ = 	snop  }
0x3c: {  	p2 =	seq.s32 s10, $0x1;
	s10 =	sld [smem:$0x3FB6]  }
0x3d: {  	_ =	shalt  }
0x3e: {  	_ =	shalt  }
0x3f: {  	_ =	shalt  }
0x40: {  	_ =	shalt  }
0x41: {  	_ =	shalt  }
0x42: {  	_ =	shalt  }
0x43: {  	_ =	shalt  }
0x44: {  	_ =	shalt  }
0x45: {  	_ =	shalt  }
0x46: {  	_ =	shalt  }
0x47: {  	_ =	shalt  }
0x48: {  	_ =	shalt  }
0x49: {  	_ =	shalt  }
0x4a: {  	_ =	shalt  }
0x4b: {  	_ =	shalt  }
0x4c: {  	_ =	shalt  }
0x4d: {  	_ =	shalt  }
0x4e: {  	_ =	shalt  }
0x4f: {  	_ =	shalt  }
0x50: {  	_ =	shalt  }
0x51: {  	_ =	shalt  }
0x52: {  	_ =	shalt  }
0x53: {  	_ =	shalt  }
0x54: {  	_ =	shalt  }
0x55: {  	_ =	shalt  }
0x56: {  	_ =	shalt  }
0x57: {  	_ =	shalt  }
0x58: {  	_ =	shalt  }
0x59: {  	_ =	shalt  }
0x5a: {  	_ =	shalt  }
0x5b: {  	_ =	shalt  }
0x5c: {  	_ =	shalt  }
0x5d: {  	_ =	shalt  }
0x5e: {  	_ =	shalt  }
0x5f: {  	_ =	shalt  }
0x60: {  	_ =	shalt  }
0x61: {  	_ =	shalt  }
0x62: {  	_ =	shalt  }
0x63: {  	_ =	shalt  }
0x64: {  	_ =	shalt  }
0x65: {  	_ =	shalt  }
0x66: {  	_ =	shalt  }
0x67: {  	_ =	shalt  }
0x68: {  	_ =	shalt  }
0x69: {  	_ =	shalt  }
0x6a: {  	_ =	shalt  }
0x6b: {  	_ =	shalt  }
0x6c: {  	_ =	shalt  }
0x6d: {  	_ =	shalt  }
0x6e: {  	_ =	shalt  }
0x6f: {  	_ =	shalt  }
0x70: {  	_ =	shalt  }
0x71: {  	_ =	shalt  }
0x72: {  	_ =	shalt  }
0x73: {  	_ =	shalt  }
0x74: {  	_ =	shalt  }
0x75: {  	_ =	shalt  }
0x76: {  	_ =	shalt  }
0x77: {  	_ =	shalt  }
0x78: {  	_ =	shalt  }
0x79: {  	_ =	shalt  }
0x7a: {  	_ =	shalt  }
0x7b: {  	_ =	shalt  }
0x7c: {  	_ =	shalt  }
0x7d: {  	_ =	shalt  }
0x7e: {  	_ =	shalt  }
0x7f: {  	_ =	shalt  }
0x80: {  	_ =	shalt  }
0x81: {  	_ =	shalt  }
0x82: {  	_ =	shalt  }
0x83: {  	_ =	shalt  }
0x84: {  	_ =	shalt  }
0x85: {  	_ =	shalt  }
0x86: {  	_ =	shalt  }
0x87: {  	_ =	shalt  }
.Lfunc_end0:
.L_simem_size_0:
called_computation_lowered:
.L_overlay_start_0:
0x88: {  	s2 =	sld [smem:$0x3FD9]  }
0x89: {  	s3 =	sld [smem:$0x3FFE];
	_ =	sdelay $0x1  }
0x8a: {  	s1 =	srdreg.scid  }
0x8b: {  	s0 =	sand.u32 $0x1, s1  }
0x8c: {  	s16 =	sshll.u32 s0, $0xA;
	s2 =	sadd.s32 s3, s2  }
0x8d: {  	s2 =	sadd.s32 s2, s16  }
0x8e: {  	[smem:$0x3FC2] =	sst s2  }
0x8f: {  	_ = 	snop  }
0x90: {  	(tm) =	ssettm $0x1  }
0x91: {  	s17 =	sld [smem:$0x3FFB];
	_ =	sdelay $0x3  }
0x92: {  	_ =	strace s17  }
0x93: {  	s2 =	sld [smem:$0x3FFC];
	_ =	sdelay $0x3  }
0x94: {  	_ =	strace s2  }
0x95: {  	s2 =	sld [smem:$0x3FFD];
	_ =	sdelay $0x3  }
0x96: {  	_ =	strace s2  }
0x97: {  	_ =	strace $0x8FFFFFFF  }
0x98: {  	s18 =	sld [smem:$0x3FDB];
	_ =	sdelay $0x1  }
0x99: {  	s19 =	simm.s32 $_scs_section_size  }
0x9a: {  	s4 =	simm.s32 $_size__tile_overlayer_lowered;
	s5 =	simm.s32 $_tile_overlayer_lowered  }
0x9b: {  	s22 =	simm.s32 $0x1BFF;
	s21 =	sshll.u32 s5, $0x1;
	s2 =	sadd.s32 s19, s18  }
0x9c: {  	s6 =	simm.s32 $0x0;
	s20 =	sshll.u32 s4, $0x1;
	s4 =	sadd.s32 s21, s2  }
0x9d: {  	[timem:s6], [sflag:s22] =	dma.local [hbm:s4], s20  }
0x9e: {  	_ =	swait.ge [sflag:s22], s20  }
0x9f: {  	s3 =	ssub.s32 $0x0, s20;
	[sflag:s22] =	ssyncset.done $0x0  }
0xa0: {  	[sflag:s22] =	ssyncadd.s32 s3;
	_ =	sdelay $0x1  }
0xa1: {  	s23 =	simm.s32 $0x1B8B  }
0xa2: {  	_ =	swait.ge [sflag:s23], $0x1  }
0xa3: {  	[sflag:s23] =	ssyncset.done $0x0  }
0xa4: {  	s25 =	simm.s32 $0x1B8E;
	s24 =	sld [smem:$0x3FFE];
	[sflag:s23] =	ssyncadd.s32 $0xFFFFFFFF  }
0xa5: {  	s26 =	simm.s32 $execute0_lowered;
	[smem:$0x3FD2] =	sst s25  }
0xa6: {  	s4 =	sshll.u32 s26, $0x1;
	_ =	strace $0x80000046;
	[dreg:$0x1] =	wrdreg $0xFFFFFFFF  }
0xa7: {  	s28 =	simm.s32 $_size_execute0_lowered;
	s2 =	sadd.s32 s2, s4;
	[dreg:$0x0] =	wrdreg $0x0  }
0xa8: {  	s4 =	sshll.u32 s28, $0x1;
	[dreg:$0x2] =	wrdreg s2  }
0xa9: {  	[dreg:$0x3] =	wrdreg s4  }
0xaa: {  	[dreg:$0x4] =	wrdreg $0xC0  }
0xab: {  	_ =	task [dreg:s6], $0x5FFFF  }
0xac: {  	[dreg:$0x1] =	wrdreg $0xFFFFFFFF  }
0xad: {  	[dreg:$0x0] =	wrdreg $0x60  }
0xae: {  	[dreg:$0x2] =	wrdreg s24  }
0xaf: {  	[dreg:$0x3] =	wrdreg $0x53000  }
0xb0: {  	[dreg:$0x4] =	wrdreg $0x55800  }
0xb1: {  	[dreg:$0x5] =	wrdreg $0x9  }
0xb2: {  	_ =	task.clear_ibuf [dreg:s6], $0x6FFFF;
	_ =	strace $0x90000046  }
0xb3: {  	s29 =	simm.s32 $0x9;
	_ =	strace $0x80000048  }
0xb4: {  	_ =	swait.ge [sflag:s29], $0x1  }
0xb5: {  	[sflag:s29] =	ssyncadd.s32 $0xFFFFFFFF  }
0xb6: {  	_ =	strace $0x90000048  }
0xb7: {  	_ =	sfence  }
0xb8: {  	s30 =	sld [smem:$0x0];
	_ =	sdelay $0x2  }
0xb9: {  	s31 =	sshll.u32 s1, $0xD;
	s1 =	sshrl.u32 s1, $0x2  }
0xba: {  	s3 =	sand.u32 $0x4000, s31;
	s1 =	sadd.s32 s1, s30  }
0xbb: {  	s0 =	sor.u32 s3, s0;
	s1 =	sshll.u32 s1, $0x11  }
0xbc: {  	s0 =	sor.u32 s1, s0  }
0xbd: {  	s0 =	sadd.s32 $0x8F2B, s0  }
0xbe: {  	[sflag:s0] =	ssyncadd.remote.s32 $0x1  }
0xbf: {  	_ =	sfence.sel $0xFFFF  }
0xc0: {  	[dreg:$0x0] =	wrdreg $0xFFFFFFFF;
	(pc) =	sbr.abs _section_cstart, $3  }
0xc1: {  	[dreg:$0x1] =	wrdreg $0xFFFFFFFF  }
0xc2: {  	_ =	task.clear_ibuf [dreg:s6], $0x2FFFF;
	_ =	strace $0x9FFFFFFF  }
0xc3: {  	(tm) =	ssettm $0x7FFFFFFF  }
tec
execute0_lowered:
.L_overlay_start_1:
0x0: {  	(tag) =	ssettag $0x1  }
0x1: {  	s5 =	rddreg [dreg:$0x0]  }
0x2: {  	s2 =	rddreg [dreg:$0x1]  }
0x3: {  	s3 =	rddreg [dreg:$0x2]  }
0x4: {  	s0 =	rddreg [dreg:$0x3];
	s4 =	srdreg.scid  }
0x5: {  	s1 =	stileid.u32;
	s13 =	simm.s32 $0x1;
	s14 =	simm.s32 $0x2800  }
0x6: {  	s15 =	simm.s32 $0x80;
	s16 =	simm.s32 $0x5000;
	s17 =	simm.s32 $0x0  }
0x7: {  	s6 =	sand.u32 $0x1, s4;
	s7 =	sshll.u32 s1, $0x1;
	s8 =	smul.u32 $0x280, s1  }
0x8: {  	s4 =	simm.s32 $0x0;
	s7 =	sor.u32 s6, s7;
	s9 =	smul.u32 $0x2800, s6  }
0x9: {  	[smem:$0x7FF] =	sst s4;
	s6 =	ssub.s32 $0x2, s6;
	s7 =	smul.u32 $0x500, s7  }
0xa: {  	_ =	strace $0x80000047;
	s31 =	sshrl.u32 s6, $0x1;
	s9 =	sadd.s32 s8, s9  }
0xb: {  	s12 =	ssub.s32 s6, s31;
	s6 =	sadd.s32 s8, s3;
	s30 =	sshrl.u32 s9, $0x3  }
0xc: {  	s10 =	sadd.s32 s7, s5;
	s11 =	sadd.s32 s30, s5;
	s5 =	sadd.s32 s8, s2  }
0xd: {  	s7 =	sadd.s32 $0xD400, s10;
	s8 =	sadd.s32 $0x3400, s10;
	s9 =	sadd.s32 $0x21400, s11  }
0xe: {  	v0 =	vimm.f32 $0.0e+00;
	v1 =	vimm.f32 $1.000000000e+00;
	s10 =	sadd.s32 $0x21E00, s11;
	s11 =	smax.u32 s12, $0x1;
	s12 =	simm.s32 $0x5080  }
.LBB2_1:
0xf: {  	[tilespmem:$0x5080] =	vst v0  }
0x10: {  	[tilespmem:$0x5090] =	vst v0  }
0x11: {  	[tilespmem:$0x50A0] =	vst v0  }
0x12: {  	[tilespmem:$0x50B0] =	vst v0  }
0x13: {  	[tilespmem:$0x50C0] =	vst v0  }
0x14: {  	[tilespmem:$0x50D0] =	vst v0  }
0x15: {  	[tilespmem:$0x50E0] =	vst v0  }
0x16: {  	[tilespmem:$0x50F0] =	vst v0  }
0x17: {  	[tilespmem:$0x5100] =	vst v0  }
0x18: {  	[tilespmem:$0x5110] =	vst v0  }
0x19: {  	[tilespmem:$0x5120] =	vst v0  }
0x1a: {  	[tilespmem:$0x5130] =	vst v0  }
0x1b: {  	[tilespmem:$0x5140] =	vst v0  }
0x1c: {  	[tilespmem:$0x5150] =	vst v0  }
0x1d: {  	[tilespmem:$0x5160] =	vst v0  }
0x1e: {  	[tilespmem:$0x5170] =	vst v0  }
0x1f: {  	[tilespmem:$0x5180] =	vst v0  }
0x20: {  	[tilespmem:$0x5190] =	vst v0  }
0x21: {  	[tilespmem:$0x51A0] =	vst v0  }
0x22: {  	[tilespmem:$0x51B0] =	vst v0  }
0x23: {  	[tilespmem:$0x51C0] =	vst v0  }
0x24: {  	[tilespmem:$0x51D0] =	vst v0  }
0x25: {  	[tilespmem:$0x51E0] =	vst v0  }
0x26: {  	[tilespmem:$0x51F0] =	vst v0  }
0x27: {  	[tilespmem:$0x5200] =	vst v0  }
0x28: {  	[tilespmem:$0x5210] =	vst v0  }
0x29: {  	[tilespmem:$0x5220] =	vst v0  }
0x2a: {  	[tilespmem:$0x5230] =	vst v0  }
0x2b: {  	[tilespmem:$0x5240] =	vst v0  }
0x2c: {  	[tilespmem:$0x5250] =	vst v0  }
0x2d: {  	[tilespmem:$0x5260] =	vst v0  }
0x2e: {  	[tilespmem:$0x5270] =	vst v0  }
0x2f: {  	[tilespmem:$0x5280] =	vst v0  }
0x30: {  	[tilespmem:$0x5290] =	vst v0  }
0x31: {  	[tilespmem:$0x52A0] =	vst v0  }
0x32: {  	[tilespmem:$0x52B0] =	vst v0  }
0x33: {  	[tilespmem:$0x52C0] =	vst v0  }
0x34: {  	[tilespmem:$0x52D0] =	vst v0  }
0x35: {  	[tilespmem:$0x52E0] =	vst v0  }
0x36: {  	[tilespmem:$0x52F0] =	vst v0  }
0x37: {  	[tilespmem:$0x5000] =	vst v1  }
0x38: {  	[tilespmem:$0x5010] =	vst v1  }
0x39: {  	[tilespmem:$0x5020] =	vst v1  }
0x3a: {  	[tilespmem:$0x5030] =	vst v1  }
0x3b: {  	[tilespmem:$0x5040] =	vst v1  }
0x3c: {  	[tilespmem:$0x5050] =	vst v1  }
0x3d: {  	[tilespmem:$0x5060] =	vst v1  }
0x3e: {  	[tilespmem:$0x5070] =	vst v1  }
0x3f: {  	[spmem:s5] =	stream.linear.scatter [tilespmem:s12], [sflag:$0x1], $0x280, $0x38;
	[tilespmem:$0x5800] =	vst v63  }
0x40: {  	_ =	swait.ge [sflag:s13], $0x280  }
0x41: {  	[sflag:s13] =	ssyncset.done $0x0  }
0x42: {  	[sflag:s13] =	ssyncadd.s32 $0xFFFFFD80  }
0x43: {  	[spmem:s6] =	stream.linear.scatter [tilespmem:s12], [sflag:$0x1], $0x280, $0x38;
	[tilespmem:$0x5800] =	vst v63  }
0x44: {  	_ =	swait.ge [sflag:s13], $0x280  }
0x45: {  	[sflag:s13] =	ssyncset.done $0x0  }
0x46: {  	[sflag:s13] =	ssyncadd.s32 $0xFFFFFD80  }
0x47: {  	[bflag:$0x0] =	sbarrier.arrive $0xFFFF  }
0x48: {  	[tilespmem:s4], [sflag:$0x1] =	stream.linear.gather [hbm4b:s7+s4], $0x2800, $0x38;
	[tilespmem:$0x5800] =	vst v63  }
0x49: {  	_ =	swait.ge [sflag:s13], $0x2800  }
0x4a: {  	[sflag:s13] =	ssyncset.done $0x0  }
0x4b: {  	[sflag:s13] =	ssyncadd.s32 $0xFFFFD800  }
0x4c: {  	[tilespmem:s14], [sflag:$0x1] =	stream.linear.gather [hbm4b:s8+s4], $0x2800, $0x38;
	[tilespmem:$0x5800] =	vst v63  }
0x4d: {  	_ =	swait.ge [sflag:s13], $0x2800  }
0x4e: {  	[sflag:s13] =	ssyncset.done $0x0  }
0x4f: {  	s18 =	simm.s32 $0x0;
	[sflag:s13] =	ssyncadd.s32 $0xFFFFD800  }
0x50: {  	[spmem:s2] =	stream.indirect.scatter.add.f32 [tilespmem:s16], [sflag:$0x1], $0x1, s18, s15, $0xb8;
	[tilespmem:$0x5800] =	vst v63  }
0x51: {  	_ =	swait.ge [sflag:s13], $0x80  }
0x52: {  	[sflag:s13] =	ssyncset.done $0x0  }
0x53: {  	s31 =	simm.s32 $0x2800;
	[sflag:s13] =	ssyncadd.s32 $0xFFFFFF80  }
0x54: {  	[spmem:s3] =	stream.indirect.scatter.add.f32 [tilespmem:s16], [sflag:$0x1], $0x1, s31, s15, $0xb8;
	[tilespmem:$0x5800] =	vst v63  }
0x55: {  	_ =	swait.ge [sflag:s13], $0x80  }
0x56: {  	s19 =	simm.s32 $0x400;
	s18 =	simm.s32 $0x200;
	[sflag:s13] =	ssyncset.done $0x0  }
.LBB2_2:
0x57: {  	s20 =	sshra.s32 s18, $0x2  }
0x58: {  	[sflag:s13] =	ssyncadd.s32 $0xFFFFFF80;
	s18 =	smov.u32 s19;
	s21 =	sadd.s32 $0x200, s19  }
0x59: {  	[spmem:s2] =	stream.indirect.scatter.add.f32 [tilespmem:s16], [sflag:$0x1], $0x1, s20, s15, $0xb8;
	[tilespmem:$0x5800] =	vst v63  }
0x5a: {  	p0 =	sne.s32 s19, $0x9E00;
	_ =	swait.ge [sflag:s13], $0x80  }
.Ltmp0:
0x5b: {  	[sflag:s13] =	ssyncset.done $0x0;
	(pc) =	sbr.rel @p0 .LBB2_2-.Ltmp0, $4  }
0x5c: {  	s19 =	sadd.s32 $0x2800, s20;
	[sflag:s13] =	ssyncadd.s32 $0xFFFFFF80  }
0x5d: {  	[spmem:s3] =	stream.indirect.scatter.add.f32 [tilespmem:s16], [sflag:$0x1], $0x1, s19, s15, $0xb8;
	[tilespmem:$0x5800] =	vst v63  }
0x5e: {  	_ =	swait.ge [sflag:s13], $0x80  }
0x5f: {  	s19 =	smov.u32 s21;
	[sflag:s13] =	ssyncset.done $0x0  }
0x60: {  	s18 =	sshra.s32 s18, $0x2;
	[sflag:s13] =	ssyncadd.s32 $0xFFFFFF80  }
0x61: {  	[spmem:s2] =	stream.indirect.scatter.add.f32 [tilespmem:s16], [sflag:$0x1], $0x1, s18, s15, $0xb8;
	[tilespmem:$0x5800] =	vst v63  }
0x62: {  	_ =	swait.ge [sflag:s13], $0x80  }
0x63: {  	[sflag:s13] =	ssyncset.done $0x0  }
0x64: {  	s18 =	sadd.s32 $0x2800, s18;
	[sflag:s13] =	ssyncadd.s32 $0xFFFFFF80  }
0x65: {  	[spmem:s3] =	stream.indirect.scatter.add.f32 [tilespmem:s16], [sflag:$0x1], $0x1, s18, s15, $0xb8;
	[tilespmem:$0x5800] =	vst v63  }
0x66: {  	_ =	swait.ge [sflag:s13], $0x80  }
0x67: {  	[sflag:s13] =	ssyncset.done $0x0  }
0x68: {  	[sflag:s13] =	ssyncadd.s32 $0xFFFFFF80  }
0x69: {  	[bflag:$0x0] =	sbarrier.arrive $0xFFFF  }
0x6a: {  	[tilespmem:s12], [sflag:$0x1] =	stream.linear.gather [spmem:s5], $0x280, $0x38;
	[tilespmem:$0x5800] =	vst v63  }
0x6b: {  	_ =	swait.ge [sflag:s13], $0x280  }
0x6c: {  	[sflag:s13] =	ssyncset.done $0x0  }
0x6d: {  	[sflag:s13] =	ssyncadd.s32 $0xFFFFFD80  }
0x6e: {  	[hbm4b:s9+s4] =	stream.linear.scatter [tilespmem:s12], [sflag:$0x1], $0x280, $0x38;
	[tilespmem:$0x5800] =	vst v63  }
0x6f: {  	_ =	swait.ge [sflag:s13], $0x280  }
0x70: {  	[sflag:s13] =	ssyncset.done $0x0  }
0x71: {  	[sflag:s13] =	ssyncadd.s32 $0xFFFFFD80  }
0x72: {  	[tilespmem:s12], [sflag:$0x1] =	stream.linear.gather [spmem:s6], $0x280, $0x38;
	[tilespmem:$0x5800] =	vst v63  }
0x73: {  	s17 =	sadd.s32 $0x1, s17;
	_ =	swait.ge [sflag:s13], $0x280  }
0x74: {  	p0 =	sne.s32 s17, s11;
	[sflag:s13] =	ssyncset.done $0x0  }
.Ltmp1:
0x75: {  	[sflag:s13] =	ssyncadd.s32 $0xFFFFFD80;
	(pc) =	sbr.rel @p0 .LBB2_1-.Ltmp1, $4  }
0x76: {  	[hbm4b:s10+s4] =	stream.linear.scatter [tilespmem:s12], [sflag:$0x1], $0x280, $0x38;
	[tilespmem:$0x5800] =	vst v63  }
0x77: {  	_ =	swait.ge [sflag:s13], $0x280  }
0x78: {  	[sflag:s13] =	ssyncset.done $0x0  }
0x79: {  	[sflag:s13] =	ssyncadd.s32 $0xFFFFFD80  }
0x7a: {  	_ =	sfence.sel $0x180000  }
0x7b: {  	[bflag:$0x0] =	sbarrier.arrive $0xFFFF  }
0x7c: {  	p0 =	sne.s32 s1, $0x0;
	_ =	strace $0x90000047  }
0x7d: {  	s0 =	sadd.s32 @!p0 $0x100000, s0;
	[bflag:$0x2] =	sbarrier.arrive $0xFFFF  }
0x7e: {  	[sflag:s0] =	ssyncadd.tile.s32 @!p0 $0x1;
	_ =	shalt  }
.Lfunc_end2:
_tile_overlayer_lowered:
.L_overlay_start_2:
0x7f: {  	(tag) =	ssettag $0x2  }
0x80: {  	s0 =	rddreg [dreg:$0x0];
	s2 =	stileid.u32  }
0x81: {  	s1 =	rddreg [dreg:$0x1];
	p0 =	sne.s32 s2, $0x0  }
0x82: {  	s3 =	rddreg [dreg:$0x2];
	[bflag:$0x3] =	sbarrier.arrive $0xFFFF;
	s2 =	simm.s32 @!p0 $0x1C01  }
0x83: {  	[timem:s3], [sflag:s2] =	dma.local @!p0 [hbm:s0], s1  }
0x84: {  	s0 =	simm.s32 @!p0 $0x1  }
0x85: {  	_ =	swait.ge @!p0 [sflag:s0], s1  }
0x86: {  	s1 =	ssub.s32 @!p0 $0x0, s1;
	[sflag:s0] =	ssyncset.done @!p0 $0x0  }
0x87: {  	[sflag:s0] =	ssyncadd.s32 @!p0 s1  }
0x88: {  	[bflag:$0x3] =	sbarrier.arrive $0xFFFF  }
0x89: {  	_ =	shalt  }

</sc_bundles>
